<compile_context>
chip_gen: v7x
topology: tpu7x:2x2x1
jax: 0.10.2.dev20260603
libtpu: 0.0.44.dev20260713+nightly
codegen_flags: <defaults>
</compile_context>

<pallas_src>
import functools

import jax
import jax.numpy as jnp
from jax import lax
from jax.experimental import pallas as pl
from jax.experimental.pallas import tpu as pltpu
from jax.experimental.pallas import tpu_sc as plsc

N = 10000
E = 320000
D = 128
NPAD = 10240
NTILE = 16
RPT = NPAD // NTILE
EB = 112
BPT = 180
KGRP = 10
EPAD = NTILE * BPT * EB
EPT = BPT * EB
PIECE = 32


def _sc_mesh():
    return plsc.VectorSubcoreMesh(core_axis_name="c", subcore_axis_name="s")


def _zero_piece(piece):
    z16 = jnp.zeros((16,), jnp.float32)

    def _zp(r, carry):
        for j in range(D // 16):
            piece[r, pl.ds(j * 16, 16)] = z16
        return carry
    lax.fori_loop(0, PIECE, _zp, 0)


def _run_dir(vals_hbm, g1d_hbm, s1d_hbm, acc, idxg2, idxs2,
             rows0, sem0, rows1, sem1, sid, dacc=None, ones_v=None):
    ebase = sid * EPT
    rows = (rows0, rows1)
    sems = (sem0, sem1)

    def group(g, carry):
        goff = ebase + g * (KGRP * EB)
        pltpu.sync_copy(g1d_hbm.at[pl.ds(goff, KGRP * EB)], idxg2)
        pltpu.sync_copy(s1d_hbm.at[pl.ds(goff, KGRP * EB)], idxs2)
        if dacc is not None:
            pltpu.sync_copy(ones_v, dacc.at[idxs2], add=True)
        descr = pltpu.async_copy(
            vals_hbm.at[idxg2.at[pl.ds(0, EB)]], rows[0], sems[0])
        for j in range(KGRP):
            nxt = None
            if j + 1 < KGRP:
                nxt = pltpu.async_copy(
                    vals_hbm.at[idxg2.at[pl.ds((j + 1) * EB, EB)]],
                    rows[(j + 1) % 2], sems[(j + 1) % 2])
            descr.wait()
            pltpu.sync_copy(rows[j % 2],
                            acc.at[idxs2.at[pl.ds(j * EB, EB)]], add=True)
            descr = nxt
        return carry
    lax.fori_loop(0, BPT // KGRP, group, 0)


def _phase1_body(x_hbm, srcg_hbm, dstg_hbm, srcs_hbm, dsts_hbm,
                 sin_hbm, sout_hbm, din_hbm, dout_hbm,
                 idxg2, idxs2, rows0, rows1, piece, degbuf, ones_v,
                 acc, dacc, sem0, sem1):
    c = lax.axis_index("c")
    sid = lax.axis_index("s")
    base_r = sid * RPT
    z16 = jnp.zeros((16,), jnp.float32)

    _zero_piece(piece)

    def _zd(i, carry):
        degbuf[pl.ds(i * 16, 16)] = z16
        return carry
    lax.fori_loop(0, RPT // 16, _zd, 0)

    def _zo(i, carry):
        ones_v[pl.ds(i * 16, 16)] = jnp.ones((16,), jnp.float32)
        return carry
    lax.fori_loop(0, KGRP * EB // 16, _zo, 0)

    for k in range(RPT // PIECE):
        pltpu.sync_copy(piece, acc.at[pl.ds(base_r + k * PIECE, PIECE)])
    pltpu.sync_copy(degbuf, dacc.at[pl.ds(base_r, RPT)])
    plsc.subcore_barrier()

    args = (acc, idxg2, idxs2, rows0, sem0, rows1, sem1, sid)

    @pl.when(c == 0)
    def _():
        _run_dir(x_hbm, srcg_hbm, dsts_hbm, *args, dacc=dacc, ones_v=ones_v)

    @pl.when(c == 1)
    def _():
        _run_dir(x_hbm, dstg_hbm, srcs_hbm, *args, dacc=dacc, ones_v=ones_v)

    plsc.subcore_barrier()

    def finish(s_hbm, d_hbm):
        pltpu.sync_copy(dacc.at[pl.ds(base_r, RPT)], d_hbm.at[pl.ds(base_r, RPT)])
        pltpu.sync_copy(acc.at[pl.ds(base_r, RPT)], s_hbm.at[pl.ds(base_r, RPT)])

    @pl.when(c == 0)
    def _():
        finish(sin_hbm, din_hbm)

    @pl.when(c == 1)
    def _():
        finish(sout_hbm, dout_hbm)


_phase1 = functools.partial(
    pl.kernel,
    out_type=[
        jax.ShapeDtypeStruct((NPAD, D), jnp.float32),
        jax.ShapeDtypeStruct((NPAD, D), jnp.float32),
        jax.ShapeDtypeStruct((NPAD,), jnp.float32),
        jax.ShapeDtypeStruct((NPAD,), jnp.float32),
    ],
    mesh=_sc_mesh(),
    scratch_types=[
        pltpu.VMEM((KGRP * EB,), jnp.int32),
        pltpu.VMEM((KGRP * EB,), jnp.int32),
        pltpu.VMEM((EB, D), jnp.float32),
        pltpu.VMEM((EB, D), jnp.float32),
        pltpu.VMEM((PIECE, D), jnp.float32),
        pltpu.VMEM((RPT,), jnp.float32),
        pltpu.VMEM((KGRP * EB,), jnp.float32),
        pltpu.VMEM_SHARED((NPAD, D), jnp.float32),
        pltpu.VMEM_SHARED((NPAD,), jnp.float32),
        pltpu.SemaphoreType.DMA,
        pltpu.SemaphoreType.DMA,
    ],
)(_phase1_body)


def _phase2_body(uin_hbm, uout_hbm, srcg_hbm, dstg_hbm, srcs_hbm, dsts_hbm,
                 tin_hbm, tout_hbm,
                 idxg2, idxs2, rows0, rows1, piece,
                 acc, sem0, sem1):
    c = lax.axis_index("c")
    sid = lax.axis_index("s")
    base_r = sid * RPT

    _zero_piece(piece)
    for k in range(RPT // PIECE):
        pltpu.sync_copy(piece, acc.at[pl.ds(base_r + k * PIECE, PIECE)])
    plsc.subcore_barrier()

    @pl.when(c == 0)
    def _():
        _run_dir(uin_hbm, srcg_hbm, dsts_hbm, acc, idxg2, idxs2, rows0,
                 sem0, rows1, sem1, sid)

    @pl.when(c == 1)
    def _():
        _run_dir(uout_hbm, dstg_hbm, srcs_hbm, acc, idxg2, idxs2, rows0,
                 sem0, rows1, sem1, sid)

    plsc.subcore_barrier()

    def finish(t_hbm):
        pltpu.sync_copy(acc.at[pl.ds(base_r, RPT)], t_hbm.at[pl.ds(base_r, RPT)])

    @pl.when(c == 0)
    def _():
        finish(tin_hbm)

    @pl.when(c == 1)
    def _():
        finish(tout_hbm)


_phase2 = functools.partial(
    pl.kernel,
    out_type=[
        jax.ShapeDtypeStruct((NPAD, D), jnp.float32),
        jax.ShapeDtypeStruct((NPAD, D), jnp.float32),
    ],
    mesh=_sc_mesh(),
    scratch_types=[
        pltpu.VMEM((KGRP * EB,), jnp.int32),
        pltpu.VMEM((KGRP * EB,), jnp.int32),
        pltpu.VMEM((EB, D), jnp.float32),
        pltpu.VMEM((EB, D), jnp.float32),
        pltpu.VMEM((PIECE, D), jnp.float32),
        pltpu.VMEM_SHARED((NPAD, D), jnp.float32),
        pltpu.SemaphoreType.DMA,
        pltpu.SemaphoreType.DMA,
    ],
)(_phase2_body)


def _fold_body(W1_ref, W2_ref, b1c_ref, kin_ref, kout_ref, cin_ref, cout_ref):
    W1 = W1_ref[...]
    Wc = jnp.concatenate(
        [W1[:, :D] + W1[:, D:2 * D], W1[:, 2 * D:3 * D] + W1[:, 3 * D:]],
        axis=1)
    W2in = W2_ref[:, :1024]
    W2out = W2_ref[:, 1024:]
    b1c = b1c_ref[...]
    kin_ref[...] = jnp.dot(W2in, Wc, preferred_element_type=jnp.float32)
    kout_ref[...] = jnp.dot(W2out, Wc, preferred_element_type=jnp.float32)
    cin_ref[...] = jnp.dot(W2in, b1c, preferred_element_type=jnp.float32)
    cout_ref[...] = jnp.dot(W2out, b1c, preferred_element_type=jnp.float32)


def _fold(W1, W2, b1c):
    return pl.pallas_call(
        _fold_body,
        out_shape=[
            jax.ShapeDtypeStruct((D, 2 * D), jnp.float32),
            jax.ShapeDtypeStruct((D, 2 * D), jnp.float32),
            jax.ShapeDtypeStruct((D, 1), jnp.float32),
            jax.ShapeDtypeStruct((D, 1), jnp.float32),
        ],
    )(W1, W2, b1c)


BLK = 1024


def _elu(v):
    return jnp.where(v > 0.0, v, jnp.exp(v) - 1.0)


def _proj_body(sin_ref, sout_ref, din_ref, dout_ref, min_ref, mout_ref,
               cin_ref, cout_ref, uin_ref, uout_ref):
    inv_in = 1.0 / jnp.maximum(din_ref[...], 1.0)
    inv_out = 1.0 / jnp.maximum(dout_ref[...], 1.0)
    f = jnp.concatenate(
        [_elu(sin_ref[...] * inv_in), _elu(sout_ref[...] * inv_out)],
        axis=1)
    uin_ref[...] = (
        jnp.dot(f, min_ref[...], preferred_element_type=jnp.float32)
        + cin_ref[...])
    uout_ref[...] = (
        jnp.dot(f, mout_ref[...], preferred_element_type=jnp.float32)
        + cout_ref[...])


def _proj(s_in, s_out, din_c, dout_c, Min, Mout, cin_r, cout_r):
    grid = (NPAD // BLK,)
    row_spec = pl.BlockSpec((BLK, D), lambda i: (i, 0))
    col_spec = pl.BlockSpec((BLK, 1), lambda i: (i, 0))
    full_spec = pl.BlockSpec((2 * D, D), lambda i: (0, 0))
    bias_spec = pl.BlockSpec((1, D), lambda i: (0, 0))
    return pl.pallas_call(
        _proj_body,
        grid=grid,
        in_specs=[row_spec, row_spec, col_spec, col_spec,
                  full_spec, full_spec, bias_spec, bias_spec],
        out_specs=[row_spec, row_spec],
        out_shape=[
            jax.ShapeDtypeStruct((NPAD, D), jnp.float32),
            jax.ShapeDtypeStruct((NPAD, D), jnp.float32),
        ],
    )(s_in, s_out, din_c, dout_c, Min, Mout, cin_r, cout_r)


def _final_body(tin_ref, tout_ref, din_ref, dout_ref, b2_ref, out_ref):
    inv_in = 1.0 / jnp.maximum(din_ref[...], 1.0)
    inv_out = 1.0 / jnp.maximum(dout_ref[...], 1.0)
    out_ref[...] = (tin_ref[...] * inv_in + tout_ref[...] * inv_out
                    + b2_ref[...])


def _final(t_in, t_out, din_c, dout_c, b2r):
    grid = (NPAD // BLK,)
    row_spec = pl.BlockSpec((BLK, D), lambda i: (i, 0))
    col_spec = pl.BlockSpec((BLK, 1), lambda i: (i, 0))
    bias_spec = pl.BlockSpec((1, D), lambda i: (0, 0))
    return pl.pallas_call(
        _final_body,
        grid=grid,
        in_specs=[row_spec, row_spec, col_spec, col_spec, bias_spec],
        out_specs=row_spec,
        out_shape=jax.ShapeDtypeStruct((NPAD, D), jnp.float32),
    )(t_in, t_out, din_c, dout_c, b2r)


@jax.jit
def kernel(feature, edge_index, W1, b1, W2, b2):
    npad_e = EPAD - E
    pad_g = jnp.zeros((npad_e,), jnp.int32)
    pad_s = N + (jnp.arange(npad_e, dtype=jnp.int32) % (NPAD - N))
    srcg = jnp.concatenate([edge_index[0], pad_g])
    dstg = jnp.concatenate([edge_index[1], pad_g])
    srcs = jnp.concatenate([edge_index[0], pad_s])
    dsts = jnp.concatenate([edge_index[1], pad_s])
    b1c = b1.reshape(-1, 1)
    kin, kout, cin, cout = _fold(W1, W2, b1c)
    s_in, s_out, din, dout = _phase1(feature, srcg, dstg, srcs, dsts)
    din_c = din.reshape(NPAD, 1)
    dout_c = dout.reshape(NPAD, 1)
    u_in, u_out = _proj(s_in, s_out, din_c, dout_c,
                        kin.T, kout.T, cin.T, cout.T)
    t_in, t_out = _phase2(u_in, u_out, srcg, dstg, srcs, dsts)
    out = _final(t_in, t_out, din_c, dout_c, b2.reshape(1, -1))
    return out[:N]

# --- scband reference (transcript-rebuilt; emitter-appended) ---
"""Pipeline reference for scband-sagenet-directed-67336497266905 (READ-ONLY COPY).

The authoritative reference and input builder live on the scoring server;
editing this copy changes nothing except your own understanding.
"""

import jax, jax.numpy as jnp
import numpy as np

N = 10000
E = 320000
D = 128
HIDDEN = 512
OUT = 128


def _sage_directed(x, edge_index):
    # Directed GraphSAGE mean aggregation in both edge directions, concatenated.
    # Output dim = 2 * input dim (consistent with linear1 expecting input_size*4
    # after conv1 receives cat([x, x]) of width input_size*2).
    src = edge_index[0]
    dst = edge_index[1]
    n = x.shape[0]
    ones = jnp.ones((src.shape[0],), dtype=x.dtype)
    deg_in = jax.ops.segment_sum(ones, dst, num_segments=n)
    deg_out = jax.ops.segment_sum(ones, src, num_segments=n)
    agg_in = jax.ops.segment_sum(x[src], dst, num_segments=n) / jnp.clip(deg_in, 1.0)[:, None]
    agg_out = jax.ops.segment_sum(x[dst], src, num_segments=n) / jnp.clip(deg_out, 1.0)[:, None]
    return jnp.concatenate([agg_in, agg_out], axis=1)


def setup_inputs(seed: int = 0) -> dict:
    key = jax.random.key(seed)
    k1, k2, k3, k4 = jax.random.split(key, 4)
    feature = jax.random.normal(k1, (N, D), dtype=jnp.float32)
    edge_index = jax.random.randint(k2, (2, E), 0, N, dtype=jnp.int32)
    # linear1: Linear(input_size*4, hidden_size*2) -> weight [1024, 512]
    W1 = jax.random.normal(k3, (HIDDEN * 2, D * 4), dtype=jnp.float32) * (1.0 / np.sqrt(D * 4))
    b1 = jnp.zeros((HIDDEN * 2,), dtype=jnp.float32)
    # linear2: Linear(hidden_size*4, output_size) -> weight [128, 2048]
    W2 = jax.random.normal(k4, (OUT, HIDDEN * 4), dtype=jnp.float32) * (1.0 / np.sqrt(HIDDEN * 4))
    b2 = jnp.zeros((OUT,), dtype=jnp.float32)
    return {"feature": feature, "edge_index": edge_index, "W1": W1, "b1": b1, "W2": W2, "b2": b2}


def reference(feature, edge_index, W1, b1, W2, b2):
    # eval mode: dropout is identity
    x = feature
    x = jnp.concatenate([x, x], axis=1)              # [N, 2*D]
    x = jax.nn.elu(_sage_directed(x, edge_index))    # [N, 4*D]
    x = x @ W1.T + b1                                # [N, 2*HIDDEN]
    # dropout identity
    x = _sage_directed(x, edge_index)                # [N, 4*HIDDEN]
    x = x @ W2.T + b2                                # [N, OUT]
    return x

if __name__ == "__main__":
    import jax
    _d = setup_inputs()
    print(jax.jit(kernel)(*tuple(_d.values())))

</pallas_src>

<mosaic_0001>
#map = affine_map<(d0, d1) -> (0, 0)>
#map1 = affine_map<(d0, d1) -> (0)>
module attributes {stable_mosaic.version = 14 : i64} {
  func.func @_phase1_body(%arg0: i32, %arg1: i32, %arg2: memref<10000x128xf32, #tpu.memory_space<hbm>>, %arg3: memref<322560xi32, #tpu.memory_space<hbm>>, %arg4: memref<322560xi32, #tpu.memory_space<hbm>>, %arg5: memref<322560xi32, #tpu.memory_space<hbm>>, %arg6: memref<322560xi32, #tpu.memory_space<hbm>>, %arg7: memref<10240x128xf32, #tpu.memory_space<hbm>>, %arg8: memref<10240x128xf32, #tpu.memory_space<hbm>>, %arg9: memref<10240xf32, #tpu.memory_space<hbm>>, %arg10: memref<10240xf32, #tpu.memory_space<hbm>>, %arg11: memref<1120xi32, #tpu.memory_space<vmem>>, %arg12: memref<1120xi32, #tpu.memory_space<vmem>>, %arg13: memref<112x128xf32, #tpu.memory_space<vmem>>, %arg14: memref<112x128xf32, #tpu.memory_space<vmem>>, %arg15: memref<32x128xf32, #tpu.memory_space<vmem>>, %arg16: memref<640xf32, #tpu.memory_space<vmem>>, %arg17: memref<1120xf32, #tpu.memory_space<vmem>>, %arg18: memref<10240x128xf32, #tpu.memory_space<vmem_shared>>, %arg19: memref<10240xf32, #tpu.memory_space<vmem_shared>>, %arg20: memref<!tpu.dma_semaphore, #tpu.memory_space<semaphore_mem>>, %arg21: memref<!tpu.dma_semaphore, #tpu.memory_space<semaphore_mem>>) attributes {dimension_semantics = [#tpu.dimension_semantics<core_parallel>, #tpu.dimension_semantics<subcore_parallel>], iteration_bounds = array<i64: 2, 16>, scalar_prefetch = 0 : i64, scratch_operands = 11 : i64, tpu.core_type = #tpu.core_type<sc_vector_subcore>, window_params = [{transform_indices = #map}, {transform_indices = #map1}, {transform_indices = #map1}, {transform_indices = #map1}, {transform_indices = #map1}, {transform_indices = #map}, {transform_indices = #map}, {transform_indices = #map1}, {transform_indices = #map1}]} {
    %mul3A = arith.constant 640 : i32
    %mul3A_0 = arith.muli %arg1, %mul3A : i32
    %broadcast_in_dim3A = arith.constant 0.000000e+00 : f32
    %broadcast_in_dim3A_1 = vector.broadcast %broadcast_in_dim3A : f32 to vector<16xf32>
    %broadcast_in_dim3A_2 = arith.constant 0.000000e+00 : f32
    %broadcast_in_dim3A_3 = vector.broadcast %broadcast_in_dim3A_2 : f32 to vector<16xf32>
    %scan3A = arith.constant 0 : i32
    %scan3A_4 = arith.constant 0 : i32
    %scan3A_5 = arith.constant 32 : i32
    %scan3A_6 = arith.addi %scan3A_4, %scan3A_5 : i32
    %scan3A_7 = arith.constant 1 : i32
    scf.for %scan3A_78 = %scan3A_4 to %scan3A_6 step %scan3A_7  : i32 {
      %swap3A = arith.index_cast %scan3A_78 : i32 to index
      %swap3A_79 = arith.constant 0 : index
      %swap3A_80 = tpu.vector_load %arg15[%swap3A, %swap3A_79] {strides = array<i32>} : memref<32x128xf32, #tpu.memory_space<vmem>>, vector<1x16xf32>,
      %swap3A_81 = vector.shape_cast %swap3A_80 : vector<1x16xf32> to vector<16xf32>
      %swap3A_82 = vector.shape_cast %broadcast_in_dim3A_3 : vector<16xf32> to vector<1x16xf32>
      tpu.vector_store %arg15[%swap3A, %swap3A_79], %swap3A_82 {strides = array<i32>} : memref<32x128xf32, #tpu.memory_space<vmem>>, vector<1x16xf32>,
      %swap3A_83 = arith.index_cast %scan3A_78 : i32 to index
      %swap3A_84 = arith.constant 16 : index
      %swap3A_85 = tpu.vector_load %arg15[%swap3A_83, %swap3A_84] {strides = array<i32>} : memref<32x128xf32, #tpu.memory_space<vmem>>, vector<1x16xf32>,
      %swap3A_86 = vector.shape_cast %swap3A_85 : vector<1x16xf32> to vector<16xf32>
      %swap3A_87 = vector.shape_cast %broadcast_in_dim3A_3 : vector<16xf32> to vector<1x16xf32>
      tpu.vector_store %arg15[%swap3A_83, %swap3A_84], %swap3A_87 {strides = array<i32>} : memref<32x128xf32, #tpu.memory_space<vmem>>, vector<1x16xf32>,
      %swap3A_88 = arith.index_cast %scan3A_78 : i32 to index
      %swap3A_89 = arith.constant 32 : index
      %swap3A_90 = tpu.vector_load %arg15[%swap3A_88, %swap3A_89] {strides = array<i32>} : memref<32x128xf32, #tpu.memory_space<vmem>>, vector<1x16xf32>,
      %swap3A_91 = vector.shape_cast %swap3A_90 : vector<1x16xf32> to vector<16xf32>
      %swap3A_92 = vector.shape_cast %broadcast_in_dim3A_3 : vector<16xf32> to vector<1x16xf32>
      tpu.vector_store %arg15[%swap3A_88, %swap3A_89], %swap3A_92 {strides = array<i32>} : memref<32x128xf32, #tpu.memory_space<vmem>>, vector<1x16xf32>,
      %swap3A_93 = arith.index_cast %scan3A_78 : i32 to index
      %swap3A_94 = arith.constant 48 : index
      %swap3A_95 = tpu.vector_load %arg15[%swap3A_93, %swap3A_94] {strides = array<i32>} : memref<32x128xf32, #tpu.memory_space<vmem>>, vector<1x16xf32>,
      %swap3A_96 = vector.shape_cast %swap3A_95 : vector<1x16xf32> to vector<16xf32>
      %swap3A_97 = vector.shape_cast %broadcast_in_dim3A_3 : vector<16xf32> to vector<1x16xf32>
      tpu.vector_store %arg15[%swap3A_93, %swap3A_94], %swap3A_97 {strides = array<i32>} : memref<32x128xf32, #tpu.memory_space<vmem>>, vector<1x16xf32>,
      %swap3A_98 = arith.index_cast %scan3A_78 : i32 to index
      %swap3A_99 = arith.constant 64 : index
      %swap3A_100 = tpu.vector_load %arg15[%swap3A_98, %swap3A_99] {strides = array<i32>} : memref<32x128xf32, #tpu.memory_space<vmem>>, vector<1x16xf32>,
      %swap3A_101 = vector.shape_cast %swap3A_100 : vector<1x16xf32> to vector<16xf32>
      %swap3A_102 = vector.shape_cast %broadcast_in_dim3A_3 : vector<16xf32> to vector<1x16xf32>
      tpu.vector_store %arg15[%swap3A_98, %swap3A_99], %swap3A_102 {strides = array<i32>} : memref<32x128xf32, #tpu.memory_space<vmem>>, vector<1x16xf32>,
      %swap3A_103 = arith.index_cast %scan3A_78 : i32 to index
      %swap3A_104 = arith.constant 80 : index
      %swap3A_105 = tpu.vector_load %arg15[%swap3A_103, %swap3A_104] {strides = array<i32>} : memref<32x128xf32, #tpu.memory_space<vmem>>, vector<1x16xf32>,
      %swap3A_106 = vector.shape_cast %swap3A_105 : vector<1x16xf32> to vector<16xf32>
      %swap3A_107 = vector.shape_cast %broadcast_in_dim3A_3 : vector<16xf32> to vector<1x16xf32>
      tpu.vector_store %arg15[%swap3A_103, %swap3A_104], %swap3A_107 {strides = array<i32>} : memref<32x128xf32, #tpu.memory_space<vmem>>, vector<1x16xf32>,
      %swap3A_108 = arith.index_cast %scan3A_78 : i32 to index
      %swap3A_109 = arith.constant 96 : index
      %swap3A_110 = tpu.vector_load %arg15[%swap3A_108, %swap3A_109] {strides = array<i32>} : memref<32x128xf32, #tpu.memory_space<vmem>>, vector<1x16xf32>,
      %swap3A_111 = vector.shape_cast %swap3A_110 : vector<1x16xf32> to vector<16xf32>
      %swap3A_112 = vector.shape_cast %broadcast_in_dim3A_3 : vector<16xf32> to vector<1x16xf32>
      tpu.vector_store %arg15[%swap3A_108, %swap3A_109], %swap3A_112 {strides = array<i32>} : memref<32x128xf32, #tpu.memory_space<vmem>>, vector<1x16xf32>,
      %swap3A_113 = arith.index_cast %scan3A_78 : i32 to index
      %swap3A_114 = arith.constant 112 : index
      %swap3A_115 = tpu.vector_load %arg15[%swap3A_113, %swap3A_114] {strides = array<i32>} : memref<32x128xf32, #tpu.memory_space<vmem>>, vector<1x16xf32>,
      %swap3A_116 = vector.shape_cast %swap3A_115 : vector<1x16xf32> to vector<16xf32>
      %swap3A_117 = vector.shape_cast %broadcast_in_dim3A_3 : vector<16xf32> to vector<1x16xf32>
      tpu.vector_store %arg15[%swap3A_113, %swap3A_114], %swap3A_117 {strides = array<i32>} : memref<32x128xf32, #tpu.memory_space<vmem>>, vector<1x16xf32>,
    }
    %scan3A_8 = arith.constant 32 : i32
    %scan3A_9 = arith.constant 0 : i32
    %scan3A_10 = arith.constant 0 : i32
    %scan3A_11 = arith.constant 40 : i32
    %scan3A_12 = arith.addi %scan3A_10, %scan3A_11 : i32
    %scan3A_13 = arith.constant 1 : i32
    scf.for %scan3A_78 = %scan3A_10 to %scan3A_12 step %scan3A_13  : i32 {
      %mul3A_79 = arith.constant 16 : i32
      %mul3A_80 = arith.muli %scan3A_78, %mul3A_79 : i32
      %swap3A = arith.index_cast %mul3A_80 : i32 to index
      %swap3A_81 = tpu.vector_load %arg16[%swap3A] {strides = array<i32>} : memref<640xf32, #tpu.memory_space<vmem>>, vector<16xf32>,
      %swap3A_82 = vector.shape_cast %swap3A_81 : vector<16xf32> to vector<16xf32>
      %swap3A_83 = vector.shape_cast %broadcast_in_dim3A_1 : vector<16xf32> to vector<16xf32>
      tpu.vector_store %arg16[%swap3A], %swap3A_83 {strides = array<i32>} : memref<640xf32, #tpu.memory_space<vmem>>, vector<16xf32>,
    }
    %scan3A_14 = arith.constant 40 : i32
    %scan3A_15 = arith.constant 0 : i32
    %scan3A_16 = arith.constant 0 : i32
    %scan3A_17 = arith.constant 70 : i32
    %scan3A_18 = arith.addi %scan3A_16, %scan3A_17 : i32
    %scan3A_19 = arith.constant 1 : i32
    scf.for %scan3A_78 = %scan3A_16 to %scan3A_18 step %scan3A_19  : i32 {
      %broadcast_in_dim3A_79 = arith.constant 1.000000e+00 : f32
      %broadcast_in_dim3A_80 = vector.broadcast %broadcast_in_dim3A_79 : f32 to vector<16xf32>
      %mul3A_81 = arith.constant 16 : i32
      %mul3A_82 = arith.muli %scan3A_78, %mul3A_81 : i32
      %swap3A = arith.index_cast %mul3A_82 : i32 to index
      %swap3A_83 = tpu.vector_load %arg17[%swap3A] {strides = array<i32>} : memref<1120xf32, #tpu.memory_space<vmem>>, vector<16xf32>,
      %swap3A_84 = vector.shape_cast %swap3A_83 : vector<16xf32> to vector<16xf32>
      %swap3A_85 = vector.shape_cast %broadcast_in_dim3A_80 : vector<16xf32> to vector<16xf32>
      tpu.vector_store %arg17[%swap3A], %swap3A_85 {strides = array<i32>} : memref<1120xf32, #tpu.memory_space<vmem>>, vector<16xf32>,
    }
    %scan3A_20 = arith.constant 70 : i32
    %add3A = arith.constant 0 : i32
    %add3A_21 = arith.addi %mul3A_0, %add3A : i32
    "tpu.region"() ({
      %run_scoped3A = tpu.sem_alloc : memref<!tpu.dma_semaphore, #tpu.memory_space<semaphore_mem>>
      %dma_start3A = arith.constant 0 : i32
      %dma_start3A_78 = tpu.memref_slice %arg18[%add3A_21, %dma_start3A] : memref<10240x128xf32, #tpu.memory_space<vmem_shared>> -> memref<32x128xf32, #tpu.memory_space<vmem_shared>>
      %dma_start3A_79 = arith.constant 0 : i32
      %dma_start3A_80 = tpu.memref_slice %arg18[%add3A_21, %dma_start3A_79] : memref<10240x128xf32, #tpu.memory_space<vmem_shared>> -> memref<32x128xf32, #tpu.memory_space<vmem_shared>>
      tpu.enqueue_dma source(%arg15 : memref<32x128xf32, #tpu.memory_space<vmem>>) target(%dma_start3A_80 : memref<32x128xf32, #tpu.memory_space<vmem_shared>>) target_semaphore(%run_scoped3A : memref<!tpu.dma_semaphore, #tpu.memory_space<semaphore_mem>>)
      %dma_wait3A = arith.constant 0 : i32
      %dma_wait3A_81 = tpu.memref_slice %arg18[%add3A_21, %dma_wait3A] : memref<10240x128xf32, #tpu.memory_space<vmem_shared>> -> memref<32x128xf32, #tpu.memory_space<vmem_shared>>
      %dma_wait3A_82 = arith.constant 0 : i32
      %dma_wait3A_83 = tpu.memref_slice %arg18[%add3A_21, %dma_wait3A_82] : memref<10240x128xf32, #tpu.memory_space<vmem_shared>> -> memref<32x128xf32, #tpu.memory_space<vmem_shared>>
      tpu.wait_dma2 semaphore(%run_scoped3A : memref<!tpu.dma_semaphore, #tpu.memory_space<semaphore_mem>>) src(%arg15 : memref<32x128xf32, #tpu.memory_space<vmem>>) dst(%dma_wait3A_83 : memref<32x128xf32, #tpu.memory_space<vmem_shared>>)
      tpu.yield
    }) : () -> ()
    %add3A_22 = arith.constant 32 : i32
    %add3A_23 = arith.addi %mul3A_0, %add3A_22 : i32
    "tpu.region"() ({
      %run_scoped3A = tpu.sem_alloc : memref<!tpu.dma_semaphore, #tpu.memory_space<semaphore_mem>>
      %dma_start3A = arith.constant 0 : i32
      %dma_start3A_78 = tpu.memref_slice %arg18[%add3A_23, %dma_start3A] : memref<10240x128xf32, #tpu.memory_space<vmem_shared>> -> memref<32x128xf32, #tpu.memory_space<vmem_shared>>
      %dma_start3A_79 = arith.constant 0 : i32
      %dma_start3A_80 = tpu.memref_slice %arg18[%add3A_23, %dma_start3A_79] : memref<10240x128xf32, #tpu.memory_space<vmem_shared>> -> memref<32x128xf32, #tpu.memory_space<vmem_shared>>
      tpu.enqueue_dma source(%arg15 : memref<32x128xf32, #tpu.memory_space<vmem>>) target(%dma_start3A_80 : memref<32x128xf32, #tpu.memory_space<vmem_shared>>) target_semaphore(%run_scoped3A : memref<!tpu.dma_semaphore, #tpu.memory_space<semaphore_mem>>)
      %dma_wait3A = arith.constant 0 : i32
      %dma_wait3A_81 = tpu.memref_slice %arg18[%add3A_23, %dma_wait3A] : memref<10240x128xf32, #tpu.memory_space<vmem_shared>> -> memref<32x128xf32, #tpu.memory_space<vmem_shared>>
      %dma_wait3A_82 = arith.constant 0 : i32
      %dma_wait3A_83 = tpu.memref_slice %arg18[%add3A_23, %dma_wait3A_82] : memref<10240x128xf32, #tpu.memory_space<vmem_shared>> -> memref<32x128xf32, #tpu.memory_space<vmem_shared>>
      tpu.wait_dma2 semaphore(%run_scoped3A : memref<!tpu.dma_semaphore, #tpu.memory_space<semaphore_mem>>) src(%arg15 : memref<32x128xf32, #tpu.memory_space<vmem>>) dst(%dma_wait3A_83 : memref<32x128xf32, #tpu.memory_space<vmem_shared>>)
      tpu.yield
    }) : () -> ()
    %add3A_24 = arith.constant 64 : i32
    %add3A_25 = arith.addi %mul3A_0, %add3A_24 : i32
    "tpu.region"() ({
      %run_scoped3A = tpu.sem_alloc : memref<!tpu.dma_semaphore, #tpu.memory_space<semaphore_mem>>
      %dma_start3A = arith.constant 0 : i32
      %dma_start3A_78 = tpu.memref_slice %arg18[%add3A_25, %dma_start3A] : memref<10240x128xf32, #tpu.memory_space<vmem_shared>> -> memref<32x128xf32, #tpu.memory_space<vmem_shared>>
      %dma_start3A_79 = arith.constant 0 : i32
      %dma_start3A_80 = tpu.memref_slice %arg18[%add3A_25, %dma_start3A_79] : memref<10240x128xf32, #tpu.memory_space<vmem_shared>> -> memref<32x128xf32, #tpu.memory_space<vmem_shared>>
      tpu.enqueue_dma source(%arg15 : memref<32x128xf32, #tpu.memory_space<vmem>>) target(%dma_start3A_80 : memref<32x128xf32, #tpu.memory_space<vmem_shared>>) target_semaphore(%run_scoped3A : memref<!tpu.dma_semaphore, #tpu.memory_space<semaphore_mem>>)
      %dma_wait3A = arith.constant 0 : i32
      %dma_wait3A_81 = tpu.memref_slice %arg18[%add3A_25, %dma_wait3A] : memref<10240x128xf32, #tpu.memory_space<vmem_shared>> -> memref<32x128xf32, #tpu.memory_space<vmem_shared>>
      %dma_wait3A_82 = arith.constant 0 : i32
      %dma_wait3A_83 = tpu.memref_slice %arg18[%add3A_25, %dma_wait3A_82] : memref<10240x128xf32, #tpu.memory_space<vmem_shared>> -> memref<32x128xf32, #tpu.memory_space<vmem_shared>>
      tpu.wait_dma2 semaphore(%run_scoped3A : memref<!tpu.dma_semaphore, #tpu.memory_space<semaphore_mem>>) src(%arg15 : memref<32x128xf32, #tpu.memory_space<vmem>>) dst(%dma_wait3A_83 : memref<32x128xf32, #tpu.memory_space<vmem_shared>>)
      tpu.yield
    }) : () -> ()
    %add3A_26 = arith.constant 96 : i32
    %add3A_27 = arith.addi %mul3A_0, %add3A_26 : i32
    "tpu.region"() ({
      %run_scoped3A = tpu.sem_alloc : memref<!tpu.dma_semaphore, #tpu.memory_space<semaphore_mem>>
      %dma_start3A = arith.constant 0 : i32
      %dma_start3A_78 = tpu.memref_slice %arg18[%add3A_27, %dma_start3A] : memref<10240x128xf32, #tpu.memory_space<vmem_shared>> -> memref<32x128xf32, #tpu.memory_space<vmem_shared>>
      %dma_start3A_79 = arith.constant 0 : i32
      %dma_start3A_80 = tpu.memref_slice %arg18[%add3A_27, %dma_start3A_79] : memref<10240x128xf32, #tpu.memory_space<vmem_shared>> -> memref<32x128xf32, #tpu.memory_space<vmem_shared>>
      tpu.enqueue_dma source(%arg15 : memref<32x128xf32, #tpu.memory_space<vmem>>) target(%dma_start3A_80 : memref<32x128xf32, #tpu.memory_space<vmem_shared>>) target_semaphore(%run_scoped3A : memref<!tpu.dma_semaphore, #tpu.memory_space<semaphore_mem>>)
      %dma_wait3A = arith.constant 0 : i32
      %dma_wait3A_81 = tpu.memref_slice %arg18[%add3A_27, %dma_wait3A] : memref<10240x128xf32, #tpu.memory_space<vmem_shared>> -> memref<32x128xf32, #tpu.memory_space<vmem_shared>>
      %dma_wait3A_82 = arith.constant 0 : i32
      %dma_wait3A_83 = tpu.memref_slice %arg18[%add3A_27, %dma_wait3A_82] : memref<10240x128xf32, #tpu.memory_space<vmem_shared>> -> memref<32x128xf32, #tpu.memory_space<vmem_shared>>
      tpu.wait_dma2 semaphore(%run_scoped3A : memref<!tpu.dma_semaphore, #tpu.memory_space<semaphore_mem>>) src(%arg15 : memref<32x128xf32, #tpu.memory_space<vmem>>) dst(%dma_wait3A_83 : memref<32x128xf32, #tpu.memory_space<vmem_shared>>)
      tpu.yield
    }) : () -> ()
    %add3A_28 = arith.constant 128 : i32
    %add3A_29 = arith.addi %mul3A_0, %add3A_28 : i32
    "tpu.region"() ({
      %run_scoped3A = tpu.sem_alloc : memref<!tpu.dma_semaphore, #tpu.memory_space<semaphore_mem>>
      %dma_start3A = arith.constant 0 : i32
      %dma_start3A_78 = tpu.memref_slice %arg18[%add3A_29, %dma_start3A] : memref<10240x128xf32, #tpu.memory_space<vmem_shared>> -> memref<32x128xf32, #tpu.memory_space<vmem_shared>>
      %dma_start3A_79 = arith.constant 0 : i32
      %dma_start3A_80 = tpu.memref_slice %arg18[%add3A_29, %dma_start3A_79] : memref<10240x128xf32, #tpu.memory_space<vmem_shared>> -> memref<32x128xf32, #tpu.memory_space<vmem_shared>>
      tpu.enqueue_dma source(%arg15 : memref<32x128xf32, #tpu.memory_space<vmem>>) target(%dma_start3A_80 : memref<32x128xf32, #tpu.memory_space<vmem_shared>>) target_semaphore(%run_scoped3A : memref<!tpu.dma_semaphore, #tpu.memory_space<semaphore_mem>>)
      %dma_wait3A = arith.constant 0 : i32
      %dma_wait3A_81 = tpu.memref_slice %arg18[%add3A_29, %dma_wait3A] : memref<10240x128xf32, #tpu.memory_space<vmem_shared>> -> memref<32x128xf32, #tpu.memory_space<vmem_shared>>
      %dma_wait3A_82 = arith.constant 0 : i32
      %dma_wait3A_83 = tpu.memref_slice %arg18[%add3A_29, %dma_wait3A_82] : memref<10240x128xf32, #tpu.memory_space<vmem_shared>> -> memref<32x128xf32, #tpu.memory_space<vmem_shared>>
      tpu.wait_dma2 semaphore(%run_scoped3A : memref<!tpu.dma_semaphore, #tpu.memory_space<semaphore_mem>>) src(%arg15 : memref<32x128xf32, #tpu.memory_space<vmem>>) dst(%dma_wait3A_83 : memref<32x128xf32, #tpu.memory_space<vmem_shared>>)
      tpu.yield
    }) : () -> ()
    %add3A_30 = arith.constant 160 : i32
    %add3A_31 = arith.addi %mul3A_0, %add3A_30 : i32
    "tpu.region"() ({
      %run_scoped3A = tpu.sem_alloc : memref<!tpu.dma_semaphore, #tpu.memory_space<semaphore_mem>>
      %dma_start3A = arith.constant 0 : i32
      %dma_start3A_78 = tpu.memref_slice %arg18[%add3A_31, %dma_start3A] : memref<10240x128xf32, #tpu.memory_space<vmem_shared>> -> memref<32x128xf32, #tpu.memory_space<vmem_shared>>
      %dma_start3A_79 = arith.constant 0 : i32
      %dma_start3A_80 = tpu.memref_slice %arg18[%add3A_31, %dma_start3A_79] : memref<10240x128xf32, #tpu.memory_space<vmem_shared>> -> memref<32x128xf32, #tpu.memory_space<vmem_shared>>
      tpu.enqueue_dma source(%arg15 : memref<32x128xf32, #tpu.memory_space<vmem>>) target(%dma_start3A_80 : memref<32x128xf32, #tpu.memory_space<vmem_shared>>) target_semaphore(%run_scoped3A : memref<!tpu.dma_semaphore, #tpu.memory_space<semaphore_mem>>)
      %dma_wait3A = arith.constant 0 : i32
      %dma_wait3A_81 = tpu.memref_slice %arg18[%add3A_31, %dma_wait3A] : memref<10240x128xf32, #tpu.memory_space<vmem_shared>> -> memref<32x128xf32, #tpu.memory_space<vmem_shared>>
      %dma_wait3A_82 = arith.constant 0 : i32
      %dma_wait3A_83 = tpu.memref_slice %arg18[%add3A_31, %dma_wait3A_82] : memref<10240x128xf32, #tpu.memory_space<vmem_shared>> -> memref<32x128xf32, #tpu.memory_space<vmem_shared>>
      tpu.wait_dma2 semaphore(%run_scoped3A : memref<!tpu.dma_semaphore, #tpu.memory_space<semaphore_mem>>) src(%arg15 : memref<32x128xf32, #tpu.memory_space<vmem>>) dst(%dma_wait3A_83 : memref<32x128xf32, #tpu.memory_space<vmem_shared>>)
      tpu.yield
    }) : () -> ()
    %add3A_32 = arith.constant 192 : i32
    %add3A_33 = arith.addi %mul3A_0, %add3A_32 : i32
    "tpu.region"() ({
      %run_scoped3A = tpu.sem_alloc : memref<!tpu.dma_semaphore, #tpu.memory_space<semaphore_mem>>
      %dma_start3A = arith.constant 0 : i32
      %dma_start3A_78 = tpu.memref_slice %arg18[%add3A_33, %dma_start3A] : memref<10240x128xf32, #tpu.memory_space<vmem_shared>> -> memref<32x128xf32, #tpu.memory_space<vmem_shared>>
      %dma_start3A_79 = arith.constant 0 : i32
      %dma_start3A_80 = tpu.memref_slice %arg18[%add3A_33, %dma_start3A_79] : memref<10240x128xf32, #tpu.memory_space<vmem_shared>> -> memref<32x128xf32, #tpu.memory_space<vmem_shared>>
      tpu.enqueue_dma source(%arg15 : memref<32x128xf32, #tpu.memory_space<vmem>>) target(%dma_start3A_80 : memref<32x128xf32, #tpu.memory_space<vmem_shared>>) target_semaphore(%run_scoped3A : memref<!tpu.dma_semaphore, #tpu.memory_space<semaphore_mem>>)
      %dma_wait3A = arith.constant 0 : i32
      %dma_wait3A_81 = tpu.memref_slice %arg18[%add3A_33, %dma_wait3A] : memref<10240x128xf32, #tpu.memory_space<vmem_shared>> -> memref<32x128xf32, #tpu.memory_space<vmem_shared>>
      %dma_wait3A_82 = arith.constant 0 : i32
      %dma_wait3A_83 = tpu.memref_slice %arg18[%add3A_33, %dma_wait3A_82] : memref<10240x128xf32, #tpu.memory_space<vmem_shared>> -> memref<32x128xf32, #tpu.memory_space<vmem_shared>>
      tpu.wait_dma2 semaphore(%run_scoped3A : memref<!tpu.dma_semaphore, #tpu.memory_space<semaphore_mem>>) src(%arg15 : memref<32x128xf32, #tpu.memory_space<vmem>>) dst(%dma_wait3A_83 : memref<32x128xf32, #tpu.memory_space<vmem_shared>>)
      tpu.yield
    }) : () -> ()
    %add3A_34 = arith.constant 224 : i32
    %add3A_35 = arith.addi %mul3A_0, %add3A_34 : i32
    "tpu.region"() ({
      %run_scoped3A = tpu.sem_alloc : memref<!tpu.dma_semaphore, #tpu.memory_space<semaphore_mem>>
      %dma_start3A = arith.constant 0 : i32
      %dma_start3A_78 = tpu.memref_slice %arg18[%add3A_35, %dma_start3A] : memref<10240x128xf32, #tpu.memory_space<vmem_shared>> -> memref<32x128xf32, #tpu.memory_space<vmem_shared>>
      %dma_start3A_79 = arith.constant 0 : i32
      %dma_start3A_80 = tpu.memref_slice %arg18[%add3A_35, %dma_start3A_79] : memref<10240x128xf32, #tpu.memory_space<vmem_shared>> -> memref<32x128xf32, #tpu.memory_space<vmem_shared>>
      tpu.enqueue_dma source(%arg15 : memref<32x128xf32, #tpu.memory_space<vmem>>) target(%dma_start3A_80 : memref<32x128xf32, #tpu.memory_space<vmem_shared>>) target_semaphore(%run_scoped3A : memref<!tpu.dma_semaphore, #tpu.memory_space<semaphore_mem>>)
      %dma_wait3A = arith.constant 0 : i32
      %dma_wait3A_81 = tpu.memref_slice %arg18[%add3A_35, %dma_wait3A] : memref<10240x128xf32, #tpu.memory_space<vmem_shared>> -> memref<32x128xf32, #tpu.memory_space<vmem_shared>>
      %dma_wait3A_82 = arith.constant 0 : i32
      %dma_wait3A_83 = tpu.memref_slice %arg18[%add3A_35, %dma_wait3A_82] : memref<10240x128xf32, #tpu.memory_space<vmem_shared>> -> memref<32x128xf32, #tpu.memory_space<vmem_shared>>
      tpu.wait_dma2 semaphore(%run_scoped3A : memref<!tpu.dma_semaphore, #tpu.memory_space<semaphore_mem>>) src(%arg15 : memref<32x128xf32, #tpu.memory_space<vmem>>) dst(%dma_wait3A_83 : memref<32x128xf32, #tpu.memory_space<vmem_shared>>)
      tpu.yield
    }) : () -> ()
    %add3A_36 = arith.constant 256 : i32
    %add3A_37 = arith.addi %mul3A_0, %add3A_36 : i32
    "tpu.region"() ({
      %run_scoped3A = tpu.sem_alloc : memref<!tpu.dma_semaphore, #tpu.memory_space<semaphore_mem>>
      %dma_start3A = arith.constant 0 : i32
      %dma_start3A_78 = tpu.memref_slice %arg18[%add3A_37, %dma_start3A] : memref<10240x128xf32, #tpu.memory_space<vmem_shared>> -> memref<32x128xf32, #tpu.memory_space<vmem_shared>>
      %dma_start3A_79 = arith.constant 0 : i32
      %dma_start3A_80 = tpu.memref_slice %arg18[%add3A_37, %dma_start3A_79] : memref<10240x128xf32, #tpu.memory_space<vmem_shared>> -> memref<32x128xf32, #tpu.memory_space<vmem_shared>>
      tpu.enqueue_dma source(%arg15 : memref<32x128xf32, #tpu.memory_space<vmem>>) target(%dma_start3A_80 : memref<32x128xf32, #tpu.memory_space<vmem_shared>>) target_semaphore(%run_scoped3A : memref<!tpu.dma_semaphore, #tpu.memory_space<semaphore_mem>>)
      %dma_wait3A = arith.constant 0 : i32
      %dma_wait3A_81 = tpu.memref_slice %arg18[%add3A_37, %dma_wait3A] : memref<10240x128xf32, #tpu.memory_space<vmem_shared>> -> memref<32x128xf32, #tpu.memory_space<vmem_shared>>
      %dma_wait3A_82 = arith.constant 0 : i32
      %dma_wait3A_83 = tpu.memref_slice %arg18[%add3A_37, %dma_wait3A_82] : memref<10240x128xf32, #tpu.memory_space<vmem_shared>> -> memref<32x128xf32, #tpu.memory_space<vmem_shared>>
      tpu.wait_dma2 semaphore(%run_scoped3A : memref<!tpu.dma_semaphore, #tpu.memory_space<semaphore_mem>>) src(%arg15 : memref<32x128xf32, #tpu.memory_space<vmem>>) dst(%dma_wait3A_83 : memref<32x128xf32, #tpu.memory_space<vmem_shared>>)
      tpu.yield
    }) : () -> ()
    %add3A_38 = arith.constant 288 : i32
    %add3A_39 = arith.addi %mul3A_0, %add3A_38 : i32
    "tpu.region"() ({
      %run_scoped3A = tpu.sem_alloc : memref<!tpu.dma_semaphore, #tpu.memory_space<semaphore_mem>>
      %dma_start3A = arith.constant 0 : i32
      %dma_start3A_78 = tpu.memref_slice %arg18[%add3A_39, %dma_start3A] : memref<10240x128xf32, #tpu.memory_space<vmem_shared>> -> memref<32x128xf32, #tpu.memory_space<vmem_shared>>
      %dma_start3A_79 = arith.constant 0 : i32
      %dma_start3A_80 = tpu.memref_slice %arg18[%add3A_39, %dma_start3A_79] : memref<10240x128xf32, #tpu.memory_space<vmem_shared>> -> memref<32x128xf32, #tpu.memory_space<vmem_shared>>
      tpu.enqueue_dma source(%arg15 : memref<32x128xf32, #tpu.memory_space<vmem>>) target(%dma_start3A_80 : memref<32x128xf32, #tpu.memory_space<vmem_shared>>) target_semaphore(%run_scoped3A : memref<!tpu.dma_semaphore, #tpu.memory_space<semaphore_mem>>)
      %dma_wait3A = arith.constant 0 : i32
      %dma_wait3A_81 = tpu.memref_slice %arg18[%add3A_39, %dma_wait3A] : memref<10240x128xf32, #tpu.memory_space<vmem_shared>> -> memref<32x128xf32, #tpu.memory_space<vmem_shared>>
      %dma_wait3A_82 = arith.constant 0 : i32
      %dma_wait3A_83 = tpu.memref_slice %arg18[%add3A_39, %dma_wait3A_82] : memref<10240x128xf32, #tpu.memory_space<vmem_shared>> -> memref<32x128xf32, #tpu.memory_space<vmem_shared>>
      tpu.wait_dma2 semaphore(%run_scoped3A : memref<!tpu.dma_semaphore, #tpu.memory_space<semaphore_mem>>) src(%arg15 : memref<32x128xf32, #tpu.memory_space<vmem>>) dst(%dma_wait3A_83 : memref<32x128xf32, #tpu.memory_space<vmem_shared>>)
      tpu.yield
    }) : () -> ()
    %add3A_40 = arith.constant 320 : i32
    %add3A_41 = arith.addi %mul3A_0, %add3A_40 : i32
    "tpu.region"() ({
      %run_scoped3A = tpu.sem_alloc : memref<!tpu.dma_semaphore, #tpu.memory_space<semaphore_mem>>
      %dma_start3A = arith.constant 0 : i32
      %dma_start3A_78 = tpu.memref_slice %arg18[%add3A_41, %dma_start3A] : memref<10240x128xf32, #tpu.memory_space<vmem_shared>> -> memref<32x128xf32, #tpu.memory_space<vmem_shared>>
      %dma_start3A_79 = arith.constant 0 : i32
      %dma_start3A_80 = tpu.memref_slice %arg18[%add3A_41, %dma_start3A_79] : memref<10240x128xf32, #tpu.memory_space<vmem_shared>> -> memref<32x128xf32, #tpu.memory_space<vmem_shared>>
      tpu.enqueue_dma source(%arg15 : memref<32x128xf32, #tpu.memory_space<vmem>>) target(%dma_start3A_80 : memref<32x128xf32, #tpu.memory_space<vmem_shared>>) target_semaphore(%run_scoped3A : memref<!tpu.dma_semaphore, #tpu.memory_space<semaphore_mem>>)
      %dma_wait3A = arith.constant 0 : i32
      %dma_wait3A_81 = tpu.memref_slice %arg18[%add3A_41, %dma_wait3A] : memref<10240x128xf32, #tpu.memory_space<vmem_shared>> -> memref<32x128xf32, #tpu.memory_space<vmem_shared>>
      %dma_wait3A_82 = arith.constant 0 : i32
      %dma_wait3A_83 = tpu.memref_slice %arg18[%add3A_41, %dma_wait3A_82] : memref<10240x128xf32, #tpu.memory_space<vmem_shared>> -> memref<32x128xf32, #tpu.memory_space<vmem_shared>>
      tpu.wait_dma2 semaphore(%run_scoped3A : memref<!tpu.dma_semaphore, #tpu.memory_space<semaphore_mem>>) src(%arg15 : memref<32x128xf32, #tpu.memory_space<vmem>>) dst(%dma_wait3A_83 : memref<32x128xf32, #tpu.memory_space<vmem_shared>>)
      tpu.yield
    }) : () -> ()
    %add3A_42 = arith.constant 352 : i32
    %add3A_43 = arith.addi %mul3A_0, %add3A_42 : i32
    "tpu.region"() ({
      %run_scoped3A = tpu.sem_alloc : memref<!tpu.dma_semaphore, #tpu.memory_space<semaphore_mem>>
      %dma_start3A = arith.constant 0 : i32
      %dma_start3A_78 = tpu.memref_slice %arg18[%add3A_43, %dma_start3A] : memref<10240x128xf32, #tpu.memory_space<vmem_shared>> -> memref<32x128xf32, #tpu.memory_space<vmem_shared>>
      %dma_start3A_79 = arith.constant 0 : i32
      %dma_start3A_80 = tpu.memref_slice %arg18[%add3A_43, %dma_start3A_79] : memref<10240x128xf32, #tpu.memory_space<vmem_shared>> -> memref<32x128xf32, #tpu.memory_space<vmem_shared>>
      tpu.enqueue_dma source(%arg15 : memref<32x128xf32, #tpu.memory_space<vmem>>) target(%dma_start3A_80 : memref<32x128xf32, #tpu.memory_space<vmem_shared>>) target_semaphore(%run_scoped3A : memref<!tpu.dma_semaphore, #tpu.memory_space<semaphore_mem>>)
      %dma_wait3A = arith.constant 0 : i32
      %dma_wait3A_81 = tpu.memref_slice %arg18[%add3A_43, %dma_wait3A] : memref<10240x128xf32, #tpu.memory_space<vmem_shared>> -> memref<32x128xf32, #tpu.memory_space<vmem_shared>>
      %dma_wait3A_82 = arith.constant 0 : i32
      %dma_wait3A_83 = tpu.memref_slice %arg18[%add3A_43, %dma_wait3A_82] : memref<10240x128xf32, #tpu.memory_space<vmem_shared>> -> memref<32x128xf32, #tpu.memory_space<vmem_shared>>
      tpu.wait_dma2 semaphore(%run_scoped3A : memref<!tpu.dma_semaphore, #tpu.memory_space<semaphore_mem>>) src(%arg15 : memref<32x128xf32, #tpu.memory_space<vmem>>) dst(%dma_wait3A_83 : memref<32x128xf32, #tpu.memory_space<vmem_shared>>)
      tpu.yield
    }) : () -> ()
    %add3A_44 = arith.constant 384 : i32
    %add3A_45 = arith.addi %mul3A_0, %add3A_44 : i32
    "tpu.region"() ({
      %run_scoped3A = tpu.sem_alloc : memref<!tpu.dma_semaphore, #tpu.memory_space<semaphore_mem>>
      %dma_start3A = arith.constant 0 : i32
      %dma_start3A_78 = tpu.memref_slice %arg18[%add3A_45, %dma_start3A] : memref<10240x128xf32, #tpu.memory_space<vmem_shared>> -> memref<32x128xf32, #tpu.memory_space<vmem_shared>>
      %dma_start3A_79 = arith.constant 0 : i32
      %dma_start3A_80 = tpu.memref_slice %arg18[%add3A_45, %dma_start3A_79] : memref<10240x128xf32, #tpu.memory_space<vmem_shared>> -> memref<32x128xf32, #tpu.memory_space<vmem_shared>>
      tpu.enqueue_dma source(%arg15 : memref<32x128xf32, #tpu.memory_space<vmem>>) target(%dma_start3A_80 : memref<32x128xf32, #tpu.memory_space<vmem_shared>>) target_semaphore(%run_scoped3A : memref<!tpu.dma_semaphore, #tpu.memory_space<semaphore_mem>>)
      %dma_wait3A = arith.constant 0 : i32
      %dma_wait3A_81 = tpu.memref_slice %arg18[%add3A_45, %dma_wait3A] : memref<10240x128xf32, #tpu.memory_space<vmem_shared>> -> memref<32x128xf32, #tpu.memory_space<vmem_shared>>
      %dma_wait3A_82 = arith.constant 0 : i32
      %dma_wait3A_83 = tpu.memref_slice %arg18[%add3A_45, %dma_wait3A_82] : memref<10240x128xf32, #tpu.memory_space<vmem_shared>> -> memref<32x128xf32, #tpu.memory_space<vmem_shared>>
      tpu.wait_dma2 semaphore(%run_scoped3A : memref<!tpu.dma_semaphore, #tpu.memory_space<semaphore_mem>>) src(%arg15 : memref<32x128xf32, #tpu.memory_space<vmem>>) dst(%dma_wait3A_83 : memref<32x128xf32, #tpu.memory_space<vmem_shared>>)
      tpu.yield
    }) : () -> ()
    %add3A_46 = arith.constant 416 : i32
    %add3A_47 = arith.addi %mul3A_0, %add3A_46 : i32
    "tpu.region"() ({
      %run_scoped3A = tpu.sem_alloc : memref<!tpu.dma_semaphore, #tpu.memory_space<semaphore_mem>>
      %dma_start3A = arith.constant 0 : i32
      %dma_start3A_78 = tpu.memref_slice %arg18[%add3A_47, %dma_start3A] : memref<10240x128xf32, #tpu.memory_space<vmem_shared>> -> memref<32x128xf32, #tpu.memory_space<vmem_shared>>
      %dma_start3A_79 = arith.constant 0 : i32
      %dma_start3A_80 = tpu.memref_slice %arg18[%add3A_47, %dma_start3A_79] : memref<10240x128xf32, #tpu.memory_space<vmem_shared>> -> memref<32x128xf32, #tpu.memory_space<vmem_shared>>
      tpu.enqueue_dma source(%arg15 : memref<32x128xf32, #tpu.memory_space<vmem>>) target(%dma_start3A_80 : memref<32x128xf32, #tpu.memory_space<vmem_shared>>) target_semaphore(%run_scoped3A : memref<!tpu.dma_semaphore, #tpu.memory_space<semaphore_mem>>)
      %dma_wait3A = arith.constant 0 : i32
      %dma_wait3A_81 = tpu.memref_slice %arg18[%add3A_47, %dma_wait3A] : memref<10240x128xf32, #tpu.memory_space<vmem_shared>> -> memref<32x128xf32, #tpu.memory_space<vmem_shared>>
      %dma_wait3A_82 = arith.constant 0 : i32
      %dma_wait3A_83 = tpu.memref_slice %arg18[%add3A_47, %dma_wait3A_82] : memref<10240x128xf32, #tpu.memory_space<vmem_shared>> -> memref<32x128xf32, #tpu.memory_space<vmem_shared>>
      tpu.wait_dma2 semaphore(%run_scoped3A : memref<!tpu.dma_semaphore, #tpu.memory_space<semaphore_mem>>) src(%arg15 : memref<32x128xf32, #tpu.memory_space<vmem>>) dst(%dma_wait3A_83 : memref<32x128xf32, #tpu.memory_space<vmem_shared>>)
      tpu.yield
    }) : () -> ()
    %add3A_48 = arith.constant 448 : i32
    %add3A_49 = arith.addi %mul3A_0, %add3A_48 : i32
    "tpu.region"() ({
      %run_scoped3A = tpu.sem_alloc : memref<!tpu.dma_semaphore, #tpu.memory_space<semaphore_mem>>
      %dma_start3A = arith.constant 0 : i32
      %dma_start3A_78 = tpu.memref_slice %arg18[%add3A_49, %dma_start3A] : memref<10240x128xf32, #tpu.memory_space<vmem_shared>> -> memref<32x128xf32, #tpu.memory_space<vmem_shared>>
      %dma_start3A_79 = arith.constant 0 : i32
      %dma_start3A_80 = tpu.memref_slice %arg18[%add3A_49, %dma_start3A_79] : memref<10240x128xf32, #tpu.memory_space<vmem_shared>> -> memref<32x128xf32, #tpu.memory_space<vmem_shared>>
      tpu.enqueue_dma source(%arg15 : memref<32x128xf32, #tpu.memory_space<vmem>>) target(%dma_start3A_80 : memref<32x128xf32, #tpu.memory_space<vmem_shared>>) target_semaphore(%run_scoped3A : memref<!tpu.dma_semaphore, #tpu.memory_space<semaphore_mem>>)
      %dma_wait3A = arith.constant 0 : i32
      %dma_wait3A_81 = tpu.memref_slice %arg18[%add3A_49, %dma_wait3A] : memref<10240x128xf32, #tpu.memory_space<vmem_shared>> -> memref<32x128xf32, #tpu.memory_space<vmem_shared>>
      %dma_wait3A_82 = arith.constant 0 : i32
      %dma_wait3A_83 = tpu.memref_slice %arg18[%add3A_49, %dma_wait3A_82] : memref<10240x128xf32, #tpu.memory_space<vmem_shared>> -> memref<32x128xf32, #tpu.memory_space<vmem_shared>>
      tpu.wait_dma2 semaphore(%run_scoped3A : memref<!tpu.dma_semaphore, #tpu.memory_space<semaphore_mem>>) src(%arg15 : memref<32x128xf32, #tpu.memory_space<vmem>>) dst(%dma_wait3A_83 : memref<32x128xf32, #tpu.memory_space<vmem_shared>>)
      tpu.yield
    }) : () -> ()
    %add3A_50 = arith.constant 480 : i32
    %add3A_51 = arith.addi %mul3A_0, %add3A_50 : i32
    "tpu.region"() ({
      %run_scoped3A = tpu.sem_alloc : memref<!tpu.dma_semaphore, #tpu.memory_space<semaphore_mem>>
      %dma_start3A = arith.constant 0 : i32
      %dma_start3A_78 = tpu.memref_slice %arg18[%add3A_51, %dma_start3A] : memref<10240x128xf32, #tpu.memory_space<vmem_shared>> -> memref<32x128xf32, #tpu.memory_space<vmem_shared>>
      %dma_start3A_79 = arith.constant 0 : i32
      %dma_start3A_80 = tpu.memref_slice %arg18[%add3A_51, %dma_start3A_79] : memref<10240x128xf32, #tpu.memory_space<vmem_shared>> -> memref<32x128xf32, #tpu.memory_space<vmem_shared>>
      tpu.enqueue_dma source(%arg15 : memref<32x128xf32, #tpu.memory_space<vmem>>) target(%dma_start3A_80 : memref<32x128xf32, #tpu.memory_space<vmem_shared>>) target_semaphore(%run_scoped3A : memref<!tpu.dma_semaphore, #tpu.memory_space<semaphore_mem>>)
      %dma_wait3A = arith.constant 0 : i32
      %dma_wait3A_81 = tpu.memref_slice %arg18[%add3A_51, %dma_wait3A] : memref<10240x128xf32, #tpu.memory_space<vmem_shared>> -> memref<32x128xf32, #tpu.memory_space<vmem_shared>>
      %dma_wait3A_82 = arith.constant 0 : i32
      %dma_wait3A_83 = tpu.memref_slice %arg18[%add3A_51, %dma_wait3A_82] : memref<10240x128xf32, #tpu.memory_space<vmem_shared>> -> memref<32x128xf32, #tpu.memory_space<vmem_shared>>
      tpu.wait_dma2 semaphore(%run_scoped3A : memref<!tpu.dma_semaphore, #tpu.memory_space<semaphore_mem>>) src(%arg15 : memref<32x128xf32, #tpu.memory_space<vmem>>) dst(%dma_wait3A_83 : memref<32x128xf32, #tpu.memory_space<vmem_shared>>)
      tpu.yield
    }) : () -> ()
    %add3A_52 = arith.constant 512 : i32
    %add3A_53 = arith.addi %mul3A_0, %add3A_52 : i32
    "tpu.region"() ({
      %run_scoped3A = tpu.sem_alloc : memref<!tpu.dma_semaphore, #tpu.memory_space<semaphore_mem>>
      %dma_start3A = arith.constant 0 : i32
      %dma_start3A_78 = tpu.memref_slice %arg18[%add3A_53, %dma_start3A] : memref<10240x128xf32, #tpu.memory_space<vmem_shared>> -> memref<32x128xf32, #tpu.memory_space<vmem_shared>>
      %dma_start3A_79 = arith.constant 0 : i32
      %dma_start3A_80 = tpu.memref_slice %arg18[%add3A_53, %dma_start3A_79] : memref<10240x128xf32, #tpu.memory_space<vmem_shared>> -> memref<32x128xf32, #tpu.memory_space<vmem_shared>>
      tpu.enqueue_dma source(%arg15 : memref<32x128xf32, #tpu.memory_space<vmem>>) target(%dma_start3A_80 : memref<32x128xf32, #tpu.memory_space<vmem_shared>>) target_semaphore(%run_scoped3A : memref<!tpu.dma_semaphore, #tpu.memory_space<semaphore_mem>>)
      %dma_wait3A = arith.constant 0 : i32
      %dma_wait3A_81 = tpu.memref_slice %arg18[%add3A_53, %dma_wait3A] : memref<10240x128xf32, #tpu.memory_space<vmem_shared>> -> memref<32x128xf32, #tpu.memory_space<vmem_shared>>
      %dma_wait3A_82 = arith.constant 0 : i32
      %dma_wait3A_83 = tpu.memref_slice %arg18[%add3A_53, %dma_wait3A_82] : memref<10240x128xf32, #tpu.memory_space<vmem_shared>> -> memref<32x128xf32, #tpu.memory_space<vmem_shared>>
      tpu.wait_dma2 semaphore(%run_scoped3A : memref<!tpu.dma_semaphore, #tpu.memory_space<semaphore_mem>>) src(%arg15 : memref<32x128xf32, #tpu.memory_space<vmem>>) dst(%dma_wait3A_83 : memref<32x128xf32, #tpu.memory_space<vmem_shared>>)
      tpu.yield
    }) : () -> ()
    %add3A_54 = arith.constant 544 : i32
    %add3A_55 = arith.addi %mul3A_0, %add3A_54 : i32
    "tpu.region"() ({
      %run_scoped3A = tpu.sem_alloc : memref<!tpu.dma_semaphore, #tpu.memory_space<semaphore_mem>>
      %dma_start3A = arith.constant 0 : i32
      %dma_start3A_78 = tpu.memref_slice %arg18[%add3A_55, %dma_start3A] : memref<10240x128xf32, #tpu.memory_space<vmem_shared>> -> memref<32x128xf32, #tpu.memory_space<vmem_shared>>
      %dma_start3A_79 = arith.constant 0 : i32
      %dma_start3A_80 = tpu.memref_slice %arg18[%add3A_55, %dma_start3A_79] : memref<10240x128xf32, #tpu.memory_space<vmem_shared>> -> memref<32x128xf32, #tpu.memory_space<vmem_shared>>
      tpu.enqueue_dma source(%arg15 : memref<32x128xf32, #tpu.memory_space<vmem>>) target(%dma_start3A_80 : memref<32x128xf32, #tpu.memory_space<vmem_shared>>) target_semaphore(%run_scoped3A : memref<!tpu.dma_semaphore, #tpu.memory_space<semaphore_mem>>)
      %dma_wait3A = arith.constant 0 : i32
      %dma_wait3A_81 = tpu.memref_slice %arg18[%add3A_55, %dma_wait3A] : memref<10240x128xf32, #tpu.memory_space<vmem_shared>> -> memref<32x128xf32, #tpu.memory_space<vmem_shared>>
      %dma_wait3A_82 = arith.constant 0 : i32
      %dma_wait3A_83 = tpu.memref_slice %arg18[%add3A_55, %dma_wait3A_82] : memref<10240x128xf32, #tpu.memory_space<vmem_shared>> -> memref<32x128xf32, #tpu.memory_space<vmem_shared>>
      tpu.wait_dma2 semaphore(%run_scoped3A : memref<!tpu.dma_semaphore, #tpu.memory_space<semaphore_mem>>) src(%arg15 : memref<32x128xf32, #tpu.memory_space<vmem>>) dst(%dma_wait3A_83 : memref<32x128xf32, #tpu.memory_space<vmem_shared>>)
      tpu.yield
    }) : () -> ()
    %add3A_56 = arith.constant 576 : i32
    %add3A_57 = arith.addi %mul3A_0, %add3A_56 : i32
    "tpu.region"() ({
      %run_scoped3A = tpu.sem_alloc : memref<!tpu.dma_semaphore, #tpu.memory_space<semaphore_mem>>
      %dma_start3A = arith.constant 0 : i32
      %dma_start3A_78 = tpu.memref_slice %arg18[%add3A_57, %dma_start3A] : memref<10240x128xf32, #tpu.memory_space<vmem_shared>> -> memref<32x128xf32, #tpu.memory_space<vmem_shared>>
      %dma_start3A_79 = arith.constant 0 : i32
      %dma_start3A_80 = tpu.memref_slice %arg18[%add3A_57, %dma_start3A_79] : memref<10240x128xf32, #tpu.memory_space<vmem_shared>> -> memref<32x128xf32, #tpu.memory_space<vmem_shared>>
      tpu.enqueue_dma source(%arg15 : memref<32x128xf32, #tpu.memory_space<vmem>>) target(%dma_start3A_80 : memref<32x128xf32, #tpu.memory_space<vmem_shared>>) target_semaphore(%run_scoped3A : memref<!tpu.dma_semaphore, #tpu.memory_space<semaphore_mem>>)
      %dma_wait3A = arith.constant 0 : i32
      %dma_wait3A_81 = tpu.memref_slice %arg18[%add3A_57, %dma_wait3A] : memref<10240x128xf32, #tpu.memory_space<vmem_shared>> -> memref<32x128xf32, #tpu.memory_space<vmem_shared>>
      %dma_wait3A_82 = arith.constant 0 : i32
      %dma_wait3A_83 = tpu.memref_slice %arg18[%add3A_57, %dma_wait3A_82] : memref<10240x128xf32, #tpu.memory_space<vmem_shared>> -> memref<32x128xf32, #tpu.memory_space<vmem_shared>>
      tpu.wait_dma2 semaphore(%run_scoped3A : memref<!tpu.dma_semaphore, #tpu.memory_space<semaphore_mem>>) src(%arg15 : memref<32x128xf32, #tpu.memory_space<vmem>>) dst(%dma_wait3A_83 : memref<32x128xf32, #tpu.memory_space<vmem_shared>>)
      tpu.yield
    }) : () -> ()
    %add3A_58 = arith.constant 608 : i32
    %add3A_59 = arith.addi %mul3A_0, %add3A_58 : i32
    "tpu.region"() ({
      %run_scoped3A = tpu.sem_alloc : memref<!tpu.dma_semaphore, #tpu.memory_space<semaphore_mem>>
      %dma_start3A = arith.constant 0 : i32
      %dma_start3A_78 = tpu.memref_slice %arg18[%add3A_59, %dma_start3A] : memref<10240x128xf32, #tpu.memory_space<vmem_shared>> -> memref<32x128xf32, #tpu.memory_space<vmem_shared>>
      %dma_start3A_79 = arith.constant 0 : i32
      %dma_start3A_80 = tpu.memref_slice %arg18[%add3A_59, %dma_start3A_79] : memref<10240x128xf32, #tpu.memory_space<vmem_shared>> -> memref<32x128xf32, #tpu.memory_space<vmem_shared>>
      tpu.enqueue_dma source(%arg15 : memref<32x128xf32, #tpu.memory_space<vmem>>) target(%dma_start3A_80 : memref<32x128xf32, #tpu.memory_space<vmem_shared>>) target_semaphore(%run_scoped3A : memref<!tpu.dma_semaphore, #tpu.memory_space<semaphore_mem>>)
      %dma_wait3A = arith.constant 0 : i32
      %dma_wait3A_81 = tpu.memref_slice %arg18[%add3A_59, %dma_wait3A] : memref<10240x128xf32, #tpu.memory_space<vmem_shared>> -> memref<32x128xf32, #tpu.memory_space<vmem_shared>>
      %dma_wait3A_82 = arith.constant 0 : i32
      %dma_wait3A_83 = tpu.memref_slice %arg18[%add3A_59, %dma_wait3A_82] : memref<10240x128xf32, #tpu.memory_space<vmem_shared>> -> memref<32x128xf32, #tpu.memory_space<vmem_shared>>
      tpu.wait_dma2 semaphore(%run_scoped3A : memref<!tpu.dma_semaphore, #tpu.memory_space<semaphore_mem>>) src(%arg15 : memref<32x128xf32, #tpu.memory_space<vmem>>) dst(%dma_wait3A_83 : memref<32x128xf32, #tpu.memory_space<vmem_shared>>)
      tpu.yield
    }) : () -> ()
    "tpu.region"() ({
      %run_scoped3A = tpu.sem_alloc : memref<!tpu.dma_semaphore, #tpu.memory_space<semaphore_mem>>
      %dma_start3A = tpu.memref_slice %arg19[%mul3A_0] : memref<10240xf32, #tpu.memory_space<vmem_shared>> -> memref<640xf32, #tpu.memory_space<vmem_shared>>
      %dma_start3A_78 = tpu.memref_slice %arg19[%mul3A_0] : memref<10240xf32, #tpu.memory_space<vmem_shared>> -> memref<640xf32, #tpu.memory_space<vmem_shared>>
      tpu.enqueue_dma source(%arg16 : memref<640xf32, #tpu.memory_space<vmem>>) target(%dma_start3A_78 : memref<640xf32, #tpu.memory_space<vmem_shared>>) target_semaphore(%run_scoped3A : memref<!tpu.dma_semaphore, #tpu.memory_space<semaphore_mem>>)
      %dma_wait3A = tpu.memref_slice %arg19[%mul3A_0] : memref<10240xf32, #tpu.memory_space<vmem_shared>> -> memref<640xf32, #tpu.memory_space<vmem_shared>>
      %dma_wait3A_79 = tpu.memref_slice %arg19[%mul3A_0] : memref<10240xf32, #tpu.memory_space<vmem_shared>> -> memref<640xf32, #tpu.memory_space<vmem_shared>>
      tpu.wait_dma2 semaphore(%run_scoped3A : memref<!tpu.dma_semaphore, #tpu.memory_space<semaphore_mem>>) src(%arg16 : memref<640xf32, #tpu.memory_space<vmem>>) dst(%dma_wait3A_79 : memref<640xf32, #tpu.memory_space<vmem_shared>>)
      tpu.yield
    }) : () -> ()
    %barrier3A = arith.constant 0 : index
    tpu.barrier barrier_id(%barrier3A)
    %eq3A = arith.constant 0 : i32
    %eq3A_60 = arith.cmpi eq, %arg0, %eq3A : i32
    %convert_element_type3A = arith.extui %eq3A_60 : i1 to i32
    %cond3A = arith.constant 0 : i32
    %cond3A_61 = arith.cmpi ne, %convert_element_type3A, %cond3A : i32
    scf.if %cond3A_61 {
      %mul3A_78 = arith.constant 20160 : i32
      %mul3A_79 = arith.muli %arg1, %mul3A_78 : i32
      %scan3A_80 = arith.constant 0 : i32
      %scan3A_81 = arith.constant 0 : i32
      %scan3A_82 = arith.constant 18 : i32
      %scan3A_83 = arith.addi %scan3A_81, %scan3A_82 : i32
      %scan3A_84 = arith.constant 1 : i32
      scf.for %scan3A_86 = %scan3A_81 to %scan3A_83 step %scan3A_84  : i32 {
        %mul3A_87 = arith.constant 1120 : i32
        %mul3A_88 = arith.muli %scan3A_86, %mul3A_87 : i32
        %add3A_89 = arith.addi %mul3A_79, %mul3A_88 : i32
        "tpu.region"() ({
          %run_scoped3A = tpu.sem_alloc : memref<!tpu.dma_semaphore, #tpu.memory_space<semaphore_mem>>
          %dma_start3A_188 = tpu.memref_slice %arg3[%add3A_89] : memref<322560xi32, #tpu.memory_space<hbm>> -> memref<1120xi32, #tpu.memory_space<hbm>>
          %dma_start3A_189 = tpu.memref_slice %arg3[%add3A_89] : memref<322560xi32, #tpu.memory_space<hbm>> -> memref<1120xi32, #tpu.memory_space<hbm>>
          tpu.enqueue_dma source(%dma_start3A_189 : memref<1120xi32, #tpu.memory_space<hbm>>) target(%arg11 : memref<1120xi32, #tpu.memory_space<vmem>>) target_semaphore(%run_scoped3A : memref<!tpu.dma_semaphore, #tpu.memory_space<semaphore_mem>>)
          %dma_wait3A_190 = tpu.memref_slice %arg3[%add3A_89] : memref<322560xi32, #tpu.memory_space<hbm>> -> memref<1120xi32, #tpu.memory_space<hbm>>
          %dma_wait3A_191 = tpu.memref_slice %arg3[%add3A_89] : memref<322560xi32, #tpu.memory_space<hbm>> -> memref<1120xi32, #tpu.memory_space<hbm>>
          tpu.wait_dma2 semaphore(%run_scoped3A : memref<!tpu.dma_semaphore, #tpu.memory_space<semaphore_mem>>) src(%dma_wait3A_191 : memref<1120xi32, #tpu.memory_space<hbm>>) dst(%arg11 : memref<1120xi32, #tpu.memory_space<vmem>>)
          tpu.yield
        }) : () -> ()
        "tpu.region"() ({
          %run_scoped3A = tpu.sem_alloc : memref<!tpu.dma_semaphore, #tpu.memory_space<semaphore_mem>>
          %dma_start3A_188 = tpu.memref_slice %arg6[%add3A_89] : memref<322560xi32, #tpu.memory_space<hbm>> -> memref<1120xi32, #tpu.memory_space<hbm>>
          %dma_start3A_189 = tpu.memref_slice %arg6[%add3A_89] : memref<322560xi32, #tpu.memory_space<hbm>> -> memref<1120xi32, #tpu.memory_space<hbm>>
          tpu.enqueue_dma source(%dma_start3A_189 : memref<1120xi32, #tpu.memory_space<hbm>>) target(%arg12 : memref<1120xi32, #tpu.memory_space<vmem>>) target_semaphore(%run_scoped3A : memref<!tpu.dma_semaphore, #tpu.memory_space<semaphore_mem>>)
          %dma_wait3A_190 = tpu.memref_slice %arg6[%add3A_89] : memref<322560xi32, #tpu.memory_space<hbm>> -> memref<1120xi32, #tpu.memory_space<hbm>>
          %dma_wait3A_191 = tpu.memref_slice %arg6[%add3A_89] : memref<322560xi32, #tpu.memory_space<hbm>> -> memref<1120xi32, #tpu.memory_space<hbm>>
          tpu.wait_dma2 semaphore(%run_scoped3A : memref<!tpu.dma_semaphore, #tpu.memory_space<semaphore_mem>>) src(%dma_wait3A_191 : memref<1120xi32, #tpu.memory_space<hbm>>) dst(%arg12 : memref<1120xi32, #tpu.memory_space<vmem>>)
          tpu.yield
        }) : () -> ()
        "tpu.region"() ({
          %run_scoped3A = tpu.sem_alloc : memref<!tpu.dma_semaphore, #tpu.memory_space<semaphore_mem>>
          %dma_start3A_188 = arith.constant 0 : i32
          %dma_start3A_189 = tpu.memref_slice %arg19[%dma_start3A_188] : memref<10240xf32, #tpu.memory_space<vmem_shared>> -> memref<10240xf32, #tpu.memory_space<vmem_shared>>
          tpu.enqueue_indirect_dma source(%arg17 : memref<1120xf32, #tpu.memory_space<vmem>>) target(%dma_start3A_189 : memref<10240xf32, #tpu.memory_space<vmem_shared>>) offsets(%arg12 : memref<1120xi32, #tpu.memory_space<vmem>>) semaphore(%run_scoped3A : memref<!tpu.dma_semaphore, #tpu.memory_space<semaphore_mem>>) {add = true}
          %dma_wait3A_190 = arith.constant 0 : i32
          %dma_wait3A_191 = tpu.memref_slice %arg19[%dma_wait3A_190] : memref<10240xf32, #tpu.memory_space<vmem_shared>> -> memref<10240xf32, #tpu.memory_space<vmem_shared>>
          tpu.wait_indirect_dma semaphore(%run_scoped3A : memref<!tpu.dma_semaphore, #tpu.memory_space<semaphore_mem>>) src(%arg17 : memref<1120xf32, #tpu.memory_space<vmem>>) dst(%dma_wait3A_191 : memref<10240xf32, #tpu.memory_space<vmem_shared>>)
          tpu.yield
        }) : () -> ()
        %dma_start3A = arith.constant 0 : i32
        %dma_start3A_90 = tpu.memref_slice %arg11[%dma_start3A] : memref<1120xi32, #tpu.memory_space<vmem>> -> memref<112xi32, #tpu.memory_space<vmem>>
        %dma_start3A_91 = arith.constant 0 : i32
        %dma_start3A_92 = arith.constant 0 : i32
        %dma_start3A_93 = tpu.memref_slice %arg2[%dma_start3A_91, %dma_start3A_92] : memref<10000x128xf32, #tpu.memory_space<hbm>> -> memref<10000x128xf32, #tpu.memory_space<hbm>>
        tpu.enqueue_indirect_dma source(%dma_start3A_93 : memref<10000x128xf32, #tpu.memory_space<hbm>>) target(%arg13 : memref<112x128xf32, #tpu.memory_space<vmem>>) offsets(%dma_start3A_90 : memref<112xi32, #tpu.memory_space<vmem>>) semaphore(%arg20 : memref<!tpu.dma_semaphore, #tpu.memory_space<semaphore_mem>>)
        %dma_start3A_94 = arith.constant 112 : i32
        %dma_start3A_95 = tpu.memref_slice %arg11[%dma_start3A_94] : memref<1120xi32, #tpu.memory_space<vmem>> -> memref<112xi32, #tpu.memory_space<vmem>>
        %dma_start3A_96 = arith.constant 0 : i32
        %dma_start3A_97 = arith.constant 0 : i32
        %dma_start3A_98 = tpu.memref_slice %arg2[%dma_start3A_96, %dma_start3A_97] : memref<10000x128xf32, #tpu.memory_space<hbm>> -> memref<10000x128xf32, #tpu.memory_space<hbm>>
        tpu.enqueue_indirect_dma source(%dma_start3A_98 : memref<10000x128xf32, #tpu.memory_space<hbm>>) target(%arg14 : memref<112x128xf32, #tpu.memory_space<vmem>>) offsets(%dma_start3A_95 : memref<112xi32, #tpu.memory_space<vmem>>) semaphore(%arg21 : memref<!tpu.dma_semaphore, #tpu.memory_space<semaphore_mem>>)
        %dma_wait3A = arith.constant 0 : i32
        %dma_wait3A_99 = tpu.memref_slice %arg11[%dma_wait3A] : memref<1120xi32, #tpu.memory_space<vmem>> -> memref<112xi32, #tpu.memory_space<vmem>>
        %dma_wait3A_100 = arith.constant 0 : i32
        %dma_wait3A_101 = arith.constant 0 : i32
        %dma_wait3A_102 = tpu.memref_slice %arg2[%dma_wait3A_100, %dma_wait3A_101] : memref<10000x128xf32, #tpu.memory_space<hbm>> -> memref<10000x128xf32, #tpu.memory_space<hbm>>
        tpu.wait_indirect_dma semaphore(%arg20 : memref<!tpu.dma_semaphore, #tpu.memory_space<semaphore_mem>>) src(%dma_wait3A_102 : memref<10000x128xf32, #tpu.memory_space<hbm>>) dst(%arg13 : memref<112x128xf32, #tpu.memory_space<vmem>>)
        "tpu.region"() ({
          %run_scoped3A = tpu.sem_alloc : memref<!tpu.dma_semaphore, #tpu.memory_space<semaphore_mem>>
          %dma_start3A_188 = arith.constant 0 : i32
          %dma_start3A_189 = tpu.memref_slice %arg12[%dma_start3A_188] : memref<1120xi32, #tpu.memory_space<vmem>> -> memref<112xi32, #tpu.memory_space<vmem>>
          %dma_start3A_190 = arith.constant 0 : i32
          %dma_start3A_191 = arith.constant 0 : i32
          %dma_start3A_192 = tpu.memref_slice %arg18[%dma_start3A_190, %dma_start3A_191] : memref<10240x128xf32, #tpu.memory_space<vmem_shared>> -> memref<10240x128xf32, #tpu.memory_space<vmem_shared>>
          tpu.enqueue_indirect_dma source(%arg13 : memref<112x128xf32, #tpu.memory_space<vmem>>) target(%dma_start3A_192 : memref<10240x128xf32, #tpu.memory_space<vmem_shared>>) offsets(%dma_start3A_189 : memref<112xi32, #tpu.memory_space<vmem>>) semaphore(%run_scoped3A : memref<!tpu.dma_semaphore, #tpu.memory_space<semaphore_mem>>) {add = true}
          %dma_wait3A_193 = arith.constant 0 : i32
          %dma_wait3A_194 = tpu.memref_slice %arg12[%dma_wait3A_193] : memref<1120xi32, #tpu.memory_space<vmem>> -> memref<112xi32, #tpu.memory_space<vmem>>
          %dma_wait3A_195 = arith.constant 0 : i32
          %dma_wait3A_196 = arith.constant 0 : i32
          %dma_wait3A_197 = tpu.memref_slice %arg18[%dma_wait3A_195, %dma_wait3A_196] : memref<10240x128xf32, #tpu.memory_space<vmem_shared>> -> memref<10240x128xf32, #tpu.memory_space<vmem_shared>>
          tpu.wait_indirect_dma semaphore(%run_scoped3A : memref<!tpu.dma_semaphore, #tpu.memory_space<semaphore_mem>>) src(%arg13 : memref<112x128xf32, #tpu.memory_space<vmem>>) dst(%dma_wait3A_197 : memref<10240x128xf32, #tpu.memory_space<vmem_shared>>)
          tpu.yield
        }) : () -> ()
        %dma_start3A_103 = arith.constant 224 : i32
        %dma_start3A_104 = tpu.memref_slice %arg11[%dma_start3A_103] : memref<1120xi32, #tpu.memory_space<vmem>> -> memref<112xi32, #tpu.memory_space<vmem>>
        %dma_start3A_105 = arith.constant 0 : i32
        %dma_start3A_106 = arith.constant 0 : i32
        %dma_start3A_107 = tpu.memref_slice %arg2[%dma_start3A_105, %dma_start3A_106] : memref<10000x128xf32, #tpu.memory_space<hbm>> -> memref<10000x128xf32, #tpu.memory_space<hbm>>
        tpu.enqueue_indirect_dma source(%dma_start3A_107 : memref<10000x128xf32, #tpu.memory_space<hbm>>) target(%arg13 : memref<112x128xf32, #tpu.memory_space<vmem>>) offsets(%dma_start3A_104 : memref<112xi32, #tpu.memory_space<vmem>>) semaphore(%arg20 : memref<!tpu.dma_semaphore, #tpu.memory_space<semaphore_mem>>)
        %dma_wait3A_108 = arith.constant 112 : i32
        %dma_wait3A_109 = tpu.memref_slice %arg11[%dma_wait3A_108] : memref<1120xi32, #tpu.memory_space<vmem>> -> memref<112xi32, #tpu.memory_space<vmem>>
        %dma_wait3A_110 = arith.constant 0 : i32
        %dma_wait3A_111 = arith.constant 0 : i32
        %dma_wait3A_112 = tpu.memref_slice %arg2[%dma_wait3A_110, %dma_wait3A_111] : memref<10000x128xf32, #tpu.memory_space<hbm>> -> memref<10000x128xf32, #tpu.memory_space<hbm>>
        tpu.wait_indirect_dma semaphore(%arg21 : memref<!tpu.dma_semaphore, #tpu.memory_space<semaphore_mem>>) src(%dma_wait3A_112 : memref<10000x128xf32, #tpu.memory_space<hbm>>) dst(%arg14 : memref<112x128xf32, #tpu.memory_space<vmem>>)
        "tpu.region"() ({
          %run_scoped3A = tpu.sem_alloc : memref<!tpu.dma_semaphore, #tpu.memory_space<semaphore_mem>>
          %dma_start3A_188 = arith.constant 112 : i32
          %dma_start3A_189 = tpu.memref_slice %arg12[%dma_start3A_188] : memref<1120xi32, #tpu.memory_space<vmem>> -> memref<112xi32, #tpu.memory_space<vmem>>
          %dma_start3A_190 = arith.constant 0 : i32
          %dma_start3A_191 = arith.constant 0 : i32
          %dma_start3A_192 = tpu.memref_slice %arg18[%dma_start3A_190, %dma_start3A_191] : memref<10240x128xf32, #tpu.memory_space<vmem_shared>> -> memref<10240x128xf32, #tpu.memory_space<vmem_shared>>
          tpu.enqueue_indirect_dma source(%arg14 : memref<112x128xf32, #tpu.memory_space<vmem>>) target(%dma_start3A_192 : memref<10240x128xf32, #tpu.memory_space<vmem_shared>>) offsets(%dma_start3A_189 : memref<112xi32, #tpu.memory_space<vmem>>) semaphore(%run_scoped3A : memref<!tpu.dma_semaphore, #tpu.memory_space<semaphore_mem>>) {add = true}
          %dma_wait3A_193 = arith.constant 112 : i32
          %dma_wait3A_194 = tpu.memref_slice %arg12[%dma_wait3A_193] : memref<1120xi32, #tpu.memory_space<vmem>> -> memref<112xi32, #tpu.memory_space<vmem>>
          %dma_wait3A_195 = arith.constant 0 : i32
          %dma_wait3A_196 = arith.constant 0 : i32
          %dma_wait3A_197 = tpu.memref_slice %arg18[%dma_wait3A_195, %dma_wait3A_196] : memref<10240x128xf32, #tpu.memory_space<vmem_shared>> -> memref<10240x128xf32, #tpu.memory_space<vmem_shared>>
          tpu.wait_indirect_dma semaphore(%run_scoped3A : memref<!tpu.dma_semaphore, #tpu.memory_space<semaphore_mem>>) src(%arg14 : memref<112x128xf32, #tpu.memory_space<vmem>>) dst(%dma_wait3A_197 : memref<10240x128xf32, #tpu.memory_space<vmem_shared>>)
          tpu.yield
        }) : () -> ()
        %dma_start3A_113 = arith.constant 336 : i32
        %dma_start3A_114 = tpu.memref_slice %arg11[%dma_start3A_113] : memref<1120xi32, #tpu.memory_space<vmem>> -> memref<112xi32, #tpu.memory_space<vmem>>
        %dma_start3A_115 = arith.constant 0 : i32
        %dma_start3A_116 = arith.constant 0 : i32
        %dma_start3A_117 = tpu.memref_slice %arg2[%dma_start3A_115, %dma_start3A_116] : memref<10000x128xf32, #tpu.memory_space<hbm>> -> memref<10000x128xf32, #tpu.memory_space<hbm>>
        tpu.enqueue_indirect_dma source(%dma_start3A_117 : memref<10000x128xf32, #tpu.memory_space<hbm>>) target(%arg14 : memref<112x128xf32, #tpu.memory_space<vmem>>) offsets(%dma_start3A_114 : memref<112xi32, #tpu.memory_space<vmem>>) semaphore(%arg21 : memref<!tpu.dma_semaphore, #tpu.memory_space<semaphore_mem>>)
        %dma_wait3A_118 = arith.constant 224 : i32
        %dma_wait3A_119 = tpu.memref_slice %arg11[%dma_wait3A_118] : memref<1120xi32, #tpu.memory_space<vmem>> -> memref<112xi32, #tpu.memory_space<vmem>>
        %dma_wait3A_120 = arith.constant 0 : i32
        %dma_wait3A_121 = arith.constant 0 : i32
        %dma_wait3A_122 = tpu.memref_slice %arg2[%dma_wait3A_120, %dma_wait3A_121] : memref<10000x128xf32, #tpu.memory_space<hbm>> -> memref<10000x128xf32, #tpu.memory_space<hbm>>
        tpu.wait_indirect_dma semaphore(%arg20 : memref<!tpu.dma_semaphore, #tpu.memory_space<semaphore_mem>>) src(%dma_wait3A_122 : memref<10000x128xf32, #tpu.memory_space<hbm>>) dst(%arg13 : memref<112x128xf32, #tpu.memory_space<vmem>>)
        "tpu.region"() ({
          %run_scoped3A = tpu.sem_alloc : memref<!tpu.dma_semaphore, #tpu.memory_space<semaphore_mem>>
          %dma_start3A_188 = arith.constant 224 : i32
          %dma_start3A_189 = tpu.memref_slice %arg12[%dma_start3A_188] : memref<1120xi32, #tpu.memory_space<vmem>> -> memref<112xi32, #tpu.memory_space<vmem>>
          %dma_start3A_190 = arith.constant 0 : i32
          %dma_start3A_191 = arith.constant 0 : i32
          %dma_start3A_192 = tpu.memref_slice %arg18[%dma_start3A_190, %dma_start3A_191] : memref<10240x128xf32, #tpu.memory_space<vmem_shared>> -> memref<10240x128xf32, #tpu.memory_space<vmem_shared>>
          tpu.enqueue_indirect_dma source(%arg13 : memref<112x128xf32, #tpu.memory_space<vmem>>) target(%dma_start3A_192 : memref<10240x128xf32, #tpu.memory_space<vmem_shared>>) offsets(%dma_start3A_189 : memref<112xi32, #tpu.memory_space<vmem>>) semaphore(%run_scoped3A : memref<!tpu.dma_semaphore, #tpu.memory_space<semaphore_mem>>) {add = true}
          %dma_wait3A_193 = arith.constant 224 : i32
          %dma_wait3A_194 = tpu.memref_slice %arg12[%dma_wait3A_193] : memref<1120xi32, #tpu.memory_space<vmem>> -> memref<112xi32, #tpu.memory_space<vmem>>
          %dma_wait3A_195 = arith.constant 0 : i32
          %dma_wait3A_196 = arith.constant 0 : i32
          %dma_wait3A_197 = tpu.memref_slice %arg18[%dma_wait3A_195, %dma_wait3A_196] : memref<10240x128xf32, #tpu.memory_space<vmem_shared>> -> memref<10240x128xf32, #tpu.memory_space<vmem_shared>>
          tpu.wait_indirect_dma semaphore(%run_scoped3A : memref<!tpu.dma_semaphore, #tpu.memory_space<semaphore_mem>>) src(%arg13 : memref<112x128xf32, #tpu.memory_space<vmem>>) dst(%dma_wait3A_197 : memref<10240x128xf32, #tpu.memory_space<vmem_shared>>)
          tpu.yield
        }) : () -> ()
        %dma_start3A_123 = arith.constant 448 : i32
        %dma_start3A_124 = tpu.memref_slice %arg11[%dma_start3A_123] : memref<1120xi32, #tpu.memory_space<vmem>> -> memref<112xi32, #tpu.memory_space<vmem>>
        %dma_start3A_125 = arith.constant 0 : i32
        %dma_start3A_126 = arith.constant 0 : i32
        %dma_start3A_127 = tpu.memref_slice %arg2[%dma_start3A_125, %dma_start3A_126] : memref<10000x128xf32, #tpu.memory_space<hbm>> -> memref<10000x128xf32, #tpu.memory_space<hbm>>
        tpu.enqueue_indirect_dma source(%dma_start3A_127 : memref<10000x128xf32, #tpu.memory_space<hbm>>) target(%arg13 : memref<112x128xf32, #tpu.memory_space<vmem>>) offsets(%dma_start3A_124 : memref<112xi32, #tpu.memory_space<vmem>>) semaphore(%arg20 : memref<!tpu.dma_semaphore, #tpu.memory_space<semaphore_mem>>)
        %dma_wait3A_128 = arith.constant 336 : i32
        %dma_wait3A_129 = tpu.memref_slice %arg11[%dma_wait3A_128] : memref<1120xi32, #tpu.memory_space<vmem>> -> memref<112xi32, #tpu.memory_space<vmem>>
        %dma_wait3A_130 = arith.constant 0 : i32
        %dma_wait3A_131 = arith.constant 0 : i32
        %dma_wait3A_132 = tpu.memref_slice %arg2[%dma_wait3A_130, %dma_wait3A_131] : memref<10000x128xf32, #tpu.memory_space<hbm>> -> memref<10000x128xf32, #tpu.memory_space<hbm>>
        tpu.wait_indirect_dma semaphore(%arg21 : memref<!tpu.dma_semaphore, #tpu.memory_space<semaphore_mem>>) src(%dma_wait3A_132 : memref<10000x128xf32, #tpu.memory_space<hbm>>) dst(%arg14 : memref<112x128xf32, #tpu.memory_space<vmem>>)
        "tpu.region"() ({
          %run_scoped3A = tpu.sem_alloc : memref<!tpu.dma_semaphore, #tpu.memory_space<semaphore_mem>>
          %dma_start3A_188 = arith.constant 336 : i32
          %dma_start3A_189 = tpu.memref_slice %arg12[%dma_start3A_188] : memref<1120xi32, #tpu.memory_space<vmem>> -> memref<112xi32, #tpu.memory_space<vmem>>
          %dma_start3A_190 = arith.constant 0 : i32
          %dma_start3A_191 = arith.constant 0 : i32
          %dma_start3A_192 = tpu.memref_slice %arg18[%dma_start3A_190, %dma_start3A_191] : memref<10240x128xf32, #tpu.memory_space<vmem_shared>> -> memref<10240x128xf32, #tpu.memory_space<vmem_shared>>
          tpu.enqueue_indirect_dma source(%arg14 : memref<112x128xf32, #tpu.memory_space<vmem>>) target(%dma_start3A_192 : memref<10240x128xf32, #tpu.memory_space<vmem_shared>>) offsets(%dma_start3A_189 : memref<112xi32, #tpu.memory_space<vmem>>) semaphore(%run_scoped3A : memref<!tpu.dma_semaphore, #tpu.memory_space<semaphore_mem>>) {add = true}
          %dma_wait3A_193 = arith.constant 336 : i32
          %dma_wait3A_194 = tpu.memref_slice %arg12[%dma_wait3A_193] : memref<1120xi32, #tpu.memory_space<vmem>> -> memref<112xi32, #tpu.memory_space<vmem>>
          %dma_wait3A_195 = arith.constant 0 : i32
          %dma_wait3A_196 = arith.constant 0 : i32
          %dma_wait3A_197 = tpu.memref_slice %arg18[%dma_wait3A_195, %dma_wait3A_196] : memref<10240x128xf32, #tpu.memory_space<vmem_shared>> -> memref<10240x128xf32, #tpu.memory_space<vmem_shared>>
          tpu.wait_indirect_dma semaphore(%run_scoped3A : memref<!tpu.dma_semaphore, #tpu.memory_space<semaphore_mem>>) src(%arg14 : memref<112x128xf32, #tpu.memory_space<vmem>>) dst(%dma_wait3A_197 : memref<10240x128xf32, #tpu.memory_space<vmem_shared>>)
          tpu.yield
        }) : () -> ()
        %dma_start3A_133 = arith.constant 560 : i32
        %dma_start3A_134 = tpu.memref_slice %arg11[%dma_start3A_133] : memref<1120xi32, #tpu.memory_space<vmem>> -> memref<112xi32, #tpu.memory_space<vmem>>
        %dma_start3A_135 = arith.constant 0 : i32
        %dma_start3A_136 = arith.constant 0 : i32
        %dma_start3A_137 = tpu.memref_slice %arg2[%dma_start3A_135, %dma_start3A_136] : memref<10000x128xf32, #tpu.memory_space<hbm>> -> memref<10000x128xf32, #tpu.memory_space<hbm>>
        tpu.enqueue_indirect_dma source(%dma_start3A_137 : memref<10000x128xf32, #tpu.memory_space<hbm>>) target(%arg14 : memref<112x128xf32, #tpu.memory_space<vmem>>) offsets(%dma_start3A_134 : memref<112xi32, #tpu.memory_space<vmem>>) semaphore(%arg21 : memref<!tpu.dma_semaphore, #tpu.memory_space<semaphore_mem>>)
        %dma_wait3A_138 = arith.constant 448 : i32
        %dma_wait3A_139 = tpu.memref_slice %arg11[%dma_wait3A_138] : memref<1120xi32, #tpu.memory_space<vmem>> -> memref<112xi32, #tpu.memory_space<vmem>>
        %dma_wait3A_140 = arith.constant 0 : i32
        %dma_wait3A_141 = arith.constant 0 : i32
        %dma_wait3A_142 = tpu.memref_slice %arg2[%dma_wait3A_140, %dma_wait3A_141] : memref<10000x128xf32, #tpu.memory_space<hbm>> -> memref<10000x128xf32, #tpu.memory_space<hbm>>
        tpu.wait_indirect_dma semaphore(%arg20 : memref<!tpu.dma_semaphore, #tpu.memory_space<semaphore_mem>>) src(%dma_wait3A_142 : memref<10000x128xf32, #tpu.memory_space<hbm>>) dst(%arg13 : memref<112x128xf32, #tpu.memory_space<vmem>>)
        "tpu.region"() ({
          %run_scoped3A = tpu.sem_alloc : memref<!tpu.dma_semaphore, #tpu.memory_space<semaphore_mem>>
          %dma_start3A_188 = arith.constant 448 : i32
          %dma_start3A_189 = tpu.memref_slice %arg12[%dma_start3A_188] : memref<1120xi32, #tpu.memory_space<vmem>> -> memref<112xi32, #tpu.memory_space<vmem>>
          %dma_start3A_190 = arith.constant 0 : i32
          %dma_start3A_191 = arith.constant 0 : i32
          %dma_start3A_192 = tpu.memref_slice %arg18[%dma_start3A_190, %dma_start3A_191] : memref<10240x128xf32, #tpu.memory_space<vmem_shared>> -> memref<10240x128xf32, #tpu.memory_space<vmem_shared>>
          tpu.enqueue_indirect_dma source(%arg13 : memref<112x128xf32, #tpu.memory_space<vmem>>) target(%dma_start3A_192 : memref<10240x128xf32, #tpu.memory_space<vmem_shared>>) offsets(%dma_start3A_189 : memref<112xi32, #tpu.memory_space<vmem>>) semaphore(%run_scoped3A : memref<!tpu.dma_semaphore, #tpu.memory_space<semaphore_mem>>) {add = true}
          %dma_wait3A_193 = arith.constant 448 : i32
          %dma_wait3A_194 = tpu.memref_slice %arg12[%dma_wait3A_193] : memref<1120xi32, #tpu.memory_space<vmem>> -> memref<112xi32, #tpu.memory_space<vmem>>
          %dma_wait3A_195 = arith.constant 0 : i32
          %dma_wait3A_196 = arith.constant 0 : i32
          %dma_wait3A_197 = tpu.memref_slice %arg18[%dma_wait3A_195, %dma_wait3A_196] : memref<10240x128xf32, #tpu.memory_space<vmem_shared>> -> memref<10240x128xf32, #tpu.memory_space<vmem_shared>>
          tpu.wait_indirect_dma semaphore(%run_scoped3A : memref<!tpu.dma_semaphore, #tpu.memory_space<semaphore_mem>>) src(%arg13 : memref<112x128xf32, #tpu.memory_space<vmem>>) dst(%dma_wait3A_197 : memref<10240x128xf32, #tpu.memory_space<vmem_shared>>)
          tpu.yield
        }) : () -> ()
        %dma_start3A_143 = arith.constant 672 : i32
        %dma_start3A_144 = tpu.memref_slice %arg11[%dma_start3A_143] : memref<1120xi32, #tpu.memory_space<vmem>> -> memref<112xi32, #tpu.memory_space<vmem>>
        %dma_start3A_145 = arith.constant 0 : i32
        %dma_start3A_146 = arith.constant 0 : i32
        %dma_start3A_147 = tpu.memref_slice %arg2[%dma_start3A_145, %dma_start3A_146] : memref<10000x128xf32, #tpu.memory_space<hbm>> -> memref<10000x128xf32, #tpu.memory_space<hbm>>
        tpu.enqueue_indirect_dma source(%dma_start3A_147 : memref<10000x128xf32, #tpu.memory_space<hbm>>) target(%arg13 : memref<112x128xf32, #tpu.memory_space<vmem>>) offsets(%dma_start3A_144 : memref<112xi32, #tpu.memory_space<vmem>>) semaphore(%arg20 : memref<!tpu.dma_semaphore, #tpu.memory_space<semaphore_mem>>)
        %dma_wait3A_148 = arith.constant 560 : i32
        %dma_wait3A_149 = tpu.memref_slice %arg11[%dma_wait3A_148] : memref<1120xi32, #tpu.memory_space<vmem>> -> memref<112xi32, #tpu.memory_space<vmem>>
        %dma_wait3A_150 = arith.constant 0 : i32
        %dma_wait3A_151 = arith.constant 0 : i32
        %dma_wait3A_152 = tpu.memref_slice %arg2[%dma_wait3A_150, %dma_wait3A_151] : memref<10000x128xf32, #tpu.memory_space<hbm>> -> memref<10000x128xf32, #tpu.memory_space<hbm>>
        tpu.wait_indirect_dma semaphore(%arg21 : memref<!tpu.dma_semaphore, #tpu.memory_space<semaphore_mem>>) src(%dma_wait3A_152 : memref<10000x128xf32, #tpu.memory_space<hbm>>) dst(%arg14 : memref<112x128xf32, #tpu.memory_space<vmem>>)
        "tpu.region"() ({
          %run_scoped3A = tpu.sem_alloc : memref<!tpu.dma_semaphore, #tpu.memory_space<semaphore_mem>>
          %dma_start3A_188 = arith.constant 560 : i32
          %dma_start3A_189 = tpu.memref_slice %arg12[%dma_start3A_188] : memref<1120xi32, #tpu.memory_space<vmem>> -> memref<112xi32, #tpu.memory_space<vmem>>
          %dma_start3A_190 = arith.constant 0 : i32
          %dma_start3A_191 = arith.constant 0 : i32
          %dma_start3A_192 = tpu.memref_slice %arg18[%dma_start3A_190, %dma_start3A_191] : memref<10240x128xf32, #tpu.memory_space<vmem_shared>> -> memref<10240x128xf32, #tpu.memory_space<vmem_shared>>
          tpu.enqueue_indirect_dma source(%arg14 : memref<112x128xf32, #tpu.memory_space<vmem>>) target(%dma_start3A_192 : memref<10240x128xf32, #tpu.memory_space<vmem_shared>>) offsets(%dma_start3A_189 : memref<112xi32, #tpu.memory_space<vmem>>) semaphore(%run_scoped3A : memref<!tpu.dma_semaphore, #tpu.memory_space<semaphore_mem>>) {add = true}
          %dma_wait3A_193 = arith.constant 560 : i32
          %dma_wait3A_194 = tpu.memref_slice %arg12[%dma_wait3A_193] : memref<1120xi32, #tpu.memory_space<vmem>> -> memref<112xi32, #tpu.memory_space<vmem>>
          %dma_wait3A_195 = arith.constant 0 : i32
          %dma_wait3A_196 = arith.constant 0 : i32
          %dma_wait3A_197 = tpu.memref_slice %arg18[%dma_wait3A_195, %dma_wait3A_196] : memref<10240x128xf32, #tpu.memory_space<vmem_shared>> -> memref<10240x128xf32, #tpu.memory_space<vmem_shared>>
          tpu.wait_indirect_dma semaphore(%run_scoped3A : memref<!tpu.dma_semaphore, #tpu.memory_space<semaphore_mem>>) src(%arg14 : memref<112x128xf32, #tpu.memory_space<vmem>>) dst(%dma_wait3A_197 : memref<10240x128xf32, #tpu.memory_space<vmem_shared>>)
          tpu.yield
        }) : () -> ()
        %dma_start3A_153 = arith.constant 784 : i32
        %dma_start3A_154 = tpu.memref_slice %arg11[%dma_start3A_153] : memref<1120xi32, #tpu.memory_space<vmem>> -> memref<112xi32, #tpu.memory_space<vmem>>
        %dma_start3A_155 = arith.constant 0 : i32
        %dma_start3A_156 = arith.constant 0 : i32
        %dma_start3A_157 = tpu.memref_slice %arg2[%dma_start3A_155, %dma_start3A_156] : memref<10000x128xf32, #tpu.memory_space<hbm>> -> memref<10000x128xf32, #tpu.memory_space<hbm>>
        tpu.enqueue_indirect_dma source(%dma_start3A_157 : memref<10000x128xf32, #tpu.memory_space<hbm>>) target(%arg14 : memref<112x128xf32, #tpu.memory_space<vmem>>) offsets(%dma_start3A_154 : memref<112xi32, #tpu.memory_space<vmem>>) semaphore(%arg21 : memref<!tpu.dma_semaphore, #tpu.memory_space<semaphore_mem>>)
        %dma_wait3A_158 = arith.constant 672 : i32
        %dma_wait3A_159 = tpu.memref_slice %arg11[%dma_wait3A_158] : memref<1120xi32, #tpu.memory_space<vmem>> -> memref<112xi32, #tpu.memory_space<vmem>>
        %dma_wait3A_160 = arith.constant 0 : i32
        %dma_wait3A_161 = arith.constant 0 : i32
        %dma_wait3A_162 = tpu.memref_slice %arg2[%dma_wait3A_160, %dma_wait3A_161] : memref<10000x128xf32, #tpu.memory_space<hbm>> -> memref<10000x128xf32, #tpu.memory_space<hbm>>
        tpu.wait_indirect_dma semaphore(%arg20 : memref<!tpu.dma_semaphore, #tpu.memory_space<semaphore_mem>>) src(%dma_wait3A_162 : memref<10000x128xf32, #tpu.memory_space<hbm>>) dst(%arg13 : memref<112x128xf32, #tpu.memory_space<vmem>>)
        "tpu.region"() ({
          %run_scoped3A = tpu.sem_alloc : memref<!tpu.dma_semaphore, #tpu.memory_space<semaphore_mem>>
          %dma_start3A_188 = arith.constant 672 : i32
          %dma_start3A_189 = tpu.memref_slice %arg12[%dma_start3A_188] : memref<1120xi32, #tpu.memory_space<vmem>> -> memref<112xi32, #tpu.memory_space<vmem>>
          %dma_start3A_190 = arith.constant 0 : i32
          %dma_start3A_191 = arith.constant 0 : i32
          %dma_start3A_192 = tpu.memref_slice %arg18[%dma_start3A_190, %dma_start3A_191] : memref<10240x128xf32, #tpu.memory_space<vmem_shared>> -> memref<10240x128xf32, #tpu.memory_space<vmem_shared>>
          tpu.enqueue_indirect_dma source(%arg13 : memref<112x128xf32, #tpu.memory_space<vmem>>) target(%dma_start3A_192 : memref<10240x128xf32, #tpu.memory_space<vmem_shared>>) offsets(%dma_start3A_189 : memref<112xi32, #tpu.memory_space<vmem>>) semaphore(%run_scoped3A : memref<!tpu.dma_semaphore, #tpu.memory_space<semaphore_mem>>) {add = true}
          %dma_wait3A_193 = arith.constant 672 : i32
          %dma_wait3A_194 = tpu.memref_slice %arg12[%dma_wait3A_193] : memref<1120xi32, #tpu.memory_space<vmem>> -> memref<112xi32, #tpu.memory_space<vmem>>
          %dma_wait3A_195 = arith.constant 0 : i32
          %dma_wait3A_196 = arith.constant 0 : i32
          %dma_wait3A_197 = tpu.memref_slice %arg18[%dma_wait3A_195, %dma_wait3A_196] : memref<10240x128xf32, #tpu.memory_space<vmem_shared>> -> memref<10240x128xf32, #tpu.memory_space<vmem_shared>>
          tpu.wait_indirect_dma semaphore(%run_scoped3A : memref<!tpu.dma_semaphore, #tpu.memory_space<semaphore_mem>>) src(%arg13 : memref<112x128xf32, #tpu.memory_space<vmem>>) dst(%dma_wait3A_197 : memref<10240x128xf32, #tpu.memory_space<vmem_shared>>)
          tpu.yield
        }) : () -> ()
        %dma_start3A_163 = arith.constant 896 : i32
        %dma_start3A_164 = tpu.memref_slice %arg11[%dma_start3A_163] : memref<1120xi32, #tpu.memory_space<vmem>> -> memref<112xi32, #tpu.memory_space<vmem>>
        %dma_start3A_165 = arith.constant 0 : i32
        %dma_start3A_166 = arith.constant 0 : i32
        %dma_start3A_167 = tpu.memref_slice %arg2[%dma_start3A_165, %dma_start3A_166] : memref<10000x128xf32, #tpu.memory_space<hbm>> -> memref<10000x128xf32, #tpu.memory_space<hbm>>
        tpu.enqueue_indirect_dma source(%dma_start3A_167 : memref<10000x128xf32, #tpu.memory_space<hbm>>) target(%arg13 : memref<112x128xf32, #tpu.memory_space<vmem>>) offsets(%dma_start3A_164 : memref<112xi32, #tpu.memory_space<vmem>>) semaphore(%arg20 : memref<!tpu.dma_semaphore, #tpu.memory_space<semaphore_mem>>)
        %dma_wait3A_168 = arith.constant 784 : i32
        %dma_wait3A_169 = tpu.memref_slice %arg11[%dma_wait3A_168] : memref<1120xi32, #tpu.memory_space<vmem>> -> memref<112xi32, #tpu.memory_space<vmem>>
        %dma_wait3A_170 = arith.constant 0 : i32
        %dma_wait3A_171 = arith.constant 0 : i32
        %dma_wait3A_172 = tpu.memref_slice %arg2[%dma_wait3A_170, %dma_wait3A_171] : memref<10000x128xf32, #tpu.memory_space<hbm>> -> memref<10000x128xf32, #tpu.memory_space<hbm>>
        tpu.wait_indirect_dma semaphore(%arg21 : memref<!tpu.dma_semaphore, #tpu.memory_space<semaphore_mem>>) src(%dma_wait3A_172 : memref<10000x128xf32, #tpu.memory_space<hbm>>) dst(%arg14 : memref<112x128xf32, #tpu.memory_space<vmem>>)
        "tpu.region"() ({
          %run_scoped3A = tpu.sem_alloc : memref<!tpu.dma_semaphore, #tpu.memory_space<semaphore_mem>>
          %dma_start3A_188 = arith.constant 784 : i32
          %dma_start3A_189 = tpu.memref_slice %arg12[%dma_start3A_188] : memref<1120xi32, #tpu.memory_space<vmem>> -> memref<112xi32, #tpu.memory_space<vmem>>
          %dma_start3A_190 = arith.constant 0 : i32
          %dma_start3A_191 = arith.constant 0 : i32
          %dma_start3A_192 = tpu.memref_slice %arg18[%dma_start3A_190, %dma_start3A_191] : memref<10240x128xf32, #tpu.memory_space<vmem_shared>> -> memref<10240x128xf32, #tpu.memory_space<vmem_shared>>
          tpu.enqueue_indirect_dma source(%arg14 : memref<112x128xf32, #tpu.memory_space<vmem>>) target(%dma_start3A_192 : memref<10240x128xf32, #tpu.memory_space<vmem_shared>>) offsets(%dma_start3A_189 : memref<112xi32, #tpu.memory_space<vmem>>) semaphore(%run_scoped3A : memref<!tpu.dma_semaphore, #tpu.memory_space<semaphore_mem>>) {add = true}
          %dma_wait3A_193 = arith.constant 784 : i32
          %dma_wait3A_194 = tpu.memref_slice %arg12[%dma_wait3A_193] : memref<1120xi32, #tpu.memory_space<vmem>> -> memref<112xi32, #tpu.memory_space<vmem>>
          %dma_wait3A_195 = arith.constant 0 : i32
          %dma_wait3A_196 = arith.constant 0 : i32
          %dma_wait3A_197 = tpu.memref_slice %arg18[%dma_wait3A_195, %dma_wait3A_196] : memref<10240x128xf32, #tpu.memory_space<vmem_shared>> -> memref<10240x128xf32, #tpu.memory_space<vmem_shared>>
          tpu.wait_indirect_dma semaphore(%run_scoped3A : memref<!tpu.dma_semaphore, #tpu.memory_space<semaphore_mem>>) src(%arg14 : memref<112x128xf32, #tpu.memory_space<vmem>>) dst(%dma_wait3A_197 : memref<10240x128xf32, #tpu.memory_space<vmem_shared>>)
          tpu.yield
        }) : () -> ()
        %dma_start3A_173 = arith.constant 1008 : i32
        %dma_start3A_174 = tpu.memref_slice %arg11[%dma_start3A_173] : memref<1120xi32, #tpu.memory_space<vmem>> -> memref<112xi32, #tpu.memory_space<vmem>>
        %dma_start3A_175 = arith.constant 0 : i32
        %dma_start3A_176 = arith.constant 0 : i32
        %dma_start3A_177 = tpu.memref_slice %arg2[%dma_start3A_175, %dma_start3A_176] : memref<10000x128xf32, #tpu.memory_space<hbm>> -> memref<10000x128xf32, #tpu.memory_space<hbm>>
        tpu.enqueue_indirect_dma source(%dma_start3A_177 : memref<10000x128xf32, #tpu.memory_space<hbm>>) target(%arg14 : memref<112x128xf32, #tpu.memory_space<vmem>>) offsets(%dma_start3A_174 : memref<112xi32, #tpu.memory_space<vmem>>) semaphore(%arg21 : memref<!tpu.dma_semaphore, #tpu.memory_space<semaphore_mem>>)
        %dma_wait3A_178 = arith.constant 896 : i32
        %dma_wait3A_179 = tpu.memref_slice %arg11[%dma_wait3A_178] : memref<1120xi32, #tpu.memory_space<vmem>> -> memref<112xi32, #tpu.memory_space<vmem>>
        %dma_wait3A_180 = arith.constant 0 : i32
        %dma_wait3A_181 = arith.constant 0 : i32
        %dma_wait3A_182 = tpu.memref_slice %arg2[%dma_wait3A_180, %dma_wait3A_181] : memref<10000x128xf32, #tpu.memory_space<hbm>> -> memref<10000x128xf32, #tpu.memory_space<hbm>>
        tpu.wait_indirect_dma semaphore(%arg20 : memref<!tpu.dma_semaphore, #tpu.memory_space<semaphore_mem>>) src(%dma_wait3A_182 : memref<10000x128xf32, #tpu.memory_space<hbm>>) dst(%arg13 : memref<112x128xf32, #tpu.memory_space<vmem>>)
        "tpu.region"() ({
          %run_scoped3A = tpu.sem_alloc : memref<!tpu.dma_semaphore, #tpu.memory_space<semaphore_mem>>
          %dma_start3A_188 = arith.constant 896 : i32
          %dma_start3A_189 = tpu.memref_slice %arg12[%dma_start3A_188] : memref<1120xi32, #tpu.memory_space<vmem>> -> memref<112xi32, #tpu.memory_space<vmem>>
          %dma_start3A_190 = arith.constant 0 : i32
          %dma_start3A_191 = arith.constant 0 : i32
          %dma_start3A_192 = tpu.memref_slice %arg18[%dma_start3A_190, %dma_start3A_191] : memref<10240x128xf32, #tpu.memory_space<vmem_shared>> -> memref<10240x128xf32, #tpu.memory_space<vmem_shared>>
          tpu.enqueue_indirect_dma source(%arg13 : memref<112x128xf32, #tpu.memory_space<vmem>>) target(%dma_start3A_192 : memref<10240x128xf32, #tpu.memory_space<vmem_shared>>) offsets(%dma_start3A_189 : memref<112xi32, #tpu.memory_space<vmem>>) semaphore(%run_scoped3A : memref<!tpu.dma_semaphore, #tpu.memory_space<semaphore_mem>>) {add = true}
          %dma_wait3A_193 = arith.constant 896 : i32
          %dma_wait3A_194 = tpu.memref_slice %arg12[%dma_wait3A_193] : memref<1120xi32, #tpu.memory_space<vmem>> -> memref<112xi32, #tpu.memory_space<vmem>>
          %dma_wait3A_195 = arith.constant 0 : i32
          %dma_wait3A_196 = arith.constant 0 : i32
          %dma_wait3A_197 = tpu.memref_slice %arg18[%dma_wait3A_195, %dma_wait3A_196] : memref<10240x128xf32, #tpu.memory_space<vmem_shared>> -> memref<10240x128xf32, #tpu.memory_space<vmem_shared>>
          tpu.wait_indirect_dma semaphore(%run_scoped3A : memref<!tpu.dma_semaphore, #tpu.memory_space<semaphore_mem>>) src(%arg13 : memref<112x128xf32, #tpu.memory_space<vmem>>) dst(%dma_wait3A_197 : memref<10240x128xf32, #tpu.memory_space<vmem_shared>>)
          tpu.yield
        }) : () -> ()
        %dma_wait3A_183 = arith.constant 1008 : i32
        %dma_wait3A_184 = tpu.memref_slice %arg11[%dma_wait3A_183] : memref<1120xi32, #tpu.memory_space<vmem>> -> memref<112xi32, #tpu.memory_space<vmem>>
        %dma_wait3A_185 = arith.constant 0 : i32
        %dma_wait3A_186 = arith.constant 0 : i32
        %dma_wait3A_187 = tpu.memref_slice %arg2[%dma_wait3A_185, %dma_wait3A_186] : memref<10000x128xf32, #tpu.memory_space<hbm>> -> memref<10000x128xf32, #tpu.memory_space<hbm>>
        tpu.wait_indirect_dma semaphore(%arg21 : memref<!tpu.dma_semaphore, #tpu.memory_space<semaphore_mem>>) src(%dma_wait3A_187 : memref<10000x128xf32, #tpu.memory_space<hbm>>) dst(%arg14 : memref<112x128xf32, #tpu.memory_space<vmem>>)
        "tpu.region"() ({
          %run_scoped3A = tpu.sem_alloc : memref<!tpu.dma_semaphore, #tpu.memory_space<semaphore_mem>>
          %dma_start3A_188 = arith.constant 1008 : i32
          %dma_start3A_189 = tpu.memref_slice %arg12[%dma_start3A_188] : memref<1120xi32, #tpu.memory_space<vmem>> -> memref<112xi32, #tpu.memory_space<vmem>>
          %dma_start3A_190 = arith.constant 0 : i32
          %dma_start3A_191 = arith.constant 0 : i32
          %dma_start3A_192 = tpu.memref_slice %arg18[%dma_start3A_190, %dma_start3A_191] : memref<10240x128xf32, #tpu.memory_space<vmem_shared>> -> memref<10240x128xf32, #tpu.memory_space<vmem_shared>>
          tpu.enqueue_indirect_dma source(%arg14 : memref<112x128xf32, #tpu.memory_space<vmem>>) target(%dma_start3A_192 : memref<10240x128xf32, #tpu.memory_space<vmem_shared>>) offsets(%dma_start3A_189 : memref<112xi32, #tpu.memory_space<vmem>>) semaphore(%run_scoped3A : memref<!tpu.dma_semaphore, #tpu.memory_space<semaphore_mem>>) {add = true}
          %dma_wait3A_193 = arith.constant 1008 : i32
          %dma_wait3A_194 = tpu.memref_slice %arg12[%dma_wait3A_193] : memref<1120xi32, #tpu.memory_space<vmem>> -> memref<112xi32, #tpu.memory_space<vmem>>
          %dma_wait3A_195 = arith.constant 0 : i32
          %dma_wait3A_196 = arith.constant 0 : i32
          %dma_wait3A_197 = tpu.memref_slice %arg18[%dma_wait3A_195, %dma_wait3A_196] : memref<10240x128xf32, #tpu.memory_space<vmem_shared>> -> memref<10240x128xf32, #tpu.memory_space<vmem_shared>>
          tpu.wait_indirect_dma semaphore(%run_scoped3A : memref<!tpu.dma_semaphore, #tpu.memory_space<semaphore_mem>>) src(%arg14 : memref<112x128xf32, #tpu.memory_space<vmem>>) dst(%dma_wait3A_197 : memref<10240x128xf32, #tpu.memory_space<vmem_shared>>)
          tpu.yield
        }) : () -> ()
      }
      %scan3A_85 = arith.constant 18 : i32
    } else {
    }
    %eq3A_62 = arith.constant 1 : i32
    %eq3A_63 = arith.cmpi eq, %arg0, %eq3A_62 : i32
    %convert_element_type3A_64 = arith.extui %eq3A_63 : i1 to i32
    %cond3A_65 = arith.constant 0 : i32
    %cond3A_66 = arith.cmpi ne, %convert_element_type3A_64, %cond3A_65 : i32
    scf.if %cond3A_66 {
      %mul3A_78 = arith.constant 20160 : i32
      %mul3A_79 = arith.muli %arg1, %mul3A_78 : i32
      %scan3A_80 = arith.constant 0 : i32
      %scan3A_81 = arith.constant 0 : i32
      %scan3A_82 = arith.constant 18 : i32
      %scan3A_83 = arith.addi %scan3A_81, %scan3A_82 : i32
      %scan3A_84 = arith.constant 1 : i32
      scf.for %scan3A_86 = %scan3A_81 to %scan3A_83 step %scan3A_84  : i32 {
        %mul3A_87 = arith.constant 1120 : i32
        %mul3A_88 = arith.muli %scan3A_86, %mul3A_87 : i32
        %add3A_89 = arith.addi %mul3A_79, %mul3A_88 : i32
        "tpu.region"() ({
          %run_scoped3A = tpu.sem_alloc : memref<!tpu.dma_semaphore, #tpu.memory_space<semaphore_mem>>
          %dma_start3A_188 = tpu.memref_slice %arg4[%add3A_89] : memref<322560xi32, #tpu.memory_space<hbm>> -> memref<1120xi32, #tpu.memory_space<hbm>>
          %dma_start3A_189 = tpu.memref_slice %arg4[%add3A_89] : memref<322560xi32, #tpu.memory_space<hbm>> -> memref<1120xi32, #tpu.memory_space<hbm>>
          tpu.enqueue_dma source(%dma_start3A_189 : memref<1120xi32, #tpu.memory_space<hbm>>) target(%arg11 : memref<1120xi32, #tpu.memory_space<vmem>>) target_semaphore(%run_scoped3A : memref<!tpu.dma_semaphore, #tpu.memory_space<semaphore_mem>>)
          %dma_wait3A_190 = tpu.memref_slice %arg4[%add3A_89] : memref<322560xi32, #tpu.memory_space<hbm>> -> memref<1120xi32, #tpu.memory_space<hbm>>
          %dma_wait3A_191 = tpu.memref_slice %arg4[%add3A_89] : memref<322560xi32, #tpu.memory_space<hbm>> -> memref<1120xi32, #tpu.memory_space<hbm>>
          tpu.wait_dma2 semaphore(%run_scoped3A : memref<!tpu.dma_semaphore, #tpu.memory_space<semaphore_mem>>) src(%dma_wait3A_191 : memref<1120xi32, #tpu.memory_space<hbm>>) dst(%arg11 : memref<1120xi32, #tpu.memory_space<vmem>>)
          tpu.yield
        }) : () -> ()
        "tpu.region"() ({
          %run_scoped3A = tpu.sem_alloc : memref<!tpu.dma_semaphore, #tpu.memory_space<semaphore_mem>>
          %dma_start3A_188 = tpu.memref_slice %arg5[%add3A_89] : memref<322560xi32, #tpu.memory_space<hbm>> -> memref<1120xi32, #tpu.memory_space<hbm>>
          %dma_start3A_189 = tpu.memref_slice %arg5[%add3A_89] : memref<322560xi32, #tpu.memory_space<hbm>> -> memref<1120xi32, #tpu.memory_space<hbm>>
          tpu.enqueue_dma source(%dma_start3A_189 : memref<1120xi32, #tpu.memory_space<hbm>>) target(%arg12 : memref<1120xi32, #tpu.memory_space<vmem>>) target_semaphore(%run_scoped3A : memref<!tpu.dma_semaphore, #tpu.memory_space<semaphore_mem>>)
          %dma_wait3A_190 = tpu.memref_slice %arg5[%add3A_89] : memref<322560xi32, #tpu.memory_space<hbm>> -> memref<1120xi32, #tpu.memory_space<hbm>>
          %dma_wait3A_191 = tpu.memref_slice %arg5[%add3A_89] : memref<322560xi32, #tpu.memory_space<hbm>> -> memref<1120xi32, #tpu.memory_space<hbm>>
          tpu.wait_dma2 semaphore(%run_scoped3A : memref<!tpu.dma_semaphore, #tpu.memory_space<semaphore_mem>>) src(%dma_wait3A_191 : memref<1120xi32, #tpu.memory_space<hbm>>) dst(%arg12 : memref<1120xi32, #tpu.memory_space<vmem>>)
          tpu.yield
        }) : () -> ()
        "tpu.region"() ({
          %run_scoped3A = tpu.sem_alloc : memref<!tpu.dma_semaphore, #tpu.memory_space<semaphore_mem>>
          %dma_start3A_188 = arith.constant 0 : i32
          %dma_start3A_189 = tpu.memref_slice %arg19[%dma_start3A_188] : memref<10240xf32, #tpu.memory_space<vmem_shared>> -> memref<10240xf32, #tpu.memory_space<vmem_shared>>
          tpu.enqueue_indirect_dma source(%arg17 : memref<1120xf32, #tpu.memory_space<vmem>>) target(%dma_start3A_189 : memref<10240xf32, #tpu.memory_space<vmem_shared>>) offsets(%arg12 : memref<1120xi32, #tpu.memory_space<vmem>>) semaphore(%run_scoped3A : memref<!tpu.dma_semaphore, #tpu.memory_space<semaphore_mem>>) {add = true}
          %dma_wait3A_190 = arith.constant 0 : i32
          %dma_wait3A_191 = tpu.memref_slice %arg19[%dma_wait3A_190] : memref<10240xf32, #tpu.memory_space<vmem_shared>> -> memref<10240xf32, #tpu.memory_space<vmem_shared>>
          tpu.wait_indirect_dma semaphore(%run_scoped3A : memref<!tpu.dma_semaphore, #tpu.memory_space<semaphore_mem>>) src(%arg17 : memref<1120xf32, #tpu.memory_space<vmem>>) dst(%dma_wait3A_191 : memref<10240xf32, #tpu.memory_space<vmem_shared>>)
          tpu.yield
        }) : () -> ()
        %dma_start3A = arith.constant 0 : i32
        %dma_start3A_90 = tpu.memref_slice %arg11[%dma_start3A] : memref<1120xi32, #tpu.memory_space<vmem>> -> memref<112xi32, #tpu.memory_space<vmem>>
        %dma_start3A_91 = arith.constant 0 : i32
        %dma_start3A_92 = arith.constant 0 : i32
        %dma_start3A_93 = tpu.memref_slice %arg2[%dma_start3A_91, %dma_start3A_92] : memref<10000x128xf32, #tpu.memory_space<hbm>> -> memref<10000x128xf32, #tpu.memory_space<hbm>>
        tpu.enqueue_indirect_dma source(%dma_start3A_93 : memref<10000x128xf32, #tpu.memory_space<hbm>>) target(%arg13 : memref<112x128xf32, #tpu.memory_space<vmem>>) offsets(%dma_start3A_90 : memref<112xi32, #tpu.memory_space<vmem>>) semaphore(%arg20 : memref<!tpu.dma_semaphore, #tpu.memory_space<semaphore_mem>>)
        %dma_start3A_94 = arith.constant 112 : i32
        %dma_start3A_95 = tpu.memref_slice %arg11[%dma_start3A_94] : memref<1120xi32, #tpu.memory_space<vmem>> -> memref<112xi32, #tpu.memory_space<vmem>>
        %dma_start3A_96 = arith.constant 0 : i32
        %dma_start3A_97 = arith.constant 0 : i32
        %dma_start3A_98 = tpu.memref_slice %arg2[%dma_start3A_96, %dma_start3A_97] : memref<10000x128xf32, #tpu.memory_space<hbm>> -> memref<10000x128xf32, #tpu.memory_space<hbm>>
        tpu.enqueue_indirect_dma source(%dma_start3A_98 : memref<10000x128xf32, #tpu.memory_space<hbm>>) target(%arg14 : memref<112x128xf32, #tpu.memory_space<vmem>>) offsets(%dma_start3A_95 : memref<112xi32, #tpu.memory_space<vmem>>) semaphore(%arg21 : memref<!tpu.dma_semaphore, #tpu.memory_space<semaphore_mem>>)
        %dma_wait3A = arith.constant 0 : i32
        %dma_wait3A_99 = tpu.memref_slice %arg11[%dma_wait3A] : memref<1120xi32, #tpu.memory_space<vmem>> -> memref<112xi32, #tpu.memory_space<vmem>>
        %dma_wait3A_100 = arith.constant 0 : i32
        %dma_wait3A_101 = arith.constant 0 : i32
        %dma_wait3A_102 = tpu.memref_slice %arg2[%dma_wait3A_100, %dma_wait3A_101] : memref<10000x128xf32, #tpu.memory_space<hbm>> -> memref<10000x128xf32, #tpu.memory_space<hbm>>
        tpu.wait_indirect_dma semaphore(%arg20 : memref<!tpu.dma_semaphore, #tpu.memory_space<semaphore_mem>>) src(%dma_wait3A_102 : memref<10000x128xf32, #tpu.memory_space<hbm>>) dst(%arg13 : memref<112x128xf32, #tpu.memory_space<vmem>>)
        "tpu.region"() ({
          %run_scoped3A = tpu.sem_alloc : memref<!tpu.dma_semaphore, #tpu.memory_space<semaphore_mem>>
          %dma_start3A_188 = arith.constant 0 : i32
          %dma_start3A_189 = tpu.memref_slice %arg12[%dma_start3A_188] : memref<1120xi32, #tpu.memory_space<vmem>> -> memref<112xi32, #tpu.memory_space<vmem>>
          %dma_start3A_190 = arith.constant 0 : i32
          %dma_start3A_191 = arith.constant 0 : i32
          %dma_start3A_192 = tpu.memref_slice %arg18[%dma_start3A_190, %dma_start3A_191] : memref<10240x128xf32, #tpu.memory_space<vmem_shared>> -> memref<10240x128xf32, #tpu.memory_space<vmem_shared>>
          tpu.enqueue_indirect_dma source(%arg13 : memref<112x128xf32, #tpu.memory_space<vmem>>) target(%dma_start3A_192 : memref<10240x128xf32, #tpu.memory_space<vmem_shared>>) offsets(%dma_start3A_189 : memref<112xi32, #tpu.memory_space<vmem>>) semaphore(%run_scoped3A : memref<!tpu.dma_semaphore, #tpu.memory_space<semaphore_mem>>) {add = true}
          %dma_wait3A_193 = arith.constant 0 : i32
          %dma_wait3A_194 = tpu.memref_slice %arg12[%dma_wait3A_193] : memref<1120xi32, #tpu.memory_space<vmem>> -> memref<112xi32, #tpu.memory_space<vmem>>
          %dma_wait3A_195 = arith.constant 0 : i32
          %dma_wait3A_196 = arith.constant 0 : i32
          %dma_wait3A_197 = tpu.memref_slice %arg18[%dma_wait3A_195, %dma_wait3A_196] : memref<10240x128xf32, #tpu.memory_space<vmem_shared>> -> memref<10240x128xf32, #tpu.memory_space<vmem_shared>>
          tpu.wait_indirect_dma semaphore(%run_scoped3A : memref<!tpu.dma_semaphore, #tpu.memory_space<semaphore_mem>>) src(%arg13 : memref<112x128xf32, #tpu.memory_space<vmem>>) dst(%dma_wait3A_197 : memref<10240x128xf32, #tpu.memory_space<vmem_shared>>)
          tpu.yield
        }) : () -> ()
        %dma_start3A_103 = arith.constant 224 : i32
        %dma_start3A_104 = tpu.memref_slice %arg11[%dma_start3A_103] : memref<1120xi32, #tpu.memory_space<vmem>> -> memref<112xi32, #tpu.memory_space<vmem>>
        %dma_start3A_105 = arith.constant 0 : i32
        %dma_start3A_106 = arith.constant 0 : i32
        %dma_start3A_107 = tpu.memref_slice %arg2[%dma_start3A_105, %dma_start3A_106] : memref<10000x128xf32, #tpu.memory_space<hbm>> -> memref<10000x128xf32, #tpu.memory_space<hbm>>
        tpu.enqueue_indirect_dma source(%dma_start3A_107 : memref<10000x128xf32, #tpu.memory_space<hbm>>) target(%arg13 : memref<112x128xf32, #tpu.memory_space<vmem>>) offsets(%dma_start3A_104 : memref<112xi32, #tpu.memory_space<vmem>>) semaphore(%arg20 : memref<!tpu.dma_semaphore, #tpu.memory_space<semaphore_mem>>)
        %dma_wait3A_108 = arith.constant 112 : i32
        %dma_wait3A_109 = tpu.memref_slice %arg11[%dma_wait3A_108] : memref<1120xi32, #tpu.memory_space<vmem>> -> memref<112xi32, #tpu.memory_space<vmem>>
        %dma_wait3A_110 = arith.constant 0 : i32
        %dma_wait3A_111 = arith.constant 0 : i32
        %dma_wait3A_112 = tpu.memref_slice %arg2[%dma_wait3A_110, %dma_wait3A_111] : memref<10000x128xf32, #tpu.memory_space<hbm>> -> memref<10000x128xf32, #tpu.memory_space<hbm>>
        tpu.wait_indirect_dma semaphore(%arg21 : memref<!tpu.dma_semaphore, #tpu.memory_space<semaphore_mem>>) src(%dma_wait3A_112 : memref<10000x128xf32, #tpu.memory_space<hbm>>) dst(%arg14 : memref<112x128xf32, #tpu.memory_space<vmem>>)
        "tpu.region"() ({
          %run_scoped3A = tpu.sem_alloc : memref<!tpu.dma_semaphore, #tpu.memory_space<semaphore_mem>>
          %dma_start3A_188 = arith.constant 112 : i32
          %dma_start3A_189 = tpu.memref_slice %arg12[%dma_start3A_188] : memref<1120xi32, #tpu.memory_space<vmem>> -> memref<112xi32, #tpu.memory_space<vmem>>
          %dma_start3A_190 = arith.constant 0 : i32
          %dma_start3A_191 = arith.constant 0 : i32
          %dma_start3A_192 = tpu.memref_slice %arg18[%dma_start3A_190, %dma_start3A_191] : memref<10240x128xf32, #tpu.memory_space<vmem_shared>> -> memref<10240x128xf32, #tpu.memory_space<vmem_shared>>
          tpu.enqueue_indirect_dma source(%arg14 : memref<112x128xf32, #tpu.memory_space<vmem>>) target(%dma_start3A_192 : memref<10240x128xf32, #tpu.memory_space<vmem_shared>>) offsets(%dma_start3A_189 : memref<112xi32, #tpu.memory_space<vmem>>) semaphore(%run_scoped3A : memref<!tpu.dma_semaphore, #tpu.memory_space<semaphore_mem>>) {add = true}
          %dma_wait3A_193 = arith.constant 112 : i32
          %dma_wait3A_194 = tpu.memref_slice %arg12[%dma_wait3A_193] : memref<1120xi32, #tpu.memory_space<vmem>> -> memref<112xi32, #tpu.memory_space<vmem>>
          %dma_wait3A_195 = arith.constant 0 : i32
          %dma_wait3A_196 = arith.constant 0 : i32
          %dma_wait3A_197 = tpu.memref_slice %arg18[%dma_wait3A_195, %dma_wait3A_196] : memref<10240x128xf32, #tpu.memory_space<vmem_shared>> -> memref<10240x128xf32, #tpu.memory_space<vmem_shared>>
          tpu.wait_indirect_dma semaphore(%run_scoped3A : memref<!tpu.dma_semaphore, #tpu.memory_space<semaphore_mem>>) src(%arg14 : memref<112x128xf32, #tpu.memory_space<vmem>>) dst(%dma_wait3A_197 : memref<10240x128xf32, #tpu.memory_space<vmem_shared>>)
          tpu.yield
        }) : () -> ()
        %dma_start3A_113 = arith.constant 336 : i32
        %dma_start3A_114 = tpu.memref_slice %arg11[%dma_start3A_113] : memref<1120xi32, #tpu.memory_space<vmem>> -> memref<112xi32, #tpu.memory_space<vmem>>
        %dma_start3A_115 = arith.constant 0 : i32
        %dma_start3A_116 = arith.constant 0 : i32
        %dma_start3A_117 = tpu.memref_slice %arg2[%dma_start3A_115, %dma_start3A_116] : memref<10000x128xf32, #tpu.memory_space<hbm>> -> memref<10000x128xf32, #tpu.memory_space<hbm>>
        tpu.enqueue_indirect_dma source(%dma_start3A_117 : memref<10000x128xf32, #tpu.memory_space<hbm>>) target(%arg14 : memref<112x128xf32, #tpu.memory_space<vmem>>) offsets(%dma_start3A_114 : memref<112xi32, #tpu.memory_space<vmem>>) semaphore(%arg21 : memref<!tpu.dma_semaphore, #tpu.memory_space<semaphore_mem>>)
        %dma_wait3A_118 = arith.constant 224 : i32
        %dma_wait3A_119 = tpu.memref_slice %arg11[%dma_wait3A_118] : memref<1120xi32, #tpu.memory_space<vmem>> -> memref<112xi32, #tpu.memory_space<vmem>>
        %dma_wait3A_120 = arith.constant 0 : i32
        %dma_wait3A_121 = arith.constant 0 : i32
        %dma_wait3A_122 = tpu.memref_slice %arg2[%dma_wait3A_120, %dma_wait3A_121] : memref<10000x128xf32, #tpu.memory_space<hbm>> -> memref<10000x128xf32, #tpu.memory_space<hbm>>
        tpu.wait_indirect_dma semaphore(%arg20 : memref<!tpu.dma_semaphore, #tpu.memory_space<semaphore_mem>>) src(%dma_wait3A_122 : memref<10000x128xf32, #tpu.memory_space<hbm>>) dst(%arg13 : memref<112x128xf32, #tpu.memory_space<vmem>>)
        "tpu.region"() ({
          %run_scoped3A = tpu.sem_alloc : memref<!tpu.dma_semaphore, #tpu.memory_space<semaphore_mem>>
          %dma_start3A_188 = arith.constant 224 : i32
          %dma_start3A_189 = tpu.memref_slice %arg12[%dma_start3A_188] : memref<1120xi32, #tpu.memory_space<vmem>> -> memref<112xi32, #tpu.memory_space<vmem>>
          %dma_start3A_190 = arith.constant 0 : i32
          %dma_start3A_191 = arith.constant 0 : i32
          %dma_start3A_192 = tpu.memref_slice %arg18[%dma_start3A_190, %dma_start3A_191] : memref<10240x128xf32, #tpu.memory_space<vmem_shared>> -> memref<10240x128xf32, #tpu.memory_space<vmem_shared>>
          tpu.enqueue_indirect_dma source(%arg13 : memref<112x128xf32, #tpu.memory_space<vmem>>) target(%dma_start3A_192 : memref<10240x128xf32, #tpu.memory_space<vmem_shared>>) offsets(%dma_start3A_189 : memref<112xi32, #tpu.memory_space<vmem>>) semaphore(%run_scoped3A : memref<!tpu.dma_semaphore, #tpu.memory_space<semaphore_mem>>) {add = true}
          %dma_wait3A_193 = arith.constant 224 : i32
          %dma_wait3A_194 = tpu.memref_slice %arg12[%dma_wait3A_193] : memref<1120xi32, #tpu.memory_space<vmem>> -> memref<112xi32, #tpu.memory_space<vmem>>
          %dma_wait3A_195 = arith.constant 0 : i32
          %dma_wait3A_196 = arith.constant 0 : i32
          %dma_wait3A_197 = tpu.memref_slice %arg18[%dma_wait3A_195, %dma_wait3A_196] : memref<10240x128xf32, #tpu.memory_space<vmem_shared>> -> memref<10240x128xf32, #tpu.memory_space<vmem_shared>>
          tpu.wait_indirect_dma semaphore(%run_scoped3A : memref<!tpu.dma_semaphore, #tpu.memory_space<semaphore_mem>>) src(%arg13 : memref<112x128xf32, #tpu.memory_space<vmem>>) dst(%dma_wait3A_197 : memref<10240x128xf32, #tpu.memory_space<vmem_shared>>)
          tpu.yield
        }) : () -> ()
        %dma_start3A_123 = arith.constant 448 : i32
        %dma_start3A_124 = tpu.memref_slice %arg11[%dma_start3A_123] : memref<1120xi32, #tpu.memory_space<vmem>> -> memref<112xi32, #tpu.memory_space<vmem>>
        %dma_start3A_125 = arith.constant 0 : i32
        %dma_start3A_126 = arith.constant 0 : i32
        %dma_start3A_127 = tpu.memref_slice %arg2[%dma_start3A_125, %dma_start3A_126] : memref<10000x128xf32, #tpu.memory_space<hbm>> -> memref<10000x128xf32, #tpu.memory_space<hbm>>
        tpu.enqueue_indirect_dma source(%dma_start3A_127 : memref<10000x128xf32, #tpu.memory_space<hbm>>) target(%arg13 : memref<112x128xf32, #tpu.memory_space<vmem>>) offsets(%dma_start3A_124 : memref<112xi32, #tpu.memory_space<vmem>>) semaphore(%arg20 : memref<!tpu.dma_semaphore, #tpu.memory_space<semaphore_mem>>)
        %dma_wait3A_128 = arith.constant 336 : i32
        %dma_wait3A_129 = tpu.memref_slice %arg11[%dma_wait3A_128] : memref<1120xi32, #tpu.memory_space<vmem>> -> memref<112xi32, #tpu.memory_space<vmem>>
        %dma_wait3A_130 = arith.constant 0 : i32
        %dma_wait3A_131 = arith.constant 0 : i32
        %dma_wait3A_132 = tpu.memref_slice %arg2[%dma_wait3A_130, %dma_wait3A_131] : memref<10000x128xf32, #tpu.memory_space<hbm>> -> memref<10000x128xf32, #tpu.memory_space<hbm>>
        tpu.wait_indirect_dma semaphore(%arg21 : memref<!tpu.dma_semaphore, #tpu.memory_space<semaphore_mem>>) src(%dma_wait3A_132 : memref<10000x128xf32, #tpu.memory_space<hbm>>) dst(%arg14 : memref<112x128xf32, #tpu.memory_space<vmem>>)
        "tpu.region"() ({
          %run_scoped3A = tpu.sem_alloc : memref<!tpu.dma_semaphore, #tpu.memory_space<semaphore_mem>>
          %dma_start3A_188 = arith.constant 336 : i32
          %dma_start3A_189 = tpu.memref_slice %arg12[%dma_start3A_188] : memref<1120xi32, #tpu.memory_space<vmem>> -> memref<112xi32, #tpu.memory_space<vmem>>
          %dma_start3A_190 = arith.constant 0 : i32
          %dma_start3A_191 = arith.constant 0 : i32
          %dma_start3A_192 = tpu.memref_slice %arg18[%dma_start3A_190, %dma_start3A_191] : memref<10240x128xf32, #tpu.memory_space<vmem_shared>> -> memref<10240x128xf32, #tpu.memory_space<vmem_shared>>
          tpu.enqueue_indirect_dma source(%arg14 : memref<112x128xf32, #tpu.memory_space<vmem>>) target(%dma_start3A_192 : memref<10240x128xf32, #tpu.memory_space<vmem_shared>>) offsets(%dma_start3A_189 : memref<112xi32, #tpu.memory_space<vmem>>) semaphore(%run_scoped3A : memref<!tpu.dma_semaphore, #tpu.memory_space<semaphore_mem>>) {add = true}
          %dma_wait3A_193 = arith.constant 336 : i32
          %dma_wait3A_194 = tpu.memref_slice %arg12[%dma_wait3A_193] : memref<1120xi32, #tpu.memory_space<vmem>> -> memref<112xi32, #tpu.memory_space<vmem>>
          %dma_wait3A_195 = arith.constant 0 : i32
          %dma_wait3A_196 = arith.constant 0 : i32
          %dma_wait3A_197 = tpu.memref_slice %arg18[%dma_wait3A_195, %dma_wait3A_196] : memref<10240x128xf32, #tpu.memory_space<vmem_shared>> -> memref<10240x128xf32, #tpu.memory_space<vmem_shared>>
          tpu.wait_indirect_dma semaphore(%run_scoped3A : memref<!tpu.dma_semaphore, #tpu.memory_space<semaphore_mem>>) src(%arg14 : memref<112x128xf32, #tpu.memory_space<vmem>>) dst(%dma_wait3A_197 : memref<10240x128xf32, #tpu.memory_space<vmem_shared>>)
          tpu.yield
        }) : () -> ()
        %dma_start3A_133 = arith.constant 560 : i32
        %dma_start3A_134 = tpu.memref_slice %arg11[%dma_start3A_133] : memref<1120xi32, #tpu.memory_space<vmem>> -> memref<112xi32, #tpu.memory_space<vmem>>
        %dma_start3A_135 = arith.constant 0 : i32
        %dma_start3A_136 = arith.constant 0 : i32
        %dma_start3A_137 = tpu.memref_slice %arg2[%dma_start3A_135, %dma_start3A_136] : memref<10000x128xf32, #tpu.memory_space<hbm>> -> memref<10000x128xf32, #tpu.memory_space<hbm>>
        tpu.enqueue_indirect_dma source(%dma_start3A_137 : memref<10000x128xf32, #tpu.memory_space<hbm>>) target(%arg14 : memref<112x128xf32, #tpu.memory_space<vmem>>) offsets(%dma_start3A_134 : memref<112xi32, #tpu.memory_space<vmem>>) semaphore(%arg21 : memref<!tpu.dma_semaphore, #tpu.memory_space<semaphore_mem>>)
        %dma_wait3A_138 = arith.constant 448 : i32
        %dma_wait3A_139 = tpu.memref_slice %arg11[%dma_wait3A_138] : memref<1120xi32, #tpu.memory_space<vmem>> -> memref<112xi32, #tpu.memory_space<vmem>>
        %dma_wait3A_140 = arith.constant 0 : i32
        %dma_wait3A_141 = arith.constant 0 : i32
        %dma_wait3A_142 = tpu.memref_slice %arg2[%dma_wait3A_140, %dma_wait3A_141] : memref<10000x128xf32, #tpu.memory_space<hbm>> -> memref<10000x128xf32, #tpu.memory_space<hbm>>
        tpu.wait_indirect_dma semaphore(%arg20 : memref<!tpu.dma_semaphore, #tpu.memory_space<semaphore_mem>>) src(%dma_wait3A_142 : memref<10000x128xf32, #tpu.memory_space<hbm>>) dst(%arg13 : memref<112x128xf32, #tpu.memory_space<vmem>>)
        "tpu.region"() ({
          %run_scoped3A = tpu.sem_alloc : memref<!tpu.dma_semaphore, #tpu.memory_space<semaphore_mem>>
          %dma_start3A_188 = arith.constant 448 : i32
          %dma_start3A_189 = tpu.memref_slice %arg12[%dma_start3A_188] : memref<1120xi32, #tpu.memory_space<vmem>> -> memref<112xi32, #tpu.memory_space<vmem>>
          %dma_start3A_190 = arith.constant 0 : i32
          %dma_start3A_191 = arith.constant 0 : i32
          %dma_start3A_192 = tpu.memref_slice %arg18[%dma_start3A_190, %dma_start3A_191] : memref<10240x128xf32, #tpu.memory_space<vmem_shared>> -> memref<10240x128xf32, #tpu.memory_space<vmem_shared>>
          tpu.enqueue_indirect_dma source(%arg13 : memref<112x128xf32, #tpu.memory_space<vmem>>) target(%dma_start3A_192 : memref<10240x128xf32, #tpu.memory_space<vmem_shared>>) offsets(%dma_start3A_189 : memref<112xi32, #tpu.memory_space<vmem>>) semaphore(%run_scoped3A : memref<!tpu.dma_semaphore, #tpu.memory_space<semaphore_mem>>) {add = true}
          %dma_wait3A_193 = arith.constant 448 : i32
          %dma_wait3A_194 = tpu.memref_slice %arg12[%dma_wait3A_193] : memref<1120xi32, #tpu.memory_space<vmem>> -> memref<112xi32, #tpu.memory_space<vmem>>
          %dma_wait3A_195 = arith.constant 0 : i32
          %dma_wait3A_196 = arith.constant 0 : i32
          %dma_wait3A_197 = tpu.memref_slice %arg18[%dma_wait3A_195, %dma_wait3A_196] : memref<10240x128xf32, #tpu.memory_space<vmem_shared>> -> memref<10240x128xf32, #tpu.memory_space<vmem_shared>>
          tpu.wait_indirect_dma semaphore(%run_scoped3A : memref<!tpu.dma_semaphore, #tpu.memory_space<semaphore_mem>>) src(%arg13 : memref<112x128xf32, #tpu.memory_space<vmem>>) dst(%dma_wait3A_197 : memref<10240x128xf32, #tpu.memory_space<vmem_shared>>)
          tpu.yield
        }) : () -> ()
        %dma_start3A_143 = arith.constant 672 : i32
        %dma_start3A_144 = tpu.memref_slice %arg11[%dma_start3A_143] : memref<1120xi32, #tpu.memory_space<vmem>> -> memref<112xi32, #tpu.memory_space<vmem>>
        %dma_start3A_145 = arith.constant 0 : i32
        %dma_start3A_146 = arith.constant 0 : i32
        %dma_start3A_147 = tpu.memref_slice %arg2[%dma_start3A_145, %dma_start3A_146] : memref<10000x128xf32, #tpu.memory_space<hbm>> -> memref<10000x128xf32, #tpu.memory_space<hbm>>
        tpu.enqueue_indirect_dma source(%dma_start3A_147 : memref<10000x128xf32, #tpu.memory_space<hbm>>) target(%arg13 : memref<112x128xf32, #tpu.memory_space<vmem>>) offsets(%dma_start3A_144 : memref<112xi32, #tpu.memory_space<vmem>>) semaphore(%arg20 : memref<!tpu.dma_semaphore, #tpu.memory_space<semaphore_mem>>)
        %dma_wait3A_148 = arith.constant 560 : i32
        %dma_wait3A_149 = tpu.memref_slice %arg11[%dma_wait3A_148] : memref<1120xi32, #tpu.memory_space<vmem>> -> memref<112xi32, #tpu.memory_space<vmem>>
        %dma_wait3A_150 = arith.constant 0 : i32
        %dma_wait3A_151 = arith.constant 0 : i32
        %dma_wait3A_152 = tpu.memref_slice %arg2[%dma_wait3A_150, %dma_wait3A_151] : memref<10000x128xf32, #tpu.memory_space<hbm>> -> memref<10000x128xf32, #tpu.memory_space<hbm>>
        tpu.wait_indirect_dma semaphore(%arg21 : memref<!tpu.dma_semaphore, #tpu.memory_space<semaphore_mem>>) src(%dma_wait3A_152 : memref<10000x128xf32, #tpu.memory_space<hbm>>) dst(%arg14 : memref<112x128xf32, #tpu.memory_space<vmem>>)
        "tpu.region"() ({
          %run_scoped3A = tpu.sem_alloc : memref<!tpu.dma_semaphore, #tpu.memory_space<semaphore_mem>>
          %dma_start3A_188 = arith.constant 560 : i32
          %dma_start3A_189 = tpu.memref_slice %arg12[%dma_start3A_188] : memref<1120xi32, #tpu.memory_space<vmem>> -> memref<112xi32, #tpu.memory_space<vmem>>
          %dma_start3A_190 = arith.constant 0 : i32
          %dma_start3A_191 = arith.constant 0 : i32
          %dma_start3A_192 = tpu.memref_slice %arg18[%dma_start3A_190, %dma_start3A_191] : memref<10240x128xf32, #tpu.memory_space<vmem_shared>> -> memref<10240x128xf32, #tpu.memory_space<vmem_shared>>
          tpu.enqueue_indirect_dma source(%arg14 : memref<112x128xf32, #tpu.memory_space<vmem>>) target(%dma_start3A_192 : memref<10240x128xf32, #tpu.memory_space<vmem_shared>>) offsets(%dma_start3A_189 : memref<112xi32, #tpu.memory_space<vmem>>) semaphore(%run_scoped3A : memref<!tpu.dma_semaphore, #tpu.memory_space<semaphore_mem>>) {add = true}
          %dma_wait3A_193 = arith.constant 560 : i32
          %dma_wait3A_194 = tpu.memref_slice %arg12[%dma_wait3A_193] : memref<1120xi32, #tpu.memory_space<vmem>> -> memref<112xi32, #tpu.memory_space<vmem>>
          %dma_wait3A_195 = arith.constant 0 : i32
          %dma_wait3A_196 = arith.constant 0 : i32
          %dma_wait3A_197 = tpu.memref_slice %arg18[%dma_wait3A_195, %dma_wait3A_196] : memref<10240x128xf32, #tpu.memory_space<vmem_shared>> -> memref<10240x128xf32, #tpu.memory_space<vmem_shared>>
          tpu.wait_indirect_dma semaphore(%run_scoped3A : memref<!tpu.dma_semaphore, #tpu.memory_space<semaphore_mem>>) src(%arg14 : memref<112x128xf32, #tpu.memory_space<vmem>>) dst(%dma_wait3A_197 : memref<10240x128xf32, #tpu.memory_space<vmem_shared>>)
          tpu.yield
        }) : () -> ()
        %dma_start3A_153 = arith.constant 784 : i32
        %dma_start3A_154 = tpu.memref_slice %arg11[%dma_start3A_153] : memref<1120xi32, #tpu.memory_space<vmem>> -> memref<112xi32, #tpu.memory_space<vmem>>
        %dma_start3A_155 = arith.constant 0 : i32
        %dma_start3A_156 = arith.constant 0 : i32
        %dma_start3A_157 = tpu.memref_slice %arg2[%dma_start3A_155, %dma_start3A_156] : memref<10000x128xf32, #tpu.memory_space<hbm>> -> memref<10000x128xf32, #tpu.memory_space<hbm>>
        tpu.enqueue_indirect_dma source(%dma_start3A_157 : memref<10000x128xf32, #tpu.memory_space<hbm>>) target(%arg14 : memref<112x128xf32, #tpu.memory_space<vmem>>) offsets(%dma_start3A_154 : memref<112xi32, #tpu.memory_space<vmem>>) semaphore(%arg21 : memref<!tpu.dma_semaphore, #tpu.memory_space<semaphore_mem>>)
        %dma_wait3A_158 = arith.constant 672 : i32
        %dma_wait3A_159 = tpu.memref_slice %arg11[%dma_wait3A_158] : memref<1120xi32, #tpu.memory_space<vmem>> -> memref<112xi32, #tpu.memory_space<vmem>>
        %dma_wait3A_160 = arith.constant 0 : i32
        %dma_wait3A_161 = arith.constant 0 : i32
        %dma_wait3A_162 = tpu.memref_slice %arg2[%dma_wait3A_160, %dma_wait3A_161] : memref<10000x128xf32, #tpu.memory_space<hbm>> -> memref<10000x128xf32, #tpu.memory_space<hbm>>
        tpu.wait_indirect_dma semaphore(%arg20 : memref<!tpu.dma_semaphore, #tpu.memory_space<semaphore_mem>>) src(%dma_wait3A_162 : memref<10000x128xf32, #tpu.memory_space<hbm>>) dst(%arg13 : memref<112x128xf32, #tpu.memory_space<vmem>>)
        "tpu.region"() ({
          %run_scoped3A = tpu.sem_alloc : memref<!tpu.dma_semaphore, #tpu.memory_space<semaphore_mem>>
          %dma_start3A_188 = arith.constant 672 : i32
          %dma_start3A_189 = tpu.memref_slice %arg12[%dma_start3A_188] : memref<1120xi32, #tpu.memory_space<vmem>> -> memref<112xi32, #tpu.memory_space<vmem>>
          %dma_start3A_190 = arith.constant 0 : i32
          %dma_start3A_191 = arith.constant 0 : i32
          %dma_start3A_192 = tpu.memref_slice %arg18[%dma_start3A_190, %dma_start3A_191] : memref<10240x128xf32, #tpu.memory_space<vmem_shared>> -> memref<10240x128xf32, #tpu.memory_space<vmem_shared>>
          tpu.enqueue_indirect_dma source(%arg13 : memref<112x128xf32, #tpu.memory_space<vmem>>) target(%dma_start3A_192 : memref<10240x128xf32, #tpu.memory_space<vmem_shared>>) offsets(%dma_start3A_189 : memref<112xi32, #tpu.memory_space<vmem>>) semaphore(%run_scoped3A : memref<!tpu.dma_semaphore, #tpu.memory_space<semaphore_mem>>) {add = true}
          %dma_wait3A_193 = arith.constant 672 : i32
          %dma_wait3A_194 = tpu.memref_slice %arg12[%dma_wait3A_193] : memref<1120xi32, #tpu.memory_space<vmem>> -> memref<112xi32, #tpu.memory_space<vmem>>
          %dma_wait3A_195 = arith.constant 0 : i32
          %dma_wait3A_196 = arith.constant 0 : i32
          %dma_wait3A_197 = tpu.memref_slice %arg18[%dma_wait3A_195, %dma_wait3A_196] : memref<10240x128xf32, #tpu.memory_space<vmem_shared>> -> memref<10240x128xf32, #tpu.memory_space<vmem_shared>>
          tpu.wait_indirect_dma semaphore(%run_scoped3A : memref<!tpu.dma_semaphore, #tpu.memory_space<semaphore_mem>>) src(%arg13 : memref<112x128xf32, #tpu.memory_space<vmem>>) dst(%dma_wait3A_197 : memref<10240x128xf32, #tpu.memory_space<vmem_shared>>)
          tpu.yield
        }) : () -> ()
        %dma_start3A_163 = arith.constant 896 : i32
        %dma_start3A_164 = tpu.memref_slice %arg11[%dma_start3A_163] : memref<1120xi32, #tpu.memory_space<vmem>> -> memref<112xi32, #tpu.memory_space<vmem>>
        %dma_start3A_165 = arith.constant 0 : i32
        %dma_start3A_166 = arith.constant 0 : i32
        %dma_start3A_167 = tpu.memref_slice %arg2[%dma_start3A_165, %dma_start3A_166] : memref<10000x128xf32, #tpu.memory_space<hbm>> -> memref<10000x128xf32, #tpu.memory_space<hbm>>
        tpu.enqueue_indirect_dma source(%dma_start3A_167 : memref<10000x128xf32, #tpu.memory_space<hbm>>) target(%arg13 : memref<112x128xf32, #tpu.memory_space<vmem>>) offsets(%dma_start3A_164 : memref<112xi32, #tpu.memory_space<vmem>>) semaphore(%arg20 : memref<!tpu.dma_semaphore, #tpu.memory_space<semaphore_mem>>)
        %dma_wait3A_168 = arith.constant 784 : i32
        %dma_wait3A_169 = tpu.memref_slice %arg11[%dma_wait3A_168] : memref<1120xi32, #tpu.memory_space<vmem>> -> memref<112xi32, #tpu.memory_space<vmem>>
        %dma_wait3A_170 = arith.constant 0 : i32
        %dma_wait3A_171 = arith.constant 0 : i32
        %dma_wait3A_172 = tpu.memref_slice %arg2[%dma_wait3A_170, %dma_wait3A_171] : memref<10000x128xf32, #tpu.memory_space<hbm>> -> memref<10000x128xf32, #tpu.memory_space<hbm>>
        tpu.wait_indirect_dma semaphore(%arg21 : memref<!tpu.dma_semaphore, #tpu.memory_space<semaphore_mem>>) src(%dma_wait3A_172 : memref<10000x128xf32, #tpu.memory_space<hbm>>) dst(%arg14 : memref<112x128xf32, #tpu.memory_space<vmem>>)
        "tpu.region"() ({
          %run_scoped3A = tpu.sem_alloc : memref<!tpu.dma_semaphore, #tpu.memory_space<semaphore_mem>>
          %dma_start3A_188 = arith.constant 784 : i32
          %dma_start3A_189 = tpu.memref_slice %arg12[%dma_start3A_188] : memref<1120xi32, #tpu.memory_space<vmem>> -> memref<112xi32, #tpu.memory_space<vmem>>
          %dma_start3A_190 = arith.constant 0 : i32
          %dma_start3A_191 = arith.constant 0 : i32
          %dma_start3A_192 = tpu.memref_slice %arg18[%dma_start3A_190, %dma_start3A_191] : memref<10240x128xf32, #tpu.memory_space<vmem_shared>> -> memref<10240x128xf32, #tpu.memory_space<vmem_shared>>
          tpu.enqueue_indirect_dma source(%arg14 : memref<112x128xf32, #tpu.memory_space<vmem>>) target(%dma_start3A_192 : memref<10240x128xf32, #tpu.memory_space<vmem_shared>>) offsets(%dma_start3A_189 : memref<112xi32, #tpu.memory_space<vmem>>) semaphore(%run_scoped3A : memref<!tpu.dma_semaphore, #tpu.memory_space<semaphore_mem>>) {add = true}
          %dma_wait3A_193 = arith.constant 784 : i32
          %dma_wait3A_194 = tpu.memref_slice %arg12[%dma_wait3A_193] : memref<1120xi32, #tpu.memory_space<vmem>> -> memref<112xi32, #tpu.memory_space<vmem>>
          %dma_wait3A_195 = arith.constant 0 : i32
          %dma_wait3A_196 = arith.constant 0 : i32
          %dma_wait3A_197 = tpu.memref_slice %arg18[%dma_wait3A_195, %dma_wait3A_196] : memref<10240x128xf32, #tpu.memory_space<vmem_shared>> -> memref<10240x128xf32, #tpu.memory_space<vmem_shared>>
          tpu.wait_indirect_dma semaphore(%run_scoped3A : memref<!tpu.dma_semaphore, #tpu.memory_space<semaphore_mem>>) src(%arg14 : memref<112x128xf32, #tpu.memory_space<vmem>>) dst(%dma_wait3A_197 : memref<10240x128xf32, #tpu.memory_space<vmem_shared>>)
          tpu.yield
        }) : () -> ()
        %dma_start3A_173 = arith.constant 1008 : i32
        %dma_start3A_174 = tpu.memref_slice %arg11[%dma_start3A_173] : memref<1120xi32, #tpu.memory_space<vmem>> -> memref<112xi32, #tpu.memory_space<vmem>>
        %dma_start3A_175 = arith.constant 0 : i32
        %dma_start3A_176 = arith.constant 0 : i32
        %dma_start3A_177 = tpu.memref_slice %arg2[%dma_start3A_175, %dma_start3A_176] : memref<10000x128xf32, #tpu.memory_space<hbm>> -> memref<10000x128xf32, #tpu.memory_space<hbm>>
        tpu.enqueue_indirect_dma source(%dma_start3A_177 : memref<10000x128xf32, #tpu.memory_space<hbm>>) target(%arg14 : memref<112x128xf32, #tpu.memory_space<vmem>>) offsets(%dma_start3A_174 : memref<112xi32, #tpu.memory_space<vmem>>) semaphore(%arg21 : memref<!tpu.dma_semaphore, #tpu.memory_space<semaphore_mem>>)
        %dma_wait3A_178 = arith.constant 896 : i32
        %dma_wait3A_179 = tpu.memref_slice %arg11[%dma_wait3A_178] : memref<1120xi32, #tpu.memory_space<vmem>> -> memref<112xi32, #tpu.memory_space<vmem>>
        %dma_wait3A_180 = arith.constant 0 : i32
        %dma_wait3A_181 = arith.constant 0 : i32
        %dma_wait3A_182 = tpu.memref_slice %arg2[%dma_wait3A_180, %dma_wait3A_181] : memref<10000x128xf32, #tpu.memory_space<hbm>> -> memref<10000x128xf32, #tpu.memory_space<hbm>>
        tpu.wait_indirect_dma semaphore(%arg20 : memref<!tpu.dma_semaphore, #tpu.memory_space<semaphore_mem>>) src(%dma_wait3A_182 : memref<10000x128xf32, #tpu.memory_space<hbm>>) dst(%arg13 : memref<112x128xf32, #tpu.memory_space<vmem>>)
        "tpu.region"() ({
          %run_scoped3A = tpu.sem_alloc : memref<!tpu.dma_semaphore, #tpu.memory_space<semaphore_mem>>
          %dma_start3A_188 = arith.constant 896 : i32
          %dma_start3A_189 = tpu.memref_slice %arg12[%dma_start3A_188] : memref<1120xi32, #tpu.memory_space<vmem>> -> memref<112xi32, #tpu.memory_space<vmem>>
          %dma_start3A_190 = arith.constant 0 : i32
          %dma_start3A_191 = arith.constant 0 : i32
          %dma_start3A_192 = tpu.memref_slice %arg18[%dma_start3A_190, %dma_start3A_191] : memref<10240x128xf32, #tpu.memory_space<vmem_shared>> -> memref<10240x128xf32, #tpu.memory_space<vmem_shared>>
          tpu.enqueue_indirect_dma source(%arg13 : memref<112x128xf32, #tpu.memory_space<vmem>>) target(%dma_start3A_192 : memref<10240x128xf32, #tpu.memory_space<vmem_shared>>) offsets(%dma_start3A_189 : memref<112xi32, #tpu.memory_space<vmem>>) semaphore(%run_scoped3A : memref<!tpu.dma_semaphore, #tpu.memory_space<semaphore_mem>>) {add = true}
          %dma_wait3A_193 = arith.constant 896 : i32
          %dma_wait3A_194 = tpu.memref_slice %arg12[%dma_wait3A_193] : memref<1120xi32, #tpu.memory_space<vmem>> -> memref<112xi32, #tpu.memory_space<vmem>>
          %dma_wait3A_195 = arith.constant 0 : i32
          %dma_wait3A_196 = arith.constant 0 : i32
          %dma_wait3A_197 = tpu.memref_slice %arg18[%dma_wait3A_195, %dma_wait3A_196] : memref<10240x128xf32, #tpu.memory_space<vmem_shared>> -> memref<10240x128xf32, #tpu.memory_space<vmem_shared>>
          tpu.wait_indirect_dma semaphore(%run_scoped3A : memref<!tpu.dma_semaphore, #tpu.memory_space<semaphore_mem>>) src(%arg13 : memref<112x128xf32, #tpu.memory_space<vmem>>) dst(%dma_wait3A_197 : memref<10240x128xf32, #tpu.memory_space<vmem_shared>>)
          tpu.yield
        }) : () -> ()
        %dma_wait3A_183 = arith.constant 1008 : i32
        %dma_wait3A_184 = tpu.memref_slice %arg11[%dma_wait3A_183] : memref<1120xi32, #tpu.memory_space<vmem>> -> memref<112xi32, #tpu.memory_space<vmem>>
        %dma_wait3A_185 = arith.constant 0 : i32
        %dma_wait3A_186 = arith.constant 0 : i32
        %dma_wait3A_187 = tpu.memref_slice %arg2[%dma_wait3A_185, %dma_wait3A_186] : memref<10000x128xf32, #tpu.memory_space<hbm>> -> memref<10000x128xf32, #tpu.memory_space<hbm>>
        tpu.wait_indirect_dma semaphore(%arg21 : memref<!tpu.dma_semaphore, #tpu.memory_space<semaphore_mem>>) src(%dma_wait3A_187 : memref<10000x128xf32, #tpu.memory_space<hbm>>) dst(%arg14 : memref<112x128xf32, #tpu.memory_space<vmem>>)
        "tpu.region"() ({
          %run_scoped3A = tpu.sem_alloc : memref<!tpu.dma_semaphore, #tpu.memory_space<semaphore_mem>>
          %dma_start3A_188 = arith.constant 1008 : i32
          %dma_start3A_189 = tpu.memref_slice %arg12[%dma_start3A_188] : memref<1120xi32, #tpu.memory_space<vmem>> -> memref<112xi32, #tpu.memory_space<vmem>>
          %dma_start3A_190 = arith.constant 0 : i32
          %dma_start3A_191 = arith.constant 0 : i32
          %dma_start3A_192 = tpu.memref_slice %arg18[%dma_start3A_190, %dma_start3A_191] : memref<10240x128xf32, #tpu.memory_space<vmem_shared>> -> memref<10240x128xf32, #tpu.memory_space<vmem_shared>>
          tpu.enqueue_indirect_dma source(%arg14 : memref<112x128xf32, #tpu.memory_space<vmem>>) target(%dma_start3A_192 : memref<10240x128xf32, #tpu.memory_space<vmem_shared>>) offsets(%dma_start3A_189 : memref<112xi32, #tpu.memory_space<vmem>>) semaphore(%run_scoped3A : memref<!tpu.dma_semaphore, #tpu.memory_space<semaphore_mem>>) {add = true}
          %dma_wait3A_193 = arith.constant 1008 : i32
          %dma_wait3A_194 = tpu.memref_slice %arg12[%dma_wait3A_193] : memref<1120xi32, #tpu.memory_space<vmem>> -> memref<112xi32, #tpu.memory_space<vmem>>
          %dma_wait3A_195 = arith.constant 0 : i32
          %dma_wait3A_196 = arith.constant 0 : i32
          %dma_wait3A_197 = tpu.memref_slice %arg18[%dma_wait3A_195, %dma_wait3A_196] : memref<10240x128xf32, #tpu.memory_space<vmem_shared>> -> memref<10240x128xf32, #tpu.memory_space<vmem_shared>>
          tpu.wait_indirect_dma semaphore(%run_scoped3A : memref<!tpu.dma_semaphore, #tpu.memory_space<semaphore_mem>>) src(%arg14 : memref<112x128xf32, #tpu.memory_space<vmem>>) dst(%dma_wait3A_197 : memref<10240x128xf32, #tpu.memory_space<vmem_shared>>)
          tpu.yield
        }) : () -> ()
      }
      %scan3A_85 = arith.constant 18 : i32
    } else {
    }
    %barrier3A_67 = arith.constant 0 : index
    tpu.barrier barrier_id(%barrier3A_67)
    %eq3A_68 = arith.constant 0 : i32
    %eq3A_69 = arith.cmpi eq, %arg0, %eq3A_68 : i32
    %convert_element_type3A_70 = arith.extui %eq3A_69 : i1 to i32
    %cond3A_71 = arith.constant 0 : i32
    %cond3A_72 = arith.cmpi ne, %convert_element_type3A_70, %cond3A_71 : i32
    scf.if %cond3A_72 {
      "tpu.region"() ({
        %run_scoped3A = tpu.sem_alloc : memref<!tpu.dma_semaphore, #tpu.memory_space<semaphore_mem>>
        %dma_start3A = tpu.memref_slice %arg9[%mul3A_0] : memref<10240xf32, #tpu.memory_space<hbm>> -> memref<640xf32, #tpu.memory_space<hbm>>
        %dma_start3A_78 = tpu.memref_slice %arg19[%mul3A_0] : memref<10240xf32, #tpu.memory_space<vmem_shared>> -> memref<640xf32, #tpu.memory_space<vmem_shared>>
        tpu.enqueue_dma source(%dma_start3A_78 : memref<640xf32, #tpu.memory_space<vmem_shared>>) target(%dma_start3A : memref<640xf32, #tpu.memory_space<hbm>>) target_semaphore(%run_scoped3A : memref<!tpu.dma_semaphore, #tpu.memory_space<semaphore_mem>>)
        %dma_wait3A = tpu.memref_slice %arg9[%mul3A_0] : memref<10240xf32, #tpu.memory_space<hbm>> -> memref<640xf32, #tpu.memory_space<hbm>>
        %dma_wait3A_79 = tpu.memref_slice %arg19[%mul3A_0] : memref<10240xf32, #tpu.memory_space<vmem_shared>> -> memref<640xf32, #tpu.memory_space<vmem_shared>>
        tpu.wait_dma2 semaphore(%run_scoped3A : memref<!tpu.dma_semaphore, #tpu.memory_space<semaphore_mem>>) src(%dma_wait3A_79 : memref<640xf32, #tpu.memory_space<vmem_shared>>) dst(%dma_wait3A : memref<640xf32, #tpu.memory_space<hbm>>)
        tpu.yield
      }) : () -> ()
      "tpu.region"() ({
        %run_scoped3A = tpu.sem_alloc : memref<!tpu.dma_semaphore, #tpu.memory_space<semaphore_mem>>
        %dma_start3A = arith.constant 0 : i32
        %dma_start3A_78 = tpu.memref_slice %arg7[%mul3A_0, %dma_start3A] : memref<10240x128xf32, #tpu.memory_space<hbm>> -> memref<640x128xf32, #tpu.memory_space<hbm>>
        %dma_start3A_79 = arith.constant 0 : i32
        %dma_start3A_80 = tpu.memref_slice %arg18[%mul3A_0, %dma_start3A_79] : memref<10240x128xf32, #tpu.memory_space<vmem_shared>> -> memref<640x128xf32, #tpu.memory_space<vmem_shared>>
        tpu.enqueue_dma source(%dma_start3A_80 : memref<640x128xf32, #tpu.memory_space<vmem_shared>>) target(%dma_start3A_78 : memref<640x128xf32, #tpu.memory_space<hbm>>) target_semaphore(%run_scoped3A : memref<!tpu.dma_semaphore, #tpu.memory_space<semaphore_mem>>)
        %dma_wait3A = arith.constant 0 : i32
        %dma_wait3A_81 = tpu.memref_slice %arg7[%mul3A_0, %dma_wait3A] : memref<10240x128xf32, #tpu.memory_space<hbm>> -> memref<640x128xf32, #tpu.memory_space<hbm>>
        %dma_wait3A_82 = arith.constant 0 : i32
        %dma_wait3A_83 = tpu.memref_slice %arg18[%mul3A_0, %dma_wait3A_82] : memref<10240x128xf32, #tpu.memory_space<vmem_shared>> -> memref<640x128xf32, #tpu.memory_space<vmem_shared>>
        tpu.wait_dma2 semaphore(%run_scoped3A : memref<!tpu.dma_semaphore, #tpu.memory_space<semaphore_mem>>) src(%dma_wait3A_83 : memref<640x128xf32, #tpu.memory_space<vmem_shared>>) dst(%dma_wait3A_81 : memref<640x128xf32, #tpu.memory_space<hbm>>)
        tpu.yield
      }) : () -> ()
    } else {
    }
    %eq3A_73 = arith.constant 1 : i32
    %eq3A_74 = arith.cmpi eq, %arg0, %eq3A_73 : i32
    %convert_element_type3A_75 = arith.extui %eq3A_74 : i1 to i32
    %cond3A_76 = arith.constant 0 : i32
    %cond3A_77 = arith.cmpi ne, %convert_element_type3A_75, %cond3A_76 : i32
    scf.if %cond3A_77 {
      "tpu.region"() ({
        %run_scoped3A = tpu.sem_alloc : memref<!tpu.dma_semaphore, #tpu.memory_space<semaphore_mem>>
        %dma_start3A = tpu.memref_slice %arg10[%mul3A_0] : memref<10240xf32, #tpu.memory_space<hbm>> -> memref<640xf32, #tpu.memory_space<hbm>>
        %dma_start3A_78 = tpu.memref_slice %arg19[%mul3A_0] : memref<10240xf32, #tpu.memory_space<vmem_shared>> -> memref<640xf32, #tpu.memory_space<vmem_shared>>
        tpu.enqueue_dma source(%dma_start3A_78 : memref<640xf32, #tpu.memory_space<vmem_shared>>) target(%dma_start3A : memref<640xf32, #tpu.memory_space<hbm>>) target_semaphore(%run_scoped3A : memref<!tpu.dma_semaphore, #tpu.memory_space<semaphore_mem>>)
        %dma_wait3A = tpu.memref_slice %arg10[%mul3A_0] : memref<10240xf32, #tpu.memory_space<hbm>> -> memref<640xf32, #tpu.memory_space<hbm>>
        %dma_wait3A_79 = tpu.memref_slice %arg19[%mul3A_0] : memref<10240xf32, #tpu.memory_space<vmem_shared>> -> memref<640xf32, #tpu.memory_space<vmem_shared>>
        tpu.wait_dma2 semaphore(%run_scoped3A : memref<!tpu.dma_semaphore, #tpu.memory_space<semaphore_mem>>) src(%dma_wait3A_79 : memref<640xf32, #tpu.memory_space<vmem_shared>>) dst(%dma_wait3A : memref<640xf32, #tpu.memory_space<hbm>>)
        tpu.yield
      }) : () -> ()
      "tpu.region"() ({
        %run_scoped3A = tpu.sem_alloc : memref<!tpu.dma_semaphore, #tpu.memory_space<semaphore_mem>>
        %dma_start3A = arith.constant 0 : i32
        %dma_start3A_78 = tpu.memref_slice %arg8[%mul3A_0, %dma_start3A] : memref<10240x128xf32, #tpu.memory_space<hbm>> -> memref<640x128xf32, #tpu.memory_space<hbm>>
        %dma_start3A_79 = arith.constant 0 : i32
        %dma_start3A_80 = tpu.memref_slice %arg18[%mul3A_0, %dma_start3A_79] : memref<10240x128xf32, #tpu.memory_space<vmem_shared>> -> memref<640x128xf32, #tpu.memory_space<vmem_shared>>
        tpu.enqueue_dma source(%dma_start3A_80 : memref<640x128xf32, #tpu.memory_space<vmem_shared>>) target(%dma_start3A_78 : memref<640x128xf32, #tpu.memory_space<hbm>>) target_semaphore(%run_scoped3A : memref<!tpu.dma_semaphore, #tpu.memory_space<semaphore_mem>>)
        %dma_wait3A = arith.constant 0 : i32
        %dma_wait3A_81 = tpu.memref_slice %arg8[%mul3A_0, %dma_wait3A] : memref<10240x128xf32, #tpu.memory_space<hbm>> -> memref<640x128xf32, #tpu.memory_space<hbm>>
        %dma_wait3A_82 = arith.constant 0 : i32
        %dma_wait3A_83 = tpu.memref_slice %arg18[%mul3A_0, %dma_wait3A_82] : memref<10240x128xf32, #tpu.memory_space<vmem_shared>> -> memref<640x128xf32, #tpu.memory_space<vmem_shared>>
        tpu.wait_dma2 semaphore(%run_scoped3A : memref<!tpu.dma_semaphore, #tpu.memory_space<semaphore_mem>>) src(%dma_wait3A_83 : memref<640x128xf32, #tpu.memory_space<vmem_shared>>) dst(%dma_wait3A_81 : memref<640x128xf32, #tpu.memory_space<hbm>>)
        tpu.yield
      }) : () -> ()
    } else {
    }
    return
  }
}

#map = affine_map<(d0, d1) -> (0, 0)>
#map1 = affine_map<(d0, d1) -> (0)>
module attributes {stable_mosaic.version = 14 : i64} {
  func.func @_phase2_body(%arg0: i32, %arg1: i32, %arg2: memref<10240x128xf32, #tpu.memory_space<hbm>>, %arg3: memref<10240x128xf32, #tpu.memory_space<hbm>>, %arg4: memref<322560xi32, #tpu.memory_space<hbm>>, %arg5: memref<322560xi32, #tpu.memory_space<hbm>>, %arg6: memref<322560xi32, #tpu.memory_space<hbm>>, %arg7: memref<322560xi32, #tpu.memory_space<hbm>>, %arg8: memref<10240x128xf32, #tpu.memory_space<hbm>>, %arg9: memref<10240x128xf32, #tpu.memory_space<hbm>>, %arg10: memref<1120xi32, #tpu.memory_space<vmem>>, %arg11: memref<1120xi32, #tpu.memory_space<vmem>>, %arg12: memref<112x128xf32, #tpu.memory_space<vmem>>, %arg13: memref<112x128xf32, #tpu.memory_space<vmem>>, %arg14: memref<32x128xf32, #tpu.memory_space<vmem>>, %arg15: memref<10240x128xf32, #tpu.memory_space<vmem_shared>>, %arg16: memref<!tpu.dma_semaphore, #tpu.memory_space<semaphore_mem>>, %arg17: memref<!tpu.dma_semaphore, #tpu.memory_space<semaphore_mem>>) attributes {dimension_semantics = [#tpu.dimension_semantics<core_parallel>, #tpu.dimension_semantics<subcore_parallel>], iteration_bounds = array<i64: 2, 16>, scalar_prefetch = 0 : i64, scratch_operands = 8 : i64, tpu.core_type = #tpu.core_type<sc_vector_subcore>, window_params = [{transform_indices = #map}, {transform_indices = #map}, {transform_indices = #map1}, {transform_indices = #map1}, {transform_indices = #map1}, {transform_indices = #map1}, {transform_indices = #map}, {transform_indices = #map}]} {
    %mul3A = arith.constant 640 : i32
    %mul3A_0 = arith.muli %arg1, %mul3A : i32
    %broadcast_in_dim3A = arith.constant 0.000000e+00 : f32
    %broadcast_in_dim3A_1 = vector.broadcast %broadcast_in_dim3A : f32 to vector<16xf32>
    %scan3A = arith.constant 0 : i32
    %scan3A_2 = arith.constant 0 : i32
    %scan3A_3 = arith.constant 32 : i32
    %scan3A_4 = arith.addi %scan3A_2, %scan3A_3 : i32
    %scan3A_5 = arith.constant 1 : i32
    scf.for %scan3A_64 = %scan3A_2 to %scan3A_4 step %scan3A_5  : i32 {
      %swap3A = arith.index_cast %scan3A_64 : i32 to index
      %swap3A_65 = arith.constant 0 : index
      %swap3A_66 = tpu.vector_load %arg14[%swap3A, %swap3A_65] {strides = array<i32>} : memref<32x128xf32, #tpu.memory_space<vmem>>, vector<1x16xf32>,
      %swap3A_67 = vector.shape_cast %swap3A_66 : vector<1x16xf32> to vector<16xf32>
      %swap3A_68 = vector.shape_cast %broadcast_in_dim3A_1 : vector<16xf32> to vector<1x16xf32>
      tpu.vector_store %arg14[%swap3A, %swap3A_65], %swap3A_68 {strides = array<i32>} : memref<32x128xf32, #tpu.memory_space<vmem>>, vector<1x16xf32>,
      %swap3A_69 = arith.index_cast %scan3A_64 : i32 to index
      %swap3A_70 = arith.constant 16 : index
      %swap3A_71 = tpu.vector_load %arg14[%swap3A_69, %swap3A_70] {strides = array<i32>} : memref<32x128xf32, #tpu.memory_space<vmem>>, vector<1x16xf32>,
      %swap3A_72 = vector.shape_cast %swap3A_71 : vector<1x16xf32> to vector<16xf32>
      %swap3A_73 = vector.shape_cast %broadcast_in_dim3A_1 : vector<16xf32> to vector<1x16xf32>
      tpu.vector_store %arg14[%swap3A_69, %swap3A_70], %swap3A_73 {strides = array<i32>} : memref<32x128xf32, #tpu.memory_space<vmem>>, vector<1x16xf32>,
      %swap3A_74 = arith.index_cast %scan3A_64 : i32 to index
      %swap3A_75 = arith.constant 32 : index
      %swap3A_76 = tpu.vector_load %arg14[%swap3A_74, %swap3A_75] {strides = array<i32>} : memref<32x128xf32, #tpu.memory_space<vmem>>, vector<1x16xf32>,
      %swap3A_77 = vector.shape_cast %swap3A_76 : vector<1x16xf32> to vector<16xf32>
      %swap3A_78 = vector.shape_cast %broadcast_in_dim3A_1 : vector<16xf32> to vector<1x16xf32>
      tpu.vector_store %arg14[%swap3A_74, %swap3A_75], %swap3A_78 {strides = array<i32>} : memref<32x128xf32, #tpu.memory_space<vmem>>, vector<1x16xf32>,
      %swap3A_79 = arith.index_cast %scan3A_64 : i32 to index
      %swap3A_80 = arith.constant 48 : index
      %swap3A_81 = tpu.vector_load %arg14[%swap3A_79, %swap3A_80] {strides = array<i32>} : memref<32x128xf32, #tpu.memory_space<vmem>>, vector<1x16xf32>,
      %swap3A_82 = vector.shape_cast %swap3A_81 : vector<1x16xf32> to vector<16xf32>
      %swap3A_83 = vector.shape_cast %broadcast_in_dim3A_1 : vector<16xf32> to vector<1x16xf32>
      tpu.vector_store %arg14[%swap3A_79, %swap3A_80], %swap3A_83 {strides = array<i32>} : memref<32x128xf32, #tpu.memory_space<vmem>>, vector<1x16xf32>,
      %swap3A_84 = arith.index_cast %scan3A_64 : i32 to index
      %swap3A_85 = arith.constant 64 : index
      %swap3A_86 = tpu.vector_load %arg14[%swap3A_84, %swap3A_85] {strides = array<i32>} : memref<32x128xf32, #tpu.memory_space<vmem>>, vector<1x16xf32>,
      %swap3A_87 = vector.shape_cast %swap3A_86 : vector<1x16xf32> to vector<16xf32>
      %swap3A_88 = vector.shape_cast %broadcast_in_dim3A_1 : vector<16xf32> to vector<1x16xf32>
      tpu.vector_store %arg14[%swap3A_84, %swap3A_85], %swap3A_88 {strides = array<i32>} : memref<32x128xf32, #tpu.memory_space<vmem>>, vector<1x16xf32>,
      %swap3A_89 = arith.index_cast %scan3A_64 : i32 to index
      %swap3A_90 = arith.constant 80 : index
      %swap3A_91 = tpu.vector_load %arg14[%swap3A_89, %swap3A_90] {strides = array<i32>} : memref<32x128xf32, #tpu.memory_space<vmem>>, vector<1x16xf32>,
      %swap3A_92 = vector.shape_cast %swap3A_91 : vector<1x16xf32> to vector<16xf32>
      %swap3A_93 = vector.shape_cast %broadcast_in_dim3A_1 : vector<16xf32> to vector<1x16xf32>
      tpu.vector_store %arg14[%swap3A_89, %swap3A_90], %swap3A_93 {strides = array<i32>} : memref<32x128xf32, #tpu.memory_space<vmem>>, vector<1x16xf32>,
      %swap3A_94 = arith.index_cast %scan3A_64 : i32 to index
      %swap3A_95 = arith.constant 96 : index
      %swap3A_96 = tpu.vector_load %arg14[%swap3A_94, %swap3A_95] {strides = array<i32>} : memref<32x128xf32, #tpu.memory_space<vmem>>, vector<1x16xf32>,
      %swap3A_97 = vector.shape_cast %swap3A_96 : vector<1x16xf32> to vector<16xf32>
      %swap3A_98 = vector.shape_cast %broadcast_in_dim3A_1 : vector<16xf32> to vector<1x16xf32>
      tpu.vector_store %arg14[%swap3A_94, %swap3A_95], %swap3A_98 {strides = array<i32>} : memref<32x128xf32, #tpu.memory_space<vmem>>, vector<1x16xf32>,
      %swap3A_99 = arith.index_cast %scan3A_64 : i32 to index
      %swap3A_100 = arith.constant 112 : index
      %swap3A_101 = tpu.vector_load %arg14[%swap3A_99, %swap3A_100] {strides = array<i32>} : memref<32x128xf32, #tpu.memory_space<vmem>>, vector<1x16xf32>,
      %swap3A_102 = vector.shape_cast %swap3A_101 : vector<1x16xf32> to vector<16xf32>
      %swap3A_103 = vector.shape_cast %broadcast_in_dim3A_1 : vector<16xf32> to vector<1x16xf32>
      tpu.vector_store %arg14[%swap3A_99, %swap3A_100], %swap3A_103 {strides = array<i32>} : memref<32x128xf32, #tpu.memory_space<vmem>>, vector<1x16xf32>,
    }
    %scan3A_6 = arith.constant 32 : i32
    %add3A = arith.constant 0 : i32
    %add3A_7 = arith.addi %mul3A_0, %add3A : i32
    "tpu.region"() ({
      %run_scoped3A = tpu.sem_alloc : memref<!tpu.dma_semaphore, #tpu.memory_space<semaphore_mem>>
      %dma_start3A = arith.constant 0 : i32
      %dma_start3A_64 = tpu.memref_slice %arg15[%add3A_7, %dma_start3A] : memref<10240x128xf32, #tpu.memory_space<vmem_shared>> -> memref<32x128xf32, #tpu.memory_space<vmem_shared>>
      %dma_start3A_65 = arith.constant 0 : i32
      %dma_start3A_66 = tpu.memref_slice %arg15[%add3A_7, %dma_start3A_65] : memref<10240x128xf32, #tpu.memory_space<vmem_shared>> -> memref<32x128xf32, #tpu.memory_space<vmem_shared>>
      tpu.enqueue_dma source(%arg14 : memref<32x128xf32, #tpu.memory_space<vmem>>) target(%dma_start3A_66 : memref<32x128xf32, #tpu.memory_space<vmem_shared>>) target_semaphore(%run_scoped3A : memref<!tpu.dma_semaphore, #tpu.memory_space<semaphore_mem>>)
      %dma_wait3A = arith.constant 0 : i32
      %dma_wait3A_67 = tpu.memref_slice %arg15[%add3A_7, %dma_wait3A] : memref<10240x128xf32, #tpu.memory_space<vmem_shared>> -> memref<32x128xf32, #tpu.memory_space<vmem_shared>>
      %dma_wait3A_68 = arith.constant 0 : i32
      %dma_wait3A_69 = tpu.memref_slice %arg15[%add3A_7, %dma_wait3A_68] : memref<10240x128xf32, #tpu.memory_space<vmem_shared>> -> memref<32x128xf32, #tpu.memory_space<vmem_shared>>
      tpu.wait_dma2 semaphore(%run_scoped3A : memref<!tpu.dma_semaphore, #tpu.memory_space<semaphore_mem>>) src(%arg14 : memref<32x128xf32, #tpu.memory_space<vmem>>) dst(%dma_wait3A_69 : memref<32x128xf32, #tpu.memory_space<vmem_shared>>)
      tpu.yield
    }) : () -> ()
    %add3A_8 = arith.constant 32 : i32
    %add3A_9 = arith.addi %mul3A_0, %add3A_8 : i32
    "tpu.region"() ({
      %run_scoped3A = tpu.sem_alloc : memref<!tpu.dma_semaphore, #tpu.memory_space<semaphore_mem>>
      %dma_start3A = arith.constant 0 : i32
      %dma_start3A_64 = tpu.memref_slice %arg15[%add3A_9, %dma_start3A] : memref<10240x128xf32, #tpu.memory_space<vmem_shared>> -> memref<32x128xf32, #tpu.memory_space<vmem_shared>>
      %dma_start3A_65 = arith.constant 0 : i32
      %dma_start3A_66 = tpu.memref_slice %arg15[%add3A_9, %dma_start3A_65] : memref<10240x128xf32, #tpu.memory_space<vmem_shared>> -> memref<32x128xf32, #tpu.memory_space<vmem_shared>>
      tpu.enqueue_dma source(%arg14 : memref<32x128xf32, #tpu.memory_space<vmem>>) target(%dma_start3A_66 : memref<32x128xf32, #tpu.memory_space<vmem_shared>>) target_semaphore(%run_scoped3A : memref<!tpu.dma_semaphore, #tpu.memory_space<semaphore_mem>>)
      %dma_wait3A = arith.constant 0 : i32
      %dma_wait3A_67 = tpu.memref_slice %arg15[%add3A_9, %dma_wait3A] : memref<10240x128xf32, #tpu.memory_space<vmem_shared>> -> memref<32x128xf32, #tpu.memory_space<vmem_shared>>
      %dma_wait3A_68 = arith.constant 0 : i32
      %dma_wait3A_69 = tpu.memref_slice %arg15[%add3A_9, %dma_wait3A_68] : memref<10240x128xf32, #tpu.memory_space<vmem_shared>> -> memref<32x128xf32, #tpu.memory_space<vmem_shared>>
      tpu.wait_dma2 semaphore(%run_scoped3A : memref<!tpu.dma_semaphore, #tpu.memory_space<semaphore_mem>>) src(%arg14 : memref<32x128xf32, #tpu.memory_space<vmem>>) dst(%dma_wait3A_69 : memref<32x128xf32, #tpu.memory_space<vmem_shared>>)
      tpu.yield
    }) : () -> ()
    %add3A_10 = arith.constant 64 : i32
    %add3A_11 = arith.addi %mul3A_0, %add3A_10 : i32
    "tpu.region"() ({
      %run_scoped3A = tpu.sem_alloc : memref<!tpu.dma_semaphore, #tpu.memory_space<semaphore_mem>>
      %dma_start3A = arith.constant 0 : i32
      %dma_start3A_64 = tpu.memref_slice %arg15[%add3A_11, %dma_start3A] : memref<10240x128xf32, #tpu.memory_space<vmem_shared>> -> memref<32x128xf32, #tpu.memory_space<vmem_shared>>
      %dma_start3A_65 = arith.constant 0 : i32
      %dma_start3A_66 = tpu.memref_slice %arg15[%add3A_11, %dma_start3A_65] : memref<10240x128xf32, #tpu.memory_space<vmem_shared>> -> memref<32x128xf32, #tpu.memory_space<vmem_shared>>
      tpu.enqueue_dma source(%arg14 : memref<32x128xf32, #tpu.memory_space<vmem>>) target(%dma_start3A_66 : memref<32x128xf32, #tpu.memory_space<vmem_shared>>) target_semaphore(%run_scoped3A : memref<!tpu.dma_semaphore, #tpu.memory_space<semaphore_mem>>)
      %dma_wait3A = arith.constant 0 : i32
      %dma_wait3A_67 = tpu.memref_slice %arg15[%add3A_11, %dma_wait3A] : memref<10240x128xf32, #tpu.memory_space<vmem_shared>> -> memref<32x128xf32, #tpu.memory_space<vmem_shared>>
      %dma_wait3A_68 = arith.constant 0 : i32
      %dma_wait3A_69 = tpu.memref_slice %arg15[%add3A_11, %dma_wait3A_68] : memref<10240x128xf32, #tpu.memory_space<vmem_shared>> -> memref<32x128xf32, #tpu.memory_space<vmem_shared>>
      tpu.wait_dma2 semaphore(%run_scoped3A : memref<!tpu.dma_semaphore, #tpu.memory_space<semaphore_mem>>) src(%arg14 : memref<32x128xf32, #tpu.memory_space<vmem>>) dst(%dma_wait3A_69 : memref<32x128xf32, #tpu.memory_space<vmem_shared>>)
      tpu.yield
    }) : () -> ()
    %add3A_12 = arith.constant 96 : i32
    %add3A_13 = arith.addi %mul3A_0, %add3A_12 : i32
    "tpu.region"() ({
      %run_scoped3A = tpu.sem_alloc : memref<!tpu.dma_semaphore, #tpu.memory_space<semaphore_mem>>
      %dma_start3A = arith.constant 0 : i32
      %dma_start3A_64 = tpu.memref_slice %arg15[%add3A_13, %dma_start3A] : memref<10240x128xf32, #tpu.memory_space<vmem_shared>> -> memref<32x128xf32, #tpu.memory_space<vmem_shared>>
      %dma_start3A_65 = arith.constant 0 : i32
      %dma_start3A_66 = tpu.memref_slice %arg15[%add3A_13, %dma_start3A_65] : memref<10240x128xf32, #tpu.memory_space<vmem_shared>> -> memref<32x128xf32, #tpu.memory_space<vmem_shared>>
      tpu.enqueue_dma source(%arg14 : memref<32x128xf32, #tpu.memory_space<vmem>>) target(%dma_start3A_66 : memref<32x128xf32, #tpu.memory_space<vmem_shared>>) target_semaphore(%run_scoped3A : memref<!tpu.dma_semaphore, #tpu.memory_space<semaphore_mem>>)
      %dma_wait3A = arith.constant 0 : i32
      %dma_wait3A_67 = tpu.memref_slice %arg15[%add3A_13, %dma_wait3A] : memref<10240x128xf32, #tpu.memory_space<vmem_shared>> -> memref<32x128xf32, #tpu.memory_space<vmem_shared>>
      %dma_wait3A_68 = arith.constant 0 : i32
      %dma_wait3A_69 = tpu.memref_slice %arg15[%add3A_13, %dma_wait3A_68] : memref<10240x128xf32, #tpu.memory_space<vmem_shared>> -> memref<32x128xf32, #tpu.memory_space<vmem_shared>>
      tpu.wait_dma2 semaphore(%run_scoped3A : memref<!tpu.dma_semaphore, #tpu.memory_space<semaphore_mem>>) src(%arg14 : memref<32x128xf32, #tpu.memory_space<vmem>>) dst(%dma_wait3A_69 : memref<32x128xf32, #tpu.memory_space<vmem_shared>>)
      tpu.yield
    }) : () -> ()
    %add3A_14 = arith.constant 128 : i32
    %add3A_15 = arith.addi %mul3A_0, %add3A_14 : i32
    "tpu.region"() ({
      %run_scoped3A = tpu.sem_alloc : memref<!tpu.dma_semaphore, #tpu.memory_space<semaphore_mem>>
      %dma_start3A = arith.constant 0 : i32
      %dma_start3A_64 = tpu.memref_slice %arg15[%add3A_15, %dma_start3A] : memref<10240x128xf32, #tpu.memory_space<vmem_shared>> -> memref<32x128xf32, #tpu.memory_space<vmem_shared>>
      %dma_start3A_65 = arith.constant 0 : i32
      %dma_start3A_66 = tpu.memref_slice %arg15[%add3A_15, %dma_start3A_65] : memref<10240x128xf32, #tpu.memory_space<vmem_shared>> -> memref<32x128xf32, #tpu.memory_space<vmem_shared>>
      tpu.enqueue_dma source(%arg14 : memref<32x128xf32, #tpu.memory_space<vmem>>) target(%dma_start3A_66 : memref<32x128xf32, #tpu.memory_space<vmem_shared>>) target_semaphore(%run_scoped3A : memref<!tpu.dma_semaphore, #tpu.memory_space<semaphore_mem>>)
      %dma_wait3A = arith.constant 0 : i32
      %dma_wait3A_67 = tpu.memref_slice %arg15[%add3A_15, %dma_wait3A] : memref<10240x128xf32, #tpu.memory_space<vmem_shared>> -> memref<32x128xf32, #tpu.memory_space<vmem_shared>>
      %dma_wait3A_68 = arith.constant 0 : i32
      %dma_wait3A_69 = tpu.memref_slice %arg15[%add3A_15, %dma_wait3A_68] : memref<10240x128xf32, #tpu.memory_space<vmem_shared>> -> memref<32x128xf32, #tpu.memory_space<vmem_shared>>
      tpu.wait_dma2 semaphore(%run_scoped3A : memref<!tpu.dma_semaphore, #tpu.memory_space<semaphore_mem>>) src(%arg14 : memref<32x128xf32, #tpu.memory_space<vmem>>) dst(%dma_wait3A_69 : memref<32x128xf32, #tpu.memory_space<vmem_shared>>)
      tpu.yield
    }) : () -> ()
    %add3A_16 = arith.constant 160 : i32
    %add3A_17 = arith.addi %mul3A_0, %add3A_16 : i32
    "tpu.region"() ({
      %run_scoped3A = tpu.sem_alloc : memref<!tpu.dma_semaphore, #tpu.memory_space<semaphore_mem>>
      %dma_start3A = arith.constant 0 : i32
      %dma_start3A_64 = tpu.memref_slice %arg15[%add3A_17, %dma_start3A] : memref<10240x128xf32, #tpu.memory_space<vmem_shared>> -> memref<32x128xf32, #tpu.memory_space<vmem_shared>>
      %dma_start3A_65 = arith.constant 0 : i32
      %dma_start3A_66 = tpu.memref_slice %arg15[%add3A_17, %dma_start3A_65] : memref<10240x128xf32, #tpu.memory_space<vmem_shared>> -> memref<32x128xf32, #tpu.memory_space<vmem_shared>>
      tpu.enqueue_dma source(%arg14 : memref<32x128xf32, #tpu.memory_space<vmem>>) target(%dma_start3A_66 : memref<32x128xf32, #tpu.memory_space<vmem_shared>>) target_semaphore(%run_scoped3A : memref<!tpu.dma_semaphore, #tpu.memory_space<semaphore_mem>>)
      %dma_wait3A = arith.constant 0 : i32
      %dma_wait3A_67 = tpu.memref_slice %arg15[%add3A_17, %dma_wait3A] : memref<10240x128xf32, #tpu.memory_space<vmem_shared>> -> memref<32x128xf32, #tpu.memory_space<vmem_shared>>
      %dma_wait3A_68 = arith.constant 0 : i32
      %dma_wait3A_69 = tpu.memref_slice %arg15[%add3A_17, %dma_wait3A_68] : memref<10240x128xf32, #tpu.memory_space<vmem_shared>> -> memref<32x128xf32, #tpu.memory_space<vmem_shared>>
      tpu.wait_dma2 semaphore(%run_scoped3A : memref<!tpu.dma_semaphore, #tpu.memory_space<semaphore_mem>>) src(%arg14 : memref<32x128xf32, #tpu.memory_space<vmem>>) dst(%dma_wait3A_69 : memref<32x128xf32, #tpu.memory_space<vmem_shared>>)
      tpu.yield
    }) : () -> ()
    %add3A_18 = arith.constant 192 : i32
    %add3A_19 = arith.addi %mul3A_0, %add3A_18 : i32
    "tpu.region"() ({
      %run_scoped3A = tpu.sem_alloc : memref<!tpu.dma_semaphore, #tpu.memory_space<semaphore_mem>>
      %dma_start3A = arith.constant 0 : i32
      %dma_start3A_64 = tpu.memref_slice %arg15[%add3A_19, %dma_start3A] : memref<10240x128xf32, #tpu.memory_space<vmem_shared>> -> memref<32x128xf32, #tpu.memory_space<vmem_shared>>
      %dma_start3A_65 = arith.constant 0 : i32
      %dma_start3A_66 = tpu.memref_slice %arg15[%add3A_19, %dma_start3A_65] : memref<10240x128xf32, #tpu.memory_space<vmem_shared>> -> memref<32x128xf32, #tpu.memory_space<vmem_shared>>
      tpu.enqueue_dma source(%arg14 : memref<32x128xf32, #tpu.memory_space<vmem>>) target(%dma_start3A_66 : memref<32x128xf32, #tpu.memory_space<vmem_shared>>) target_semaphore(%run_scoped3A : memref<!tpu.dma_semaphore, #tpu.memory_space<semaphore_mem>>)
      %dma_wait3A = arith.constant 0 : i32
      %dma_wait3A_67 = tpu.memref_slice %arg15[%add3A_19, %dma_wait3A] : memref<10240x128xf32, #tpu.memory_space<vmem_shared>> -> memref<32x128xf32, #tpu.memory_space<vmem_shared>>
      %dma_wait3A_68 = arith.constant 0 : i32
      %dma_wait3A_69 = tpu.memref_slice %arg15[%add3A_19, %dma_wait3A_68] : memref<10240x128xf32, #tpu.memory_space<vmem_shared>> -> memref<32x128xf32, #tpu.memory_space<vmem_shared>>
      tpu.wait_dma2 semaphore(%run_scoped3A : memref<!tpu.dma_semaphore, #tpu.memory_space<semaphore_mem>>) src(%arg14 : memref<32x128xf32, #tpu.memory_space<vmem>>) dst(%dma_wait3A_69 : memref<32x128xf32, #tpu.memory_space<vmem_shared>>)
      tpu.yield
    }) : () -> ()
    %add3A_20 = arith.constant 224 : i32
    %add3A_21 = arith.addi %mul3A_0, %add3A_20 : i32
    "tpu.region"() ({
      %run_scoped3A = tpu.sem_alloc : memref<!tpu.dma_semaphore, #tpu.memory_space<semaphore_mem>>
      %dma_start3A = arith.constant 0 : i32
      %dma_start3A_64 = tpu.memref_slice %arg15[%add3A_21, %dma_start3A] : memref<10240x128xf32, #tpu.memory_space<vmem_shared>> -> memref<32x128xf32, #tpu.memory_space<vmem_shared>>
      %dma_start3A_65 = arith.constant 0 : i32
      %dma_start3A_66 = tpu.memref_slice %arg15[%add3A_21, %dma_start3A_65] : memref<10240x128xf32, #tpu.memory_space<vmem_shared>> -> memref<32x128xf32, #tpu.memory_space<vmem_shared>>
      tpu.enqueue_dma source(%arg14 : memref<32x128xf32, #tpu.memory_space<vmem>>) target(%dma_start3A_66 : memref<32x128xf32, #tpu.memory_space<vmem_shared>>) target_semaphore(%run_scoped3A : memref<!tpu.dma_semaphore, #tpu.memory_space<semaphore_mem>>)
      %dma_wait3A = arith.constant 0 : i32
      %dma_wait3A_67 = tpu.memref_slice %arg15[%add3A_21, %dma_wait3A] : memref<10240x128xf32, #tpu.memory_space<vmem_shared>> -> memref<32x128xf32, #tpu.memory_space<vmem_shared>>
      %dma_wait3A_68 = arith.constant 0 : i32
      %dma_wait3A_69 = tpu.memref_slice %arg15[%add3A_21, %dma_wait3A_68] : memref<10240x128xf32, #tpu.memory_space<vmem_shared>> -> memref<32x128xf32, #tpu.memory_space<vmem_shared>>
      tpu.wait_dma2 semaphore(%run_scoped3A : memref<!tpu.dma_semaphore, #tpu.memory_space<semaphore_mem>>) src(%arg14 : memref<32x128xf32, #tpu.memory_space<vmem>>) dst(%dma_wait3A_69 : memref<32x128xf32, #tpu.memory_space<vmem_shared>>)
      tpu.yield
    }) : () -> ()
    %add3A_22 = arith.constant 256 : i32
    %add3A_23 = arith.addi %mul3A_0, %add3A_22 : i32
    "tpu.region"() ({
      %run_scoped3A = tpu.sem_alloc : memref<!tpu.dma_semaphore, #tpu.memory_space<semaphore_mem>>
      %dma_start3A = arith.constant 0 : i32
      %dma_start3A_64 = tpu.memref_slice %arg15[%add3A_23, %dma_start3A] : memref<10240x128xf32, #tpu.memory_space<vmem_shared>> -> memref<32x128xf32, #tpu.memory_space<vmem_shared>>
      %dma_start3A_65 = arith.constant 0 : i32
      %dma_start3A_66 = tpu.memref_slice %arg15[%add3A_23, %dma_start3A_65] : memref<10240x128xf32, #tpu.memory_space<vmem_shared>> -> memref<32x128xf32, #tpu.memory_space<vmem_shared>>
      tpu.enqueue_dma source(%arg14 : memref<32x128xf32, #tpu.memory_space<vmem>>) target(%dma_start3A_66 : memref<32x128xf32, #tpu.memory_space<vmem_shared>>) target_semaphore(%run_scoped3A : memref<!tpu.dma_semaphore, #tpu.memory_space<semaphore_mem>>)
      %dma_wait3A = arith.constant 0 : i32
      %dma_wait3A_67 = tpu.memref_slice %arg15[%add3A_23, %dma_wait3A] : memref<10240x128xf32, #tpu.memory_space<vmem_shared>> -> memref<32x128xf32, #tpu.memory_space<vmem_shared>>
      %dma_wait3A_68 = arith.constant 0 : i32
      %dma_wait3A_69 = tpu.memref_slice %arg15[%add3A_23, %dma_wait3A_68] : memref<10240x128xf32, #tpu.memory_space<vmem_shared>> -> memref<32x128xf32, #tpu.memory_space<vmem_shared>>
      tpu.wait_dma2 semaphore(%run_scoped3A : memref<!tpu.dma_semaphore, #tpu.memory_space<semaphore_mem>>) src(%arg14 : memref<32x128xf32, #tpu.memory_space<vmem>>) dst(%dma_wait3A_69 : memref<32x128xf32, #tpu.memory_space<vmem_shared>>)
      tpu.yield
    }) : () -> ()
    %add3A_24 = arith.constant 288 : i32
    %add3A_25 = arith.addi %mul3A_0, %add3A_24 : i32
    "tpu.region"() ({
      %run_scoped3A = tpu.sem_alloc : memref<!tpu.dma_semaphore, #tpu.memory_space<semaphore_mem>>
      %dma_start3A = arith.constant 0 : i32
      %dma_start3A_64 = tpu.memref_slice %arg15[%add3A_25, %dma_start3A] : memref<10240x128xf32, #tpu.memory_space<vmem_shared>> -> memref<32x128xf32, #tpu.memory_space<vmem_shared>>
      %dma_start3A_65 = arith.constant 0 : i32
      %dma_start3A_66 = tpu.memref_slice %arg15[%add3A_25, %dma_start3A_65] : memref<10240x128xf32, #tpu.memory_space<vmem_shared>> -> memref<32x128xf32, #tpu.memory_space<vmem_shared>>
      tpu.enqueue_dma source(%arg14 : memref<32x128xf32, #tpu.memory_space<vmem>>) target(%dma_start3A_66 : memref<32x128xf32, #tpu.memory_space<vmem_shared>>) target_semaphore(%run_scoped3A : memref<!tpu.dma_semaphore, #tpu.memory_space<semaphore_mem>>)
      %dma_wait3A = arith.constant 0 : i32
      %dma_wait3A_67 = tpu.memref_slice %arg15[%add3A_25, %dma_wait3A] : memref<10240x128xf32, #tpu.memory_space<vmem_shared>> -> memref<32x128xf32, #tpu.memory_space<vmem_shared>>
      %dma_wait3A_68 = arith.constant 0 : i32
      %dma_wait3A_69 = tpu.memref_slice %arg15[%add3A_25, %dma_wait3A_68] : memref<10240x128xf32, #tpu.memory_space<vmem_shared>> -> memref<32x128xf32, #tpu.memory_space<vmem_shared>>
      tpu.wait_dma2 semaphore(%run_scoped3A : memref<!tpu.dma_semaphore, #tpu.memory_space<semaphore_mem>>) src(%arg14 : memref<32x128xf32, #tpu.memory_space<vmem>>) dst(%dma_wait3A_69 : memref<32x128xf32, #tpu.memory_space<vmem_shared>>)
      tpu.yield
    }) : () -> ()
    %add3A_26 = arith.constant 320 : i32
    %add3A_27 = arith.addi %mul3A_0, %add3A_26 : i32
    "tpu.region"() ({
      %run_scoped3A = tpu.sem_alloc : memref<!tpu.dma_semaphore, #tpu.memory_space<semaphore_mem>>
      %dma_start3A = arith.constant 0 : i32
      %dma_start3A_64 = tpu.memref_slice %arg15[%add3A_27, %dma_start3A] : memref<10240x128xf32, #tpu.memory_space<vmem_shared>> -> memref<32x128xf32, #tpu.memory_space<vmem_shared>>
      %dma_start3A_65 = arith.constant 0 : i32
      %dma_start3A_66 = tpu.memref_slice %arg15[%add3A_27, %dma_start3A_65] : memref<10240x128xf32, #tpu.memory_space<vmem_shared>> -> memref<32x128xf32, #tpu.memory_space<vmem_shared>>
      tpu.enqueue_dma source(%arg14 : memref<32x128xf32, #tpu.memory_space<vmem>>) target(%dma_start3A_66 : memref<32x128xf32, #tpu.memory_space<vmem_shared>>) target_semaphore(%run_scoped3A : memref<!tpu.dma_semaphore, #tpu.memory_space<semaphore_mem>>)
      %dma_wait3A = arith.constant 0 : i32
      %dma_wait3A_67 = tpu.memref_slice %arg15[%add3A_27, %dma_wait3A] : memref<10240x128xf32, #tpu.memory_space<vmem_shared>> -> memref<32x128xf32, #tpu.memory_space<vmem_shared>>
      %dma_wait3A_68 = arith.constant 0 : i32
      %dma_wait3A_69 = tpu.memref_slice %arg15[%add3A_27, %dma_wait3A_68] : memref<10240x128xf32, #tpu.memory_space<vmem_shared>> -> memref<32x128xf32, #tpu.memory_space<vmem_shared>>
      tpu.wait_dma2 semaphore(%run_scoped3A : memref<!tpu.dma_semaphore, #tpu.memory_space<semaphore_mem>>) src(%arg14 : memref<32x128xf32, #tpu.memory_space<vmem>>) dst(%dma_wait3A_69 : memref<32x128xf32, #tpu.memory_space<vmem_shared>>)
      tpu.yield
    }) : () -> ()
    %add3A_28 = arith.constant 352 : i32
    %add3A_29 = arith.addi %mul3A_0, %add3A_28 : i32
    "tpu.region"() ({
      %run_scoped3A = tpu.sem_alloc : memref<!tpu.dma_semaphore, #tpu.memory_space<semaphore_mem>>
      %dma_start3A = arith.constant 0 : i32
      %dma_start3A_64 = tpu.memref_slice %arg15[%add3A_29, %dma_start3A] : memref<10240x128xf32, #tpu.memory_space<vmem_shared>> -> memref<32x128xf32, #tpu.memory_space<vmem_shared>>
      %dma_start3A_65 = arith.constant 0 : i32
      %dma_start3A_66 = tpu.memref_slice %arg15[%add3A_29, %dma_start3A_65] : memref<10240x128xf32, #tpu.memory_space<vmem_shared>> -> memref<32x128xf32, #tpu.memory_space<vmem_shared>>
      tpu.enqueue_dma source(%arg14 : memref<32x128xf32, #tpu.memory_space<vmem>>) target(%dma_start3A_66 : memref<32x128xf32, #tpu.memory_space<vmem_shared>>) target_semaphore(%run_scoped3A : memref<!tpu.dma_semaphore, #tpu.memory_space<semaphore_mem>>)
      %dma_wait3A = arith.constant 0 : i32
      %dma_wait3A_67 = tpu.memref_slice %arg15[%add3A_29, %dma_wait3A] : memref<10240x128xf32, #tpu.memory_space<vmem_shared>> -> memref<32x128xf32, #tpu.memory_space<vmem_shared>>
      %dma_wait3A_68 = arith.constant 0 : i32
      %dma_wait3A_69 = tpu.memref_slice %arg15[%add3A_29, %dma_wait3A_68] : memref<10240x128xf32, #tpu.memory_space<vmem_shared>> -> memref<32x128xf32, #tpu.memory_space<vmem_shared>>
      tpu.wait_dma2 semaphore(%run_scoped3A : memref<!tpu.dma_semaphore, #tpu.memory_space<semaphore_mem>>) src(%arg14 : memref<32x128xf32, #tpu.memory_space<vmem>>) dst(%dma_wait3A_69 : memref<32x128xf32, #tpu.memory_space<vmem_shared>>)
      tpu.yield
    }) : () -> ()
    %add3A_30 = arith.constant 384 : i32
    %add3A_31 = arith.addi %mul3A_0, %add3A_30 : i32
    "tpu.region"() ({
      %run_scoped3A = tpu.sem_alloc : memref<!tpu.dma_semaphore, #tpu.memory_space<semaphore_mem>>
      %dma_start3A = arith.constant 0 : i32
      %dma_start3A_64 = tpu.memref_slice %arg15[%add3A_31, %dma_start3A] : memref<10240x128xf32, #tpu.memory_space<vmem_shared>> -> memref<32x128xf32, #tpu.memory_space<vmem_shared>>
      %dma_start3A_65 = arith.constant 0 : i32
      %dma_start3A_66 = tpu.memref_slice %arg15[%add3A_31, %dma_start3A_65] : memref<10240x128xf32, #tpu.memory_space<vmem_shared>> -> memref<32x128xf32, #tpu.memory_space<vmem_shared>>
      tpu.enqueue_dma source(%arg14 : memref<32x128xf32, #tpu.memory_space<vmem>>) target(%dma_start3A_66 : memref<32x128xf32, #tpu.memory_space<vmem_shared>>) target_semaphore(%run_scoped3A : memref<!tpu.dma_semaphore, #tpu.memory_space<semaphore_mem>>)
      %dma_wait3A = arith.constant 0 : i32
      %dma_wait3A_67 = tpu.memref_slice %arg15[%add3A_31, %dma_wait3A] : memref<10240x128xf32, #tpu.memory_space<vmem_shared>> -> memref<32x128xf32, #tpu.memory_space<vmem_shared>>
      %dma_wait3A_68 = arith.constant 0 : i32
      %dma_wait3A_69 = tpu.memref_slice %arg15[%add3A_31, %dma_wait3A_68] : memref<10240x128xf32, #tpu.memory_space<vmem_shared>> -> memref<32x128xf32, #tpu.memory_space<vmem_shared>>
      tpu.wait_dma2 semaphore(%run_scoped3A : memref<!tpu.dma_semaphore, #tpu.memory_space<semaphore_mem>>) src(%arg14 : memref<32x128xf32, #tpu.memory_space<vmem>>) dst(%dma_wait3A_69 : memref<32x128xf32, #tpu.memory_space<vmem_shared>>)
      tpu.yield
    }) : () -> ()
    %add3A_32 = arith.constant 416 : i32
    %add3A_33 = arith.addi %mul3A_0, %add3A_32 : i32
    "tpu.region"() ({
      %run_scoped3A = tpu.sem_alloc : memref<!tpu.dma_semaphore, #tpu.memory_space<semaphore_mem>>
      %dma_start3A = arith.constant 0 : i32
      %dma_start3A_64 = tpu.memref_slice %arg15[%add3A_33, %dma_start3A] : memref<10240x128xf32, #tpu.memory_space<vmem_shared>> -> memref<32x128xf32, #tpu.memory_space<vmem_shared>>
      %dma_start3A_65 = arith.constant 0 : i32
      %dma_start3A_66 = tpu.memref_slice %arg15[%add3A_33, %dma_start3A_65] : memref<10240x128xf32, #tpu.memory_space<vmem_shared>> -> memref<32x128xf32, #tpu.memory_space<vmem_shared>>
      tpu.enqueue_dma source(%arg14 : memref<32x128xf32, #tpu.memory_space<vmem>>) target(%dma_start3A_66 : memref<32x128xf32, #tpu.memory_space<vmem_shared>>) target_semaphore(%run_scoped3A : memref<!tpu.dma_semaphore, #tpu.memory_space<semaphore_mem>>)
      %dma_wait3A = arith.constant 0 : i32
      %dma_wait3A_67 = tpu.memref_slice %arg15[%add3A_33, %dma_wait3A] : memref<10240x128xf32, #tpu.memory_space<vmem_shared>> -> memref<32x128xf32, #tpu.memory_space<vmem_shared>>
      %dma_wait3A_68 = arith.constant 0 : i32
      %dma_wait3A_69 = tpu.memref_slice %arg15[%add3A_33, %dma_wait3A_68] : memref<10240x128xf32, #tpu.memory_space<vmem_shared>> -> memref<32x128xf32, #tpu.memory_space<vmem_shared>>
      tpu.wait_dma2 semaphore(%run_scoped3A : memref<!tpu.dma_semaphore, #tpu.memory_space<semaphore_mem>>) src(%arg14 : memref<32x128xf32, #tpu.memory_space<vmem>>) dst(%dma_wait3A_69 : memref<32x128xf32, #tpu.memory_space<vmem_shared>>)
      tpu.yield
    }) : () -> ()
    %add3A_34 = arith.constant 448 : i32
    %add3A_35 = arith.addi %mul3A_0, %add3A_34 : i32
    "tpu.region"() ({
      %run_scoped3A = tpu.sem_alloc : memref<!tpu.dma_semaphore, #tpu.memory_space<semaphore_mem>>
      %dma_start3A = arith.constant 0 : i32
      %dma_start3A_64 = tpu.memref_slice %arg15[%add3A_35, %dma_start3A] : memref<10240x128xf32, #tpu.memory_space<vmem_shared>> -> memref<32x128xf32, #tpu.memory_space<vmem_shared>>
      %dma_start3A_65 = arith.constant 0 : i32
      %dma_start3A_66 = tpu.memref_slice %arg15[%add3A_35, %dma_start3A_65] : memref<10240x128xf32, #tpu.memory_space<vmem_shared>> -> memref<32x128xf32, #tpu.memory_space<vmem_shared>>
      tpu.enqueue_dma source(%arg14 : memref<32x128xf32, #tpu.memory_space<vmem>>) target(%dma_start3A_66 : memref<32x128xf32, #tpu.memory_space<vmem_shared>>) target_semaphore(%run_scoped3A : memref<!tpu.dma_semaphore, #tpu.memory_space<semaphore_mem>>)
      %dma_wait3A = arith.constant 0 : i32
      %dma_wait3A_67 = tpu.memref_slice %arg15[%add3A_35, %dma_wait3A] : memref<10240x128xf32, #tpu.memory_space<vmem_shared>> -> memref<32x128xf32, #tpu.memory_space<vmem_shared>>
      %dma_wait3A_68 = arith.constant 0 : i32
      %dma_wait3A_69 = tpu.memref_slice %arg15[%add3A_35, %dma_wait3A_68] : memref<10240x128xf32, #tpu.memory_space<vmem_shared>> -> memref<32x128xf32, #tpu.memory_space<vmem_shared>>
      tpu.wait_dma2 semaphore(%run_scoped3A : memref<!tpu.dma_semaphore, #tpu.memory_space<semaphore_mem>>) src(%arg14 : memref<32x128xf32, #tpu.memory_space<vmem>>) dst(%dma_wait3A_69 : memref<32x128xf32, #tpu.memory_space<vmem_shared>>)
      tpu.yield
    }) : () -> ()
    %add3A_36 = arith.constant 480 : i32
    %add3A_37 = arith.addi %mul3A_0, %add3A_36 : i32
    "tpu.region"() ({
      %run_scoped3A = tpu.sem_alloc : memref<!tpu.dma_semaphore, #tpu.memory_space<semaphore_mem>>
      %dma_start3A = arith.constant 0 : i32
      %dma_start3A_64 = tpu.memref_slice %arg15[%add3A_37, %dma_start3A] : memref<10240x128xf32, #tpu.memory_space<vmem_shared>> -> memref<32x128xf32, #tpu.memory_space<vmem_shared>>
      %dma_start3A_65 = arith.constant 0 : i32
      %dma_start3A_66 = tpu.memref_slice %arg15[%add3A_37, %dma_start3A_65] : memref<10240x128xf32, #tpu.memory_space<vmem_shared>> -> memref<32x128xf32, #tpu.memory_space<vmem_shared>>
      tpu.enqueue_dma source(%arg14 : memref<32x128xf32, #tpu.memory_space<vmem>>) target(%dma_start3A_66 : memref<32x128xf32, #tpu.memory_space<vmem_shared>>) target_semaphore(%run_scoped3A : memref<!tpu.dma_semaphore, #tpu.memory_space<semaphore_mem>>)
      %dma_wait3A = arith.constant 0 : i32
      %dma_wait3A_67 = tpu.memref_slice %arg15[%add3A_37, %dma_wait3A] : memref<10240x128xf32, #tpu.memory_space<vmem_shared>> -> memref<32x128xf32, #tpu.memory_space<vmem_shared>>
      %dma_wait3A_68 = arith.constant 0 : i32
      %dma_wait3A_69 = tpu.memref_slice %arg15[%add3A_37, %dma_wait3A_68] : memref<10240x128xf32, #tpu.memory_space<vmem_shared>> -> memref<32x128xf32, #tpu.memory_space<vmem_shared>>
      tpu.wait_dma2 semaphore(%run_scoped3A : memref<!tpu.dma_semaphore, #tpu.memory_space<semaphore_mem>>) src(%arg14 : memref<32x128xf32, #tpu.memory_space<vmem>>) dst(%dma_wait3A_69 : memref<32x128xf32, #tpu.memory_space<vmem_shared>>)
      tpu.yield
    }) : () -> ()
    %add3A_38 = arith.constant 512 : i32
    %add3A_39 = arith.addi %mul3A_0, %add3A_38 : i32
    "tpu.region"() ({
      %run_scoped3A = tpu.sem_alloc : memref<!tpu.dma_semaphore, #tpu.memory_space<semaphore_mem>>
      %dma_start3A = arith.constant 0 : i32
      %dma_start3A_64 = tpu.memref_slice %arg15[%add3A_39, %dma_start3A] : memref<10240x128xf32, #tpu.memory_space<vmem_shared>> -> memref<32x128xf32, #tpu.memory_space<vmem_shared>>
      %dma_start3A_65 = arith.constant 0 : i32
      %dma_start3A_66 = tpu.memref_slice %arg15[%add3A_39, %dma_start3A_65] : memref<10240x128xf32, #tpu.memory_space<vmem_shared>> -> memref<32x128xf32, #tpu.memory_space<vmem_shared>>
      tpu.enqueue_dma source(%arg14 : memref<32x128xf32, #tpu.memory_space<vmem>>) target(%dma_start3A_66 : memref<32x128xf32, #tpu.memory_space<vmem_shared>>) target_semaphore(%run_scoped3A : memref<!tpu.dma_semaphore, #tpu.memory_space<semaphore_mem>>)
      %dma_wait3A = arith.constant 0 : i32
      %dma_wait3A_67 = tpu.memref_slice %arg15[%add3A_39, %dma_wait3A] : memref<10240x128xf32, #tpu.memory_space<vmem_shared>> -> memref<32x128xf32, #tpu.memory_space<vmem_shared>>
      %dma_wait3A_68 = arith.constant 0 : i32
      %dma_wait3A_69 = tpu.memref_slice %arg15[%add3A_39, %dma_wait3A_68] : memref<10240x128xf32, #tpu.memory_space<vmem_shared>> -> memref<32x128xf32, #tpu.memory_space<vmem_shared>>
      tpu.wait_dma2 semaphore(%run_scoped3A : memref<!tpu.dma_semaphore, #tpu.memory_space<semaphore_mem>>) src(%arg14 : memref<32x128xf32, #tpu.memory_space<vmem>>) dst(%dma_wait3A_69 : memref<32x128xf32, #tpu.memory_space<vmem_shared>>)
      tpu.yield
    }) : () -> ()
    %add3A_40 = arith.constant 544 : i32
    %add3A_41 = arith.addi %mul3A_0, %add3A_40 : i32
    "tpu.region"() ({
      %run_scoped3A = tpu.sem_alloc : memref<!tpu.dma_semaphore, #tpu.memory_space<semaphore_mem>>
      %dma_start3A = arith.constant 0 : i32
      %dma_start3A_64 = tpu.memref_slice %arg15[%add3A_41, %dma_start3A] : memref<10240x128xf32, #tpu.memory_space<vmem_shared>> -> memref<32x128xf32, #tpu.memory_space<vmem_shared>>
      %dma_start3A_65 = arith.constant 0 : i32
      %dma_start3A_66 = tpu.memref_slice %arg15[%add3A_41, %dma_start3A_65] : memref<10240x128xf32, #tpu.memory_space<vmem_shared>> -> memref<32x128xf32, #tpu.memory_space<vmem_shared>>
      tpu.enqueue_dma source(%arg14 : memref<32x128xf32, #tpu.memory_space<vmem>>) target(%dma_start3A_66 : memref<32x128xf32, #tpu.memory_space<vmem_shared>>) target_semaphore(%run_scoped3A : memref<!tpu.dma_semaphore, #tpu.memory_space<semaphore_mem>>)
      %dma_wait3A = arith.constant 0 : i32
      %dma_wait3A_67 = tpu.memref_slice %arg15[%add3A_41, %dma_wait3A] : memref<10240x128xf32, #tpu.memory_space<vmem_shared>> -> memref<32x128xf32, #tpu.memory_space<vmem_shared>>
      %dma_wait3A_68 = arith.constant 0 : i32
      %dma_wait3A_69 = tpu.memref_slice %arg15[%add3A_41, %dma_wait3A_68] : memref<10240x128xf32, #tpu.memory_space<vmem_shared>> -> memref<32x128xf32, #tpu.memory_space<vmem_shared>>
      tpu.wait_dma2 semaphore(%run_scoped3A : memref<!tpu.dma_semaphore, #tpu.memory_space<semaphore_mem>>) src(%arg14 : memref<32x128xf32, #tpu.memory_space<vmem>>) dst(%dma_wait3A_69 : memref<32x128xf32, #tpu.memory_space<vmem_shared>>)
      tpu.yield
    }) : () -> ()
    %add3A_42 = arith.constant 576 : i32
    %add3A_43 = arith.addi %mul3A_0, %add3A_42 : i32
    "tpu.region"() ({
      %run_scoped3A = tpu.sem_alloc : memref<!tpu.dma_semaphore, #tpu.memory_space<semaphore_mem>>
      %dma_start3A = arith.constant 0 : i32
      %dma_start3A_64 = tpu.memref_slice %arg15[%add3A_43, %dma_start3A] : memref<10240x128xf32, #tpu.memory_space<vmem_shared>> -> memref<32x128xf32, #tpu.memory_space<vmem_shared>>
      %dma_start3A_65 = arith.constant 0 : i32
      %dma_start3A_66 = tpu.memref_slice %arg15[%add3A_43, %dma_start3A_65] : memref<10240x128xf32, #tpu.memory_space<vmem_shared>> -> memref<32x128xf32, #tpu.memory_space<vmem_shared>>
      tpu.enqueue_dma source(%arg14 : memref<32x128xf32, #tpu.memory_space<vmem>>) target(%dma_start3A_66 : memref<32x128xf32, #tpu.memory_space<vmem_shared>>) target_semaphore(%run_scoped3A : memref<!tpu.dma_semaphore, #tpu.memory_space<semaphore_mem>>)
      %dma_wait3A = arith.constant 0 : i32
      %dma_wait3A_67 = tpu.memref_slice %arg15[%add3A_43, %dma_wait3A] : memref<10240x128xf32, #tpu.memory_space<vmem_shared>> -> memref<32x128xf32, #tpu.memory_space<vmem_shared>>
      %dma_wait3A_68 = arith.constant 0 : i32
      %dma_wait3A_69 = tpu.memref_slice %arg15[%add3A_43, %dma_wait3A_68] : memref<10240x128xf32, #tpu.memory_space<vmem_shared>> -> memref<32x128xf32, #tpu.memory_space<vmem_shared>>
      tpu.wait_dma2 semaphore(%run_scoped3A : memref<!tpu.dma_semaphore, #tpu.memory_space<semaphore_mem>>) src(%arg14 : memref<32x128xf32, #tpu.memory_space<vmem>>) dst(%dma_wait3A_69 : memref<32x128xf32, #tpu.memory_space<vmem_shared>>)
      tpu.yield
    }) : () -> ()
    %add3A_44 = arith.constant 608 : i32
    %add3A_45 = arith.addi %mul3A_0, %add3A_44 : i32
    "tpu.region"() ({
      %run_scoped3A = tpu.sem_alloc : memref<!tpu.dma_semaphore, #tpu.memory_space<semaphore_mem>>
      %dma_start3A = arith.constant 0 : i32
      %dma_start3A_64 = tpu.memref_slice %arg15[%add3A_45, %dma_start3A] : memref<10240x128xf32, #tpu.memory_space<vmem_shared>> -> memref<32x128xf32, #tpu.memory_space<vmem_shared>>
      %dma_start3A_65 = arith.constant 0 : i32
      %dma_start3A_66 = tpu.memref_slice %arg15[%add3A_45, %dma_start3A_65] : memref<10240x128xf32, #tpu.memory_space<vmem_shared>> -> memref<32x128xf32, #tpu.memory_space<vmem_shared>>
      tpu.enqueue_dma source(%arg14 : memref<32x128xf32, #tpu.memory_space<vmem>>) target(%dma_start3A_66 : memref<32x128xf32, #tpu.memory_space<vmem_shared>>) target_semaphore(%run_scoped3A : memref<!tpu.dma_semaphore, #tpu.memory_space<semaphore_mem>>)
      %dma_wait3A = arith.constant 0 : i32
      %dma_wait3A_67 = tpu.memref_slice %arg15[%add3A_45, %dma_wait3A] : memref<10240x128xf32, #tpu.memory_space<vmem_shared>> -> memref<32x128xf32, #tpu.memory_space<vmem_shared>>
      %dma_wait3A_68 = arith.constant 0 : i32
      %dma_wait3A_69 = tpu.memref_slice %arg15[%add3A_45, %dma_wait3A_68] : memref<10240x128xf32, #tpu.memory_space<vmem_shared>> -> memref<32x128xf32, #tpu.memory_space<vmem_shared>>
      tpu.wait_dma2 semaphore(%run_scoped3A : memref<!tpu.dma_semaphore, #tpu.memory_space<semaphore_mem>>) src(%arg14 : memref<32x128xf32, #tpu.memory_space<vmem>>) dst(%dma_wait3A_69 : memref<32x128xf32, #tpu.memory_space<vmem_shared>>)
      tpu.yield
    }) : () -> ()
    %barrier3A = arith.constant 0 : index
    tpu.barrier barrier_id(%barrier3A)
    %eq3A = arith.constant 0 : i32
    %eq3A_46 = arith.cmpi eq, %arg0, %eq3A : i32
    %convert_element_type3A = arith.extui %eq3A_46 : i1 to i32
    %cond3A = arith.constant 0 : i32
    %cond3A_47 = arith.cmpi ne, %convert_element_type3A, %cond3A : i32
    scf.if %cond3A_47 {
      %mul3A_64 = arith.constant 20160 : i32
      %mul3A_65 = arith.muli %arg1, %mul3A_64 : i32
      %scan3A_66 = arith.constant 0 : i32
      %scan3A_67 = arith.constant 0 : i32
      %scan3A_68 = arith.constant 18 : i32
      %scan3A_69 = arith.addi %scan3A_67, %scan3A_68 : i32
      %scan3A_70 = arith.constant 1 : i32
      scf.for %scan3A_72 = %scan3A_67 to %scan3A_69 step %scan3A_70  : i32 {
        %mul3A_73 = arith.constant 1120 : i32
        %mul3A_74 = arith.muli %scan3A_72, %mul3A_73 : i32
        %add3A_75 = arith.addi %mul3A_65, %mul3A_74 : i32
        "tpu.region"() ({
          %run_scoped3A = tpu.sem_alloc : memref<!tpu.dma_semaphore, #tpu.memory_space<semaphore_mem>>
          %dma_start3A_174 = tpu.memref_slice %arg4[%add3A_75] : memref<322560xi32, #tpu.memory_space<hbm>> -> memref<1120xi32, #tpu.memory_space<hbm>>
          %dma_start3A_175 = tpu.memref_slice %arg4[%add3A_75] : memref<322560xi32, #tpu.memory_space<hbm>> -> memref<1120xi32, #tpu.memory_space<hbm>>
          tpu.enqueue_dma source(%dma_start3A_175 : memref<1120xi32, #tpu.memory_space<hbm>>) target(%arg10 : memref<1120xi32, #tpu.memory_space<vmem>>) target_semaphore(%run_scoped3A : memref<!tpu.dma_semaphore, #tpu.memory_space<semaphore_mem>>)
          %dma_wait3A_176 = tpu.memref_slice %arg4[%add3A_75] : memref<322560xi32, #tpu.memory_space<hbm>> -> memref<1120xi32, #tpu.memory_space<hbm>>
          %dma_wait3A_177 = tpu.memref_slice %arg4[%add3A_75] : memref<322560xi32, #tpu.memory_space<hbm>> -> memref<1120xi32, #tpu.memory_space<hbm>>
          tpu.wait_dma2 semaphore(%run_scoped3A : memref<!tpu.dma_semaphore, #tpu.memory_space<semaphore_mem>>) src(%dma_wait3A_177 : memref<1120xi32, #tpu.memory_space<hbm>>) dst(%arg10 : memref<1120xi32, #tpu.memory_space<vmem>>)
          tpu.yield
        }) : () -> ()
        "tpu.region"() ({
          %run_scoped3A = tpu.sem_alloc : memref<!tpu.dma_semaphore, #tpu.memory_space<semaphore_mem>>
          %dma_start3A_174 = tpu.memref_slice %arg7[%add3A_75] : memref<322560xi32, #tpu.memory_space<hbm>> -> memref<1120xi32, #tpu.memory_space<hbm>>
          %dma_start3A_175 = tpu.memref_slice %arg7[%add3A_75] : memref<322560xi32, #tpu.memory_space<hbm>> -> memref<1120xi32, #tpu.memory_space<hbm>>
          tpu.enqueue_dma source(%dma_start3A_175 : memref<1120xi32, #tpu.memory_space<hbm>>) target(%arg11 : memref<1120xi32, #tpu.memory_space<vmem>>) target_semaphore(%run_scoped3A : memref<!tpu.dma_semaphore, #tpu.memory_space<semaphore_mem>>)
          %dma_wait3A_176 = tpu.memref_slice %arg7[%add3A_75] : memref<322560xi32, #tpu.memory_space<hbm>> -> memref<1120xi32, #tpu.memory_space<hbm>>
          %dma_wait3A_177 = tpu.memref_slice %arg7[%add3A_75] : memref<322560xi32, #tpu.memory_space<hbm>> -> memref<1120xi32, #tpu.memory_space<hbm>>
          tpu.wait_dma2 semaphore(%run_scoped3A : memref<!tpu.dma_semaphore, #tpu.memory_space<semaphore_mem>>) src(%dma_wait3A_177 : memref<1120xi32, #tpu.memory_space<hbm>>) dst(%arg11 : memref<1120xi32, #tpu.memory_space<vmem>>)
          tpu.yield
        }) : () -> ()
        %dma_start3A = arith.constant 0 : i32
        %dma_start3A_76 = tpu.memref_slice %arg10[%dma_start3A] : memref<1120xi32, #tpu.memory_space<vmem>> -> memref<112xi32, #tpu.memory_space<vmem>>
        %dma_start3A_77 = arith.constant 0 : i32
        %dma_start3A_78 = arith.constant 0 : i32
        %dma_start3A_79 = tpu.memref_slice %arg2[%dma_start3A_77, %dma_start3A_78] : memref<10240x128xf32, #tpu.memory_space<hbm>> -> memref<10240x128xf32, #tpu.memory_space<hbm>>
        tpu.enqueue_indirect_dma source(%dma_start3A_79 : memref<10240x128xf32, #tpu.memory_space<hbm>>) target(%arg12 : memref<112x128xf32, #tpu.memory_space<vmem>>) offsets(%dma_start3A_76 : memref<112xi32, #tpu.memory_space<vmem>>) semaphore(%arg16 : memref<!tpu.dma_semaphore, #tpu.memory_space<semaphore_mem>>)
        %dma_start3A_80 = arith.constant 112 : i32
        %dma_start3A_81 = tpu.memref_slice %arg10[%dma_start3A_80] : memref<1120xi32, #tpu.memory_space<vmem>> -> memref<112xi32, #tpu.memory_space<vmem>>
        %dma_start3A_82 = arith.constant 0 : i32
        %dma_start3A_83 = arith.constant 0 : i32
        %dma_start3A_84 = tpu.memref_slice %arg2[%dma_start3A_82, %dma_start3A_83] : memref<10240x128xf32, #tpu.memory_space<hbm>> -> memref<10240x128xf32, #tpu.memory_space<hbm>>
        tpu.enqueue_indirect_dma source(%dma_start3A_84 : memref<10240x128xf32, #tpu.memory_space<hbm>>) target(%arg13 : memref<112x128xf32, #tpu.memory_space<vmem>>) offsets(%dma_start3A_81 : memref<112xi32, #tpu.memory_space<vmem>>) semaphore(%arg17 : memref<!tpu.dma_semaphore, #tpu.memory_space<semaphore_mem>>)
        %dma_wait3A = arith.constant 0 : i32
        %dma_wait3A_85 = tpu.memref_slice %arg10[%dma_wait3A] : memref<1120xi32, #tpu.memory_space<vmem>> -> memref<112xi32, #tpu.memory_space<vmem>>
        %dma_wait3A_86 = arith.constant 0 : i32
        %dma_wait3A_87 = arith.constant 0 : i32
        %dma_wait3A_88 = tpu.memref_slice %arg2[%dma_wait3A_86, %dma_wait3A_87] : memref<10240x128xf32, #tpu.memory_space<hbm>> -> memref<10240x128xf32, #tpu.memory_space<hbm>>
        tpu.wait_indirect_dma semaphore(%arg16 : memref<!tpu.dma_semaphore, #tpu.memory_space<semaphore_mem>>) src(%dma_wait3A_88 : memref<10240x128xf32, #tpu.memory_space<hbm>>) dst(%arg12 : memref<112x128xf32, #tpu.memory_space<vmem>>)
        "tpu.region"() ({
          %run_scoped3A = tpu.sem_alloc : memref<!tpu.dma_semaphore, #tpu.memory_space<semaphore_mem>>
          %dma_start3A_174 = arith.constant 0 : i32
          %dma_start3A_175 = tpu.memref_slice %arg11[%dma_start3A_174] : memref<1120xi32, #tpu.memory_space<vmem>> -> memref<112xi32, #tpu.memory_space<vmem>>
          %dma_start3A_176 = arith.constant 0 : i32
          %dma_start3A_177 = arith.constant 0 : i32
          %dma_start3A_178 = tpu.memref_slice %arg15[%dma_start3A_176, %dma_start3A_177] : memref<10240x128xf32, #tpu.memory_space<vmem_shared>> -> memref<10240x128xf32, #tpu.memory_space<vmem_shared>>
          tpu.enqueue_indirect_dma source(%arg12 : memref<112x128xf32, #tpu.memory_space<vmem>>) target(%dma_start3A_178 : memref<10240x128xf32, #tpu.memory_space<vmem_shared>>) offsets(%dma_start3A_175 : memref<112xi32, #tpu.memory_space<vmem>>) semaphore(%run_scoped3A : memref<!tpu.dma_semaphore, #tpu.memory_space<semaphore_mem>>) {add = true}
          %dma_wait3A_179 = arith.constant 0 : i32
          %dma_wait3A_180 = tpu.memref_slice %arg11[%dma_wait3A_179] : memref<1120xi32, #tpu.memory_space<vmem>> -> memref<112xi32, #tpu.memory_space<vmem>>
          %dma_wait3A_181 = arith.constant 0 : i32
          %dma_wait3A_182 = arith.constant 0 : i32
          %dma_wait3A_183 = tpu.memref_slice %arg15[%dma_wait3A_181, %dma_wait3A_182] : memref<10240x128xf32, #tpu.memory_space<vmem_shared>> -> memref<10240x128xf32, #tpu.memory_space<vmem_shared>>
          tpu.wait_indirect_dma semaphore(%run_scoped3A : memref<!tpu.dma_semaphore, #tpu.memory_space<semaphore_mem>>) src(%arg12 : memref<112x128xf32, #tpu.memory_space<vmem>>) dst(%dma_wait3A_183 : memref<10240x128xf32, #tpu.memory_space<vmem_shared>>)
          tpu.yield
        }) : () -> ()
        %dma_start3A_89 = arith.constant 224 : i32
        %dma_start3A_90 = tpu.memref_slice %arg10[%dma_start3A_89] : memref<1120xi32, #tpu.memory_space<vmem>> -> memref<112xi32, #tpu.memory_space<vmem>>
        %dma_start3A_91 = arith.constant 0 : i32
        %dma_start3A_92 = arith.constant 0 : i32
        %dma_start3A_93 = tpu.memref_slice %arg2[%dma_start3A_91, %dma_start3A_92] : memref<10240x128xf32, #tpu.memory_space<hbm>> -> memref<10240x128xf32, #tpu.memory_space<hbm>>
        tpu.enqueue_indirect_dma source(%dma_start3A_93 : memref<10240x128xf32, #tpu.memory_space<hbm>>) target(%arg12 : memref<112x128xf32, #tpu.memory_space<vmem>>) offsets(%dma_start3A_90 : memref<112xi32, #tpu.memory_space<vmem>>) semaphore(%arg16 : memref<!tpu.dma_semaphore, #tpu.memory_space<semaphore_mem>>)
        %dma_wait3A_94 = arith.constant 112 : i32
        %dma_wait3A_95 = tpu.memref_slice %arg10[%dma_wait3A_94] : memref<1120xi32, #tpu.memory_space<vmem>> -> memref<112xi32, #tpu.memory_space<vmem>>
        %dma_wait3A_96 = arith.constant 0 : i32
        %dma_wait3A_97 = arith.constant 0 : i32
        %dma_wait3A_98 = tpu.memref_slice %arg2[%dma_wait3A_96, %dma_wait3A_97] : memref<10240x128xf32, #tpu.memory_space<hbm>> -> memref<10240x128xf32, #tpu.memory_space<hbm>>
        tpu.wait_indirect_dma semaphore(%arg17 : memref<!tpu.dma_semaphore, #tpu.memory_space<semaphore_mem>>) src(%dma_wait3A_98 : memref<10240x128xf32, #tpu.memory_space<hbm>>) dst(%arg13 : memref<112x128xf32, #tpu.memory_space<vmem>>)
        "tpu.region"() ({
          %run_scoped3A = tpu.sem_alloc : memref<!tpu.dma_semaphore, #tpu.memory_space<semaphore_mem>>
          %dma_start3A_174 = arith.constant 112 : i32
          %dma_start3A_175 = tpu.memref_slice %arg11[%dma_start3A_174] : memref<1120xi32, #tpu.memory_space<vmem>> -> memref<112xi32, #tpu.memory_space<vmem>>
          %dma_start3A_176 = arith.constant 0 : i32
          %dma_start3A_177 = arith.constant 0 : i32
          %dma_start3A_178 = tpu.memref_slice %arg15[%dma_start3A_176, %dma_start3A_177] : memref<10240x128xf32, #tpu.memory_space<vmem_shared>> -> memref<10240x128xf32, #tpu.memory_space<vmem_shared>>
          tpu.enqueue_indirect_dma source(%arg13 : memref<112x128xf32, #tpu.memory_space<vmem>>) target(%dma_start3A_178 : memref<10240x128xf32, #tpu.memory_space<vmem_shared>>) offsets(%dma_start3A_175 : memref<112xi32, #tpu.memory_space<vmem>>) semaphore(%run_scoped3A : memref<!tpu.dma_semaphore, #tpu.memory_space<semaphore_mem>>) {add = true}
          %dma_wait3A_179 = arith.constant 112 : i32
          %dma_wait3A_180 = tpu.memref_slice %arg11[%dma_wait3A_179] : memref<1120xi32, #tpu.memory_space<vmem>> -> memref<112xi32, #tpu.memory_space<vmem>>
          %dma_wait3A_181 = arith.constant 0 : i32
          %dma_wait3A_182 = arith.constant 0 : i32
          %dma_wait3A_183 = tpu.memref_slice %arg15[%dma_wait3A_181, %dma_wait3A_182] : memref<10240x128xf32, #tpu.memory_space<vmem_shared>> -> memref<10240x128xf32, #tpu.memory_space<vmem_shared>>
          tpu.wait_indirect_dma semaphore(%run_scoped3A : memref<!tpu.dma_semaphore, #tpu.memory_space<semaphore_mem>>) src(%arg13 : memref<112x128xf32, #tpu.memory_space<vmem>>) dst(%dma_wait3A_183 : memref<10240x128xf32, #tpu.memory_space<vmem_shared>>)
          tpu.yield
        }) : () -> ()
        %dma_start3A_99 = arith.constant 336 : i32
        %dma_start3A_100 = tpu.memref_slice %arg10[%dma_start3A_99] : memref<1120xi32, #tpu.memory_space<vmem>> -> memref<112xi32, #tpu.memory_space<vmem>>
        %dma_start3A_101 = arith.constant 0 : i32
        %dma_start3A_102 = arith.constant 0 : i32
        %dma_start3A_103 = tpu.memref_slice %arg2[%dma_start3A_101, %dma_start3A_102] : memref<10240x128xf32, #tpu.memory_space<hbm>> -> memref<10240x128xf32, #tpu.memory_space<hbm>>
        tpu.enqueue_indirect_dma source(%dma_start3A_103 : memref<10240x128xf32, #tpu.memory_space<hbm>>) target(%arg13 : memref<112x128xf32, #tpu.memory_space<vmem>>) offsets(%dma_start3A_100 : memref<112xi32, #tpu.memory_space<vmem>>) semaphore(%arg17 : memref<!tpu.dma_semaphore, #tpu.memory_space<semaphore_mem>>)
        %dma_wait3A_104 = arith.constant 224 : i32
        %dma_wait3A_105 = tpu.memref_slice %arg10[%dma_wait3A_104] : memref<1120xi32, #tpu.memory_space<vmem>> -> memref<112xi32, #tpu.memory_space<vmem>>
        %dma_wait3A_106 = arith.constant 0 : i32
        %dma_wait3A_107 = arith.constant 0 : i32
        %dma_wait3A_108 = tpu.memref_slice %arg2[%dma_wait3A_106, %dma_wait3A_107] : memref<10240x128xf32, #tpu.memory_space<hbm>> -> memref<10240x128xf32, #tpu.memory_space<hbm>>
        tpu.wait_indirect_dma semaphore(%arg16 : memref<!tpu.dma_semaphore, #tpu.memory_space<semaphore_mem>>) src(%dma_wait3A_108 : memref<10240x128xf32, #tpu.memory_space<hbm>>) dst(%arg12 : memref<112x128xf32, #tpu.memory_space<vmem>>)
        "tpu.region"() ({
          %run_scoped3A = tpu.sem_alloc : memref<!tpu.dma_semaphore, #tpu.memory_space<semaphore_mem>>
          %dma_start3A_174 = arith.constant 224 : i32
          %dma_start3A_175 = tpu.memref_slice %arg11[%dma_start3A_174] : memref<1120xi32, #tpu.memory_space<vmem>> -> memref<112xi32, #tpu.memory_space<vmem>>
          %dma_start3A_176 = arith.constant 0 : i32
          %dma_start3A_177 = arith.constant 0 : i32
          %dma_start3A_178 = tpu.memref_slice %arg15[%dma_start3A_176, %dma_start3A_177] : memref<10240x128xf32, #tpu.memory_space<vmem_shared>> -> memref<10240x128xf32, #tpu.memory_space<vmem_shared>>
          tpu.enqueue_indirect_dma source(%arg12 : memref<112x128xf32, #tpu.memory_space<vmem>>) target(%dma_start3A_178 : memref<10240x128xf32, #tpu.memory_space<vmem_shared>>) offsets(%dma_start3A_175 : memref<112xi32, #tpu.memory_space<vmem>>) semaphore(%run_scoped3A : memref<!tpu.dma_semaphore, #tpu.memory_space<semaphore_mem>>) {add = true}
          %dma_wait3A_179 = arith.constant 224 : i32
          %dma_wait3A_180 = tpu.memref_slice %arg11[%dma_wait3A_179] : memref<1120xi32, #tpu.memory_space<vmem>> -> memref<112xi32, #tpu.memory_space<vmem>>
          %dma_wait3A_181 = arith.constant 0 : i32
          %dma_wait3A_182 = arith.constant 0 : i32
          %dma_wait3A_183 = tpu.memref_slice %arg15[%dma_wait3A_181, %dma_wait3A_182] : memref<10240x128xf32, #tpu.memory_space<vmem_shared>> -> memref<10240x128xf32, #tpu.memory_space<vmem_shared>>
          tpu.wait_indirect_dma semaphore(%run_scoped3A : memref<!tpu.dma_semaphore, #tpu.memory_space<semaphore_mem>>) src(%arg12 : memref<112x128xf32, #tpu.memory_space<vmem>>) dst(%dma_wait3A_183 : memref<10240x128xf32, #tpu.memory_space<vmem_shared>>)
          tpu.yield
        }) : () -> ()
        %dma_start3A_109 = arith.constant 448 : i32
        %dma_start3A_110 = tpu.memref_slice %arg10[%dma_start3A_109] : memref<1120xi32, #tpu.memory_space<vmem>> -> memref<112xi32, #tpu.memory_space<vmem>>
        %dma_start3A_111 = arith.constant 0 : i32
        %dma_start3A_112 = arith.constant 0 : i32
        %dma_start3A_113 = tpu.memref_slice %arg2[%dma_start3A_111, %dma_start3A_112] : memref<10240x128xf32, #tpu.memory_space<hbm>> -> memref<10240x128xf32, #tpu.memory_space<hbm>>
        tpu.enqueue_indirect_dma source(%dma_start3A_113 : memref<10240x128xf32, #tpu.memory_space<hbm>>) target(%arg12 : memref<112x128xf32, #tpu.memory_space<vmem>>) offsets(%dma_start3A_110 : memref<112xi32, #tpu.memory_space<vmem>>) semaphore(%arg16 : memref<!tpu.dma_semaphore, #tpu.memory_space<semaphore_mem>>)
        %dma_wait3A_114 = arith.constant 336 : i32
        %dma_wait3A_115 = tpu.memref_slice %arg10[%dma_wait3A_114] : memref<1120xi32, #tpu.memory_space<vmem>> -> memref<112xi32, #tpu.memory_space<vmem>>
        %dma_wait3A_116 = arith.constant 0 : i32
        %dma_wait3A_117 = arith.constant 0 : i32
        %dma_wait3A_118 = tpu.memref_slice %arg2[%dma_wait3A_116, %dma_wait3A_117] : memref<10240x128xf32, #tpu.memory_space<hbm>> -> memref<10240x128xf32, #tpu.memory_space<hbm>>
        tpu.wait_indirect_dma semaphore(%arg17 : memref<!tpu.dma_semaphore, #tpu.memory_space<semaphore_mem>>) src(%dma_wait3A_118 : memref<10240x128xf32, #tpu.memory_space<hbm>>) dst(%arg13 : memref<112x128xf32, #tpu.memory_space<vmem>>)
        "tpu.region"() ({
          %run_scoped3A = tpu.sem_alloc : memref<!tpu.dma_semaphore, #tpu.memory_space<semaphore_mem>>
          %dma_start3A_174 = arith.constant 336 : i32
          %dma_start3A_175 = tpu.memref_slice %arg11[%dma_start3A_174] : memref<1120xi32, #tpu.memory_space<vmem>> -> memref<112xi32, #tpu.memory_space<vmem>>
          %dma_start3A_176 = arith.constant 0 : i32
          %dma_start3A_177 = arith.constant 0 : i32
          %dma_start3A_178 = tpu.memref_slice %arg15[%dma_start3A_176, %dma_start3A_177] : memref<10240x128xf32, #tpu.memory_space<vmem_shared>> -> memref<10240x128xf32, #tpu.memory_space<vmem_shared>>
          tpu.enqueue_indirect_dma source(%arg13 : memref<112x128xf32, #tpu.memory_space<vmem>>) target(%dma_start3A_178 : memref<10240x128xf32, #tpu.memory_space<vmem_shared>>) offsets(%dma_start3A_175 : memref<112xi32, #tpu.memory_space<vmem>>) semaphore(%run_scoped3A : memref<!tpu.dma_semaphore, #tpu.memory_space<semaphore_mem>>) {add = true}
          %dma_wait3A_179 = arith.constant 336 : i32
          %dma_wait3A_180 = tpu.memref_slice %arg11[%dma_wait3A_179] : memref<1120xi32, #tpu.memory_space<vmem>> -> memref<112xi32, #tpu.memory_space<vmem>>
          %dma_wait3A_181 = arith.constant 0 : i32
          %dma_wait3A_182 = arith.constant 0 : i32
          %dma_wait3A_183 = tpu.memref_slice %arg15[%dma_wait3A_181, %dma_wait3A_182] : memref<10240x128xf32, #tpu.memory_space<vmem_shared>> -> memref<10240x128xf32, #tpu.memory_space<vmem_shared>>
          tpu.wait_indirect_dma semaphore(%run_scoped3A : memref<!tpu.dma_semaphore, #tpu.memory_space<semaphore_mem>>) src(%arg13 : memref<112x128xf32, #tpu.memory_space<vmem>>) dst(%dma_wait3A_183 : memref<10240x128xf32, #tpu.memory_space<vmem_shared>>)
          tpu.yield
        }) : () -> ()
        %dma_start3A_119 = arith.constant 560 : i32
        %dma_start3A_120 = tpu.memref_slice %arg10[%dma_start3A_119] : memref<1120xi32, #tpu.memory_space<vmem>> -> memref<112xi32, #tpu.memory_space<vmem>>
        %dma_start3A_121 = arith.constant 0 : i32
        %dma_start3A_122 = arith.constant 0 : i32
        %dma_start3A_123 = tpu.memref_slice %arg2[%dma_start3A_121, %dma_start3A_122] : memref<10240x128xf32, #tpu.memory_space<hbm>> -> memref<10240x128xf32, #tpu.memory_space<hbm>>
        tpu.enqueue_indirect_dma source(%dma_start3A_123 : memref<10240x128xf32, #tpu.memory_space<hbm>>) target(%arg13 : memref<112x128xf32, #tpu.memory_space<vmem>>) offsets(%dma_start3A_120 : memref<112xi32, #tpu.memory_space<vmem>>) semaphore(%arg17 : memref<!tpu.dma_semaphore, #tpu.memory_space<semaphore_mem>>)
        %dma_wait3A_124 = arith.constant 448 : i32
        %dma_wait3A_125 = tpu.memref_slice %arg10[%dma_wait3A_124] : memref<1120xi32, #tpu.memory_space<vmem>> -> memref<112xi32, #tpu.memory_space<vmem>>
        %dma_wait3A_126 = arith.constant 0 : i32
        %dma_wait3A_127 = arith.constant 0 : i32
        %dma_wait3A_128 = tpu.memref_slice %arg2[%dma_wait3A_126, %dma_wait3A_127] : memref<10240x128xf32, #tpu.memory_space<hbm>> -> memref<10240x128xf32, #tpu.memory_space<hbm>>
        tpu.wait_indirect_dma semaphore(%arg16 : memref<!tpu.dma_semaphore, #tpu.memory_space<semaphore_mem>>) src(%dma_wait3A_128 : memref<10240x128xf32, #tpu.memory_space<hbm>>) dst(%arg12 : memref<112x128xf32, #tpu.memory_space<vmem>>)
        "tpu.region"() ({
          %run_scoped3A = tpu.sem_alloc : memref<!tpu.dma_semaphore, #tpu.memory_space<semaphore_mem>>
          %dma_start3A_174 = arith.constant 448 : i32
          %dma_start3A_175 = tpu.memref_slice %arg11[%dma_start3A_174] : memref<1120xi32, #tpu.memory_space<vmem>> -> memref<112xi32, #tpu.memory_space<vmem>>
          %dma_start3A_176 = arith.constant 0 : i32
          %dma_start3A_177 = arith.constant 0 : i32
          %dma_start3A_178 = tpu.memref_slice %arg15[%dma_start3A_176, %dma_start3A_177] : memref<10240x128xf32, #tpu.memory_space<vmem_shared>> -> memref<10240x128xf32, #tpu.memory_space<vmem_shared>>
          tpu.enqueue_indirect_dma source(%arg12 : memref<112x128xf32, #tpu.memory_space<vmem>>) target(%dma_start3A_178 : memref<10240x128xf32, #tpu.memory_space<vmem_shared>>) offsets(%dma_start3A_175 : memref<112xi32, #tpu.memory_space<vmem>>) semaphore(%run_scoped3A : memref<!tpu.dma_semaphore, #tpu.memory_space<semaphore_mem>>) {add = true}
          %dma_wait3A_179 = arith.constant 448 : i32
          %dma_wait3A_180 = tpu.memref_slice %arg11[%dma_wait3A_179] : memref<1120xi32, #tpu.memory_space<vmem>> -> memref<112xi32, #tpu.memory_space<vmem>>
          %dma_wait3A_181 = arith.constant 0 : i32
          %dma_wait3A_182 = arith.constant 0 : i32
          %dma_wait3A_183 = tpu.memref_slice %arg15[%dma_wait3A_181, %dma_wait3A_182] : memref<10240x128xf32, #tpu.memory_space<vmem_shared>> -> memref<10240x128xf32, #tpu.memory_space<vmem_shared>>
          tpu.wait_indirect_dma semaphore(%run_scoped3A : memref<!tpu.dma_semaphore, #tpu.memory_space<semaphore_mem>>) src(%arg12 : memref<112x128xf32, #tpu.memory_space<vmem>>) dst(%dma_wait3A_183 : memref<10240x128xf32, #tpu.memory_space<vmem_shared>>)
          tpu.yield
        }) : () -> ()
        %dma_start3A_129 = arith.constant 672 : i32
        %dma_start3A_130 = tpu.memref_slice %arg10[%dma_start3A_129] : memref<1120xi32, #tpu.memory_space<vmem>> -> memref<112xi32, #tpu.memory_space<vmem>>
        %dma_start3A_131 = arith.constant 0 : i32
        %dma_start3A_132 = arith.constant 0 : i32
        %dma_start3A_133 = tpu.memref_slice %arg2[%dma_start3A_131, %dma_start3A_132] : memref<10240x128xf32, #tpu.memory_space<hbm>> -> memref<10240x128xf32, #tpu.memory_space<hbm>>
        tpu.enqueue_indirect_dma source(%dma_start3A_133 : memref<10240x128xf32, #tpu.memory_space<hbm>>) target(%arg12 : memref<112x128xf32, #tpu.memory_space<vmem>>) offsets(%dma_start3A_130 : memref<112xi32, #tpu.memory_space<vmem>>) semaphore(%arg16 : memref<!tpu.dma_semaphore, #tpu.memory_space<semaphore_mem>>)
        %dma_wait3A_134 = arith.constant 560 : i32
        %dma_wait3A_135 = tpu.memref_slice %arg10[%dma_wait3A_134] : memref<1120xi32, #tpu.memory_space<vmem>> -> memref<112xi32, #tpu.memory_space<vmem>>
        %dma_wait3A_136 = arith.constant 0 : i32
        %dma_wait3A_137 = arith.constant 0 : i32
        %dma_wait3A_138 = tpu.memref_slice %arg2[%dma_wait3A_136, %dma_wait3A_137] : memref<10240x128xf32, #tpu.memory_space<hbm>> -> memref<10240x128xf32, #tpu.memory_space<hbm>>
        tpu.wait_indirect_dma semaphore(%arg17 : memref<!tpu.dma_semaphore, #tpu.memory_space<semaphore_mem>>) src(%dma_wait3A_138 : memref<10240x128xf32, #tpu.memory_space<hbm>>) dst(%arg13 : memref<112x128xf32, #tpu.memory_space<vmem>>)
        "tpu.region"() ({
          %run_scoped3A = tpu.sem_alloc : memref<!tpu.dma_semaphore, #tpu.memory_space<semaphore_mem>>
          %dma_start3A_174 = arith.constant 560 : i32
          %dma_start3A_175 = tpu.memref_slice %arg11[%dma_start3A_174] : memref<1120xi32, #tpu.memory_space<vmem>> -> memref<112xi32, #tpu.memory_space<vmem>>
          %dma_start3A_176 = arith.constant 0 : i32
          %dma_start3A_177 = arith.constant 0 : i32
          %dma_start3A_178 = tpu.memref_slice %arg15[%dma_start3A_176, %dma_start3A_177] : memref<10240x128xf32, #tpu.memory_space<vmem_shared>> -> memref<10240x128xf32, #tpu.memory_space<vmem_shared>>
          tpu.enqueue_indirect_dma source(%arg13 : memref<112x128xf32, #tpu.memory_space<vmem>>) target(%dma_start3A_178 : memref<10240x128xf32, #tpu.memory_space<vmem_shared>>) offsets(%dma_start3A_175 : memref<112xi32, #tpu.memory_space<vmem>>) semaphore(%run_scoped3A : memref<!tpu.dma_semaphore, #tpu.memory_space<semaphore_mem>>) {add = true}
          %dma_wait3A_179 = arith.constant 560 : i32
          %dma_wait3A_180 = tpu.memref_slice %arg11[%dma_wait3A_179] : memref<1120xi32, #tpu.memory_space<vmem>> -> memref<112xi32, #tpu.memory_space<vmem>>
          %dma_wait3A_181 = arith.constant 0 : i32
          %dma_wait3A_182 = arith.constant 0 : i32
          %dma_wait3A_183 = tpu.memref_slice %arg15[%dma_wait3A_181, %dma_wait3A_182] : memref<10240x128xf32, #tpu.memory_space<vmem_shared>> -> memref<10240x128xf32, #tpu.memory_space<vmem_shared>>
          tpu.wait_indirect_dma semaphore(%run_scoped3A : memref<!tpu.dma_semaphore, #tpu.memory_space<semaphore_mem>>) src(%arg13 : memref<112x128xf32, #tpu.memory_space<vmem>>) dst(%dma_wait3A_183 : memref<10240x128xf32, #tpu.memory_space<vmem_shared>>)
          tpu.yield
        }) : () -> ()
        %dma_start3A_139 = arith.constant 784 : i32
        %dma_start3A_140 = tpu.memref_slice %arg10[%dma_start3A_139] : memref<1120xi32, #tpu.memory_space<vmem>> -> memref<112xi32, #tpu.memory_space<vmem>>
        %dma_start3A_141 = arith.constant 0 : i32
        %dma_start3A_142 = arith.constant 0 : i32
        %dma_start3A_143 = tpu.memref_slice %arg2[%dma_start3A_141, %dma_start3A_142] : memref<10240x128xf32, #tpu.memory_space<hbm>> -> memref<10240x128xf32, #tpu.memory_space<hbm>>
        tpu.enqueue_indirect_dma source(%dma_start3A_143 : memref<10240x128xf32, #tpu.memory_space<hbm>>) target(%arg13 : memref<112x128xf32, #tpu.memory_space<vmem>>) offsets(%dma_start3A_140 : memref<112xi32, #tpu.memory_space<vmem>>) semaphore(%arg17 : memref<!tpu.dma_semaphore, #tpu.memory_space<semaphore_mem>>)
        %dma_wait3A_144 = arith.constant 672 : i32
        %dma_wait3A_145 = tpu.memref_slice %arg10[%dma_wait3A_144] : memref<1120xi32, #tpu.memory_space<vmem>> -> memref<112xi32, #tpu.memory_space<vmem>>
        %dma_wait3A_146 = arith.constant 0 : i32
        %dma_wait3A_147 = arith.constant 0 : i32
        %dma_wait3A_148 = tpu.memref_slice %arg2[%dma_wait3A_146, %dma_wait3A_147] : memref<10240x128xf32, #tpu.memory_space<hbm>> -> memref<10240x128xf32, #tpu.memory_space<hbm>>
        tpu.wait_indirect_dma semaphore(%arg16 : memref<!tpu.dma_semaphore, #tpu.memory_space<semaphore_mem>>) src(%dma_wait3A_148 : memref<10240x128xf32, #tpu.memory_space<hbm>>) dst(%arg12 : memref<112x128xf32, #tpu.memory_space<vmem>>)
        "tpu.region"() ({
          %run_scoped3A = tpu.sem_alloc : memref<!tpu.dma_semaphore, #tpu.memory_space<semaphore_mem>>
          %dma_start3A_174 = arith.constant 672 : i32
          %dma_start3A_175 = tpu.memref_slice %arg11[%dma_start3A_174] : memref<1120xi32, #tpu.memory_space<vmem>> -> memref<112xi32, #tpu.memory_space<vmem>>
          %dma_start3A_176 = arith.constant 0 : i32
          %dma_start3A_177 = arith.constant 0 : i32
          %dma_start3A_178 = tpu.memref_slice %arg15[%dma_start3A_176, %dma_start3A_177] : memref<10240x128xf32, #tpu.memory_space<vmem_shared>> -> memref<10240x128xf32, #tpu.memory_space<vmem_shared>>
          tpu.enqueue_indirect_dma source(%arg12 : memref<112x128xf32, #tpu.memory_space<vmem>>) target(%dma_start3A_178 : memref<10240x128xf32, #tpu.memory_space<vmem_shared>>) offsets(%dma_start3A_175 : memref<112xi32, #tpu.memory_space<vmem>>) semaphore(%run_scoped3A : memref<!tpu.dma_semaphore, #tpu.memory_space<semaphore_mem>>) {add = true}
          %dma_wait3A_179 = arith.constant 672 : i32
          %dma_wait3A_180 = tpu.memref_slice %arg11[%dma_wait3A_179] : memref<1120xi32, #tpu.memory_space<vmem>> -> memref<112xi32, #tpu.memory_space<vmem>>
          %dma_wait3A_181 = arith.constant 0 : i32
          %dma_wait3A_182 = arith.constant 0 : i32
          %dma_wait3A_183 = tpu.memref_slice %arg15[%dma_wait3A_181, %dma_wait3A_182] : memref<10240x128xf32, #tpu.memory_space<vmem_shared>> -> memref<10240x128xf32, #tpu.memory_space<vmem_shared>>
          tpu.wait_indirect_dma semaphore(%run_scoped3A : memref<!tpu.dma_semaphore, #tpu.memory_space<semaphore_mem>>) src(%arg12 : memref<112x128xf32, #tpu.memory_space<vmem>>) dst(%dma_wait3A_183 : memref<10240x128xf32, #tpu.memory_space<vmem_shared>>)
          tpu.yield
        }) : () -> ()
        %dma_start3A_149 = arith.constant 896 : i32
        %dma_start3A_150 = tpu.memref_slice %arg10[%dma_start3A_149] : memref<1120xi32, #tpu.memory_space<vmem>> -> memref<112xi32, #tpu.memory_space<vmem>>
        %dma_start3A_151 = arith.constant 0 : i32
        %dma_start3A_152 = arith.constant 0 : i32
        %dma_start3A_153 = tpu.memref_slice %arg2[%dma_start3A_151, %dma_start3A_152] : memref<10240x128xf32, #tpu.memory_space<hbm>> -> memref<10240x128xf32, #tpu.memory_space<hbm>>
        tpu.enqueue_indirect_dma source(%dma_start3A_153 : memref<10240x128xf32, #tpu.memory_space<hbm>>) target(%arg12 : memref<112x128xf32, #tpu.memory_space<vmem>>) offsets(%dma_start3A_150 : memref<112xi32, #tpu.memory_space<vmem>>) semaphore(%arg16 : memref<!tpu.dma_semaphore, #tpu.memory_space<semaphore_mem>>)
        %dma_wait3A_154 = arith.constant 784 : i32
        %dma_wait3A_155 = tpu.memref_slice %arg10[%dma_wait3A_154] : memref<1120xi32, #tpu.memory_space<vmem>> -> memref<112xi32, #tpu.memory_space<vmem>>
        %dma_wait3A_156 = arith.constant 0 : i32
        %dma_wait3A_157 = arith.constant 0 : i32
        %dma_wait3A_158 = tpu.memref_slice %arg2[%dma_wait3A_156, %dma_wait3A_157] : memref<10240x128xf32, #tpu.memory_space<hbm>> -> memref<10240x128xf32, #tpu.memory_space<hbm>>
        tpu.wait_indirect_dma semaphore(%arg17 : memref<!tpu.dma_semaphore, #tpu.memory_space<semaphore_mem>>) src(%dma_wait3A_158 : memref<10240x128xf32, #tpu.memory_space<hbm>>) dst(%arg13 : memref<112x128xf32, #tpu.memory_space<vmem>>)
        "tpu.region"() ({
          %run_scoped3A = tpu.sem_alloc : memref<!tpu.dma_semaphore, #tpu.memory_space<semaphore_mem>>
          %dma_start3A_174 = arith.constant 784 : i32
          %dma_start3A_175 = tpu.memref_slice %arg11[%dma_start3A_174] : memref<1120xi32, #tpu.memory_space<vmem>> -> memref<112xi32, #tpu.memory_space<vmem>>
          %dma_start3A_176 = arith.constant 0 : i32
          %dma_start3A_177 = arith.constant 0 : i32
          %dma_start3A_178 = tpu.memref_slice %arg15[%dma_start3A_176, %dma_start3A_177] : memref<10240x128xf32, #tpu.memory_space<vmem_shared>> -> memref<10240x128xf32, #tpu.memory_space<vmem_shared>>
          tpu.enqueue_indirect_dma source(%arg13 : memref<112x128xf32, #tpu.memory_space<vmem>>) target(%dma_start3A_178 : memref<10240x128xf32, #tpu.memory_space<vmem_shared>>) offsets(%dma_start3A_175 : memref<112xi32, #tpu.memory_space<vmem>>) semaphore(%run_scoped3A : memref<!tpu.dma_semaphore, #tpu.memory_space<semaphore_mem>>) {add = true}
          %dma_wait3A_179 = arith.constant 784 : i32
          %dma_wait3A_180 = tpu.memref_slice %arg11[%dma_wait3A_179] : memref<1120xi32, #tpu.memory_space<vmem>> -> memref<112xi32, #tpu.memory_space<vmem>>
          %dma_wait3A_181 = arith.constant 0 : i32
          %dma_wait3A_182 = arith.constant 0 : i32
          %dma_wait3A_183 = tpu.memref_slice %arg15[%dma_wait3A_181, %dma_wait3A_182] : memref<10240x128xf32, #tpu.memory_space<vmem_shared>> -> memref<10240x128xf32, #tpu.memory_space<vmem_shared>>
          tpu.wait_indirect_dma semaphore(%run_scoped3A : memref<!tpu.dma_semaphore, #tpu.memory_space<semaphore_mem>>) src(%arg13 : memref<112x128xf32, #tpu.memory_space<vmem>>) dst(%dma_wait3A_183 : memref<10240x128xf32, #tpu.memory_space<vmem_shared>>)
          tpu.yield
        }) : () -> ()
        %dma_start3A_159 = arith.constant 1008 : i32
        %dma_start3A_160 = tpu.memref_slice %arg10[%dma_start3A_159] : memref<1120xi32, #tpu.memory_space<vmem>> -> memref<112xi32, #tpu.memory_space<vmem>>
        %dma_start3A_161 = arith.constant 0 : i32
        %dma_start3A_162 = arith.constant 0 : i32
        %dma_start3A_163 = tpu.memref_slice %arg2[%dma_start3A_161, %dma_start3A_162] : memref<10240x128xf32, #tpu.memory_space<hbm>> -> memref<10240x128xf32, #tpu.memory_space<hbm>>
        tpu.enqueue_indirect_dma source(%dma_start3A_163 : memref<10240x128xf32, #tpu.memory_space<hbm>>) target(%arg13 : memref<112x128xf32, #tpu.memory_space<vmem>>) offsets(%dma_start3A_160 : memref<112xi32, #tpu.memory_space<vmem>>) semaphore(%arg17 : memref<!tpu.dma_semaphore, #tpu.memory_space<semaphore_mem>>)
        %dma_wait3A_164 = arith.constant 896 : i32
        %dma_wait3A_165 = tpu.memref_slice %arg10[%dma_wait3A_164] : memref<1120xi32, #tpu.memory_space<vmem>> -> memref<112xi32, #tpu.memory_space<vmem>>
        %dma_wait3A_166 = arith.constant 0 : i32
        %dma_wait3A_167 = arith.constant 0 : i32
        %dma_wait3A_168 = tpu.memref_slice %arg2[%dma_wait3A_166, %dma_wait3A_167] : memref<10240x128xf32, #tpu.memory_space<hbm>> -> memref<10240x128xf32, #tpu.memory_space<hbm>>
        tpu.wait_indirect_dma semaphore(%arg16 : memref<!tpu.dma_semaphore, #tpu.memory_space<semaphore_mem>>) src(%dma_wait3A_168 : memref<10240x128xf32, #tpu.memory_space<hbm>>) dst(%arg12 : memref<112x128xf32, #tpu.memory_space<vmem>>)
        "tpu.region"() ({
          %run_scoped3A = tpu.sem_alloc : memref<!tpu.dma_semaphore, #tpu.memory_space<semaphore_mem>>
          %dma_start3A_174 = arith.constant 896 : i32
          %dma_start3A_175 = tpu.memref_slice %arg11[%dma_start3A_174] : memref<1120xi32, #tpu.memory_space<vmem>> -> memref<112xi32, #tpu.memory_space<vmem>>
          %dma_start3A_176 = arith.constant 0 : i32
          %dma_start3A_177 = arith.constant 0 : i32
          %dma_start3A_178 = tpu.memref_slice %arg15[%dma_start3A_176, %dma_start3A_177] : memref<10240x128xf32, #tpu.memory_space<vmem_shared>> -> memref<10240x128xf32, #tpu.memory_space<vmem_shared>>
          tpu.enqueue_indirect_dma source(%arg12 : memref<112x128xf32, #tpu.memory_space<vmem>>) target(%dma_start3A_178 : memref<10240x128xf32, #tpu.memory_space<vmem_shared>>) offsets(%dma_start3A_175 : memref<112xi32, #tpu.memory_space<vmem>>) semaphore(%run_scoped3A : memref<!tpu.dma_semaphore, #tpu.memory_space<semaphore_mem>>) {add = true}
          %dma_wait3A_179 = arith.constant 896 : i32
          %dma_wait3A_180 = tpu.memref_slice %arg11[%dma_wait3A_179] : memref<1120xi32, #tpu.memory_space<vmem>> -> memref<112xi32, #tpu.memory_space<vmem>>
          %dma_wait3A_181 = arith.constant 0 : i32
          %dma_wait3A_182 = arith.constant 0 : i32
          %dma_wait3A_183 = tpu.memref_slice %arg15[%dma_wait3A_181, %dma_wait3A_182] : memref<10240x128xf32, #tpu.memory_space<vmem_shared>> -> memref<10240x128xf32, #tpu.memory_space<vmem_shared>>
          tpu.wait_indirect_dma semaphore(%run_scoped3A : memref<!tpu.dma_semaphore, #tpu.memory_space<semaphore_mem>>) src(%arg12 : memref<112x128xf32, #tpu.memory_space<vmem>>) dst(%dma_wait3A_183 : memref<10240x128xf32, #tpu.memory_space<vmem_shared>>)
          tpu.yield
        }) : () -> ()
        %dma_wait3A_169 = arith.constant 1008 : i32
        %dma_wait3A_170 = tpu.memref_slice %arg10[%dma_wait3A_169] : memref<1120xi32, #tpu.memory_space<vmem>> -> memref<112xi32, #tpu.memory_space<vmem>>
        %dma_wait3A_171 = arith.constant 0 : i32
        %dma_wait3A_172 = arith.constant 0 : i32
        %dma_wait3A_173 = tpu.memref_slice %arg2[%dma_wait3A_171, %dma_wait3A_172] : memref<10240x128xf32, #tpu.memory_space<hbm>> -> memref<10240x128xf32, #tpu.memory_space<hbm>>
        tpu.wait_indirect_dma semaphore(%arg17 : memref<!tpu.dma_semaphore, #tpu.memory_space<semaphore_mem>>) src(%dma_wait3A_173 : memref<10240x128xf32, #tpu.memory_space<hbm>>) dst(%arg13 : memref<112x128xf32, #tpu.memory_space<vmem>>)
        "tpu.region"() ({
          %run_scoped3A = tpu.sem_alloc : memref<!tpu.dma_semaphore, #tpu.memory_space<semaphore_mem>>
          %dma_start3A_174 = arith.constant 1008 : i32
          %dma_start3A_175 = tpu.memref_slice %arg11[%dma_start3A_174] : memref<1120xi32, #tpu.memory_space<vmem>> -> memref<112xi32, #tpu.memory_space<vmem>>
          %dma_start3A_176 = arith.constant 0 : i32
          %dma_start3A_177 = arith.constant 0 : i32
          %dma_start3A_178 = tpu.memref_slice %arg15[%dma_start3A_176, %dma_start3A_177] : memref<10240x128xf32, #tpu.memory_space<vmem_shared>> -> memref<10240x128xf32, #tpu.memory_space<vmem_shared>>
          tpu.enqueue_indirect_dma source(%arg13 : memref<112x128xf32, #tpu.memory_space<vmem>>) target(%dma_start3A_178 : memref<10240x128xf32, #tpu.memory_space<vmem_shared>>) offsets(%dma_start3A_175 : memref<112xi32, #tpu.memory_space<vmem>>) semaphore(%run_scoped3A : memref<!tpu.dma_semaphore, #tpu.memory_space<semaphore_mem>>) {add = true}
          %dma_wait3A_179 = arith.constant 1008 : i32
          %dma_wait3A_180 = tpu.memref_slice %arg11[%dma_wait3A_179] : memref<1120xi32, #tpu.memory_space<vmem>> -> memref<112xi32, #tpu.memory_space<vmem>>
          %dma_wait3A_181 = arith.constant 0 : i32
          %dma_wait3A_182 = arith.constant 0 : i32
          %dma_wait3A_183 = tpu.memref_slice %arg15[%dma_wait3A_181, %dma_wait3A_182] : memref<10240x128xf32, #tpu.memory_space<vmem_shared>> -> memref<10240x128xf32, #tpu.memory_space<vmem_shared>>
          tpu.wait_indirect_dma semaphore(%run_scoped3A : memref<!tpu.dma_semaphore, #tpu.memory_space<semaphore_mem>>) src(%arg13 : memref<112x128xf32, #tpu.memory_space<vmem>>) dst(%dma_wait3A_183 : memref<10240x128xf32, #tpu.memory_space<vmem_shared>>)
          tpu.yield
        }) : () -> ()
      }
      %scan3A_71 = arith.constant 18 : i32
    } else {
    }
    %eq3A_48 = arith.constant 1 : i32
    %eq3A_49 = arith.cmpi eq, %arg0, %eq3A_48 : i32
    %convert_element_type3A_50 = arith.extui %eq3A_49 : i1 to i32
    %cond3A_51 = arith.constant 0 : i32
    %cond3A_52 = arith.cmpi ne, %convert_element_type3A_50, %cond3A_51 : i32
    scf.if %cond3A_52 {
      %mul3A_64 = arith.constant 20160 : i32
      %mul3A_65 = arith.muli %arg1, %mul3A_64 : i32
      %scan3A_66 = arith.constant 0 : i32
      %scan3A_67 = arith.constant 0 : i32
      %scan3A_68 = arith.constant 18 : i32
      %scan3A_69 = arith.addi %scan3A_67, %scan3A_68 : i32
      %scan3A_70 = arith.constant 1 : i32
      scf.for %scan3A_72 = %scan3A_67 to %scan3A_69 step %scan3A_70  : i32 {
        %mul3A_73 = arith.constant 1120 : i32
        %mul3A_74 = arith.muli %scan3A_72, %mul3A_73 : i32
        %add3A_75 = arith.addi %mul3A_65, %mul3A_74 : i32
        "tpu.region"() ({
          %run_scoped3A = tpu.sem_alloc : memref<!tpu.dma_semaphore, #tpu.memory_space<semaphore_mem>>
          %dma_start3A_174 = tpu.memref_slice %arg5[%add3A_75] : memref<322560xi32, #tpu.memory_space<hbm>> -> memref<1120xi32, #tpu.memory_space<hbm>>
          %dma_start3A_175 = tpu.memref_slice %arg5[%add3A_75] : memref<322560xi32, #tpu.memory_space<hbm>> -> memref<1120xi32, #tpu.memory_space<hbm>>
          tpu.enqueue_dma source(%dma_start3A_175 : memref<1120xi32, #tpu.memory_space<hbm>>) target(%arg10 : memref<1120xi32, #tpu.memory_space<vmem>>) target_semaphore(%run_scoped3A : memref<!tpu.dma_semaphore, #tpu.memory_space<semaphore_mem>>)
          %dma_wait3A_176 = tpu.memref_slice %arg5[%add3A_75] : memref<322560xi32, #tpu.memory_space<hbm>> -> memref<1120xi32, #tpu.memory_space<hbm>>
          %dma_wait3A_177 = tpu.memref_slice %arg5[%add3A_75] : memref<322560xi32, #tpu.memory_space<hbm>> -> memref<1120xi32, #tpu.memory_space<hbm>>
          tpu.wait_dma2 semaphore(%run_scoped3A : memref<!tpu.dma_semaphore, #tpu.memory_space<semaphore_mem>>) src(%dma_wait3A_177 : memref<1120xi32, #tpu.memory_space<hbm>>) dst(%arg10 : memref<1120xi32, #tpu.memory_space<vmem>>)
          tpu.yield
        }) : () -> ()
        "tpu.region"() ({
          %run_scoped3A = tpu.sem_alloc : memref<!tpu.dma_semaphore, #tpu.memory_space<semaphore_mem>>
          %dma_start3A_174 = tpu.memref_slice %arg6[%add3A_75] : memref<322560xi32, #tpu.memory_space<hbm>> -> memref<1120xi32, #tpu.memory_space<hbm>>
          %dma_start3A_175 = tpu.memref_slice %arg6[%add3A_75] : memref<322560xi32, #tpu.memory_space<hbm>> -> memref<1120xi32, #tpu.memory_space<hbm>>
          tpu.enqueue_dma source(%dma_start3A_175 : memref<1120xi32, #tpu.memory_space<hbm>>) target(%arg11 : memref<1120xi32, #tpu.memory_space<vmem>>) target_semaphore(%run_scoped3A : memref<!tpu.dma_semaphore, #tpu.memory_space<semaphore_mem>>)
          %dma_wait3A_176 = tpu.memref_slice %arg6[%add3A_75] : memref<322560xi32, #tpu.memory_space<hbm>> -> memref<1120xi32, #tpu.memory_space<hbm>>
          %dma_wait3A_177 = tpu.memref_slice %arg6[%add3A_75] : memref<322560xi32, #tpu.memory_space<hbm>> -> memref<1120xi32, #tpu.memory_space<hbm>>
          tpu.wait_dma2 semaphore(%run_scoped3A : memref<!tpu.dma_semaphore, #tpu.memory_space<semaphore_mem>>) src(%dma_wait3A_177 : memref<1120xi32, #tpu.memory_space<hbm>>) dst(%arg11 : memref<1120xi32, #tpu.memory_space<vmem>>)
          tpu.yield
        }) : () -> ()
        %dma_start3A = arith.constant 0 : i32
        %dma_start3A_76 = tpu.memref_slice %arg10[%dma_start3A] : memref<1120xi32, #tpu.memory_space<vmem>> -> memref<112xi32, #tpu.memory_space<vmem>>
        %dma_start3A_77 = arith.constant 0 : i32
        %dma_start3A_78 = arith.constant 0 : i32
        %dma_start3A_79 = tpu.memref_slice %arg3[%dma_start3A_77, %dma_start3A_78] : memref<10240x128xf32, #tpu.memory_space<hbm>> -> memref<10240x128xf32, #tpu.memory_space<hbm>>
        tpu.enqueue_indirect_dma source(%dma_start3A_79 : memref<10240x128xf32, #tpu.memory_space<hbm>>) target(%arg12 : memref<112x128xf32, #tpu.memory_space<vmem>>) offsets(%dma_start3A_76 : memref<112xi32, #tpu.memory_space<vmem>>) semaphore(%arg16 : memref<!tpu.dma_semaphore, #tpu.memory_space<semaphore_mem>>)
        %dma_start3A_80 = arith.constant 112 : i32
        %dma_start3A_81 = tpu.memref_slice %arg10[%dma_start3A_80] : memref<1120xi32, #tpu.memory_space<vmem>> -> memref<112xi32, #tpu.memory_space<vmem>>
        %dma_start3A_82 = arith.constant 0 : i32
        %dma_start3A_83 = arith.constant 0 : i32
        %dma_start3A_84 = tpu.memref_slice %arg3[%dma_start3A_82, %dma_start3A_83] : memref<10240x128xf32, #tpu.memory_space<hbm>> -> memref<10240x128xf32, #tpu.memory_space<hbm>>
        tpu.enqueue_indirect_dma source(%dma_start3A_84 : memref<10240x128xf32, #tpu.memory_space<hbm>>) target(%arg13 : memref<112x128xf32, #tpu.memory_space<vmem>>) offsets(%dma_start3A_81 : memref<112xi32, #tpu.memory_space<vmem>>) semaphore(%arg17 : memref<!tpu.dma_semaphore, #tpu.memory_space<semaphore_mem>>)
        %dma_wait3A = arith.constant 0 : i32
        %dma_wait3A_85 = tpu.memref_slice %arg10[%dma_wait3A] : memref<1120xi32, #tpu.memory_space<vmem>> -> memref<112xi32, #tpu.memory_space<vmem>>
        %dma_wait3A_86 = arith.constant 0 : i32
        %dma_wait3A_87 = arith.constant 0 : i32
        %dma_wait3A_88 = tpu.memref_slice %arg3[%dma_wait3A_86, %dma_wait3A_87] : memref<10240x128xf32, #tpu.memory_space<hbm>> -> memref<10240x128xf32, #tpu.memory_space<hbm>>
        tpu.wait_indirect_dma semaphore(%arg16 : memref<!tpu.dma_semaphore, #tpu.memory_space<semaphore_mem>>) src(%dma_wait3A_88 : memref<10240x128xf32, #tpu.memory_space<hbm>>) dst(%arg12 : memref<112x128xf32, #tpu.memory_space<vmem>>)
        "tpu.region"() ({
          %run_scoped3A = tpu.sem_alloc : memref<!tpu.dma_semaphore, #tpu.memory_space<semaphore_mem>>
          %dma_start3A_174 = arith.constant 0 : i32
          %dma_start3A_175 = tpu.memref_slice %arg11[%dma_start3A_174] : memref<1120xi32, #tpu.memory_space<vmem>> -> memref<112xi32, #tpu.memory_space<vmem>>
          %dma_start3A_176 = arith.constant 0 : i32
          %dma_start3A_177 = arith.constant 0 : i32
          %dma_start3A_178 = tpu.memref_slice %arg15[%dma_start3A_176, %dma_start3A_177] : memref<10240x128xf32, #tpu.memory_space<vmem_shared>> -> memref<10240x128xf32, #tpu.memory_space<vmem_shared>>
          tpu.enqueue_indirect_dma source(%arg12 : memref<112x128xf32, #tpu.memory_space<vmem>>) target(%dma_start3A_178 : memref<10240x128xf32, #tpu.memory_space<vmem_shared>>) offsets(%dma_start3A_175 : memref<112xi32, #tpu.memory_space<vmem>>) semaphore(%run_scoped3A : memref<!tpu.dma_semaphore, #tpu.memory_space<semaphore_mem>>) {add = true}
          %dma_wait3A_179 = arith.constant 0 : i32
          %dma_wait3A_180 = tpu.memref_slice %arg11[%dma_wait3A_179] : memref<1120xi32, #tpu.memory_space<vmem>> -> memref<112xi32, #tpu.memory_space<vmem>>
          %dma_wait3A_181 = arith.constant 0 : i32
          %dma_wait3A_182 = arith.constant 0 : i32
          %dma_wait3A_183 = tpu.memref_slice %arg15[%dma_wait3A_181, %dma_wait3A_182] : memref<10240x128xf32, #tpu.memory_space<vmem_shared>> -> memref<10240x128xf32, #tpu.memory_space<vmem_shared>>
          tpu.wait_indirect_dma semaphore(%run_scoped3A : memref<!tpu.dma_semaphore, #tpu.memory_space<semaphore_mem>>) src(%arg12 : memref<112x128xf32, #tpu.memory_space<vmem>>) dst(%dma_wait3A_183 : memref<10240x128xf32, #tpu.memory_space<vmem_shared>>)
          tpu.yield
        }) : () -> ()
        %dma_start3A_89 = arith.constant 224 : i32
        %dma_start3A_90 = tpu.memref_slice %arg10[%dma_start3A_89] : memref<1120xi32, #tpu.memory_space<vmem>> -> memref<112xi32, #tpu.memory_space<vmem>>
        %dma_start3A_91 = arith.constant 0 : i32
        %dma_start3A_92 = arith.constant 0 : i32
        %dma_start3A_93 = tpu.memref_slice %arg3[%dma_start3A_91, %dma_start3A_92] : memref<10240x128xf32, #tpu.memory_space<hbm>> -> memref<10240x128xf32, #tpu.memory_space<hbm>>
        tpu.enqueue_indirect_dma source(%dma_start3A_93 : memref<10240x128xf32, #tpu.memory_space<hbm>>) target(%arg12 : memref<112x128xf32, #tpu.memory_space<vmem>>) offsets(%dma_start3A_90 : memref<112xi32, #tpu.memory_space<vmem>>) semaphore(%arg16 : memref<!tpu.dma_semaphore, #tpu.memory_space<semaphore_mem>>)
        %dma_wait3A_94 = arith.constant 112 : i32
        %dma_wait3A_95 = tpu.memref_slice %arg10[%dma_wait3A_94] : memref<1120xi32, #tpu.memory_space<vmem>> -> memref<112xi32, #tpu.memory_space<vmem>>
        %dma_wait3A_96 = arith.constant 0 : i32
        %dma_wait3A_97 = arith.constant 0 : i32
        %dma_wait3A_98 = tpu.memref_slice %arg3[%dma_wait3A_96, %dma_wait3A_97] : memref<10240x128xf32, #tpu.memory_space<hbm>> -> memref<10240x128xf32, #tpu.memory_space<hbm>>
        tpu.wait_indirect_dma semaphore(%arg17 : memref<!tpu.dma_semaphore, #tpu.memory_space<semaphore_mem>>) src(%dma_wait3A_98 : memref<10240x128xf32, #tpu.memory_space<hbm>>) dst(%arg13 : memref<112x128xf32, #tpu.memory_space<vmem>>)
        "tpu.region"() ({
          %run_scoped3A = tpu.sem_alloc : memref<!tpu.dma_semaphore, #tpu.memory_space<semaphore_mem>>
          %dma_start3A_174 = arith.constant 112 : i32
          %dma_start3A_175 = tpu.memref_slice %arg11[%dma_start3A_174] : memref<1120xi32, #tpu.memory_space<vmem>> -> memref<112xi32, #tpu.memory_space<vmem>>
          %dma_start3A_176 = arith.constant 0 : i32
          %dma_start3A_177 = arith.constant 0 : i32
          %dma_start3A_178 = tpu.memref_slice %arg15[%dma_start3A_176, %dma_start3A_177] : memref<10240x128xf32, #tpu.memory_space<vmem_shared>> -> memref<10240x128xf32, #tpu.memory_space<vmem_shared>>
          tpu.enqueue_indirect_dma source(%arg13 : memref<112x128xf32, #tpu.memory_space<vmem>>) target(%dma_start3A_178 : memref<10240x128xf32, #tpu.memory_space<vmem_shared>>) offsets(%dma_start3A_175 : memref<112xi32, #tpu.memory_space<vmem>>) semaphore(%run_scoped3A : memref<!tpu.dma_semaphore, #tpu.memory_space<semaphore_mem>>) {add = true}
          %dma_wait3A_179 = arith.constant 112 : i32
          %dma_wait3A_180 = tpu.memref_slice %arg11[%dma_wait3A_179] : memref<1120xi32, #tpu.memory_space<vmem>> -> memref<112xi32, #tpu.memory_space<vmem>>
          %dma_wait3A_181 = arith.constant 0 : i32
          %dma_wait3A_182 = arith.constant 0 : i32
          %dma_wait3A_183 = tpu.memref_slice %arg15[%dma_wait3A_181, %dma_wait3A_182] : memref<10240x128xf32, #tpu.memory_space<vmem_shared>> -> memref<10240x128xf32, #tpu.memory_space<vmem_shared>>
          tpu.wait_indirect_dma semaphore(%run_scoped3A : memref<!tpu.dma_semaphore, #tpu.memory_space<semaphore_mem>>) src(%arg13 : memref<112x128xf32, #tpu.memory_space<vmem>>) dst(%dma_wait3A_183 : memref<10240x128xf32, #tpu.memory_space<vmem_shared>>)
          tpu.yield
        }) : () -> ()
        %dma_start3A_99 = arith.constant 336 : i32
        %dma_start3A_100 = tpu.memref_slice %arg10[%dma_start3A_99] : memref<1120xi32, #tpu.memory_space<vmem>> -> memref<112xi32, #tpu.memory_space<vmem>>
        %dma_start3A_101 = arith.constant 0 : i32
        %dma_start3A_102 = arith.constant 0 : i32
        %dma_start3A_103 = tpu.memref_slice %arg3[%dma_start3A_101, %dma_start3A_102] : memref<10240x128xf32, #tpu.memory_space<hbm>> -> memref<10240x128xf32, #tpu.memory_space<hbm>>
        tpu.enqueue_indirect_dma source(%dma_start3A_103 : memref<10240x128xf32, #tpu.memory_space<hbm>>) target(%arg13 : memref<112x128xf32, #tpu.memory_space<vmem>>) offsets(%dma_start3A_100 : memref<112xi32, #tpu.memory_space<vmem>>) semaphore(%arg17 : memref<!tpu.dma_semaphore, #tpu.memory_space<semaphore_mem>>)
        %dma_wait3A_104 = arith.constant 224 : i32
        %dma_wait3A_105 = tpu.memref_slice %arg10[%dma_wait3A_104] : memref<1120xi32, #tpu.memory_space<vmem>> -> memref<112xi32, #tpu.memory_space<vmem>>
        %dma_wait3A_106 = arith.constant 0 : i32
        %dma_wait3A_107 = arith.constant 0 : i32
        %dma_wait3A_108 = tpu.memref_slice %arg3[%dma_wait3A_106, %dma_wait3A_107] : memref<10240x128xf32, #tpu.memory_space<hbm>> -> memref<10240x128xf32, #tpu.memory_space<hbm>>
        tpu.wait_indirect_dma semaphore(%arg16 : memref<!tpu.dma_semaphore, #tpu.memory_space<semaphore_mem>>) src(%dma_wait3A_108 : memref<10240x128xf32, #tpu.memory_space<hbm>>) dst(%arg12 : memref<112x128xf32, #tpu.memory_space<vmem>>)
        "tpu.region"() ({
          %run_scoped3A = tpu.sem_alloc : memref<!tpu.dma_semaphore, #tpu.memory_space<semaphore_mem>>
          %dma_start3A_174 = arith.constant 224 : i32
          %dma_start3A_175 = tpu.memref_slice %arg11[%dma_start3A_174] : memref<1120xi32, #tpu.memory_space<vmem>> -> memref<112xi32, #tpu.memory_space<vmem>>
          %dma_start3A_176 = arith.constant 0 : i32
          %dma_start3A_177 = arith.constant 0 : i32
          %dma_start3A_178 = tpu.memref_slice %arg15[%dma_start3A_176, %dma_start3A_177] : memref<10240x128xf32, #tpu.memory_space<vmem_shared>> -> memref<10240x128xf32, #tpu.memory_space<vmem_shared>>
          tpu.enqueue_indirect_dma source(%arg12 : memref<112x128xf32, #tpu.memory_space<vmem>>) target(%dma_start3A_178 : memref<10240x128xf32, #tpu.memory_space<vmem_shared>>) offsets(%dma_start3A_175 : memref<112xi32, #tpu.memory_space<vmem>>) semaphore(%run_scoped3A : memref<!tpu.dma_semaphore, #tpu.memory_space<semaphore_mem>>) {add = true}
          %dma_wait3A_179 = arith.constant 224 : i32
          %dma_wait3A_180 = tpu.memref_slice %arg11[%dma_wait3A_179] : memref<1120xi32, #tpu.memory_space<vmem>> -> memref<112xi32, #tpu.memory_space<vmem>>
          %dma_wait3A_181 = arith.constant 0 : i32
          %dma_wait3A_182 = arith.constant 0 : i32
          %dma_wait3A_183 = tpu.memref_slice %arg15[%dma_wait3A_181, %dma_wait3A_182] : memref<10240x128xf32, #tpu.memory_space<vmem_shared>> -> memref<10240x128xf32, #tpu.memory_space<vmem_shared>>
          tpu.wait_indirect_dma semaphore(%run_scoped3A : memref<!tpu.dma_semaphore, #tpu.memory_space<semaphore_mem>>) src(%arg12 : memref<112x128xf32, #tpu.memory_space<vmem>>) dst(%dma_wait3A_183 : memref<10240x128xf32, #tpu.memory_space<vmem_shared>>)
          tpu.yield
        }) : () -> ()
        %dma_start3A_109 = arith.constant 448 : i32
        %dma_start3A_110 = tpu.memref_slice %arg10[%dma_start3A_109] : memref<1120xi32, #tpu.memory_space<vmem>> -> memref<112xi32, #tpu.memory_space<vmem>>
        %dma_start3A_111 = arith.constant 0 : i32
        %dma_start3A_112 = arith.constant 0 : i32
        %dma_start3A_113 = tpu.memref_slice %arg3[%dma_start3A_111, %dma_start3A_112] : memref<10240x128xf32, #tpu.memory_space<hbm>> -> memref<10240x128xf32, #tpu.memory_space<hbm>>
        tpu.enqueue_indirect_dma source(%dma_start3A_113 : memref<10240x128xf32, #tpu.memory_space<hbm>>) target(%arg12 : memref<112x128xf32, #tpu.memory_space<vmem>>) offsets(%dma_start3A_110 : memref<112xi32, #tpu.memory_space<vmem>>) semaphore(%arg16 : memref<!tpu.dma_semaphore, #tpu.memory_space<semaphore_mem>>)
        %dma_wait3A_114 = arith.constant 336 : i32
        %dma_wait3A_115 = tpu.memref_slice %arg10[%dma_wait3A_114] : memref<1120xi32, #tpu.memory_space<vmem>> -> memref<112xi32, #tpu.memory_space<vmem>>
        %dma_wait3A_116 = arith.constant 0 : i32
        %dma_wait3A_117 = arith.constant 0 : i32
        %dma_wait3A_118 = tpu.memref_slice %arg3[%dma_wait3A_116, %dma_wait3A_117] : memref<10240x128xf32, #tpu.memory_space<hbm>> -> memref<10240x128xf32, #tpu.memory_space<hbm>>
        tpu.wait_indirect_dma semaphore(%arg17 : memref<!tpu.dma_semaphore, #tpu.memory_space<semaphore_mem>>) src(%dma_wait3A_118 : memref<10240x128xf32, #tpu.memory_space<hbm>>) dst(%arg13 : memref<112x128xf32, #tpu.memory_space<vmem>>)
        "tpu.region"() ({
          %run_scoped3A = tpu.sem_alloc : memref<!tpu.dma_semaphore, #tpu.memory_space<semaphore_mem>>
          %dma_start3A_174 = arith.constant 336 : i32
          %dma_start3A_175 = tpu.memref_slice %arg11[%dma_start3A_174] : memref<1120xi32, #tpu.memory_space<vmem>> -> memref<112xi32, #tpu.memory_space<vmem>>
          %dma_start3A_176 = arith.constant 0 : i32
          %dma_start3A_177 = arith.constant 0 : i32
          %dma_start3A_178 = tpu.memref_slice %arg15[%dma_start3A_176, %dma_start3A_177] : memref<10240x128xf32, #tpu.memory_space<vmem_shared>> -> memref<10240x128xf32, #tpu.memory_space<vmem_shared>>
          tpu.enqueue_indirect_dma source(%arg13 : memref<112x128xf32, #tpu.memory_space<vmem>>) target(%dma_start3A_178 : memref<10240x128xf32, #tpu.memory_space<vmem_shared>>) offsets(%dma_start3A_175 : memref<112xi32, #tpu.memory_space<vmem>>) semaphore(%run_scoped3A : memref<!tpu.dma_semaphore, #tpu.memory_space<semaphore_mem>>) {add = true}
          %dma_wait3A_179 = arith.constant 336 : i32
          %dma_wait3A_180 = tpu.memref_slice %arg11[%dma_wait3A_179] : memref<1120xi32, #tpu.memory_space<vmem>> -> memref<112xi32, #tpu.memory_space<vmem>>
          %dma_wait3A_181 = arith.constant 0 : i32
          %dma_wait3A_182 = arith.constant 0 : i32
          %dma_wait3A_183 = tpu.memref_slice %arg15[%dma_wait3A_181, %dma_wait3A_182] : memref<10240x128xf32, #tpu.memory_space<vmem_shared>> -> memref<10240x128xf32, #tpu.memory_space<vmem_shared>>
          tpu.wait_indirect_dma semaphore(%run_scoped3A : memref<!tpu.dma_semaphore, #tpu.memory_space<semaphore_mem>>) src(%arg13 : memref<112x128xf32, #tpu.memory_space<vmem>>) dst(%dma_wait3A_183 : memref<10240x128xf32, #tpu.memory_space<vmem_shared>>)
          tpu.yield
        }) : () -> ()
        %dma_start3A_119 = arith.constant 560 : i32
        %dma_start3A_120 = tpu.memref_slice %arg10[%dma_start3A_119] : memref<1120xi32, #tpu.memory_space<vmem>> -> memref<112xi32, #tpu.memory_space<vmem>>
        %dma_start3A_121 = arith.constant 0 : i32
        %dma_start3A_122 = arith.constant 0 : i32
        %dma_start3A_123 = tpu.memref_slice %arg3[%dma_start3A_121, %dma_start3A_122] : memref<10240x128xf32, #tpu.memory_space<hbm>> -> memref<10240x128xf32, #tpu.memory_space<hbm>>
        tpu.enqueue_indirect_dma source(%dma_start3A_123 : memref<10240x128xf32, #tpu.memory_space<hbm>>) target(%arg13 : memref<112x128xf32, #tpu.memory_space<vmem>>) offsets(%dma_start3A_120 : memref<112xi32, #tpu.memory_space<vmem>>) semaphore(%arg17 : memref<!tpu.dma_semaphore, #tpu.memory_space<semaphore_mem>>)
        %dma_wait3A_124 = arith.constant 448 : i32
        %dma_wait3A_125 = tpu.memref_slice %arg10[%dma_wait3A_124] : memref<1120xi32, #tpu.memory_space<vmem>> -> memref<112xi32, #tpu.memory_space<vmem>>
        %dma_wait3A_126 = arith.constant 0 : i32
        %dma_wait3A_127 = arith.constant 0 : i32
        %dma_wait3A_128 = tpu.memref_slice %arg3[%dma_wait3A_126, %dma_wait3A_127] : memref<10240x128xf32, #tpu.memory_space<hbm>> -> memref<10240x128xf32, #tpu.memory_space<hbm>>
        tpu.wait_indirect_dma semaphore(%arg16 : memref<!tpu.dma_semaphore, #tpu.memory_space<semaphore_mem>>) src(%dma_wait3A_128 : memref<10240x128xf32, #tpu.memory_space<hbm>>) dst(%arg12 : memref<112x128xf32, #tpu.memory_space<vmem>>)
        "tpu.region"() ({
          %run_scoped3A = tpu.sem_alloc : memref<!tpu.dma_semaphore, #tpu.memory_space<semaphore_mem>>
          %dma_start3A_174 = arith.constant 448 : i32
          %dma_start3A_175 = tpu.memref_slice %arg11[%dma_start3A_174] : memref<1120xi32, #tpu.memory_space<vmem>> -> memref<112xi32, #tpu.memory_space<vmem>>
          %dma_start3A_176 = arith.constant 0 : i32
          %dma_start3A_177 = arith.constant 0 : i32
          %dma_start3A_178 = tpu.memref_slice %arg15[%dma_start3A_176, %dma_start3A_177] : memref<10240x128xf32, #tpu.memory_space<vmem_shared>> -> memref<10240x128xf32, #tpu.memory_space<vmem_shared>>
          tpu.enqueue_indirect_dma source(%arg12 : memref<112x128xf32, #tpu.memory_space<vmem>>) target(%dma_start3A_178 : memref<10240x128xf32, #tpu.memory_space<vmem_shared>>) offsets(%dma_start3A_175 : memref<112xi32, #tpu.memory_space<vmem>>) semaphore(%run_scoped3A : memref<!tpu.dma_semaphore, #tpu.memory_space<semaphore_mem>>) {add = true}
          %dma_wait3A_179 = arith.constant 448 : i32
          %dma_wait3A_180 = tpu.memref_slice %arg11[%dma_wait3A_179] : memref<1120xi32, #tpu.memory_space<vmem>> -> memref<112xi32, #tpu.memory_space<vmem>>
          %dma_wait3A_181 = arith.constant 0 : i32
          %dma_wait3A_182 = arith.constant 0 : i32
          %dma_wait3A_183 = tpu.memref_slice %arg15[%dma_wait3A_181, %dma_wait3A_182] : memref<10240x128xf32, #tpu.memory_space<vmem_shared>> -> memref<10240x128xf32, #tpu.memory_space<vmem_shared>>
          tpu.wait_indirect_dma semaphore(%run_scoped3A : memref<!tpu.dma_semaphore, #tpu.memory_space<semaphore_mem>>) src(%arg12 : memref<112x128xf32, #tpu.memory_space<vmem>>) dst(%dma_wait3A_183 : memref<10240x128xf32, #tpu.memory_space<vmem_shared>>)
          tpu.yield
        }) : () -> ()
        %dma_start3A_129 = arith.constant 672 : i32
        %dma_start3A_130 = tpu.memref_slice %arg10[%dma_start3A_129] : memref<1120xi32, #tpu.memory_space<vmem>> -> memref<112xi32, #tpu.memory_space<vmem>>
        %dma_start3A_131 = arith.constant 0 : i32
        %dma_start3A_132 = arith.constant 0 : i32
        %dma_start3A_133 = tpu.memref_slice %arg3[%dma_start3A_131, %dma_start3A_132] : memref<10240x128xf32, #tpu.memory_space<hbm>> -> memref<10240x128xf32, #tpu.memory_space<hbm>>
        tpu.enqueue_indirect_dma source(%dma_start3A_133 : memref<10240x128xf32, #tpu.memory_space<hbm>>) target(%arg12 : memref<112x128xf32, #tpu.memory_space<vmem>>) offsets(%dma_start3A_130 : memref<112xi32, #tpu.memory_space<vmem>>) semaphore(%arg16 : memref<!tpu.dma_semaphore, #tpu.memory_space<semaphore_mem>>)
        %dma_wait3A_134 = arith.constant 560 : i32
        %dma_wait3A_135 = tpu.memref_slice %arg10[%dma_wait3A_134] : memref<1120xi32, #tpu.memory_space<vmem>> -> memref<112xi32, #tpu.memory_space<vmem>>
        %dma_wait3A_136 = arith.constant 0 : i32
        %dma_wait3A_137 = arith.constant 0 : i32
        %dma_wait3A_138 = tpu.memref_slice %arg3[%dma_wait3A_136, %dma_wait3A_137] : memref<10240x128xf32, #tpu.memory_space<hbm>> -> memref<10240x128xf32, #tpu.memory_space<hbm>>
        tpu.wait_indirect_dma semaphore(%arg17 : memref<!tpu.dma_semaphore, #tpu.memory_space<semaphore_mem>>) src(%dma_wait3A_138 : memref<10240x128xf32, #tpu.memory_space<hbm>>) dst(%arg13 : memref<112x128xf32, #tpu.memory_space<vmem>>)
        "tpu.region"() ({
          %run_scoped3A = tpu.sem_alloc : memref<!tpu.dma_semaphore, #tpu.memory_space<semaphore_mem>>
          %dma_start3A_174 = arith.constant 560 : i32
          %dma_start3A_175 = tpu.memref_slice %arg11[%dma_start3A_174] : memref<1120xi32, #tpu.memory_space<vmem>> -> memref<112xi32, #tpu.memory_space<vmem>>
          %dma_start3A_176 = arith.constant 0 : i32
          %dma_start3A_177 = arith.constant 0 : i32
          %dma_start3A_178 = tpu.memref_slice %arg15[%dma_start3A_176, %dma_start3A_177] : memref<10240x128xf32, #tpu.memory_space<vmem_shared>> -> memref<10240x128xf32, #tpu.memory_space<vmem_shared>>
          tpu.enqueue_indirect_dma source(%arg13 : memref<112x128xf32, #tpu.memory_space<vmem>>) target(%dma_start3A_178 : memref<10240x128xf32, #tpu.memory_space<vmem_shared>>) offsets(%dma_start3A_175 : memref<112xi32, #tpu.memory_space<vmem>>) semaphore(%run_scoped3A : memref<!tpu.dma_semaphore, #tpu.memory_space<semaphore_mem>>) {add = true}
          %dma_wait3A_179 = arith.constant 560 : i32
          %dma_wait3A_180 = tpu.memref_slice %arg11[%dma_wait3A_179] : memref<1120xi32, #tpu.memory_space<vmem>> -> memref<112xi32, #tpu.memory_space<vmem>>
          %dma_wait3A_181 = arith.constant 0 : i32
          %dma_wait3A_182 = arith.constant 0 : i32
          %dma_wait3A_183 = tpu.memref_slice %arg15[%dma_wait3A_181, %dma_wait3A_182] : memref<10240x128xf32, #tpu.memory_space<vmem_shared>> -> memref<10240x128xf32, #tpu.memory_space<vmem_shared>>
          tpu.wait_indirect_dma semaphore(%run_scoped3A : memref<!tpu.dma_semaphore, #tpu.memory_space<semaphore_mem>>) src(%arg13 : memref<112x128xf32, #tpu.memory_space<vmem>>) dst(%dma_wait3A_183 : memref<10240x128xf32, #tpu.memory_space<vmem_shared>>)
          tpu.yield
        }) : () -> ()
        %dma_start3A_139 = arith.constant 784 : i32
        %dma_start3A_140 = tpu.memref_slice %arg10[%dma_start3A_139] : memref<1120xi32, #tpu.memory_space<vmem>> -> memref<112xi32, #tpu.memory_space<vmem>>
        %dma_start3A_141 = arith.constant 0 : i32
        %dma_start3A_142 = arith.constant 0 : i32
        %dma_start3A_143 = tpu.memref_slice %arg3[%dma_start3A_141, %dma_start3A_142] : memref<10240x128xf32, #tpu.memory_space<hbm>> -> memref<10240x128xf32, #tpu.memory_space<hbm>>
        tpu.enqueue_indirect_dma source(%dma_start3A_143 : memref<10240x128xf32, #tpu.memory_space<hbm>>) target(%arg13 : memref<112x128xf32, #tpu.memory_space<vmem>>) offsets(%dma_start3A_140 : memref<112xi32, #tpu.memory_space<vmem>>) semaphore(%arg17 : memref<!tpu.dma_semaphore, #tpu.memory_space<semaphore_mem>>)
        %dma_wait3A_144 = arith.constant 672 : i32
        %dma_wait3A_145 = tpu.memref_slice %arg10[%dma_wait3A_144] : memref<1120xi32, #tpu.memory_space<vmem>> -> memref<112xi32, #tpu.memory_space<vmem>>
        %dma_wait3A_146 = arith.constant 0 : i32
        %dma_wait3A_147 = arith.constant 0 : i32
        %dma_wait3A_148 = tpu.memref_slice %arg3[%dma_wait3A_146, %dma_wait3A_147] : memref<10240x128xf32, #tpu.memory_space<hbm>> -> memref<10240x128xf32, #tpu.memory_space<hbm>>
        tpu.wait_indirect_dma semaphore(%arg16 : memref<!tpu.dma_semaphore, #tpu.memory_space<semaphore_mem>>) src(%dma_wait3A_148 : memref<10240x128xf32, #tpu.memory_space<hbm>>) dst(%arg12 : memref<112x128xf32, #tpu.memory_space<vmem>>)
        "tpu.region"() ({
          %run_scoped3A = tpu.sem_alloc : memref<!tpu.dma_semaphore, #tpu.memory_space<semaphore_mem>>
          %dma_start3A_174 = arith.constant 672 : i32
          %dma_start3A_175 = tpu.memref_slice %arg11[%dma_start3A_174] : memref<1120xi32, #tpu.memory_space<vmem>> -> memref<112xi32, #tpu.memory_space<vmem>>
          %dma_start3A_176 = arith.constant 0 : i32
          %dma_start3A_177 = arith.constant 0 : i32
          %dma_start3A_178 = tpu.memref_slice %arg15[%dma_start3A_176, %dma_start3A_177] : memref<10240x128xf32, #tpu.memory_space<vmem_shared>> -> memref<10240x128xf32, #tpu.memory_space<vmem_shared>>
          tpu.enqueue_indirect_dma source(%arg12 : memref<112x128xf32, #tpu.memory_space<vmem>>) target(%dma_start3A_178 : memref<10240x128xf32, #tpu.memory_space<vmem_shared>>) offsets(%dma_start3A_175 : memref<112xi32, #tpu.memory_space<vmem>>) semaphore(%run_scoped3A : memref<!tpu.dma_semaphore, #tpu.memory_space<semaphore_mem>>) {add = true}
          %dma_wait3A_179 = arith.constant 672 : i32
          %dma_wait3A_180 = tpu.memref_slice %arg11[%dma_wait3A_179] : memref<1120xi32, #tpu.memory_space<vmem>> -> memref<112xi32, #tpu.memory_space<vmem>>
          %dma_wait3A_181 = arith.constant 0 : i32
          %dma_wait3A_182 = arith.constant 0 : i32
          %dma_wait3A_183 = tpu.memref_slice %arg15[%dma_wait3A_181, %dma_wait3A_182] : memref<10240x128xf32, #tpu.memory_space<vmem_shared>> -> memref<10240x128xf32, #tpu.memory_space<vmem_shared>>
          tpu.wait_indirect_dma semaphore(%run_scoped3A : memref<!tpu.dma_semaphore, #tpu.memory_space<semaphore_mem>>) src(%arg12 : memref<112x128xf32, #tpu.memory_space<vmem>>) dst(%dma_wait3A_183 : memref<10240x128xf32, #tpu.memory_space<vmem_shared>>)
          tpu.yield
        }) : () -> ()
        %dma_start3A_149 = arith.constant 896 : i32
        %dma_start3A_150 = tpu.memref_slice %arg10[%dma_start3A_149] : memref<1120xi32, #tpu.memory_space<vmem>> -> memref<112xi32, #tpu.memory_space<vmem>>
        %dma_start3A_151 = arith.constant 0 : i32
        %dma_start3A_152 = arith.constant 0 : i32
        %dma_start3A_153 = tpu.memref_slice %arg3[%dma_start3A_151, %dma_start3A_152] : memref<10240x128xf32, #tpu.memory_space<hbm>> -> memref<10240x128xf32, #tpu.memory_space<hbm>>
        tpu.enqueue_indirect_dma source(%dma_start3A_153 : memref<10240x128xf32, #tpu.memory_space<hbm>>) target(%arg12 : memref<112x128xf32, #tpu.memory_space<vmem>>) offsets(%dma_start3A_150 : memref<112xi32, #tpu.memory_space<vmem>>) semaphore(%arg16 : memref<!tpu.dma_semaphore, #tpu.memory_space<semaphore_mem>>)
        %dma_wait3A_154 = arith.constant 784 : i32
        %dma_wait3A_155 = tpu.memref_slice %arg10[%dma_wait3A_154] : memref<1120xi32, #tpu.memory_space<vmem>> -> memref<112xi32, #tpu.memory_space<vmem>>
        %dma_wait3A_156 = arith.constant 0 : i32
        %dma_wait3A_157 = arith.constant 0 : i32
        %dma_wait3A_158 = tpu.memref_slice %arg3[%dma_wait3A_156, %dma_wait3A_157] : memref<10240x128xf32, #tpu.memory_space<hbm>> -> memref<10240x128xf32, #tpu.memory_space<hbm>>
        tpu.wait_indirect_dma semaphore(%arg17 : memref<!tpu.dma_semaphore, #tpu.memory_space<semaphore_mem>>) src(%dma_wait3A_158 : memref<10240x128xf32, #tpu.memory_space<hbm>>) dst(%arg13 : memref<112x128xf32, #tpu.memory_space<vmem>>)
        "tpu.region"() ({
          %run_scoped3A = tpu.sem_alloc : memref<!tpu.dma_semaphore, #tpu.memory_space<semaphore_mem>>
          %dma_start3A_174 = arith.constant 784 : i32
          %dma_start3A_175 = tpu.memref_slice %arg11[%dma_start3A_174] : memref<1120xi32, #tpu.memory_space<vmem>> -> memref<112xi32, #tpu.memory_space<vmem>>
          %dma_start3A_176 = arith.constant 0 : i32
          %dma_start3A_177 = arith.constant 0 : i32
          %dma_start3A_178 = tpu.memref_slice %arg15[%dma_start3A_176, %dma_start3A_177] : memref<10240x128xf32, #tpu.memory_space<vmem_shared>> -> memref<10240x128xf32, #tpu.memory_space<vmem_shared>>
          tpu.enqueue_indirect_dma source(%arg13 : memref<112x128xf32, #tpu.memory_space<vmem>>) target(%dma_start3A_178 : memref<10240x128xf32, #tpu.memory_space<vmem_shared>>) offsets(%dma_start3A_175 : memref<112xi32, #tpu.memory_space<vmem>>) semaphore(%run_scoped3A : memref<!tpu.dma_semaphore, #tpu.memory_space<semaphore_mem>>) {add = true}
          %dma_wait3A_179 = arith.constant 784 : i32
          %dma_wait3A_180 = tpu.memref_slice %arg11[%dma_wait3A_179] : memref<1120xi32, #tpu.memory_space<vmem>> -> memref<112xi32, #tpu.memory_space<vmem>>
          %dma_wait3A_181 = arith.constant 0 : i32
          %dma_wait3A_182 = arith.constant 0 : i32
          %dma_wait3A_183 = tpu.memref_slice %arg15[%dma_wait3A_181, %dma_wait3A_182] : memref<10240x128xf32, #tpu.memory_space<vmem_shared>> -> memref<10240x128xf32, #tpu.memory_space<vmem_shared>>
          tpu.wait_indirect_dma semaphore(%run_scoped3A : memref<!tpu.dma_semaphore, #tpu.memory_space<semaphore_mem>>) src(%arg13 : memref<112x128xf32, #tpu.memory_space<vmem>>) dst(%dma_wait3A_183 : memref<10240x128xf32, #tpu.memory_space<vmem_shared>>)
          tpu.yield
        }) : () -> ()
        %dma_start3A_159 = arith.constant 1008 : i32
        %dma_start3A_160 = tpu.memref_slice %arg10[%dma_start3A_159] : memref<1120xi32, #tpu.memory_space<vmem>> -> memref<112xi32, #tpu.memory_space<vmem>>
        %dma_start3A_161 = arith.constant 0 : i32
        %dma_start3A_162 = arith.constant 0 : i32
        %dma_start3A_163 = tpu.memref_slice %arg3[%dma_start3A_161, %dma_start3A_162] : memref<10240x128xf32, #tpu.memory_space<hbm>> -> memref<10240x128xf32, #tpu.memory_space<hbm>>
        tpu.enqueue_indirect_dma source(%dma_start3A_163 : memref<10240x128xf32, #tpu.memory_space<hbm>>) target(%arg13 : memref<112x128xf32, #tpu.memory_space<vmem>>) offsets(%dma_start3A_160 : memref<112xi32, #tpu.memory_space<vmem>>) semaphore(%arg17 : memref<!tpu.dma_semaphore, #tpu.memory_space<semaphore_mem>>)
        %dma_wait3A_164 = arith.constant 896 : i32
        %dma_wait3A_165 = tpu.memref_slice %arg10[%dma_wait3A_164] : memref<1120xi32, #tpu.memory_space<vmem>> -> memref<112xi32, #tpu.memory_space<vmem>>
        %dma_wait3A_166 = arith.constant 0 : i32
        %dma_wait3A_167 = arith.constant 0 : i32
        %dma_wait3A_168 = tpu.memref_slice %arg3[%dma_wait3A_166, %dma_wait3A_167] : memref<10240x128xf32, #tpu.memory_space<hbm>> -> memref<10240x128xf32, #tpu.memory_space<hbm>>
        tpu.wait_indirect_dma semaphore(%arg16 : memref<!tpu.dma_semaphore, #tpu.memory_space<semaphore_mem>>) src(%dma_wait3A_168 : memref<10240x128xf32, #tpu.memory_space<hbm>>) dst(%arg12 : memref<112x128xf32, #tpu.memory_space<vmem>>)
        "tpu.region"() ({
          %run_scoped3A = tpu.sem_alloc : memref<!tpu.dma_semaphore, #tpu.memory_space<semaphore_mem>>
          %dma_start3A_174 = arith.constant 896 : i32
          %dma_start3A_175 = tpu.memref_slice %arg11[%dma_start3A_174] : memref<1120xi32, #tpu.memory_space<vmem>> -> memref<112xi32, #tpu.memory_space<vmem>>
          %dma_start3A_176 = arith.constant 0 : i32
          %dma_start3A_177 = arith.constant 0 : i32
          %dma_start3A_178 = tpu.memref_slice %arg15[%dma_start3A_176, %dma_start3A_177] : memref<10240x128xf32, #tpu.memory_space<vmem_shared>> -> memref<10240x128xf32, #tpu.memory_space<vmem_shared>>
          tpu.enqueue_indirect_dma source(%arg12 : memref<112x128xf32, #tpu.memory_space<vmem>>) target(%dma_start3A_178 : memref<10240x128xf32, #tpu.memory_space<vmem_shared>>) offsets(%dma_start3A_175 : memref<112xi32, #tpu.memory_space<vmem>>) semaphore(%run_scoped3A : memref<!tpu.dma_semaphore, #tpu.memory_space<semaphore_mem>>) {add = true}
          %dma_wait3A_179 = arith.constant 896 : i32
          %dma_wait3A_180 = tpu.memref_slice %arg11[%dma_wait3A_179] : memref<1120xi32, #tpu.memory_space<vmem>> -> memref<112xi32, #tpu.memory_space<vmem>>
          %dma_wait3A_181 = arith.constant 0 : i32
          %dma_wait3A_182 = arith.constant 0 : i32
          %dma_wait3A_183 = tpu.memref_slice %arg15[%dma_wait3A_181, %dma_wait3A_182] : memref<10240x128xf32, #tpu.memory_space<vmem_shared>> -> memref<10240x128xf32, #tpu.memory_space<vmem_shared>>
          tpu.wait_indirect_dma semaphore(%run_scoped3A : memref<!tpu.dma_semaphore, #tpu.memory_space<semaphore_mem>>) src(%arg12 : memref<112x128xf32, #tpu.memory_space<vmem>>) dst(%dma_wait3A_183 : memref<10240x128xf32, #tpu.memory_space<vmem_shared>>)
          tpu.yield
        }) : () -> ()
        %dma_wait3A_169 = arith.constant 1008 : i32
        %dma_wait3A_170 = tpu.memref_slice %arg10[%dma_wait3A_169] : memref<1120xi32, #tpu.memory_space<vmem>> -> memref<112xi32, #tpu.memory_space<vmem>>
        %dma_wait3A_171 = arith.constant 0 : i32
        %dma_wait3A_172 = arith.constant 0 : i32
        %dma_wait3A_173 = tpu.memref_slice %arg3[%dma_wait3A_171, %dma_wait3A_172] : memref<10240x128xf32, #tpu.memory_space<hbm>> -> memref<10240x128xf32, #tpu.memory_space<hbm>>
        tpu.wait_indirect_dma semaphore(%arg17 : memref<!tpu.dma_semaphore, #tpu.memory_space<semaphore_mem>>) src(%dma_wait3A_173 : memref<10240x128xf32, #tpu.memory_space<hbm>>) dst(%arg13 : memref<112x128xf32, #tpu.memory_space<vmem>>)
        "tpu.region"() ({
          %run_scoped3A = tpu.sem_alloc : memref<!tpu.dma_semaphore, #tpu.memory_space<semaphore_mem>>
          %dma_start3A_174 = arith.constant 1008 : i32
          %dma_start3A_175 = tpu.memref_slice %arg11[%dma_start3A_174] : memref<1120xi32, #tpu.memory_space<vmem>> -> memref<112xi32, #tpu.memory_space<vmem>>
          %dma_start3A_176 = arith.constant 0 : i32
          %dma_start3A_177 = arith.constant 0 : i32
          %dma_start3A_178 = tpu.memref_slice %arg15[%dma_start3A_176, %dma_start3A_177] : memref<10240x128xf32, #tpu.memory_space<vmem_shared>> -> memref<10240x128xf32, #tpu.memory_space<vmem_shared>>
          tpu.enqueue_indirect_dma source(%arg13 : memref<112x128xf32, #tpu.memory_space<vmem>>) target(%dma_start3A_178 : memref<10240x128xf32, #tpu.memory_space<vmem_shared>>) offsets(%dma_start3A_175 : memref<112xi32, #tpu.memory_space<vmem>>) semaphore(%run_scoped3A : memref<!tpu.dma_semaphore, #tpu.memory_space<semaphore_mem>>) {add = true}
          %dma_wait3A_179 = arith.constant 1008 : i32
          %dma_wait3A_180 = tpu.memref_slice %arg11[%dma_wait3A_179] : memref<1120xi32, #tpu.memory_space<vmem>> -> memref<112xi32, #tpu.memory_space<vmem>>
          %dma_wait3A_181 = arith.constant 0 : i32
          %dma_wait3A_182 = arith.constant 0 : i32
          %dma_wait3A_183 = tpu.memref_slice %arg15[%dma_wait3A_181, %dma_wait3A_182] : memref<10240x128xf32, #tpu.memory_space<vmem_shared>> -> memref<10240x128xf32, #tpu.memory_space<vmem_shared>>
          tpu.wait_indirect_dma semaphore(%run_scoped3A : memref<!tpu.dma_semaphore, #tpu.memory_space<semaphore_mem>>) src(%arg13 : memref<112x128xf32, #tpu.memory_space<vmem>>) dst(%dma_wait3A_183 : memref<10240x128xf32, #tpu.memory_space<vmem_shared>>)
          tpu.yield
        }) : () -> ()
      }
      %scan3A_71 = arith.constant 18 : i32
    } else {
    }
    %barrier3A_53 = arith.constant 0 : index
    tpu.barrier barrier_id(%barrier3A_53)
    %eq3A_54 = arith.constant 0 : i32
    %eq3A_55 = arith.cmpi eq, %arg0, %eq3A_54 : i32
    %convert_element_type3A_56 = arith.extui %eq3A_55 : i1 to i32
    %cond3A_57 = arith.constant 0 : i32
    %cond3A_58 = arith.cmpi ne, %convert_element_type3A_56, %cond3A_57 : i32
    scf.if %cond3A_58 {
      "tpu.region"() ({
        %run_scoped3A = tpu.sem_alloc : memref<!tpu.dma_semaphore, #tpu.memory_space<semaphore_mem>>
        %dma_start3A = arith.constant 0 : i32
        %dma_start3A_64 = tpu.memref_slice %arg8[%mul3A_0, %dma_start3A] : memref<10240x128xf32, #tpu.memory_space<hbm>> -> memref<640x128xf32, #tpu.memory_space<hbm>>
        %dma_start3A_65 = arith.constant 0 : i32
        %dma_start3A_66 = tpu.memref_slice %arg15[%mul3A_0, %dma_start3A_65] : memref<10240x128xf32, #tpu.memory_space<vmem_shared>> -> memref<640x128xf32, #tpu.memory_space<vmem_shared>>
        tpu.enqueue_dma source(%dma_start3A_66 : memref<640x128xf32, #tpu.memory_space<vmem_shared>>) target(%dma_start3A_64 : memref<640x128xf32, #tpu.memory_space<hbm>>) target_semaphore(%run_scoped3A : memref<!tpu.dma_semaphore, #tpu.memory_space<semaphore_mem>>)
        %dma_wait3A = arith.constant 0 : i32
        %dma_wait3A_67 = tpu.memref_slice %arg8[%mul3A_0, %dma_wait3A] : memref<10240x128xf32, #tpu.memory_space<hbm>> -> memref<640x128xf32, #tpu.memory_space<hbm>>
        %dma_wait3A_68 = arith.constant 0 : i32
        %dma_wait3A_69 = tpu.memref_slice %arg15[%mul3A_0, %dma_wait3A_68] : memref<10240x128xf32, #tpu.memory_space<vmem_shared>> -> memref<640x128xf32, #tpu.memory_space<vmem_shared>>
        tpu.wait_dma2 semaphore(%run_scoped3A : memref<!tpu.dma_semaphore, #tpu.memory_space<semaphore_mem>>) src(%dma_wait3A_69 : memref<640x128xf32, #tpu.memory_space<vmem_shared>>) dst(%dma_wait3A_67 : memref<640x128xf32, #tpu.memory_space<hbm>>)
        tpu.yield
      }) : () -> ()
    } else {
    }
    %eq3A_59 = arith.constant 1 : i32
    %eq3A_60 = arith.cmpi eq, %arg0, %eq3A_59 : i32
    %convert_element_type3A_61 = arith.extui %eq3A_60 : i1 to i32
    %cond3A_62 = arith.constant 0 : i32
    %cond3A_63 = arith.cmpi ne, %convert_element_type3A_61, %cond3A_62 : i32
    scf.if %cond3A_63 {
      "tpu.region"() ({
        %run_scoped3A = tpu.sem_alloc : memref<!tpu.dma_semaphore, #tpu.memory_space<semaphore_mem>>
        %dma_start3A = arith.constant 0 : i32
        %dma_start3A_64 = tpu.memref_slice %arg9[%mul3A_0, %dma_start3A] : memref<10240x128xf32, #tpu.memory_space<hbm>> -> memref<640x128xf32, #tpu.memory_space<hbm>>
        %dma_start3A_65 = arith.constant 0 : i32
        %dma_start3A_66 = tpu.memref_slice %arg15[%mul3A_0, %dma_start3A_65] : memref<10240x128xf32, #tpu.memory_space<vmem_shared>> -> memref<640x128xf32, #tpu.memory_space<vmem_shared>>
        tpu.enqueue_dma source(%dma_start3A_66 : memref<640x128xf32, #tpu.memory_space<vmem_shared>>) target(%dma_start3A_64 : memref<640x128xf32, #tpu.memory_space<hbm>>) target_semaphore(%run_scoped3A : memref<!tpu.dma_semaphore, #tpu.memory_space<semaphore_mem>>)
        %dma_wait3A = arith.constant 0 : i32
        %dma_wait3A_67 = tpu.memref_slice %arg9[%mul3A_0, %dma_wait3A] : memref<10240x128xf32, #tpu.memory_space<hbm>> -> memref<640x128xf32, #tpu.memory_space<hbm>>
        %dma_wait3A_68 = arith.constant 0 : i32
        %dma_wait3A_69 = tpu.memref_slice %arg15[%mul3A_0, %dma_wait3A_68] : memref<10240x128xf32, #tpu.memory_space<vmem_shared>> -> memref<640x128xf32, #tpu.memory_space<vmem_shared>>
        tpu.wait_dma2 semaphore(%run_scoped3A : memref<!tpu.dma_semaphore, #tpu.memory_space<semaphore_mem>>) src(%dma_wait3A_69 : memref<640x128xf32, #tpu.memory_space<vmem_shared>>) dst(%dma_wait3A_67 : memref<640x128xf32, #tpu.memory_space<hbm>>)
        tpu.yield
      }) : () -> ()
    } else {
    }
    return
  }
}

module attributes {stable_mosaic.version = 14 : i64} {
  func.func @_fold_body(%arg0: memref<1024x512xf32, #tpu.memory_space<vmem>>, %arg1: memref<128x2048xf32, #tpu.memory_space<vmem>>, %arg2: memref<1024x1xf32, #tpu.memory_space<vmem>>, %arg3: memref<128x256xf32, #tpu.memory_space<vmem>>, %arg4: memref<128x256xf32, #tpu.memory_space<vmem>>, %arg5: memref<128x1xf32, #tpu.memory_space<vmem>>, %arg6: memref<128x1xf32, #tpu.memory_space<vmem>>) attributes {dimension_semantics = [], scalar_prefetch = 0 : i64, scratch_operands = 0 : i64, tpu.core_type = #tpu.core_type<tc>} {
    %get3A = arith.constant 0 : index
    %get3A_0 = arith.constant 0 : index
    %get3A_1 = vector.load %arg0[%get3A, %get3A_0] : memref<1024x512xf32, #tpu.memory_space<vmem>>, vector<1024x512xf32>
    %slice3A = vector.extract_strided_slice %get3A_1 {offsets = [0, 0], sizes = [1024, 128], strides = [1, 1]} : vector<1024x512xf32> to vector<1024x128xf32>
    %slice3A_2 = vector.extract_strided_slice %get3A_1 {offsets = [0, 128], sizes = [1024, 128], strides = [1, 1]} : vector<1024x512xf32> to vector<1024x128xf32>
    %add3A = arith.addf %slice3A, %slice3A_2 : vector<1024x128xf32>
    %slice3A_3 = vector.extract_strided_slice %get3A_1 {offsets = [0, 256], sizes = [1024, 128], strides = [1, 1]} : vector<1024x512xf32> to vector<1024x128xf32>
    %slice3A_4 = vector.extract_strided_slice %get3A_1 {offsets = [0, 384], sizes = [1024, 128], strides = [1, 1]} : vector<1024x512xf32> to vector<1024x128xf32>
    %add3A_5 = arith.addf %slice3A_3, %slice3A_4 : vector<1024x128xf32>
    %concatenate3A = tpu.concatenate %add3A, %add3A_5 in 1 : vector<1024x128xf32>, vector<1024x128xf32> -> vector<1024x256xf32>
    %get3A_6 = arith.constant 0 : index
    %get3A_7 = arith.constant 0 : index
    %get3A_8 = vector.load %arg1[%get3A_6, %get3A_7] : memref<128x2048xf32, #tpu.memory_space<vmem>>, vector<128x1024xf32>
    %get3A_9 = arith.constant 0 : index
    %get3A_10 = arith.constant 1024 : index
    %get3A_11 = vector.load %arg1[%get3A_9, %get3A_10] : memref<128x2048xf32, #tpu.memory_space<vmem>>, vector<128x1024xf32>
    %get3A_12 = arith.constant 0 : index
    %get3A_13 = arith.constant 0 : index
    %get3A_14 = vector.load %arg2[%get3A_12, %get3A_13] : memref<1024x1xf32, #tpu.memory_space<vmem>>, vector<1024x1xf32>
    %dot_general3A = arith.constant dense<0.000000e+00> : vector<128x256xf32>
    %dot_general3A_15 = tpu.matmul %get3A_8, %concatenate3A, %dot_general3A {dimension_numbers = #tpu.dot_dimension_numbers<[1], [0], [0], [1], [0, 0, 1, 1], [], []>, transpose_lhs_hint = false} : vector<128x1024xf32>, vector<1024x256xf32>, vector<128x256xf32> -> vector<128x256xf32>
    %swap3A = arith.constant 0 : index
    %swap3A_16 = arith.constant 0 : index
    %swap3A_17 = vector.load %arg3[%swap3A, %swap3A_16] : memref<128x256xf32, #tpu.memory_space<vmem>>, vector<128x256xf32>
    tpu.vector_store %arg3[%swap3A, %swap3A_16], %dot_general3A_15 {strides = array<i32>} : memref<128x256xf32, #tpu.memory_space<vmem>>, vector<128x256xf32>,
    %dot_general3A_18 = arith.constant dense<0.000000e+00> : vector<128x256xf32>
    %dot_general3A_19 = tpu.matmul %get3A_11, %concatenate3A, %dot_general3A_18 {dimension_numbers = #tpu.dot_dimension_numbers<[1], [0], [0], [1], [0, 0, 1, 1], [], []>, transpose_lhs_hint = false} : vector<128x1024xf32>, vector<1024x256xf32>, vector<128x256xf32> -> vector<128x256xf32>
    %swap3A_20 = arith.constant 0 : index
    %swap3A_21 = arith.constant 0 : index
    %swap3A_22 = vector.load %arg4[%swap3A_20, %swap3A_21] : memref<128x256xf32, #tpu.memory_space<vmem>>, vector<128x256xf32>
    tpu.vector_store %arg4[%swap3A_20, %swap3A_21], %dot_general3A_19 {strides = array<i32>} : memref<128x256xf32, #tpu.memory_space<vmem>>, vector<128x256xf32>,
    %dot_general3A_23 = arith.constant dense<0.000000e+00> : vector<128x1xf32>
    %dot_general3A_24 = tpu.matmul %get3A_8, %get3A_14, %dot_general3A_23 {dimension_numbers = #tpu.dot_dimension_numbers<[1], [0], [0], [1], [0, 0, 1, 1], [], []>, transpose_lhs_hint = false} : vector<128x1024xf32>, vector<1024x1xf32>, vector<128x1xf32> -> vector<128x1xf32>
    %swap3A_25 = arith.constant 0 : index
    %swap3A_26 = arith.constant 0 : index
    %swap3A_27 = vector.load %arg5[%swap3A_25, %swap3A_26] : memref<128x1xf32, #tpu.memory_space<vmem>>, vector<128x1xf32>
    tpu.vector_store %arg5[%swap3A_25, %swap3A_26], %dot_general3A_24 {strides = array<i32>} : memref<128x1xf32, #tpu.memory_space<vmem>>, vector<128x1xf32>,
    %dot_general3A_28 = arith.constant dense<0.000000e+00> : vector<128x1xf32>
    %dot_general3A_29 = tpu.matmul %get3A_11, %get3A_14, %dot_general3A_28 {dimension_numbers = #tpu.dot_dimension_numbers<[1], [0], [0], [1], [0, 0, 1, 1], [], []>, transpose_lhs_hint = false} : vector<128x1024xf32>, vector<1024x1xf32>, vector<128x1xf32> -> vector<128x1xf32>
    %swap3A_30 = arith.constant 0 : index
    %swap3A_31 = arith.constant 0 : index
    %swap3A_32 = vector.load %arg6[%swap3A_30, %swap3A_31] : memref<128x1xf32, #tpu.memory_space<vmem>>, vector<128x1xf32>
    tpu.vector_store %arg6[%swap3A_30, %swap3A_31], %dot_general3A_29 {strides = array<i32>} : memref<128x1xf32, #tpu.memory_space<vmem>>, vector<128x1xf32>,
    return
  }
}

module attributes {stable_mosaic.version = 14 : i64} {
  func.func @_proj_body(%arg0: i32, %arg1: memref<1024x128xf32, #tpu.memory_space<vmem>>, %arg2: memref<1024x128xf32, #tpu.memory_space<vmem>>, %arg3: memref<1024x1xf32, #tpu.memory_space<vmem>>, %arg4: memref<1024x1xf32, #tpu.memory_space<vmem>>, %arg5: memref<256x128xf32, #tpu.memory_space<vmem>>, %arg6: memref<256x128xf32, #tpu.memory_space<vmem>>, %arg7: memref<1x128xf32, #tpu.memory_space<vmem>>, %arg8: memref<1x128xf32, #tpu.memory_space<vmem>>, %arg9: memref<1024x128xf32, #tpu.memory_space<vmem>>, %arg10: memref<1024x128xf32, #tpu.memory_space<vmem>>) attributes {dimension_semantics = [#tpu.dimension_semantics<arbitrary>], iteration_bounds = array<i64: 10>, scalar_prefetch = 0 : i64, scratch_operands = 0 : i64, tpu.core_type = #tpu.core_type<tc>, window_params = [{transform_indices = @transform_0, window_bounds = array<i64: 1024, 128>}, {transform_indices = @transform_1, window_bounds = array<i64: 1024, 128>}, {transform_indices = @transform_2, window_bounds = array<i64: 1024, 1>}, {transform_indices = @transform_3, window_bounds = array<i64: 1024, 1>}, {pipeline_mode = #tpu.pipeline_mode<synchronous>, transform_indices = @transform_4, window_bounds = array<i64: 256, 128>}, {pipeline_mode = #tpu.pipeline_mode<synchronous>, transform_indices = @transform_5, window_bounds = array<i64: 256, 128>}, {pipeline_mode = #tpu.pipeline_mode<synchronous>, transform_indices = @transform_6, window_bounds = array<i64: 1, 128>}, {pipeline_mode = #tpu.pipeline_mode<synchronous>, transform_indices = @transform_7, window_bounds = array<i64: 1, 128>}, {transform_indices = @transform_8, window_bounds = array<i64: 1024, 128>}, {transform_indices = @transform_9, window_bounds = array<i64: 1024, 128>}]} {
    %get3A = arith.constant 0 : index
    %get3A_0 = arith.constant 0 : index
    %get3A_1 = vector.load %arg3[%get3A, %get3A_0] : memref<1024x1xf32, #tpu.memory_space<vmem>>, vector<1024x1xf32>
    %max3A = arith.constant 1.000000e+00 : f32
    %max3A_2 = vector.broadcast %max3A : f32 to vector<1024x1xf32>
    %max3A_3 = arith.maximumf %get3A_1, %max3A_2 : vector<1024x1xf32>
    %div3A = arith.constant 1.000000e+00 : f32
    %div3A_4 = vector.broadcast %div3A : f32 to vector<1024x1xf32>
    %div3A_5 = arith.divf %div3A_4, %max3A_3 : vector<1024x1xf32>
    %get3A_6 = arith.constant 0 : index
    %get3A_7 = arith.constant 0 : index
    %get3A_8 = vector.load %arg4[%get3A_6, %get3A_7] : memref<1024x1xf32, #tpu.memory_space<vmem>>, vector<1024x1xf32>
    %max3A_9 = arith.constant 1.000000e+00 : f32
    %max3A_10 = vector.broadcast %max3A_9 : f32 to vector<1024x1xf32>
    %max3A_11 = arith.maximumf %get3A_8, %max3A_10 : vector<1024x1xf32>
    %div3A_12 = arith.constant 1.000000e+00 : f32
    %div3A_13 = vector.broadcast %div3A_12 : f32 to vector<1024x1xf32>
    %div3A_14 = arith.divf %div3A_13, %max3A_11 : vector<1024x1xf32>
    %get3A_15 = arith.constant 0 : index
    %get3A_16 = arith.constant 0 : index
    %get3A_17 = vector.load %arg1[%get3A_15, %get3A_16] : memref<1024x128xf32, #tpu.memory_space<vmem>>, vector<1024x128xf32>
    %mul3A = vector.broadcast %div3A_5 : vector<1024x1xf32> to vector<1024x128xf32>
    %mul3A_18 = arith.mulf %get3A_17, %mul3A : vector<1024x128xf32>
    %gt3A = arith.constant 0.000000e+00 : f32
    %gt3A_19 = vector.broadcast %gt3A : f32 to vector<1024x128xf32>
    %gt3A_20 = arith.cmpf ogt, %mul3A_18, %gt3A_19 : vector<1024x128xf32>
    %exp3A = math.exp %mul3A_18 : vector<1024x128xf32>
    %sub3A = arith.constant 1.000000e+00 : f32
    %sub3A_21 = vector.broadcast %sub3A : f32 to vector<1024x128xf32>
    %sub3A_22 = arith.subf %exp3A, %sub3A_21 : vector<1024x128xf32>
    %select_n3A = arith.select %gt3A_20, %mul3A_18, %sub3A_22 : vector<1024x128xi1>, vector<1024x128xf32>
    %get3A_23 = arith.constant 0 : index
    %get3A_24 = arith.constant 0 : index
    %get3A_25 = vector.load %arg2[%get3A_23, %get3A_24] : memref<1024x128xf32, #tpu.memory_space<vmem>>, vector<1024x128xf32>
    %mul3A_26 = vector.broadcast %div3A_14 : vector<1024x1xf32> to vector<1024x128xf32>
    %mul3A_27 = arith.mulf %get3A_25, %mul3A_26 : vector<1024x128xf32>
    %gt3A_28 = arith.constant 0.000000e+00 : f32
    %gt3A_29 = vector.broadcast %gt3A_28 : f32 to vector<1024x128xf32>
    %gt3A_30 = arith.cmpf ogt, %mul3A_27, %gt3A_29 : vector<1024x128xf32>
    %exp3A_31 = math.exp %mul3A_27 : vector<1024x128xf32>
    %sub3A_32 = arith.constant 1.000000e+00 : f32
    %sub3A_33 = vector.broadcast %sub3A_32 : f32 to vector<1024x128xf32>
    %sub3A_34 = arith.subf %exp3A_31, %sub3A_33 : vector<1024x128xf32>
    %select_n3A_35 = arith.select %gt3A_30, %mul3A_27, %sub3A_34 : vector<1024x128xi1>, vector<1024x128xf32>
    %concatenate3A = tpu.concatenate %select_n3A, %select_n3A_35 in 1 : vector<1024x128xf32>, vector<1024x128xf32> -> vector<1024x256xf32>
    %get3A_36 = arith.constant 0 : index
    %get3A_37 = arith.constant 0 : index
    %get3A_38 = vector.load %arg5[%get3A_36, %get3A_37] : memref<256x128xf32, #tpu.memory_space<vmem>>, vector<256x128xf32>
    %dot_general3A = arith.constant dense<0.000000e+00> : vector<1024x128xf32>
    %dot_general3A_39 = tpu.matmul %concatenate3A, %get3A_38, %dot_general3A {dimension_numbers = #tpu.dot_dimension_numbers<[1], [0], [0], [1], [0, 0, 1, 1], [], []>, transpose_lhs_hint = false} : vector<1024x256xf32>, vector<256x128xf32>, vector<1024x128xf32> -> vector<1024x128xf32>
    %get3A_40 = arith.constant 0 : index
    %get3A_41 = arith.constant 0 : index
    %get3A_42 = vector.load %arg7[%get3A_40, %get3A_41] : memref<1x128xf32, #tpu.memory_space<vmem>>, vector<1x128xf32>
    %add3A = vector.broadcast %get3A_42 : vector<1x128xf32> to vector<1024x128xf32>
    %add3A_43 = arith.addf %dot_general3A_39, %add3A : vector<1024x128xf32>
    %swap3A = arith.constant 0 : index
    %swap3A_44 = arith.constant 0 : index
    %swap3A_45 = vector.load %arg9[%swap3A, %swap3A_44] : memref<1024x128xf32, #tpu.memory_space<vmem>>, vector<1024x128xf32>
    tpu.vector_store %arg9[%swap3A, %swap3A_44], %add3A_43 {strides = array<i32>} : memref<1024x128xf32, #tpu.memory_space<vmem>>, vector<1024x128xf32>,
    %get3A_46 = arith.constant 0 : index
    %get3A_47 = arith.constant 0 : index
    %get3A_48 = vector.load %arg6[%get3A_46, %get3A_47] : memref<256x128xf32, #tpu.memory_space<vmem>>, vector<256x128xf32>
    %dot_general3A_49 = arith.constant dense<0.000000e+00> : vector<1024x128xf32>
    %dot_general3A_50 = tpu.matmul %concatenate3A, %get3A_48, %dot_general3A_49 {dimension_numbers = #tpu.dot_dimension_numbers<[1], [0], [0], [1], [0, 0, 1, 1], [], []>, transpose_lhs_hint = false} : vector<1024x256xf32>, vector<256x128xf32>, vector<1024x128xf32> -> vector<1024x128xf32>
    %get3A_51 = arith.constant 0 : index
    %get3A_52 = arith.constant 0 : index
    %get3A_53 = vector.load %arg8[%get3A_51, %get3A_52] : memref<1x128xf32, #tpu.memory_space<vmem>>, vector<1x128xf32>
    %add3A_54 = vector.broadcast %get3A_53 : vector<1x128xf32> to vector<1024x128xf32>
    %add3A_55 = arith.addf %dot_general3A_50, %add3A_54 : vector<1024x128xf32>
    %swap3A_56 = arith.constant 0 : index
    %swap3A_57 = arith.constant 0 : index
    %swap3A_58 = vector.load %arg10[%swap3A_56, %swap3A_57] : memref<1024x128xf32, #tpu.memory_space<vmem>>, vector<1024x128xf32>
    tpu.vector_store %arg10[%swap3A_56, %swap3A_57], %add3A_55 {strides = array<i32>} : memref<1024x128xf32, #tpu.memory_space<vmem>>, vector<1024x128xf32>,
    return
  }
  func.func @transform_0(%arg0: i32) -> (i32, i32) {
    %c0_i32 = arith.constant 0 : i32
    %c0_i32_0 = arith.constant 0 : i32
    return %arg0, %c0_i32 : i32, i32
  }
  func.func @transform_1(%arg0: i32) -> (i32, i32) {
    %c0_i32 = arith.constant 0 : i32
    %c0_i32_0 = arith.constant 0 : i32
    return %arg0, %c0_i32 : i32, i32
  }
  func.func @transform_2(%arg0: i32) -> (i32, i32) {
    %c0_i32 = arith.constant 0 : i32
    %c0_i32_0 = arith.constant 0 : i32
    return %arg0, %c0_i32 : i32, i32
  }
  func.func @transform_3(%arg0: i32) -> (i32, i32) {
    %c0_i32 = arith.constant 0 : i32
    %c0_i32_0 = arith.constant 0 : i32
    return %arg0, %c0_i32 : i32, i32
  }
  func.func @transform_4(%arg0: i32) -> (i32, i32) {
    %c0_i32 = arith.constant 0 : i32
    %c0_i32_0 = arith.constant 0 : i32
    %c0_i32_1 = arith.constant 0 : i32
    return %c0_i32, %c0_i32_0 : i32, i32
  }
  func.func @transform_5(%arg0: i32) -> (i32, i32) {
    %c0_i32 = arith.constant 0 : i32
    %c0_i32_0 = arith.constant 0 : i32
    %c0_i32_1 = arith.constant 0 : i32
    return %c0_i32, %c0_i32_0 : i32, i32
  }
  func.func @transform_6(%arg0: i32) -> (i32, i32) {
    %c0_i32 = arith.constant 0 : i32
    %c0_i32_0 = arith.constant 0 : i32
    %c0_i32_1 = arith.constant 0 : i32
    return %c0_i32, %c0_i32_0 : i32, i32
  }
  func.func @transform_7(%arg0: i32) -> (i32, i32) {
    %c0_i32 = arith.constant 0 : i32
    %c0_i32_0 = arith.constant 0 : i32
    %c0_i32_1 = arith.constant 0 : i32
    return %c0_i32, %c0_i32_0 : i32, i32
  }
  func.func @transform_8(%arg0: i32) -> (i32, i32) {
    %c0_i32 = arith.constant 0 : i32
    %c0_i32_0 = arith.constant 0 : i32
    return %arg0, %c0_i32 : i32, i32
  }
  func.func @transform_9(%arg0: i32) -> (i32, i32) {
    %c0_i32 = arith.constant 0 : i32
    %c0_i32_0 = arith.constant 0 : i32
    return %arg0, %c0_i32 : i32, i32
  }
}

module attributes {stable_mosaic.version = 14 : i64} {
  func.func @_final_body(%arg0: i32, %arg1: memref<1024x128xf32, #tpu.memory_space<vmem>>, %arg2: memref<1024x128xf32, #tpu.memory_space<vmem>>, %arg3: memref<1024x1xf32, #tpu.memory_space<vmem>>, %arg4: memref<1024x1xf32, #tpu.memory_space<vmem>>, %arg5: memref<1x128xf32, #tpu.memory_space<vmem>>, %arg6: memref<1024x128xf32, #tpu.memory_space<vmem>>) attributes {dimension_semantics = [#tpu.dimension_semantics<arbitrary>], iteration_bounds = array<i64: 10>, scalar_prefetch = 0 : i64, scratch_operands = 0 : i64, tpu.core_type = #tpu.core_type<tc>, window_params = [{transform_indices = @transform_0, window_bounds = array<i64: 1024, 128>}, {transform_indices = @transform_1, window_bounds = array<i64: 1024, 128>}, {transform_indices = @transform_2, window_bounds = array<i64: 1024, 1>}, {transform_indices = @transform_3, window_bounds = array<i64: 1024, 1>}, {pipeline_mode = #tpu.pipeline_mode<synchronous>, transform_indices = @transform_4, window_bounds = array<i64: 1, 128>}, {transform_indices = @transform_5, window_bounds = array<i64: 1024, 128>}]} {
    %get3A = arith.constant 0 : index
    %get3A_0 = arith.constant 0 : index
    %get3A_1 = vector.load %arg3[%get3A, %get3A_0] : memref<1024x1xf32, #tpu.memory_space<vmem>>, vector<1024x1xf32>
    %max3A = arith.constant 1.000000e+00 : f32
    %max3A_2 = vector.broadcast %max3A : f32 to vector<1024x1xf32>
    %max3A_3 = arith.maximumf %get3A_1, %max3A_2 : vector<1024x1xf32>
    %div3A = arith.constant 1.000000e+00 : f32
    %div3A_4 = vector.broadcast %div3A : f32 to vector<1024x1xf32>
    %div3A_5 = arith.divf %div3A_4, %max3A_3 : vector<1024x1xf32>
    %get3A_6 = arith.constant 0 : index
    %get3A_7 = arith.constant 0 : index
    %get3A_8 = vector.load %arg4[%get3A_6, %get3A_7] : memref<1024x1xf32, #tpu.memory_space<vmem>>, vector<1024x1xf32>
    %max3A_9 = arith.constant 1.000000e+00 : f32
    %max3A_10 = vector.broadcast %max3A_9 : f32 to vector<1024x1xf32>
    %max3A_11 = arith.maximumf %get3A_8, %max3A_10 : vector<1024x1xf32>
    %div3A_12 = arith.constant 1.000000e+00 : f32
    %div3A_13 = vector.broadcast %div3A_12 : f32 to vector<1024x1xf32>
    %div3A_14 = arith.divf %div3A_13, %max3A_11 : vector<1024x1xf32>
    %get3A_15 = arith.constant 0 : index
    %get3A_16 = arith.constant 0 : index
    %get3A_17 = vector.load %arg1[%get3A_15, %get3A_16] : memref<1024x128xf32, #tpu.memory_space<vmem>>, vector<1024x128xf32>
    %mul3A = vector.broadcast %div3A_5 : vector<1024x1xf32> to vector<1024x128xf32>
    %mul3A_18 = arith.mulf %get3A_17, %mul3A : vector<1024x128xf32>
    %get3A_19 = arith.constant 0 : index
    %get3A_20 = arith.constant 0 : index
    %get3A_21 = vector.load %arg2[%get3A_19, %get3A_20] : memref<1024x128xf32, #tpu.memory_space<vmem>>, vector<1024x128xf32>
    %mul3A_22 = vector.broadcast %div3A_14 : vector<1024x1xf32> to vector<1024x128xf32>
    %mul3A_23 = arith.mulf %get3A_21, %mul3A_22 : vector<1024x128xf32>
    %add3A = arith.addf %mul3A_18, %mul3A_23 : vector<1024x128xf32>
    %get3A_24 = arith.constant 0 : index
    %get3A_25 = arith.constant 0 : index
    %get3A_26 = vector.load %arg5[%get3A_24, %get3A_25] : memref<1x128xf32, #tpu.memory_space<vmem>>, vector<1x128xf32>
    %add3A_27 = vector.broadcast %get3A_26 : vector<1x128xf32> to vector<1024x128xf32>
    %add3A_28 = arith.addf %add3A, %add3A_27 : vector<1024x128xf32>
    %swap3A = arith.constant 0 : index
    %swap3A_29 = arith.constant 0 : index
    %swap3A_30 = vector.load %arg6[%swap3A, %swap3A_29] : memref<1024x128xf32, #tpu.memory_space<vmem>>, vector<1024x128xf32>
    tpu.vector_store %arg6[%swap3A, %swap3A_29], %add3A_28 {strides = array<i32>} : memref<1024x128xf32, #tpu.memory_space<vmem>>, vector<1024x128xf32>,
    return
  }
  func.func @transform_0(%arg0: i32) -> (i32, i32) {
    %c0_i32 = arith.constant 0 : i32
    %c0_i32_0 = arith.constant 0 : i32
    return %arg0, %c0_i32 : i32, i32
  }
  func.func @transform_1(%arg0: i32) -> (i32, i32) {
    %c0_i32 = arith.constant 0 : i32
    %c0_i32_0 = arith.constant 0 : i32
    return %arg0, %c0_i32 : i32, i32
  }
  func.func @transform_2(%arg0: i32) -> (i32, i32) {
    %c0_i32 = arith.constant 0 : i32
    %c0_i32_0 = arith.constant 0 : i32
    return %arg0, %c0_i32 : i32, i32
  }
  func.func @transform_3(%arg0: i32) -> (i32, i32) {
    %c0_i32 = arith.constant 0 : i32
    %c0_i32_0 = arith.constant 0 : i32
    return %arg0, %c0_i32 : i32, i32
  }
  func.func @transform_4(%arg0: i32) -> (i32, i32) {
    %c0_i32 = arith.constant 0 : i32
    %c0_i32_0 = arith.constant 0 : i32
    %c0_i32_1 = arith.constant 0 : i32
    return %c0_i32, %c0_i32_0 : i32, i32
  }
  func.func @transform_5(%arg0: i32) -> (i32, i32) {
    %c0_i32 = arith.constant 0 : i32
    %c0_i32_0 = arith.constant 0 : i32
    return %arg0, %c0_i32 : i32, i32
  }
}

</mosaic_0001>

<sc_bundles>
// kernel: kernel.10.cloned.1.call-start
scs
__scs_entry_jumppad:
0x0: {  	(pc) =	sbr.rel $0x88, $3  }
0x1: {  	(tag) =	ssettag $0x0;
	lr =	simm.s32 $0x1  }
0x2: {  	[smem:$0x3F9B] =	sst lr;
	_ =	strace $0xD0000000  }
0x3: {  	_ = 	snop  }
0x4: {  	_ = 	snop  }
0x5: {  	_ = 	snop  }
0x6: {  	_ = 	snop  }
0x7: {  	_ = 	snop  }
__scs_overlays_trampoline_lowered:
0x8: {  	[smem:$0x3FAA] =	sst s0  }
0x9: {  	[smem:$0x3FAB] =	sst s1  }
0xa: {  	[smem:$0x3FAC] =	sst s2  }
0xb: {  	[smem:$0x3FAD] =	sst s3  }
0xc: {  	[smem:$0x3FAE] =	sst s4  }
0xd: {  	[smem:$0x3FAF] =	sst s5  }
0xe: {  	[smem:$0x3FB0] =	sst s6  }
0xf: {  	[smem:$0x3FB1] =	sst s7  }
0x10: {  	[smem:$0x3FB2] =	sst s8  }
0x11: {  	[smem:$0x3FB3] =	sst s9;
	s0 =	simm.s32 @!p0 $0x0  }
0x12: {  	s1 =	sld [smem:$0x3F99];
	s0 =	simm.s32 @p0 $0x1  }
0x13: {  	[smem:$0x3FB4] =	sst s0;
	s0 =	simm.s32 @!p1 $0x0  }
0x14: {  	s2 =	sld [smem:$0x3F98];
	s0 =	simm.s32 @p1 $0x1  }
0x15: {  	[smem:$0x3FB5] =	sst s0;
	s0 =	simm.s32 @!p2 $0x0  }
0x16: {  	s3 =	sld [smem:$0x3FDB];
	s0 =	simm.s32 @p2 $0x1  }
0x17: {  	s4 =	simm.s32 $0x1BF5;
	[smem:$0x3FB7] =	sst s0  }
0x18: {  	s0 =	sld [smem:$0x3F9A];
	_ =	swait.ge [sflag:s4], $0x0  }
0x19: {  	s7 =	sld [smem:$0x3F9B]  }
0x1a: {  	s8 =	sadd.s32 $0xFFFFE003, lr  }
0x1b: {  	s9 =	sadd.s32 $0xFFFFFEF7, lr;
	s5 =	simm.s32 $0xFFFFFFFF;
	p2 =	slt.u32 s8, $0xFFFFF086  }
0x1c: {  	p1 =	slt.u32 s9, $0xF7A;
	s5 =	simm.s32 @!p2 $0x0  }
0x1d: {  	s5 =	simm.s32 @p1 $0x1;
	p0 =	seq.s32 s7, s2  }
0x1e: {  	s7 =	smul.u32 @!p0 $0xF7A, s2;
	p2 =	seq.s32 @!p0 s5, $0x0  }
0x1f: {  	s9 =	smul.u32 $0xF7A, s1;
	s8 =	simm.s32 @!p0 $0x1BF5;
	p2 =	por !p2, p0  }
0x20: {  	[sflag:s8] =	ssyncset.s32 @!p0 $0xFFFFF086;
	s6 =	sadd.s32 @!p0 s3, s7;
	s7 =	simm.s32 @!p0 $0x108  }
0x21: {  	s3 =	sadd.s32 s3, s9;
	s6 =	sadd.s32 @!p0 $0x88, s6;
	s7 =	simm.s32 @p2 $0x1082  }
0x22: {  	[simem:s7], [sflag:s8] =	dma.local @!p0 [hbm:s6], $0xF7A  }
0x23: {  	s9 =	sor.u32 $0xD0000000, s2;
	s6 =	simm.s32 $0x108;
	_ =	swait.ge @!p0 [sflag:s8], $0x0  }
0x24: {  	s3 =	sadd.s32 $0x88, s3;
	s6 =	simm.s32 @!p1 $0x1082;
	[sflag:s4] =	ssyncset.s32 $0xFFFFF086  }
0x25: {  	[simem:s6], [sflag:s4] =	dma.local [hbm:s3], $0xF7A  }
0x26: {  	[smem:$0x3F9B] =	sst s1;
	(tag) =	ssettag s2;
	_ =	strace s9  }
0x27: {  	s1 =	sld [smem:$0x3FAB]  }
0x28: {  	s2 =	sld [smem:$0x3FAC]  }
0x29: {  	s4 =	sld [smem:$0x3FAE]  }
0x2a: {  	p0 =	seq.s32 s5, $0x0;
	s5 =	sld [smem:$0x3FAF]  }
0x2b: {  	s6 =	sld [smem:$0x3FB0]  }
0x2c: {  	s7 =	sld [smem:$0x3FB1]  }
0x2d: {  	s3 =	simm.s32 $0x108;
	s8 =	sld [smem:$0x3FB2]  }
0x2e: {  	s3 =	simm.s32 @!p0 $0x1082;
	s9 =	sld [smem:$0x3FB3]  }
0x2f: {  	lr =	sadd.s32 s0, s3;
	s0 =	sld [smem:$0x3FAA]  }
0x30: {  	s3 =	sld [smem:$0x3FAD]  }
0x31: {  	[smem:$0x3FB6] =	sst s10  }
0x32: {  	s10 =	sld [smem:$0x3FB4];
	_ =	sdelay $0x3  }
0x33: {  	p0 =	seq.s32 s10, $0x1;
	s10 =	sld [smem:$0x3FB6];
	_ =	sdelay $0x3  }
0x34: {  	[smem:$0x3FB6] =	sst s10  }
0x35: {  	s10 =	sld [smem:$0x3FB5];
	_ =	sdelay $0x3  }
0x36: {  	p1 =	seq.s32 s10, $0x1;
	s10 =	sld [smem:$0x3FB6];
	_ =	sdelay $0x3  }
0x37: {  	[smem:$0x3FB6] =	sst s10  }
0x38: {  	s10 =	sld [smem:$0x3FB7]  }
0x39: {  	_ = 	snop;
	(pc) =	sbr.ind lr, $3  }
0x3a: {  	_ = 	snop  }
0x3b: {  	_ = 	snop  }
0x3c: {  	p2 =	seq.s32 s10, $0x1;
	s10 =	sld [smem:$0x3FB6]  }
0x3d: {  	_ =	shalt  }
0x3e: {  	_ =	shalt  }
0x3f: {  	_ =	shalt  }
0x40: {  	_ =	shalt  }
0x41: {  	_ =	shalt  }
0x42: {  	_ =	shalt  }
0x43: {  	_ =	shalt  }
0x44: {  	_ =	shalt  }
0x45: {  	_ =	shalt  }
0x46: {  	_ =	shalt  }
0x47: {  	_ =	shalt  }
0x48: {  	_ =	shalt  }
0x49: {  	_ =	shalt  }
0x4a: {  	_ =	shalt  }
0x4b: {  	_ =	shalt  }
0x4c: {  	_ =	shalt  }
0x4d: {  	_ =	shalt  }
0x4e: {  	_ =	shalt  }
0x4f: {  	_ =	shalt  }
0x50: {  	_ =	shalt  }
0x51: {  	_ =	shalt  }
0x52: {  	_ =	shalt  }
0x53: {  	_ =	shalt  }
0x54: {  	_ =	shalt  }
0x55: {  	_ =	shalt  }
0x56: {  	_ =	shalt  }
0x57: {  	_ =	shalt  }
0x58: {  	_ =	shalt  }
0x59: {  	_ =	shalt  }
0x5a: {  	_ =	shalt  }
0x5b: {  	_ =	shalt  }
0x5c: {  	_ =	shalt  }
0x5d: {  	_ =	shalt  }
0x5e: {  	_ =	shalt  }
0x5f: {  	_ =	shalt  }
0x60: {  	_ =	shalt  }
0x61: {  	_ =	shalt  }
0x62: {  	_ =	shalt  }
0x63: {  	_ =	shalt  }
0x64: {  	_ =	shalt  }
0x65: {  	_ =	shalt  }
0x66: {  	_ =	shalt  }
0x67: {  	_ =	shalt  }
0x68: {  	_ =	shalt  }
0x69: {  	_ =	shalt  }
0x6a: {  	_ =	shalt  }
0x6b: {  	_ =	shalt  }
0x6c: {  	_ =	shalt  }
0x6d: {  	_ =	shalt  }
0x6e: {  	_ =	shalt  }
0x6f: {  	_ =	shalt  }
0x70: {  	_ =	shalt  }
0x71: {  	_ =	shalt  }
0x72: {  	_ =	shalt  }
0x73: {  	_ =	shalt  }
0x74: {  	_ =	shalt  }
0x75: {  	_ =	shalt  }
0x76: {  	_ =	shalt  }
0x77: {  	_ =	shalt  }
0x78: {  	_ =	shalt  }
0x79: {  	_ =	shalt  }
0x7a: {  	_ =	shalt  }
0x7b: {  	_ =	shalt  }
0x7c: {  	_ =	shalt  }
0x7d: {  	_ =	shalt  }
0x7e: {  	_ =	shalt  }
0x7f: {  	_ =	shalt  }
0x80: {  	_ =	shalt  }
0x81: {  	_ =	shalt  }
0x82: {  	_ =	shalt  }
0x83: {  	_ =	shalt  }
0x84: {  	_ =	shalt  }
0x85: {  	_ =	shalt  }
0x86: {  	_ =	shalt  }
0x87: {  	_ =	shalt  }
.Lfunc_end0:
.L_simem_size_0:
called_computation.1_lowered:
.L_overlay_start_0:
0x88: {  	s2 =	sld [smem:$0x3FD9]  }
0x89: {  	s3 =	sld [smem:$0x3FFE];
	_ =	sdelay $0x1  }
0x8a: {  	s1 =	srdreg.scid  }
0x8b: {  	s0 =	sand.u32 $0x1, s1  }
0x8c: {  	s17 =	sshll.u32 s0, $0xA;
	s2 =	sadd.s32 s3, s2  }
0x8d: {  	s2 =	sadd.s32 s2, s17  }
0x8e: {  	[smem:$0x3FC2] =	sst s2  }
0x8f: {  	_ = 	snop  }
0x90: {  	s2 =	sld [smem:$0x3FD0];
	(tm) =	ssettm $0x1  }
0x91: {  	s18 =	sld [smem:$0x3FFB];
	_ =	sdelay $0x3  }
0x92: {  	_ =	strace s18  }
0x93: {  	s3 =	sld [smem:$0x3FFC];
	_ =	sdelay $0x3  }
0x94: {  	_ =	strace s3  }
0x95: {  	s3 =	sld [smem:$0x3FFD];
	_ =	sdelay $0x3  }
0x96: {  	_ =	strace s3  }
0x97: {  	_ =	strace $0x8FFFFFFF  }
0x98: {  	s19 =	sld [smem:$0x3FDB];
	_ =	sdelay $0x1  }
0x99: {  	s4 =	simm.s32 $_scs_section_size  }
0x9a: {  	s5 =	simm.s32 $_size__tile_overlayer_lowered;
	s6 =	simm.s32 $_tile_overlayer_lowered  }
0x9b: {  	s22 =	simm.s32 $0x1BFF;
	s21 =	sshll.u32 s6, $0x1;
	s3 =	sadd.s32 s4, s19  }
0x9c: {  	s7 =	simm.s32 $0x0;
	s20 =	sshll.u32 s5, $0x1;
	s5 =	sadd.s32 s21, s3  }
0x9d: {  	[timem:s7], [sflag:s22] =	dma.local [hbm:s5], s20  }
0x9e: {  	_ =	swait.ge [sflag:s22], s20  }
0x9f: {  	s4 =	ssub.s32 $0x0, s20;
	[sflag:s22] =	ssyncset.done $0x0  }
0xa0: {  	[sflag:s22] =	ssyncadd.s32 s4;
	_ =	sdelay $0x1  }
0xa1: {  	s23 =	simm.s32 $0x1B8B  }
0xa2: {  	_ =	swait.ge [sflag:s23], $0x1  }
0xa3: {  	[sflag:s23] =	ssyncset.done $0x0  }
0xa4: {  	s25 =	simm.s32 $0x1B8E;
	s24 =	sld [smem:$0x3FFE];
	[sflag:s23] =	ssyncadd.s32 $0xFFFFFFFF  }
0xa5: {  	s26 =	simm.s32 $execute0_lowered;
	[smem:$0x3FD2] =	sst s25  }
0xa6: {  	s5 =	sshll.u32 s26, $0x1;
	_ =	strace $0x80000049;
	[dreg:$0x1] =	wrdreg $0xFFFFFFFF  }
0xa7: {  	s28 =	simm.s32 $_size_execute0_lowered;
	s3 =	sadd.s32 s3, s5;
	[dreg:$0x0] =	wrdreg $0x0  }
0xa8: {  	s5 =	sshll.u32 s28, $0x1;
	[dreg:$0x2] =	wrdreg s3  }
0xa9: {  	[dreg:$0x3] =	wrdreg s5  }
0xaa: {  	[dreg:$0x4] =	wrdreg $0xC0  }
0xab: {  	_ =	task [dreg:s7], $0x5FFFF  }
0xac: {  	[dreg:$0x1] =	wrdreg $0xFFFFFFFF  }
0xad: {  	[dreg:$0x0] =	wrdreg $0x60  }
0xae: {  	[dreg:$0x2] =	wrdreg s24  }
0xaf: {  	[dreg:$0x3] =	wrdreg s2  }
0xb0: {  	[dreg:$0x4] =	wrdreg $0x89000  }
0xb1: {  	[dreg:$0x5] =	wrdreg $0x9  }
0xb2: {  	_ =	task.clear_ibuf [dreg:s7], $0x6FFFF;
	_ =	strace $0x90000049  }
0xb3: {  	s29 =	simm.s32 $0x9;
	_ =	strace $0x8000004B  }
0xb4: {  	_ =	swait.ge [sflag:s29], $0x1  }
0xb5: {  	[sflag:s29] =	ssyncadd.s32 $0xFFFFFFFF  }
0xb6: {  	_ =	strace $0x9000004B  }
0xb7: {  	_ =	sfence  }
0xb8: {  	s30 =	sld [smem:$0x0];
	_ =	sdelay $0x2  }
0xb9: {  	s31 =	sshll.u32 s1, $0xD;
	s1 =	sshrl.u32 s1, $0x2  }
0xba: {  	s3 =	sand.u32 $0x4000, s31;
	s1 =	sadd.s32 s1, s30  }
0xbb: {  	s0 =	sor.u32 s3, s0;
	s1 =	sshll.u32 s1, $0x11  }
0xbc: {  	s0 =	sor.u32 s1, s0  }
0xbd: {  	s0 =	sadd.s32 $0x8F2B, s0  }
0xbe: {  	[sflag:s0] =	ssyncadd.remote.s32 $0x1  }
0xbf: {  	_ =	sfence.sel $0xFFFF  }
0xc0: {  	[dreg:$0x0] =	wrdreg $0xFFFFFFFF;
	(pc) =	sbr.abs _section_cstart, $3  }
0xc1: {  	[dreg:$0x1] =	wrdreg $0xFFFFFFFF  }
0xc2: {  	_ =	task.clear_ibuf [dreg:s7], $0x2FFFF;
	_ =	strace $0x9FFFFFFF  }
0xc3: {  	(tm) =	ssettm $0x7FFFFFFF  }
tec
execute0_lowered:
.L_overlay_start_1:
0x0: {  	(tag) =	ssettag $0x1  }
0x1: {  	s0 =	rddreg [dreg:$0x0]  }
0x2: {  	s1 =	rddreg [dreg:$0x1]  }
0x3: {  	s2 =	rddreg [dreg:$0x2];
	s3 =	simm.s32 $0x0;
	s11 =	stileid.u32  }
0x4: {  	[smem:$0x7FF] =	sst s3;
	s6 =	smul.u32 $0x9D8, s11;
	s4 =	sadd.s32 $0x1FA00, s0  }
0x5: {  	s5 =	sadd.s32 $0x47A00, s0;
	s10 =	sadd.s32 $0xC0600, s0;
	_ =	strace $0x8000004A  }
0x6: {  	[dreg:$0x8] =	wrdreg s10;
	s9 =	sadd.s32 s6, s0;
	s0 =	sadd.s32 $0xE8600, s0  }
0x7: {  	s1 =	sadd.s32 s6, s1;
	[dreg:$0x9] =	wrdreg s0  }
0x8: {  	s8 =	smul.u32 $0x50000, s11;
	s16 =	sadd.s32 $0x15C00, s9;
	[dreg:$0x6] =	wrdreg s1  }
0x9: {  	s18 =	sadd.s32 $0x2000, s9;
	[dreg:$0x4] =	wrdreg s16  }
0xa: {  	s8 =	sshrl.u32 s8, $0x2;
	s21 =	sadd.s32 $0xBE00, s9;
	[dreg:$0x5] =	wrdreg s18  }
0xb: {  	s12 =	sadd.s32 s8, s2;
	[dreg:$0x7] =	wrdreg s21  }
0xc: {  	s7 =	srdreg.scid;
	s8 =	sadd.s32 $0x1000, s12;
	[dreg:$0xa] =	wrdreg s12  }
0xd: {  	s28 =	simm.s32 $0x800;
	s24 =	sadd.s32 $0x2000, s12;
	[dreg:$0xb] =	wrdreg s8  }
0xe: {  	s29 =	simm.s32 $0x870;
	s25 =	sadd.s32 $0x3000, s12;
	[dreg:$0xc] =	wrdreg s24  }
0xf: {  	s7 =	sand.u32 $0x1, s7;
	s26 =	sadd.s32 $0x4000, s12;
	[dreg:$0xd] =	wrdreg s25  }
0x10: {  	s22 =	ssub.s32 $0x2, s7;
	s30 =	sadd.s32 $0x5000, s12;
	[dreg:$0xe] =	wrdreg s26  }
0x11: {  	p0 =	sne.s32 s7, $0x0;
	s31 =	sadd.s32 $0x6000, s12;
	[dreg:$0xf] =	wrdreg s30  }
0x12: {  	s7 =	simm.s32 $0x70;
	s10 =	sadd.s32 $0x7000, s12;
	[dreg:$0x10] =	wrdreg s31  }
0x13: {  	s23 =	sshrl.u32 s22, $0x1;
	s13 =	sadd.s32 $0x8000, s12;
	[dreg:$0x11] =	wrdreg s10  }
0x14: {  	s6 =	simm.s32 $0x480;
	s14 =	sadd.s32 $0x9000, s12;
	[dreg:$0x12] =	wrdreg s13  }
0x15: {  	s0 =	ssub.s32 s22, s23;
	s15 =	sadd.s32 $0xA000, s12;
	[dreg:$0x13] =	wrdreg s14  }
0x16: {  	s1 =	simm.s32 $0x900;
	s17 =	sadd.s32 $0xB000, s12;
	[dreg:$0x14] =	wrdreg s15  }
0x17: {  	s9 =	simm.s32 $0x4100;
	s19 =	sadd.s32 $0xC000, s12;
	[dreg:$0x15] =	wrdreg s17  }
0x18: {  	s20 =	sadd.s32 $0xD000, s12;
	s22 =	sadd.s32 $0xE000, s12;
	[dreg:$0x16] =	wrdreg s19  }
0x19: {  	s23 =	sadd.s32 $0xF000, s12;
	s0 =	smax.u32 s0, $0x1;
	[dreg:$0x17] =	wrdreg s20  }
0x1a: {  	s16 =	simm.s32 $0x1C0;
	s18 =	simm.s32 $0x230;
	[dreg:$0x18] =	wrdreg s22  }
0x1b: {  	s21 =	simm.s32 $0x6B0;
	[dreg:$0x19] =	wrdreg s23;
	s24 =	sadd.s32 $0x10000, s12  }
0x1c: {  	[dreg:$0x1b] =	wrdreg s0;
	s25 =	sadd.s32 $0x11000, s12;
	s26 =	sadd.s32 $0x12000, s12  }
0x1d: {  	s30 =	sadd.s32 $0x13000, s12;
	s31 =	smul.u32 $0x2800, s11;
	s0 =	simm.s32 $0x3  }
0x1e: {  	s10 =	simm.s32 $0x1;
	s11 =	simm.s32 $0xE0;
	s12 =	simm.s32 $0x2  }
0x1f: {  	s13 =	simm.s32 $0x4F0;
	s14 =	simm.s32 $0x150;
	s15 =	simm.s32 $0x560  }
.Ltmp0:
0x20: {  	s17 =	simm.s32 $0x5D0;
	[dreg:$0x1a] =	wrdreg s24;
	(pc) =	sbr.rel .LBB2_1-.Ltmp0, $4  }
0x21: {  	s19 =	simm.s32 $0x640;
	s20 =	simm.s32 $0x2A0;
	[dreg:$0x1c] =	wrdreg s25  }
0x22: {  	s22 =	simm.s32 $0x310;
	s23 =	simm.s32 $0x720;
	[dreg:$0x1d] =	wrdreg s26  }
0x23: {  	s8 =	simm.s32 $0x0;
	[dreg:$0x1e] =	wrdreg s30;
	s24 =	simm.s32 $0x380  }
0x24: {  	v0 =	vimm.f32 $0.0e+00;
	s25 =	simm.s32 $0x790;
	s26 =	simm.s32 $0x3F0;
	[dreg:$0x1f] =	wrdreg s31  }
.LBB2_9:
0x25: {  	[sflag:s0] =	ssyncset.done $0x0  }
0x26: {  	s8 =	rddreg [dreg:$0x9];
	[sflag:s0] =	ssyncadd.s32 $0xFFFFC800  }
.LBB2_10:
0x27: {  	s30 =	rddreg [dreg:$0x1f];
	s31 =	stileid.u32;
	[bflag:$0x0] =	sbarrier.arrive $0xFFFF  }
0x28: {  	s8 =	sadd.s32 s8, s30;
	s30 =	sshll.u32 s31, $0x6;
	s31 =	rddreg [dreg:$0xa]  }
0x29: {  	s30 =	sor.u32 $0x1C03, s30;
	s31 =	sshrl.u32 s31, $0x3  }
0x2a: {  	[hbm:s8], [sflag:s30] =	dma.local [spmem:s31], $0x2800  }
0x2b: {  	_ =	swait.ge [sflag:s0], $0x2800  }
0x2c: {  	s8 =	sld [smem:$0x7FD];
	_ =	sdelay $0x2  }
0x2d: {  	s31 =	rddreg [dreg:$0x1b];
	s30 =	sadd.s32 $0x1, s8  }
0x2e: {  	p1 =	sne.s32 s30, s31  }
.Ltmp1:
0x2f: {  	_ = 	snop;
	(pc) =	sbr.rel @!p1 .LBB2_11-.Ltmp1, $3  }
0x30: {  	_ =	sdelay $0x1  }
0x31: {  	[sflag:s0] =	ssyncset.done $0x0  }
0x32: {  	[sflag:s0] =	ssyncadd.s32 $0xFFFFD800;
	s8 =	smov.u32 s30  }
.LBB2_1:
0x33: {  	[smem:$0x7FD] =	sst s8;
	s8 =	simm.s32 $0x0;
	s30 =	simm.s32 $0x200  }
.LBB2_2:
0x34: {  	p1 =	sne.s32 s30, $0x3E00;
	[tilespmem:s8+$0x7970] =	vst v0  }
0x35: {  	[tilespmem:s8+$0x7900] =	vst v0  }
0x36: {  	[tilespmem:s8+$0x7910] =	vst v0  }
.Ltmp2:
0x37: {  	[tilespmem:s8+$0x7920] =	vst v0;
	(pc) =	sbr.rel @p1 .LBB2_2-.Ltmp2, $4  }
0x38: {  	[tilespmem:s8+$0x7930] =	vst v0  }
0x39: {  	[tilespmem:s8+$0x7940] =	vst v0  }
0x3a: {  	[tilespmem:s8+$0x7950] =	vst v0  }
0x3b: {  	[tilespmem:s8+$0x7960] =	vst v0;
	s8 =	sshra.s32 s30, $0x2;
	s30 =	sadd.s32 $0x200, s30  }
0x3c: {  	[tilespmem:s8+$0x7970] =	vst v0  }
0x3d: {  	[tilespmem:s8+$0x7900] =	vst v0  }
0x3e: {  	[tilespmem:s8+$0x7910] =	vst v0  }
0x3f: {  	[tilespmem:s8+$0x7920] =	vst v0  }
0x40: {  	[tilespmem:s8+$0x7930] =	vst v0  }
0x41: {  	[tilespmem:s8+$0x7940] =	vst v0  }
0x42: {  	[tilespmem:s8+$0x7950] =	vst v0  }
0x43: {  	[tilespmem:s8+$0x7960] =	vst v0;
	s31 =	rddreg [dreg:$0xa];
	s30 =	simm.s32 $0x7900  }
0x44: {  	[spmem:s31] =	stream.linear.scatter [tilespmem:s30], [sflag:$0x3], $0x1000, $0x38;
	[tilespmem:$0x1C900] =	vst v63  }
0x45: {  	_ =	swait.ge [sflag:s0], $0x1000  }
0x46: {  	[sflag:s0] =	ssyncset.done $0x0  }
0x47: {  	s31 =	rddreg [dreg:$0xb];
	[sflag:s0] =	ssyncadd.s32 $0xFFFFF000  }
0x48: {  	[spmem:s31] =	stream.linear.scatter [tilespmem:s30], [sflag:$0x3], $0x1000, $0x38;
	[tilespmem:$0x1C900] =	vst v63  }
0x49: {  	_ =	swait.ge [sflag:s0], $0x1000  }
0x4a: {  	[sflag:s0] =	ssyncset.done $0x0  }
0x4b: {  	s31 =	rddreg [dreg:$0xc];
	[sflag:s0] =	ssyncadd.s32 $0xFFFFF000  }
0x4c: {  	[spmem:s31] =	stream.linear.scatter [tilespmem:s30], [sflag:$0x3], $0x1000, $0x38;
	[tilespmem:$0x1C900] =	vst v63  }
0x4d: {  	_ =	swait.ge [sflag:s0], $0x1000  }
0x4e: {  	[sflag:s0] =	ssyncset.done $0x0  }
0x4f: {  	s31 =	rddreg [dreg:$0xd];
	[sflag:s0] =	ssyncadd.s32 $0xFFFFF000  }
0x50: {  	[spmem:s31] =	stream.linear.scatter [tilespmem:s30], [sflag:$0x3], $0x1000, $0x38;
	[tilespmem:$0x1C900] =	vst v63  }
0x51: {  	_ =	swait.ge [sflag:s0], $0x1000  }
0x52: {  	[sflag:s0] =	ssyncset.done $0x0  }
0x53: {  	s31 =	rddreg [dreg:$0xe];
	[sflag:s0] =	ssyncadd.s32 $0xFFFFF000  }
0x54: {  	[spmem:s31] =	stream.linear.scatter [tilespmem:s30], [sflag:$0x3], $0x1000, $0x38;
	[tilespmem:$0x1C900] =	vst v63  }
0x55: {  	_ =	swait.ge [sflag:s0], $0x1000  }
0x56: {  	[sflag:s0] =	ssyncset.done $0x0  }
0x57: {  	s31 =	rddreg [dreg:$0xf];
	[sflag:s0] =	ssyncadd.s32 $0xFFFFF000  }
0x58: {  	[spmem:s31] =	stream.linear.scatter [tilespmem:s30], [sflag:$0x3], $0x1000, $0x38;
	[tilespmem:$0x1C900] =	vst v63  }
0x59: {  	_ =	swait.ge [sflag:s0], $0x1000  }
0x5a: {  	[sflag:s0] =	ssyncset.done $0x0  }
0x5b: {  	s31 =	rddreg [dreg:$0x10];
	[sflag:s0] =	ssyncadd.s32 $0xFFFFF000  }
0x5c: {  	[spmem:s31] =	stream.linear.scatter [tilespmem:s30], [sflag:$0x3], $0x1000, $0x38;
	[tilespmem:$0x1C900] =	vst v63  }
0x5d: {  	_ =	swait.ge [sflag:s0], $0x1000  }
0x5e: {  	[sflag:s0] =	ssyncset.done $0x0  }
0x5f: {  	s31 =	rddreg [dreg:$0x11];
	[sflag:s0] =	ssyncadd.s32 $0xFFFFF000  }
0x60: {  	[spmem:s31] =	stream.linear.scatter [tilespmem:s30], [sflag:$0x3], $0x1000, $0x38;
	[tilespmem:$0x1C900] =	vst v63  }
0x61: {  	_ =	swait.ge [sflag:s0], $0x1000  }
0x62: {  	[sflag:s0] =	ssyncset.done $0x0  }
0x63: {  	s31 =	rddreg [dreg:$0x12];
	[sflag:s0] =	ssyncadd.s32 $0xFFFFF000  }
0x64: {  	[spmem:s31] =	stream.linear.scatter [tilespmem:s30], [sflag:$0x3], $0x1000, $0x38;
	[tilespmem:$0x1C900] =	vst v63  }
0x65: {  	_ =	swait.ge [sflag:s0], $0x1000  }
0x66: {  	[sflag:s0] =	ssyncset.done $0x0  }
0x67: {  	s31 =	rddreg [dreg:$0x13];
	[sflag:s0] =	ssyncadd.s32 $0xFFFFF000  }
0x68: {  	[spmem:s31] =	stream.linear.scatter [tilespmem:s30], [sflag:$0x3], $0x1000, $0x38;
	[tilespmem:$0x1C900] =	vst v63  }
0x69: {  	_ =	swait.ge [sflag:s0], $0x1000  }
0x6a: {  	[sflag:s0] =	ssyncset.done $0x0  }
0x6b: {  	s31 =	rddreg [dreg:$0x14];
	[sflag:s0] =	ssyncadd.s32 $0xFFFFF000  }
0x6c: {  	[spmem:s31] =	stream.linear.scatter [tilespmem:s30], [sflag:$0x3], $0x1000, $0x38;
	[tilespmem:$0x1C900] =	vst v63  }
0x6d: {  	_ =	swait.ge [sflag:s0], $0x1000  }
0x6e: {  	[sflag:s0] =	ssyncset.done $0x0  }
0x6f: {  	s31 =	rddreg [dreg:$0x15];
	[sflag:s0] =	ssyncadd.s32 $0xFFFFF000  }
0x70: {  	[spmem:s31] =	stream.linear.scatter [tilespmem:s30], [sflag:$0x3], $0x1000, $0x38;
	[tilespmem:$0x1C900] =	vst v63  }
0x71: {  	_ =	swait.ge [sflag:s0], $0x1000  }
0x72: {  	[sflag:s0] =	ssyncset.done $0x0  }
0x73: {  	s31 =	rddreg [dreg:$0x16];
	[sflag:s0] =	ssyncadd.s32 $0xFFFFF000  }
0x74: {  	[spmem:s31] =	stream.linear.scatter [tilespmem:s30], [sflag:$0x3], $0x1000, $0x38;
	[tilespmem:$0x1C900] =	vst v63  }
0x75: {  	_ =	swait.ge [sflag:s0], $0x1000  }
0x76: {  	[sflag:s0] =	ssyncset.done $0x0  }
0x77: {  	s31 =	rddreg [dreg:$0x17];
	[sflag:s0] =	ssyncadd.s32 $0xFFFFF000  }
0x78: {  	[spmem:s31] =	stream.linear.scatter [tilespmem:s30], [sflag:$0x3], $0x1000, $0x38;
	[tilespmem:$0x1C900] =	vst v63  }
0x79: {  	_ =	swait.ge [sflag:s0], $0x1000  }
0x7a: {  	[sflag:s0] =	ssyncset.done $0x0  }
0x7b: {  	s31 =	rddreg [dreg:$0x18];
	[sflag:s0] =	ssyncadd.s32 $0xFFFFF000  }
0x7c: {  	[spmem:s31] =	stream.linear.scatter [tilespmem:s30], [sflag:$0x3], $0x1000, $0x38;
	[tilespmem:$0x1C900] =	vst v63  }
0x7d: {  	_ =	swait.ge [sflag:s0], $0x1000  }
0x7e: {  	[sflag:s0] =	ssyncset.done $0x0  }
0x7f: {  	s31 =	rddreg [dreg:$0x19];
	[sflag:s0] =	ssyncadd.s32 $0xFFFFF000  }
0x80: {  	[spmem:s31] =	stream.linear.scatter [tilespmem:s30], [sflag:$0x3], $0x1000, $0x38;
	[tilespmem:$0x1C900] =	vst v63  }
0x81: {  	_ =	swait.ge [sflag:s0], $0x1000  }
0x82: {  	[sflag:s0] =	ssyncset.done $0x0  }
0x83: {  	s31 =	rddreg [dreg:$0x1a];
	[sflag:s0] =	ssyncadd.s32 $0xFFFFF000  }
0x84: {  	[spmem:s31] =	stream.linear.scatter [tilespmem:s30], [sflag:$0x3], $0x1000, $0x38;
	[tilespmem:$0x1C900] =	vst v63  }
0x85: {  	_ =	swait.ge [sflag:s0], $0x1000  }
0x86: {  	[sflag:s0] =	ssyncset.done $0x0  }
0x87: {  	s31 =	rddreg [dreg:$0x1c];
	[sflag:s0] =	ssyncadd.s32 $0xFFFFF000  }
0x88: {  	[spmem:s31] =	stream.linear.scatter [tilespmem:s30], [sflag:$0x3], $0x1000, $0x38;
	[tilespmem:$0x1C900] =	vst v63  }
0x89: {  	_ =	swait.ge [sflag:s0], $0x1000  }
0x8a: {  	[sflag:s0] =	ssyncset.done $0x0  }
0x8b: {  	s31 =	rddreg [dreg:$0x1d];
	[sflag:s0] =	ssyncadd.s32 $0xFFFFF000  }
0x8c: {  	[spmem:s31] =	stream.linear.scatter [tilespmem:s30], [sflag:$0x3], $0x1000, $0x38;
	[tilespmem:$0x1C900] =	vst v63  }
0x8d: {  	_ =	swait.ge [sflag:s0], $0x1000  }
0x8e: {  	[sflag:s0] =	ssyncset.done $0x0  }
0x8f: {  	s31 =	rddreg [dreg:$0x1e];
	[sflag:s0] =	ssyncadd.s32 $0xFFFFF000  }
0x90: {  	[spmem:s31] =	stream.linear.scatter [tilespmem:s30], [sflag:$0x3], $0x1000, $0x38;
	[tilespmem:$0x1C900] =	vst v63  }
.Ltmp3:
0x91: {  	_ =	swait.ge [sflag:s0], $0x1000;
	(pc) =	sbr.rel @p0 .LBB2_7-.Ltmp3, $3  }
0x92: {  	[sflag:s0] =	ssyncset.done $0x0  }
0x93: {  	[sflag:s0] =	ssyncadd.s32 $0xFFFFF000  }
0x94: {  	[bflag:$0x0] =	sbarrier.arrive $0xFFFF;
	_ =	sdelay $0x1  }
0x95: {  	s8 =	rddreg [dreg:$0x7]  }
0x96: {  	s8 =	sadd.s32 $0x0, s8  }
0x97: {  	[tilespmem:s3], [sflag:$0x3] =	stream.linear.gather [hbm4b:s8+s3], $0x460, $0x38;
	[tilespmem:$0x1C900] =	vst v63  }
0x98: {  	_ =	swait.ge [sflag:s0], $0x460  }
0x99: {  	s31 =	rddreg [dreg:$0x6];
	[sflag:s0] =	ssyncset.done $0x0  }
0x9a: {  	[sflag:s0] =	ssyncadd.s32 $0xFFFFFBA0;
	s8 =	sadd.s32 $0x0, s31  }
0x9b: {  	[tilespmem:s6], [sflag:$0x3] =	stream.linear.gather [hbm4b:s8+s3], $0x460, $0x38;
	[tilespmem:$0x1C900] =	vst v63  }
0x9c: {  	_ =	swait.ge [sflag:s0], $0x460  }
0x9d: {  	[sflag:s0] =	ssyncset.done $0x0  }
0x9e: {  	[sflag:s0] =	ssyncadd.s32 $0xFFFFFBA0  }
0x9f: {  	[tilespmem:s1], [sflag:$0x1] =	stream.indirect.gather [hbm4b:s4+s7], $0x80, s3, s7, $0xb8;
	[tilespmem:$0x1C900] =	vst v63  }
0xa0: {  	_ = 	snop  }
0xa1: {  	[tilespmem:s9], [sflag:$0x2] =	stream.indirect.gather [hbm4b:s4+s7], $0x80, s7, s7, $0xb8;
	[tilespmem:$0x1C900] =	vst v63  }
0xa2: {  	_ =	swait.ge [sflag:s10], $0x3800  }
0xa3: {  	[sflag:s10] =	ssyncset.done $0x0  }
0xa4: {  	[sflag:s10] =	ssyncadd.s32 $0xFFFFC800  }
0xa5: {  	[spmem:s2] =	stream.indirect.scatter.add.f32 [tilespmem:s1], [sflag:$0x3], $0x80, s6, s7, $0xb8;
	[tilespmem:$0x1C900] =	vst v63  }
0xa6: {  	_ =	swait.ge [sflag:s0], $0x3800  }
0xa7: {  	[sflag:s0] =	ssyncset.done $0x0  }
0xa8: {  	[sflag:s0] =	ssyncadd.s32 $0xFFFFC800  }
0xa9: {  	[tilespmem:s1], [sflag:$0x1] =	stream.indirect.gather [hbm4b:s4+s7], $0x80, s11, s7, $0xb8;
	[tilespmem:$0x1C900] =	vst v63  }
0xaa: {  	_ =	swait.ge [sflag:s12], $0x3800  }
0xab: {  	[sflag:s12] =	ssyncset.done $0x0  }
0xac: {  	[sflag:s12] =	ssyncadd.s32 $0xFFFFC800  }
0xad: {  	[spmem:s2] =	stream.indirect.scatter.add.f32 [tilespmem:s9], [sflag:$0x3], $0x80, s13, s7, $0xb8;
	[tilespmem:$0x1C900] =	vst v63  }
0xae: {  	_ =	swait.ge [sflag:s0], $0x3800  }
0xaf: {  	[sflag:s0] =	ssyncset.done $0x0  }
0xb0: {  	[sflag:s0] =	ssyncadd.s32 $0xFFFFC800  }
0xb1: {  	[tilespmem:s9], [sflag:$0x2] =	stream.indirect.gather [hbm4b:s4+s7], $0x80, s14, s7, $0xb8;
	[tilespmem:$0x1C900] =	vst v63  }
0xb2: {  	_ =	swait.ge [sflag:s10], $0x3800  }
0xb3: {  	[sflag:s10] =	ssyncset.done $0x0  }
0xb4: {  	[sflag:s10] =	ssyncadd.s32 $0xFFFFC800  }
0xb5: {  	[spmem:s2] =	stream.indirect.scatter.add.f32 [tilespmem:s1], [sflag:$0x3], $0x80, s15, s7, $0xb8;
	[tilespmem:$0x1C900] =	vst v63  }
0xb6: {  	_ =	swait.ge [sflag:s0], $0x3800  }
0xb7: {  	[sflag:s0] =	ssyncset.done $0x0  }
0xb8: {  	[sflag:s0] =	ssyncadd.s32 $0xFFFFC800  }
0xb9: {  	[tilespmem:s1], [sflag:$0x1] =	stream.indirect.gather [hbm4b:s4+s7], $0x80, s16, s7, $0xb8;
	[tilespmem:$0x1C900] =	vst v63  }
0xba: {  	_ =	swait.ge [sflag:s12], $0x3800  }
0xbb: {  	[sflag:s12] =	ssyncset.done $0x0  }
0xbc: {  	[sflag:s12] =	ssyncadd.s32 $0xFFFFC800  }
0xbd: {  	[spmem:s2] =	stream.indirect.scatter.add.f32 [tilespmem:s9], [sflag:$0x3], $0x80, s17, s7, $0xb8;
	[tilespmem:$0x1C900] =	vst v63  }
0xbe: {  	_ =	swait.ge [sflag:s0], $0x3800  }
0xbf: {  	[sflag:s0] =	ssyncset.done $0x0  }
0xc0: {  	[sflag:s0] =	ssyncadd.s32 $0xFFFFC800  }
0xc1: {  	[tilespmem:s9], [sflag:$0x2] =	stream.indirect.gather [hbm4b:s4+s7], $0x80, s18, s7, $0xb8;
	[tilespmem:$0x1C900] =	vst v63  }
0xc2: {  	_ =	swait.ge [sflag:s10], $0x3800  }
0xc3: {  	[sflag:s10] =	ssyncset.done $0x0  }
0xc4: {  	[sflag:s10] =	ssyncadd.s32 $0xFFFFC800  }
0xc5: {  	[spmem:s2] =	stream.indirect.scatter.add.f32 [tilespmem:s1], [sflag:$0x3], $0x80, s19, s7, $0xb8;
	[tilespmem:$0x1C900] =	vst v63  }
0xc6: {  	_ =	swait.ge [sflag:s0], $0x3800  }
0xc7: {  	[sflag:s0] =	ssyncset.done $0x0  }
0xc8: {  	[sflag:s0] =	ssyncadd.s32 $0xFFFFC800  }
0xc9: {  	[tilespmem:s1], [sflag:$0x1] =	stream.indirect.gather [hbm4b:s4+s7], $0x80, s20, s7, $0xb8;
	[tilespmem:$0x1C900] =	vst v63  }
0xca: {  	_ =	swait.ge [sflag:s12], $0x3800  }
0xcb: {  	[sflag:s12] =	ssyncset.done $0x0  }
0xcc: {  	[sflag:s12] =	ssyncadd.s32 $0xFFFFC800  }
0xcd: {  	[spmem:s2] =	stream.indirect.scatter.add.f32 [tilespmem:s9], [sflag:$0x3], $0x80, s21, s7, $0xb8;
	[tilespmem:$0x1C900] =	vst v63  }
0xce: {  	_ =	swait.ge [sflag:s0], $0x3800  }
0xcf: {  	[sflag:s0] =	ssyncset.done $0x0  }
0xd0: {  	[sflag:s0] =	ssyncadd.s32 $0xFFFFC800  }
0xd1: {  	[tilespmem:s9], [sflag:$0x2] =	stream.indirect.gather [hbm4b:s4+s7], $0x80, s22, s7, $0xb8;
	[tilespmem:$0x1C900] =	vst v63  }
0xd2: {  	_ =	swait.ge [sflag:s10], $0x3800  }
0xd3: {  	[sflag:s10] =	ssyncset.done $0x0  }
0xd4: {  	[sflag:s10] =	ssyncadd.s32 $0xFFFFC800  }
0xd5: {  	[spmem:s2] =	stream.indirect.scatter.add.f32 [tilespmem:s1], [sflag:$0x3], $0x80, s23, s7, $0xb8;
	[tilespmem:$0x1C900] =	vst v63  }
0xd6: {  	_ =	swait.ge [sflag:s0], $0x3800  }
0xd7: {  	[sflag:s0] =	ssyncset.done $0x0  }
0xd8: {  	[sflag:s0] =	ssyncadd.s32 $0xFFFFC800  }
0xd9: {  	[tilespmem:s1], [sflag:$0x1] =	stream.indirect.gather [hbm4b:s4+s7], $0x80, s24, s7, $0xb8;
	[tilespmem:$0x1C900] =	vst v63  }
0xda: {  	_ =	swait.ge [sflag:s12], $0x3800  }
0xdb: {  	[sflag:s12] =	ssyncset.done $0x0  }
0xdc: {  	[sflag:s12] =	ssyncadd.s32 $0xFFFFC800  }
0xdd: {  	[spmem:s2] =	stream.indirect.scatter.add.f32 [tilespmem:s9], [sflag:$0x3], $0x80, s25, s7, $0xb8;
	[tilespmem:$0x1C900] =	vst v63  }
0xde: {  	_ =	swait.ge [sflag:s0], $0x3800  }
0xdf: {  	[sflag:s0] =	ssyncset.done $0x0  }
0xe0: {  	[sflag:s0] =	ssyncadd.s32 $0xFFFFC800  }
0xe1: {  	[tilespmem:s9], [sflag:$0x2] =	stream.indirect.gather [hbm4b:s4+s7], $0x80, s26, s7, $0xb8;
	[tilespmem:$0x1C900] =	vst v63  }
0xe2: {  	_ =	swait.ge [sflag:s10], $0x3800  }
0xe3: {  	[sflag:s10] =	ssyncset.done $0x0  }
0xe4: {  	[sflag:s10] =	ssyncadd.s32 $0xFFFFC800  }
0xe5: {  	[spmem:s2] =	stream.indirect.scatter.add.f32 [tilespmem:s1], [sflag:$0x3], $0x80, s28, s7, $0xb8;
	[tilespmem:$0x1C900] =	vst v63  }
0xe6: {  	_ =	swait.ge [sflag:s0], $0x3800  }
0xe7: {  	[sflag:s0] =	ssyncset.done $0x0  }
0xe8: {  	[sflag:s0] =	ssyncadd.s32 $0xFFFFC800  }
0xe9: {  	_ =	swait.ge [sflag:s12], $0x3800  }
0xea: {  	[sflag:s12] =	ssyncset.done $0x0  }
0xeb: {  	[sflag:s12] =	ssyncadd.s32 $0xFFFFC800  }
0xec: {  	[spmem:s2] =	stream.indirect.scatter.add.f32 [tilespmem:s9], [sflag:$0x3], $0x80, s29, s7, $0xb8;
	[tilespmem:$0x1C900] =	vst v63  }
0xed: {  	s8 =	simm.s32 $0x8C;
	_ =	swait.ge [sflag:s0], $0x3800  }
.LBB2_5:
0xee: {  	s30 =	rddreg [dreg:$0x7];
	s31 =	smov.u32 s8;
	[sflag:s0] =	ssyncset.done $0x0  }
0xef: {  	s30 =	sadd.s32 s31, s30;
	[sflag:s0] =	ssyncadd.s32 $0xFFFFC800  }
0xf0: {  	[tilespmem:s3], [sflag:$0x3] =	stream.linear.gather [hbm4b:s30+s3], $0x460, $0x38;
	[tilespmem:$0x1C900] =	vst v63  }
0xf1: {  	_ =	swait.ge [sflag:s0], $0x460  }
0xf2: {  	s30 =	rddreg [dreg:$0x6];
	[sflag:s0] =	ssyncset.done $0x0  }
0xf3: {  	[sflag:s0] =	ssyncadd.s32 $0xFFFFFBA0;
	s30 =	sadd.s32 s31, s30  }
0xf4: {  	[tilespmem:s6], [sflag:$0x3] =	stream.linear.gather [hbm4b:s30+s3], $0x460, $0x38;
	[tilespmem:$0x1C900] =	vst v63  }
0xf5: {  	_ =	swait.ge [sflag:s0], $0x460  }
0xf6: {  	[sflag:s0] =	ssyncset.done $0x0  }
0xf7: {  	[sflag:s0] =	ssyncadd.s32 $0xFFFFFBA0  }
0xf8: {  	[tilespmem:s1], [sflag:$0x1] =	stream.indirect.gather [hbm4b:s4+s7], $0x80, s3, s7, $0xb8;
	[tilespmem:$0x1C900] =	vst v63  }
0xf9: {  	_ = 	snop  }
0xfa: {  	[tilespmem:s9], [sflag:$0x2] =	stream.indirect.gather [hbm4b:s4+s7], $0x80, s7, s7, $0xb8;
	[tilespmem:$0x1C900] =	vst v63  }
0xfb: {  	_ =	swait.ge [sflag:s10], $0x3800  }
0xfc: {  	[sflag:s10] =	ssyncset.done $0x0  }
0xfd: {  	[sflag:s10] =	ssyncadd.s32 $0xFFFFC800  }
0xfe: {  	[spmem:s2] =	stream.indirect.scatter.add.f32 [tilespmem:s1], [sflag:$0x3], $0x80, s6, s7, $0xb8;
	[tilespmem:$0x1C900] =	vst v63  }
0xff: {  	_ =	swait.ge [sflag:s0], $0x3800  }
0x100: {  	[sflag:s0] =	ssyncset.done $0x0  }
0x101: {  	[sflag:s0] =	ssyncadd.s32 $0xFFFFC800  }
0x102: {  	[tilespmem:s1], [sflag:$0x1] =	stream.indirect.gather [hbm4b:s4+s7], $0x80, s11, s7, $0xb8;
	[tilespmem:$0x1C900] =	vst v63  }
0x103: {  	_ =	swait.ge [sflag:s12], $0x3800  }
0x104: {  	[sflag:s12] =	ssyncset.done $0x0  }
0x105: {  	[sflag:s12] =	ssyncadd.s32 $0xFFFFC800  }
0x106: {  	[spmem:s2] =	stream.indirect.scatter.add.f32 [tilespmem:s9], [sflag:$0x3], $0x80, s13, s7, $0xb8;
	[tilespmem:$0x1C900] =	vst v63  }
0x107: {  	_ =	swait.ge [sflag:s0], $0x3800  }
0x108: {  	[sflag:s0] =	ssyncset.done $0x0  }
0x109: {  	[sflag:s0] =	ssyncadd.s32 $0xFFFFC800  }
0x10a: {  	[tilespmem:s9], [sflag:$0x2] =	stream.indirect.gather [hbm4b:s4+s7], $0x80, s14, s7, $0xb8;
	[tilespmem:$0x1C900] =	vst v63  }
0x10b: {  	_ =	swait.ge [sflag:s10], $0x3800  }
0x10c: {  	[sflag:s10] =	ssyncset.done $0x0  }
0x10d: {  	[sflag:s10] =	ssyncadd.s32 $0xFFFFC800  }
0x10e: {  	[spmem:s2] =	stream.indirect.scatter.add.f32 [tilespmem:s1], [sflag:$0x3], $0x80, s15, s7, $0xb8;
	[tilespmem:$0x1C900] =	vst v63  }
0x10f: {  	_ =	swait.ge [sflag:s0], $0x3800  }
0x110: {  	[sflag:s0] =	ssyncset.done $0x0  }
0x111: {  	[sflag:s0] =	ssyncadd.s32 $0xFFFFC800  }
0x112: {  	[tilespmem:s1], [sflag:$0x1] =	stream.indirect.gather [hbm4b:s4+s7], $0x80, s16, s7, $0xb8;
	[tilespmem:$0x1C900] =	vst v63  }
0x113: {  	_ =	swait.ge [sflag:s12], $0x3800  }
0x114: {  	[sflag:s12] =	ssyncset.done $0x0  }
0x115: {  	[sflag:s12] =	ssyncadd.s32 $0xFFFFC800  }
0x116: {  	[spmem:s2] =	stream.indirect.scatter.add.f32 [tilespmem:s9], [sflag:$0x3], $0x80, s17, s7, $0xb8;
	[tilespmem:$0x1C900] =	vst v63  }
0x117: {  	_ =	swait.ge [sflag:s0], $0x3800  }
0x118: {  	[sflag:s0] =	ssyncset.done $0x0  }
0x119: {  	[sflag:s0] =	ssyncadd.s32 $0xFFFFC800  }
0x11a: {  	[tilespmem:s9], [sflag:$0x2] =	stream.indirect.gather [hbm4b:s4+s7], $0x80, s18, s7, $0xb8;
	[tilespmem:$0x1C900] =	vst v63  }
0x11b: {  	_ =	swait.ge [sflag:s10], $0x3800  }
0x11c: {  	[sflag:s10] =	ssyncset.done $0x0  }
0x11d: {  	[sflag:s10] =	ssyncadd.s32 $0xFFFFC800  }
0x11e: {  	[spmem:s2] =	stream.indirect.scatter.add.f32 [tilespmem:s1], [sflag:$0x3], $0x80, s19, s7, $0xb8;
	[tilespmem:$0x1C900] =	vst v63  }
0x11f: {  	_ =	swait.ge [sflag:s0], $0x3800  }
0x120: {  	[sflag:s0] =	ssyncset.done $0x0  }
0x121: {  	[sflag:s0] =	ssyncadd.s32 $0xFFFFC800  }
0x122: {  	[tilespmem:s1], [sflag:$0x1] =	stream.indirect.gather [hbm4b:s4+s7], $0x80, s20, s7, $0xb8;
	[tilespmem:$0x1C900] =	vst v63  }
0x123: {  	_ =	swait.ge [sflag:s12], $0x3800  }
0x124: {  	[sflag:s12] =	ssyncset.done $0x0  }
0x125: {  	[sflag:s12] =	ssyncadd.s32 $0xFFFFC800  }
0x126: {  	[spmem:s2] =	stream.indirect.scatter.add.f32 [tilespmem:s9], [sflag:$0x3], $0x80, s21, s7, $0xb8;
	[tilespmem:$0x1C900] =	vst v63  }
0x127: {  	_ =	swait.ge [sflag:s0], $0x3800  }
0x128: {  	[sflag:s0] =	ssyncset.done $0x0  }
0x129: {  	[sflag:s0] =	ssyncadd.s32 $0xFFFFC800  }
0x12a: {  	[tilespmem:s9], [sflag:$0x2] =	stream.indirect.gather [hbm4b:s4+s7], $0x80, s22, s7, $0xb8;
	[tilespmem:$0x1C900] =	vst v63  }
0x12b: {  	_ =	swait.ge [sflag:s10], $0x3800  }
0x12c: {  	[sflag:s10] =	ssyncset.done $0x0  }
0x12d: {  	[sflag:s10] =	ssyncadd.s32 $0xFFFFC800  }
0x12e: {  	[spmem:s2] =	stream.indirect.scatter.add.f32 [tilespmem:s1], [sflag:$0x3], $0x80, s23, s7, $0xb8;
	[tilespmem:$0x1C900] =	vst v63  }
0x12f: {  	_ =	swait.ge [sflag:s0], $0x3800  }
0x130: {  	[sflag:s0] =	ssyncset.done $0x0  }
0x131: {  	[sflag:s0] =	ssyncadd.s32 $0xFFFFC800  }
0x132: {  	[tilespmem:s1], [sflag:$0x1] =	stream.indirect.gather [hbm4b:s4+s7], $0x80, s24, s7, $0xb8;
	[tilespmem:$0x1C900] =	vst v63  }
0x133: {  	_ =	swait.ge [sflag:s12], $0x3800  }
0x134: {  	[sflag:s12] =	ssyncset.done $0x0  }
0x135: {  	[sflag:s12] =	ssyncadd.s32 $0xFFFFC800  }
0x136: {  	[spmem:s2] =	stream.indirect.scatter.add.f32 [tilespmem:s9], [sflag:$0x3], $0x80, s25, s7, $0xb8;
	[tilespmem:$0x1C900] =	vst v63  }
0x137: {  	_ =	swait.ge [sflag:s0], $0x3800  }
0x138: {  	[sflag:s0] =	ssyncset.done $0x0  }
0x139: {  	[sflag:s0] =	ssyncadd.s32 $0xFFFFC800  }
0x13a: {  	[tilespmem:s9], [sflag:$0x2] =	stream.indirect.gather [hbm4b:s4+s7], $0x80, s26, s7, $0xb8;
	[tilespmem:$0x1C900] =	vst v63  }
0x13b: {  	_ =	swait.ge [sflag:s10], $0x3800  }
0x13c: {  	[sflag:s10] =	ssyncset.done $0x0  }
0x13d: {  	[sflag:s10] =	ssyncadd.s32 $0xFFFFC800  }
0x13e: {  	[spmem:s2] =	stream.indirect.scatter.add.f32 [tilespmem:s1], [sflag:$0x3], $0x80, s28, s7, $0xb8;
	[tilespmem:$0x1C900] =	vst v63  }
0x13f: {  	_ =	swait.ge [sflag:s0], $0x3800  }
0x140: {  	[sflag:s0] =	ssyncset.done $0x0  }
0x141: {  	p1 =	seq.s32 s8, $0x94C;
	[sflag:s0] =	ssyncadd.s32 $0xFFFFC800  }
.Ltmp4:
0x142: {  	_ =	swait.ge [sflag:s12], $0x3800;
	(pc) =	sbr.rel @!p1 .LBB2_5-.Ltmp4, $4  }
0x143: {  	[sflag:s12] =	ssyncset.done $0x0  }
0x144: {  	[sflag:s12] =	ssyncadd.s32 $0xFFFFC800  }
0x145: {  	[spmem:s2] =	stream.indirect.scatter.add.f32 [tilespmem:s9], [sflag:$0x3], $0x80, s29, s7, $0xb8;
	[tilespmem:$0x1C900] =	vst v63  }
0x146: {  	s8 =	sadd.s32 $0x8C, s8;
	_ =	swait.ge [sflag:s0], $0x3800  }
.Ltmp5:
0x147: {  	(pc) =	sbr.rel .LBB2_10-.Ltmp5, $3  }
0x148: {  	_ =	sdelay $0x1  }
0x149: {  	[sflag:s0] =	ssyncset.done $0x0  }
0x14a: {  	s8 =	rddreg [dreg:$0x8];
	[sflag:s0] =	ssyncadd.s32 $0xFFFFC800  }
.LBB2_7:
0x14b: {  	s8 =	rddreg [dreg:$0x5]  }
0x14c: {  	s8 =	sadd.s32 $0x0, s8  }
0x14d: {  	[tilespmem:s3], [sflag:$0x3] =	stream.linear.gather [hbm4b:s8+s3], $0x460, $0x38;
	[tilespmem:$0x1C900] =	vst v63  }
0x14e: {  	_ =	swait.ge [sflag:s0], $0x460  }
0x14f: {  	s31 =	rddreg [dreg:$0x4];
	[sflag:s0] =	ssyncset.done $0x0  }
0x150: {  	[sflag:s0] =	ssyncadd.s32 $0xFFFFFBA0;
	s8 =	sadd.s32 $0x0, s31  }
0x151: {  	[tilespmem:s6], [sflag:$0x3] =	stream.linear.gather [hbm4b:s8+s3], $0x460, $0x38;
	[tilespmem:$0x1C900] =	vst v63  }
0x152: {  	_ =	swait.ge [sflag:s0], $0x460  }
0x153: {  	[sflag:s0] =	ssyncset.done $0x0  }
0x154: {  	[sflag:s0] =	ssyncadd.s32 $0xFFFFFBA0  }
0x155: {  	[tilespmem:s1], [sflag:$0x1] =	stream.indirect.gather [hbm4b:s5+s7], $0x80, s3, s7, $0xb8;
	[tilespmem:$0x1C900] =	vst v63  }
0x156: {  	_ = 	snop  }
0x157: {  	[tilespmem:s9], [sflag:$0x2] =	stream.indirect.gather [hbm4b:s5+s7], $0x80, s7, s7, $0xb8;
	[tilespmem:$0x1C900] =	vst v63  }
0x158: {  	_ =	swait.ge [sflag:s10], $0x3800  }
0x159: {  	[sflag:s10] =	ssyncset.done $0x0  }
0x15a: {  	[sflag:s10] =	ssyncadd.s32 $0xFFFFC800  }
0x15b: {  	[spmem:s2] =	stream.indirect.scatter.add.f32 [tilespmem:s1], [sflag:$0x3], $0x80, s6, s7, $0xb8;
	[tilespmem:$0x1C900] =	vst v63  }
0x15c: {  	_ =	swait.ge [sflag:s0], $0x3800  }
0x15d: {  	[sflag:s0] =	ssyncset.done $0x0  }
0x15e: {  	[sflag:s0] =	ssyncadd.s32 $0xFFFFC800  }
0x15f: {  	[tilespmem:s1], [sflag:$0x1] =	stream.indirect.gather [hbm4b:s5+s7], $0x80, s11, s7, $0xb8;
	[tilespmem:$0x1C900] =	vst v63  }
0x160: {  	_ =	swait.ge [sflag:s12], $0x3800  }
0x161: {  	[sflag:s12] =	ssyncset.done $0x0  }
0x162: {  	[sflag:s12] =	ssyncadd.s32 $0xFFFFC800  }
0x163: {  	[spmem:s2] =	stream.indirect.scatter.add.f32 [tilespmem:s9], [sflag:$0x3], $0x80, s13, s7, $0xb8;
	[tilespmem:$0x1C900] =	vst v63  }
0x164: {  	_ =	swait.ge [sflag:s0], $0x3800  }
0x165: {  	[sflag:s0] =	ssyncset.done $0x0  }
0x166: {  	[sflag:s0] =	ssyncadd.s32 $0xFFFFC800  }
0x167: {  	[tilespmem:s9], [sflag:$0x2] =	stream.indirect.gather [hbm4b:s5+s7], $0x80, s14, s7, $0xb8;
	[tilespmem:$0x1C900] =	vst v63  }
0x168: {  	_ =	swait.ge [sflag:s10], $0x3800  }
0x169: {  	[sflag:s10] =	ssyncset.done $0x0  }
0x16a: {  	[sflag:s10] =	ssyncadd.s32 $0xFFFFC800  }
0x16b: {  	[spmem:s2] =	stream.indirect.scatter.add.f32 [tilespmem:s1], [sflag:$0x3], $0x80, s15, s7, $0xb8;
	[tilespmem:$0x1C900] =	vst v63  }
0x16c: {  	_ =	swait.ge [sflag:s0], $0x3800  }
0x16d: {  	[sflag:s0] =	ssyncset.done $0x0  }
0x16e: {  	[sflag:s0] =	ssyncadd.s32 $0xFFFFC800  }
0x16f: {  	[tilespmem:s1], [sflag:$0x1] =	stream.indirect.gather [hbm4b:s5+s7], $0x80, s16, s7, $0xb8;
	[tilespmem:$0x1C900] =	vst v63  }
0x170: {  	_ =	swait.ge [sflag:s12], $0x3800  }
0x171: {  	[sflag:s12] =	ssyncset.done $0x0  }
0x172: {  	[sflag:s12] =	ssyncadd.s32 $0xFFFFC800  }
0x173: {  	[spmem:s2] =	stream.indirect.scatter.add.f32 [tilespmem:s9], [sflag:$0x3], $0x80, s17, s7, $0xb8;
	[tilespmem:$0x1C900] =	vst v63  }
0x174: {  	_ =	swait.ge [sflag:s0], $0x3800  }
0x175: {  	[sflag:s0] =	ssyncset.done $0x0  }
0x176: {  	[sflag:s0] =	ssyncadd.s32 $0xFFFFC800  }
0x177: {  	[tilespmem:s9], [sflag:$0x2] =	stream.indirect.gather [hbm4b:s5+s7], $0x80, s18, s7, $0xb8;
	[tilespmem:$0x1C900] =	vst v63  }
0x178: {  	_ =	swait.ge [sflag:s10], $0x3800  }
0x179: {  	[sflag:s10] =	ssyncset.done $0x0  }
0x17a: {  	[sflag:s10] =	ssyncadd.s32 $0xFFFFC800  }
0x17b: {  	[spmem:s2] =	stream.indirect.scatter.add.f32 [tilespmem:s1], [sflag:$0x3], $0x80, s19, s7, $0xb8;
	[tilespmem:$0x1C900] =	vst v63  }
0x17c: {  	_ =	swait.ge [sflag:s0], $0x3800  }
0x17d: {  	[sflag:s0] =	ssyncset.done $0x0  }
0x17e: {  	[sflag:s0] =	ssyncadd.s32 $0xFFFFC800  }
0x17f: {  	[tilespmem:s1], [sflag:$0x1] =	stream.indirect.gather [hbm4b:s5+s7], $0x80, s20, s7, $0xb8;
	[tilespmem:$0x1C900] =	vst v63  }
0x180: {  	_ =	swait.ge [sflag:s12], $0x3800  }
0x181: {  	[sflag:s12] =	ssyncset.done $0x0  }
0x182: {  	[sflag:s12] =	ssyncadd.s32 $0xFFFFC800  }
0x183: {  	[spmem:s2] =	stream.indirect.scatter.add.f32 [tilespmem:s9], [sflag:$0x3], $0x80, s21, s7, $0xb8;
	[tilespmem:$0x1C900] =	vst v63  }
0x184: {  	_ =	swait.ge [sflag:s0], $0x3800  }
0x185: {  	[sflag:s0] =	ssyncset.done $0x0  }
0x186: {  	[sflag:s0] =	ssyncadd.s32 $0xFFFFC800  }
0x187: {  	[tilespmem:s9], [sflag:$0x2] =	stream.indirect.gather [hbm4b:s5+s7], $0x80, s22, s7, $0xb8;
	[tilespmem:$0x1C900] =	vst v63  }
0x188: {  	_ =	swait.ge [sflag:s10], $0x3800  }
0x189: {  	[sflag:s10] =	ssyncset.done $0x0  }
0x18a: {  	[sflag:s10] =	ssyncadd.s32 $0xFFFFC800  }
0x18b: {  	[spmem:s2] =	stream.indirect.scatter.add.f32 [tilespmem:s1], [sflag:$0x3], $0x80, s23, s7, $0xb8;
	[tilespmem:$0x1C900] =	vst v63  }
0x18c: {  	_ =	swait.ge [sflag:s0], $0x3800  }
0x18d: {  	[sflag:s0] =	ssyncset.done $0x0  }
0x18e: {  	[sflag:s0] =	ssyncadd.s32 $0xFFFFC800  }
0x18f: {  	[tilespmem:s1], [sflag:$0x1] =	stream.indirect.gather [hbm4b:s5+s7], $0x80, s24, s7, $0xb8;
	[tilespmem:$0x1C900] =	vst v63  }
0x190: {  	_ =	swait.ge [sflag:s12], $0x3800  }
0x191: {  	[sflag:s12] =	ssyncset.done $0x0  }
0x192: {  	[sflag:s12] =	ssyncadd.s32 $0xFFFFC800  }
0x193: {  	[spmem:s2] =	stream.indirect.scatter.add.f32 [tilespmem:s9], [sflag:$0x3], $0x80, s25, s7, $0xb8;
	[tilespmem:$0x1C900] =	vst v63  }
0x194: {  	_ =	swait.ge [sflag:s0], $0x3800  }
0x195: {  	[sflag:s0] =	ssyncset.done $0x0  }
0x196: {  	[sflag:s0] =	ssyncadd.s32 $0xFFFFC800  }
0x197: {  	[tilespmem:s9], [sflag:$0x2] =	stream.indirect.gather [hbm4b:s5+s7], $0x80, s26, s7, $0xb8;
	[tilespmem:$0x1C900] =	vst v63  }
0x198: {  	_ =	swait.ge [sflag:s10], $0x3800  }
0x199: {  	[sflag:s10] =	ssyncset.done $0x0  }
0x19a: {  	[sflag:s10] =	ssyncadd.s32 $0xFFFFC800  }
0x19b: {  	[spmem:s2] =	stream.indirect.scatter.add.f32 [tilespmem:s1], [sflag:$0x3], $0x80, s28, s7, $0xb8;
	[tilespmem:$0x1C900] =	vst v63  }
0x19c: {  	_ =	swait.ge [sflag:s0], $0x3800  }
0x19d: {  	[sflag:s0] =	ssyncset.done $0x0  }
0x19e: {  	[sflag:s0] =	ssyncadd.s32 $0xFFFFC800  }
0x19f: {  	_ =	swait.ge [sflag:s12], $0x3800  }
0x1a0: {  	[sflag:s12] =	ssyncset.done $0x0  }
0x1a1: {  	[sflag:s12] =	ssyncadd.s32 $0xFFFFC800  }
0x1a2: {  	[spmem:s2] =	stream.indirect.scatter.add.f32 [tilespmem:s9], [sflag:$0x3], $0x80, s29, s7, $0xb8;
	[tilespmem:$0x1C900] =	vst v63  }
0x1a3: {  	s8 =	simm.s32 $0x8C;
	_ =	swait.ge [sflag:s0], $0x3800  }
.LBB2_8:
0x1a4: {  	s30 =	rddreg [dreg:$0x5];
	s31 =	smov.u32 s8;
	[sflag:s0] =	ssyncset.done $0x0  }
0x1a5: {  	s30 =	sadd.s32 s31, s30;
	[sflag:s0] =	ssyncadd.s32 $0xFFFFC800  }
0x1a6: {  	[tilespmem:s3], [sflag:$0x3] =	stream.linear.gather [hbm4b:s30+s3], $0x460, $0x38;
	[tilespmem:$0x1C900] =	vst v63  }
0x1a7: {  	_ =	swait.ge [sflag:s0], $0x460  }
0x1a8: {  	s30 =	rddreg [dreg:$0x4];
	[sflag:s0] =	ssyncset.done $0x0  }
0x1a9: {  	[sflag:s0] =	ssyncadd.s32 $0xFFFFFBA0;
	s30 =	sadd.s32 s31, s30  }
0x1aa: {  	[tilespmem:s6], [sflag:$0x3] =	stream.linear.gather [hbm4b:s30+s3], $0x460, $0x38;
	[tilespmem:$0x1C900] =	vst v63  }
0x1ab: {  	_ =	swait.ge [sflag:s0], $0x460  }
0x1ac: {  	[sflag:s0] =	ssyncset.done $0x0  }
0x1ad: {  	[sflag:s0] =	ssyncadd.s32 $0xFFFFFBA0  }
0x1ae: {  	[tilespmem:s1], [sflag:$0x1] =	stream.indirect.gather [hbm4b:s5+s7], $0x80, s3, s7, $0xb8;
	[tilespmem:$0x1C900] =	vst v63  }
0x1af: {  	_ = 	snop  }
0x1b0: {  	[tilespmem:s9], [sflag:$0x2] =	stream.indirect.gather [hbm4b:s5+s7], $0x80, s7, s7, $0xb8;
	[tilespmem:$0x1C900] =	vst v63  }
0x1b1: {  	_ =	swait.ge [sflag:s10], $0x3800  }
0x1b2: {  	[sflag:s10] =	ssyncset.done $0x0  }
0x1b3: {  	[sflag:s10] =	ssyncadd.s32 $0xFFFFC800  }
0x1b4: {  	[spmem:s2] =	stream.indirect.scatter.add.f32 [tilespmem:s1], [sflag:$0x3], $0x80, s6, s7, $0xb8;
	[tilespmem:$0x1C900] =	vst v63  }
0x1b5: {  	_ =	swait.ge [sflag:s0], $0x3800  }
0x1b6: {  	[sflag:s0] =	ssyncset.done $0x0  }
0x1b7: {  	[sflag:s0] =	ssyncadd.s32 $0xFFFFC800  }
0x1b8: {  	[tilespmem:s1], [sflag:$0x1] =	stream.indirect.gather [hbm4b:s5+s7], $0x80, s11, s7, $0xb8;
	[tilespmem:$0x1C900] =	vst v63  }
0x1b9: {  	_ =	swait.ge [sflag:s12], $0x3800  }
0x1ba: {  	[sflag:s12] =	ssyncset.done $0x0  }
0x1bb: {  	[sflag:s12] =	ssyncadd.s32 $0xFFFFC800  }
0x1bc: {  	[spmem:s2] =	stream.indirect.scatter.add.f32 [tilespmem:s9], [sflag:$0x3], $0x80, s13, s7, $0xb8;
	[tilespmem:$0x1C900] =	vst v63  }
0x1bd: {  	_ =	swait.ge [sflag:s0], $0x3800  }
0x1be: {  	[sflag:s0] =	ssyncset.done $0x0  }
0x1bf: {  	[sflag:s0] =	ssyncadd.s32 $0xFFFFC800  }
0x1c0: {  	[tilespmem:s9], [sflag:$0x2] =	stream.indirect.gather [hbm4b:s5+s7], $0x80, s14, s7, $0xb8;
	[tilespmem:$0x1C900] =	vst v63  }
0x1c1: {  	_ =	swait.ge [sflag:s10], $0x3800  }
0x1c2: {  	[sflag:s10] =	ssyncset.done $0x0  }
0x1c3: {  	[sflag:s10] =	ssyncadd.s32 $0xFFFFC800  }
0x1c4: {  	[spmem:s2] =	stream.indirect.scatter.add.f32 [tilespmem:s1], [sflag:$0x3], $0x80, s15, s7, $0xb8;
	[tilespmem:$0x1C900] =	vst v63  }
0x1c5: {  	_ =	swait.ge [sflag:s0], $0x3800  }
0x1c6: {  	[sflag:s0] =	ssyncset.done $0x0  }
0x1c7: {  	[sflag:s0] =	ssyncadd.s32 $0xFFFFC800  }
0x1c8: {  	[tilespmem:s1], [sflag:$0x1] =	stream.indirect.gather [hbm4b:s5+s7], $0x80, s16, s7, $0xb8;
	[tilespmem:$0x1C900] =	vst v63  }
0x1c9: {  	_ =	swait.ge [sflag:s12], $0x3800  }
0x1ca: {  	[sflag:s12] =	ssyncset.done $0x0  }
0x1cb: {  	[sflag:s12] =	ssyncadd.s32 $0xFFFFC800  }
0x1cc: {  	[spmem:s2] =	stream.indirect.scatter.add.f32 [tilespmem:s9], [sflag:$0x3], $0x80, s17, s7, $0xb8;
	[tilespmem:$0x1C900] =	vst v63  }
0x1cd: {  	_ =	swait.ge [sflag:s0], $0x3800  }
0x1ce: {  	[sflag:s0] =	ssyncset.done $0x0  }
0x1cf: {  	[sflag:s0] =	ssyncadd.s32 $0xFFFFC800  }
0x1d0: {  	[tilespmem:s9], [sflag:$0x2] =	stream.indirect.gather [hbm4b:s5+s7], $0x80, s18, s7, $0xb8;
	[tilespmem:$0x1C900] =	vst v63  }
0x1d1: {  	_ =	swait.ge [sflag:s10], $0x3800  }
0x1d2: {  	[sflag:s10] =	ssyncset.done $0x0  }
0x1d3: {  	[sflag:s10] =	ssyncadd.s32 $0xFFFFC800  }
0x1d4: {  	[spmem:s2] =	stream.indirect.scatter.add.f32 [tilespmem:s1], [sflag:$0x3], $0x80, s19, s7, $0xb8;
	[tilespmem:$0x1C900] =	vst v63  }
0x1d5: {  	_ =	swait.ge [sflag:s0], $0x3800  }
0x1d6: {  	[sflag:s0] =	ssyncset.done $0x0  }
0x1d7: {  	[sflag:s0] =	ssyncadd.s32 $0xFFFFC800  }
0x1d8: {  	[tilespmem:s1], [sflag:$0x1] =	stream.indirect.gather [hbm4b:s5+s7], $0x80, s20, s7, $0xb8;
	[tilespmem:$0x1C900] =	vst v63  }
0x1d9: {  	_ =	swait.ge [sflag:s12], $0x3800  }
0x1da: {  	[sflag:s12] =	ssyncset.done $0x0  }
0x1db: {  	[sflag:s12] =	ssyncadd.s32 $0xFFFFC800  }
0x1dc: {  	[spmem:s2] =	stream.indirect.scatter.add.f32 [tilespmem:s9], [sflag:$0x3], $0x80, s21, s7, $0xb8;
	[tilespmem:$0x1C900] =	vst v63  }
0x1dd: {  	_ =	swait.ge [sflag:s0], $0x3800  }
0x1de: {  	[sflag:s0] =	ssyncset.done $0x0  }
0x1df: {  	[sflag:s0] =	ssyncadd.s32 $0xFFFFC800  }
0x1e0: {  	[tilespmem:s9], [sflag:$0x2] =	stream.indirect.gather [hbm4b:s5+s7], $0x80, s22, s7, $0xb8;
	[tilespmem:$0x1C900] =	vst v63  }
0x1e1: {  	_ =	swait.ge [sflag:s10], $0x3800  }
0x1e2: {  	[sflag:s10] =	ssyncset.done $0x0  }
0x1e3: {  	[sflag:s10] =	ssyncadd.s32 $0xFFFFC800  }
0x1e4: {  	[spmem:s2] =	stream.indirect.scatter.add.f32 [tilespmem:s1], [sflag:$0x3], $0x80, s23, s7, $0xb8;
	[tilespmem:$0x1C900] =	vst v63  }
0x1e5: {  	_ =	swait.ge [sflag:s0], $0x3800  }
0x1e6: {  	[sflag:s0] =	ssyncset.done $0x0  }
0x1e7: {  	[sflag:s0] =	ssyncadd.s32 $0xFFFFC800  }
0x1e8: {  	[tilespmem:s1], [sflag:$0x1] =	stream.indirect.gather [hbm4b:s5+s7], $0x80, s24, s7, $0xb8;
	[tilespmem:$0x1C900] =	vst v63  }
0x1e9: {  	_ =	swait.ge [sflag:s12], $0x3800  }
0x1ea: {  	[sflag:s12] =	ssyncset.done $0x0  }
0x1eb: {  	[sflag:s12] =	ssyncadd.s32 $0xFFFFC800  }
0x1ec: {  	[spmem:s2] =	stream.indirect.scatter.add.f32 [tilespmem:s9], [sflag:$0x3], $0x80, s25, s7, $0xb8;
	[tilespmem:$0x1C900] =	vst v63  }
0x1ed: {  	_ =	swait.ge [sflag:s0], $0x3800  }
0x1ee: {  	[sflag:s0] =	ssyncset.done $0x0  }
0x1ef: {  	[sflag:s0] =	ssyncadd.s32 $0xFFFFC800  }
0x1f0: {  	[tilespmem:s9], [sflag:$0x2] =	stream.indirect.gather [hbm4b:s5+s7], $0x80, s26, s7, $0xb8;
	[tilespmem:$0x1C900] =	vst v63  }
0x1f1: {  	_ =	swait.ge [sflag:s10], $0x3800  }
0x1f2: {  	[sflag:s10] =	ssyncset.done $0x0  }
0x1f3: {  	[sflag:s10] =	ssyncadd.s32 $0xFFFFC800  }
0x1f4: {  	[spmem:s2] =	stream.indirect.scatter.add.f32 [tilespmem:s1], [sflag:$0x3], $0x80, s28, s7, $0xb8;
	[tilespmem:$0x1C900] =	vst v63  }
0x1f5: {  	_ =	swait.ge [sflag:s0], $0x3800  }
0x1f6: {  	[sflag:s0] =	ssyncset.done $0x0  }
0x1f7: {  	p1 =	sne.s32 s8, $0x94C;
	[sflag:s0] =	ssyncadd.s32 $0xFFFFC800  }
.Ltmp6:
0x1f8: {  	_ =	swait.ge [sflag:s12], $0x3800;
	(pc) =	sbr.rel @p1 .LBB2_8-.Ltmp6, $4  }
0x1f9: {  	[sflag:s12] =	ssyncset.done $0x0  }
0x1fa: {  	[sflag:s12] =	ssyncadd.s32 $0xFFFFC800  }
0x1fb: {  	[spmem:s2] =	stream.indirect.scatter.add.f32 [tilespmem:s9], [sflag:$0x3], $0x80, s29, s7, $0xb8;
	[tilespmem:$0x1C900] =	vst v63  }
0x1fc: {  	s8 =	sadd.s32 $0x8C, s8;
	_ =	swait.ge [sflag:s0], $0x3800  }
.Ltmp7:
0x1fd: {  	_ = 	snop;
	(pc) =	sbr.rel .LBB2_9-.Ltmp7, $1  }
0x1fe: {  	_ =	sdelay $0x3  }
.LBB2_11:
0x1ff: {  	_ =	sfence.sel $0x180000  }
0x200: {  	[bflag:$0x0] =	sbarrier.arrive $0xFFFF  }
0x201: {  	_ =	strace $0x9000004A  }
0x202: {  	s0 =	stileid.u32;
	[bflag:$0x2] =	sbarrier.arrive $0xFFFF  }
0x203: {  	p0 =	sne.s32 s0, $0x0;
	s0 =	rddreg [dreg:$0x3]  }
0x204: {  	s0 =	sadd.s32 @!p0 $0x100000, s0  }
0x205: {  	[sflag:s0] =	ssyncadd.tile.s32 @!p0 $0x1;
	_ =	shalt  }
.Lfunc_end2:
_tile_overlayer_lowered:
.L_overlay_start_2:
0x206: {  	(tag) =	ssettag $0x2  }
0x207: {  	s0 =	rddreg [dreg:$0x0];
	s2 =	stileid.u32  }
0x208: {  	s1 =	rddreg [dreg:$0x1];
	p0 =	sne.s32 s2, $0x0  }
0x209: {  	s3 =	rddreg [dreg:$0x2];
	[bflag:$0x3] =	sbarrier.arrive $0xFFFF;
	s2 =	simm.s32 @!p0 $0x1C03  }
0x20a: {  	[timem:s3], [sflag:s2] =	dma.local @!p0 [hbm:s0], s1  }
0x20b: {  	s0 =	simm.s32 @!p0 $0x3  }
0x20c: {  	_ =	swait.ge @!p0 [sflag:s0], s1  }
0x20d: {  	s1 =	ssub.s32 @!p0 $0x0, s1;
	[sflag:s0] =	ssyncset.done @!p0 $0x0  }
0x20e: {  	[sflag:s0] =	ssyncadd.s32 @!p0 s1  }
0x20f: {  	[bflag:$0x3] =	sbarrier.arrive $0xFFFF  }
0x210: {  	_ =	shalt  }

// kernel: kernel.7.cloned.1.call-start
scs
__scs_entry_jumppad:
0x0: {  	(pc) =	sbr.rel $0x88, $3  }
0x1: {  	(tag) =	ssettag $0x0;
	lr =	simm.s32 $0x1  }
0x2: {  	[smem:$0x3F9B] =	sst lr;
	_ =	strace $0xD0000000  }
0x3: {  	_ = 	snop  }
0x4: {  	_ = 	snop  }
0x5: {  	_ = 	snop  }
0x6: {  	_ = 	snop  }
0x7: {  	_ = 	snop  }
__scs_overlays_trampoline_lowered:
0x8: {  	[smem:$0x3FAA] =	sst s0  }
0x9: {  	[smem:$0x3FAB] =	sst s1  }
0xa: {  	[smem:$0x3FAC] =	sst s2  }
0xb: {  	[smem:$0x3FAD] =	sst s3  }
0xc: {  	[smem:$0x3FAE] =	sst s4  }
0xd: {  	[smem:$0x3FAF] =	sst s5  }
0xe: {  	[smem:$0x3FB0] =	sst s6  }
0xf: {  	[smem:$0x3FB1] =	sst s7  }
0x10: {  	[smem:$0x3FB2] =	sst s8  }
0x11: {  	[smem:$0x3FB3] =	sst s9;
	s0 =	simm.s32 @!p0 $0x0  }
0x12: {  	s1 =	sld [smem:$0x3F99];
	s0 =	simm.s32 @p0 $0x1  }
0x13: {  	[smem:$0x3FB4] =	sst s0;
	s0 =	simm.s32 @!p1 $0x0  }
0x14: {  	s2 =	sld [smem:$0x3F98];
	s0 =	simm.s32 @p1 $0x1  }
0x15: {  	[smem:$0x3FB5] =	sst s0;
	s0 =	simm.s32 @!p2 $0x0  }
0x16: {  	s3 =	sld [smem:$0x3FDB];
	s0 =	simm.s32 @p2 $0x1  }
0x17: {  	s4 =	simm.s32 $0x1BF5;
	[smem:$0x3FB7] =	sst s0  }
0x18: {  	s0 =	sld [smem:$0x3F9A];
	_ =	swait.ge [sflag:s4], $0x0  }
0x19: {  	s7 =	sld [smem:$0x3F9B]  }
0x1a: {  	s8 =	sadd.s32 $0xFFFFE003, lr  }
0x1b: {  	s9 =	sadd.s32 $0xFFFFFEF7, lr;
	s5 =	simm.s32 $0xFFFFFFFF;
	p2 =	slt.u32 s8, $0xFFFFF086  }
0x1c: {  	p1 =	slt.u32 s9, $0xF7A;
	s5 =	simm.s32 @!p2 $0x0  }
0x1d: {  	s5 =	simm.s32 @p1 $0x1;
	p0 =	seq.s32 s7, s2  }
0x1e: {  	s7 =	smul.u32 @!p0 $0xF7A, s2;
	p2 =	seq.s32 @!p0 s5, $0x0  }
0x1f: {  	s9 =	smul.u32 $0xF7A, s1;
	s8 =	simm.s32 @!p0 $0x1BF5;
	p2 =	por !p2, p0  }
0x20: {  	[sflag:s8] =	ssyncset.s32 @!p0 $0xFFFFF086;
	s6 =	sadd.s32 @!p0 s3, s7;
	s7 =	simm.s32 @!p0 $0x108  }
0x21: {  	s3 =	sadd.s32 s3, s9;
	s6 =	sadd.s32 @!p0 $0x88, s6;
	s7 =	simm.s32 @p2 $0x1082  }
0x22: {  	[simem:s7], [sflag:s8] =	dma.local @!p0 [hbm:s6], $0xF7A  }
0x23: {  	s9 =	sor.u32 $0xD0000000, s2;
	s6 =	simm.s32 $0x108;
	_ =	swait.ge @!p0 [sflag:s8], $0x0  }
0x24: {  	s3 =	sadd.s32 $0x88, s3;
	s6 =	simm.s32 @!p1 $0x1082;
	[sflag:s4] =	ssyncset.s32 $0xFFFFF086  }
0x25: {  	[simem:s6], [sflag:s4] =	dma.local [hbm:s3], $0xF7A  }
0x26: {  	[smem:$0x3F9B] =	sst s1;
	(tag) =	ssettag s2;
	_ =	strace s9  }
0x27: {  	s1 =	sld [smem:$0x3FAB]  }
0x28: {  	s2 =	sld [smem:$0x3FAC]  }
0x29: {  	s4 =	sld [smem:$0x3FAE]  }
0x2a: {  	p0 =	seq.s32 s5, $0x0;
	s5 =	sld [smem:$0x3FAF]  }
0x2b: {  	s6 =	sld [smem:$0x3FB0]  }
0x2c: {  	s7 =	sld [smem:$0x3FB1]  }
0x2d: {  	s3 =	simm.s32 $0x108;
	s8 =	sld [smem:$0x3FB2]  }
0x2e: {  	s3 =	simm.s32 @!p0 $0x1082;
	s9 =	sld [smem:$0x3FB3]  }
0x2f: {  	lr =	sadd.s32 s0, s3;
	s0 =	sld [smem:$0x3FAA]  }
0x30: {  	s3 =	sld [smem:$0x3FAD]  }
0x31: {  	[smem:$0x3FB6] =	sst s10  }
0x32: {  	s10 =	sld [smem:$0x3FB4];
	_ =	sdelay $0x3  }
0x33: {  	p0 =	seq.s32 s10, $0x1;
	s10 =	sld [smem:$0x3FB6];
	_ =	sdelay $0x3  }
0x34: {  	[smem:$0x3FB6] =	sst s10  }
0x35: {  	s10 =	sld [smem:$0x3FB5];
	_ =	sdelay $0x3  }
0x36: {  	p1 =	seq.s32 s10, $0x1;
	s10 =	sld [smem:$0x3FB6];
	_ =	sdelay $0x3  }
0x37: {  	[smem:$0x3FB6] =	sst s10  }
0x38: {  	s10 =	sld [smem:$0x3FB7]  }
0x39: {  	_ = 	snop;
	(pc) =	sbr.ind lr, $3  }
0x3a: {  	_ = 	snop  }
0x3b: {  	_ = 	snop  }
0x3c: {  	p2 =	seq.s32 s10, $0x1;
	s10 =	sld [smem:$0x3FB6]  }
0x3d: {  	_ =	shalt  }
0x3e: {  	_ =	shalt  }
0x3f: {  	_ =	shalt  }
0x40: {  	_ =	shalt  }
0x41: {  	_ =	shalt  }
0x42: {  	_ =	shalt  }
0x43: {  	_ =	shalt  }
0x44: {  	_ =	shalt  }
0x45: {  	_ =	shalt  }
0x46: {  	_ =	shalt  }
0x47: {  	_ =	shalt  }
0x48: {  	_ =	shalt  }
0x49: {  	_ =	shalt  }
0x4a: {  	_ =	shalt  }
0x4b: {  	_ =	shalt  }
0x4c: {  	_ =	shalt  }
0x4d: {  	_ =	shalt  }
0x4e: {  	_ =	shalt  }
0x4f: {  	_ =	shalt  }
0x50: {  	_ =	shalt  }
0x51: {  	_ =	shalt  }
0x52: {  	_ =	shalt  }
0x53: {  	_ =	shalt  }
0x54: {  	_ =	shalt  }
0x55: {  	_ =	shalt  }
0x56: {  	_ =	shalt  }
0x57: {  	_ =	shalt  }
0x58: {  	_ =	shalt  }
0x59: {  	_ =	shalt  }
0x5a: {  	_ =	shalt  }
0x5b: {  	_ =	shalt  }
0x5c: {  	_ =	shalt  }
0x5d: {  	_ =	shalt  }
0x5e: {  	_ =	shalt  }
0x5f: {  	_ =	shalt  }
0x60: {  	_ =	shalt  }
0x61: {  	_ =	shalt  }
0x62: {  	_ =	shalt  }
0x63: {  	_ =	shalt  }
0x64: {  	_ =	shalt  }
0x65: {  	_ =	shalt  }
0x66: {  	_ =	shalt  }
0x67: {  	_ =	shalt  }
0x68: {  	_ =	shalt  }
0x69: {  	_ =	shalt  }
0x6a: {  	_ =	shalt  }
0x6b: {  	_ =	shalt  }
0x6c: {  	_ =	shalt  }
0x6d: {  	_ =	shalt  }
0x6e: {  	_ =	shalt  }
0x6f: {  	_ =	shalt  }
0x70: {  	_ =	shalt  }
0x71: {  	_ =	shalt  }
0x72: {  	_ =	shalt  }
0x73: {  	_ =	shalt  }
0x74: {  	_ =	shalt  }
0x75: {  	_ =	shalt  }
0x76: {  	_ =	shalt  }
0x77: {  	_ =	shalt  }
0x78: {  	_ =	shalt  }
0x79: {  	_ =	shalt  }
0x7a: {  	_ =	shalt  }
0x7b: {  	_ =	shalt  }
0x7c: {  	_ =	shalt  }
0x7d: {  	_ =	shalt  }
0x7e: {  	_ =	shalt  }
0x7f: {  	_ =	shalt  }
0x80: {  	_ =	shalt  }
0x81: {  	_ =	shalt  }
0x82: {  	_ =	shalt  }
0x83: {  	_ =	shalt  }
0x84: {  	_ =	shalt  }
0x85: {  	_ =	shalt  }
0x86: {  	_ =	shalt  }
0x87: {  	_ =	shalt  }
.Lfunc_end0:
.L_simem_size_0:
called_computation_lowered:
.L_overlay_start_0:
0x88: {  	s2 =	sld [smem:$0x3FD9]  }
0x89: {  	s3 =	sld [smem:$0x3FFE];
	_ =	sdelay $0x1  }
0x8a: {  	s1 =	srdreg.scid  }
0x8b: {  	s0 =	sand.u32 $0x1, s1  }
0x8c: {  	s17 =	sshll.u32 s0, $0xA;
	s2 =	sadd.s32 s3, s2  }
0x8d: {  	s2 =	sadd.s32 s2, s17  }
0x8e: {  	[smem:$0x3FC2] =	sst s2  }
0x8f: {  	_ = 	snop  }
0x90: {  	s2 =	sld [smem:$0x3FC9]  }
0x91: {  	s18 =	sld [smem:$0x3FD0];
	(tm) =	ssettm $0x1  }
0x92: {  	s4 =	sld [smem:$0x3FFB];
	_ =	sdelay $0x3  }
0x93: {  	_ =	strace s4  }
0x94: {  	s4 =	sld [smem:$0x3FFC];
	_ =	sdelay $0x3  }
0x95: {  	_ =	strace s4  }
0x96: {  	s4 =	sld [smem:$0x3FFD];
	_ =	sdelay $0x3  }
0x97: {  	_ =	strace s4  }
0x98: {  	_ =	strace $0x8FFFFFFF  }
0x99: {  	s19 =	sld [smem:$0x3FDB];
	_ =	sdelay $0x1  }
0x9a: {  	s5 =	simm.s32 $_scs_section_size  }
0x9b: {  	s6 =	simm.s32 $_size__tile_overlayer_lowered;
	s7 =	simm.s32 $_tile_overlayer_lowered  }
0x9c: {  	s22 =	simm.s32 $0x1BFF;
	s21 =	sshll.u32 s7, $0x1;
	s4 =	sadd.s32 s5, s19  }
0x9d: {  	s8 =	simm.s32 $0x0;
	s20 =	sshll.u32 s6, $0x1;
	s6 =	sadd.s32 s21, s4  }
0x9e: {  	[timem:s8], [sflag:s22] =	dma.local [hbm:s6], s20  }
0x9f: {  	_ =	swait.ge [sflag:s22], s20  }
0xa0: {  	s5 =	ssub.s32 $0x0, s20;
	[sflag:s22] =	ssyncset.done $0x0  }
0xa1: {  	[sflag:s22] =	ssyncadd.s32 s5;
	_ =	sdelay $0x1  }
0xa2: {  	s23 =	simm.s32 $0x1B8B  }
0xa3: {  	_ =	swait.ge [sflag:s23], $0x1  }
0xa4: {  	[sflag:s23] =	ssyncset.done $0x0  }
0xa5: {  	s25 =	simm.s32 $0x1B8E;
	s24 =	sld [smem:$0x3FFE];
	[sflag:s23] =	ssyncadd.s32 $0xFFFFFFFF  }
0xa6: {  	s26 =	simm.s32 $execute0_lowered;
	[smem:$0x3FD2] =	sst s25  }
0xa7: {  	s6 =	sshll.u32 s26, $0x1;
	_ =	strace $0x80000046;
	[dreg:$0x1] =	wrdreg $0xFFFFFFFF  }
0xa8: {  	s28 =	simm.s32 $_size_execute0_lowered;
	s4 =	sadd.s32 s4, s6;
	[dreg:$0x0] =	wrdreg $0x0  }
0xa9: {  	s6 =	sshll.u32 s28, $0x1;
	[dreg:$0x2] =	wrdreg s4  }
0xaa: {  	[dreg:$0x3] =	wrdreg s6  }
0xab: {  	[dreg:$0x4] =	wrdreg $0xC0  }
0xac: {  	_ =	task [dreg:s8], $0x5FFFF  }
0xad: {  	[dreg:$0x1] =	wrdreg $0xFFFFFFFF  }
0xae: {  	[dreg:$0x0] =	wrdreg $0x60  }
0xaf: {  	[dreg:$0x2] =	wrdreg s2  }
0xb0: {  	[dreg:$0x3] =	wrdreg s24  }
0xb1: {  	[dreg:$0x4] =	wrdreg s18  }
0xb2: {  	[dreg:$0x5] =	wrdreg $0x90000  }
0xb3: {  	[dreg:$0x6] =	wrdreg $0x1D0000  }
0xb4: {  	[dreg:$0x7] =	wrdreg $0x9  }
0xb5: {  	_ =	task.clear_ibuf [dreg:s8], $0x8FFFF;
	_ =	strace $0x90000046  }
0xb6: {  	s29 =	simm.s32 $0x9;
	_ =	strace $0x80000048  }
0xb7: {  	_ =	swait.ge [sflag:s29], $0x1  }
0xb8: {  	[sflag:s29] =	ssyncadd.s32 $0xFFFFFFFF  }
0xb9: {  	_ =	strace $0x90000048  }
0xba: {  	_ =	sfence  }
0xbb: {  	s30 =	sld [smem:$0x0];
	_ =	sdelay $0x2  }
0xbc: {  	s31 =	sshll.u32 s1, $0xD;
	s1 =	sshrl.u32 s1, $0x2  }
0xbd: {  	s3 =	sand.u32 $0x4000, s31;
	s1 =	sadd.s32 s1, s30  }
0xbe: {  	s0 =	sor.u32 s3, s0;
	s1 =	sshll.u32 s1, $0x11  }
0xbf: {  	s0 =	sor.u32 s1, s0  }
0xc0: {  	s0 =	sadd.s32 $0x8F2B, s0  }
0xc1: {  	[sflag:s0] =	ssyncadd.remote.s32 $0x1  }
0xc2: {  	_ =	sfence.sel $0xFFFF  }
0xc3: {  	[dreg:$0x0] =	wrdreg $0xFFFFFFFF;
	(pc) =	sbr.abs _section_cstart, $3  }
0xc4: {  	[dreg:$0x1] =	wrdreg $0xFFFFFFFF  }
0xc5: {  	_ =	task.clear_ibuf [dreg:s8], $0x2FFFF;
	_ =	strace $0x9FFFFFFF  }
0xc6: {  	(tm) =	ssettm $0x7FFFFFFF  }
0xc7: {  	_ =	shalt  }
tec
execute0_lowered:
.L_overlay_start_1:
0x0: {  	(tag) =	ssettag $0x1  }
0x1: {  	s1 =	rddreg [dreg:$0x0]  }
0x2: {  	s0 =	rddreg [dreg:$0x1]  }
0x3: {  	s2 =	rddreg [dreg:$0x2]  }
0x4: {  	s3 =	rddreg [dreg:$0x3]  }
0x5: {  	s11 =	rddreg [dreg:$0x4];
	s5 =	simm.s32 $0x0;
	s10 =	stileid.u32  }
0x6: {  	[smem:$0x7FF] =	sst s5;
	s4 =	smul.u32 $0x9D8, s10;
	s9 =	sadd.s32 $0x48600, s0  }
0x7: {  	s14 =	sadd.s32 $0x20600, s0;
	_ =	strace $0x80000047;
	[dreg:$0xa] =	wrdreg s9  }
0x8: {  	s7 =	srdreg.scid;
	s15 =	sadd.s32 $0x1FA00, s0;
	[dreg:$0xb] =	wrdreg s14  }
0x9: {  	[dreg:$0xc] =	wrdreg s15;
	s6 =	sadd.s32 s4, s0;
	s0 =	sadd.s32 $0x20000, s0  }
0xa: {  	s8 =	smul.u32 $0x50000, s10;
	s2 =	sadd.s32 s4, s2;
	[dreg:$0xd] =	wrdreg s0  }
0xb: {  	s28 =	simm.s32 $0x2A0;
	s24 =	sadd.s32 $0x15C00, s6;
	[dreg:$0x8] =	wrdreg s2  }
0xc: {  	s8 =	sshrl.u32 s8, $0x2;
	s25 =	sadd.s32 $0x2000, s6;
	[dreg:$0x6] =	wrdreg s24  }
0xd: {  	s29 =	simm.s32 $0x6B0;
	s12 =	sadd.s32 s8, s3;
	[dreg:$0x7] =	wrdreg s25  }
0xe: {  	s30 =	simm.s32 $0x310;
	s18 =	sadd.s32 $0x1000, s12;
	[dreg:$0xe] =	wrdreg s12  }
0xf: {  	s31 =	simm.s32 $0x720;
	s19 =	sadd.s32 $0x2000, s12;
	[dreg:$0xf] =	wrdreg s18  }
0x10: {  	s7 =	sand.u32 $0x1, s7;
	s20 =	sadd.s32 $0x3000, s12;
	[dreg:$0x10] =	wrdreg s19  }
0x11: {  	s16 =	ssub.s32 $0x2, s7;
	s21 =	sadd.s32 $0x4000, s12;
	[dreg:$0x11] =	wrdreg s20  }
0x12: {  	p0 =	sne.s32 s7, $0x0;
	s22 =	sadd.s32 $0x5000, s12;
	[dreg:$0x12] =	wrdreg s21  }
0x13: {  	s7 =	simm.s32 $0x3F0;
	s23 =	sadd.s32 $0x6000, s12;
	[dreg:$0x13] =	wrdreg s22  }
0x14: {  	s17 =	sshrl.u32 s16, $0x1;
	s13 =	sadd.s32 $0x7000, s12;
	[dreg:$0x14] =	wrdreg s23  }
0x15: {  	s4 =	smov.u32 s11;
	s26 =	sadd.s32 $0x8000, s12;
	[dreg:$0x15] =	wrdreg s13  }
0x16: {  	s0 =	ssub.s32 s16, s17;
	s9 =	sadd.s32 $0x9000, s12;
	[dreg:$0x16] =	wrdreg s26  }
0x17: {  	s8 =	smul.u32 $0x280, s10;
	s14 =	sadd.s32 $0xA000, s12;
	[dreg:$0x17] =	wrdreg s9  }
0x18: {  	s2 =	simm.s32 $0x480;
	s15 =	sadd.s32 $0xB000, s12;
	[dreg:$0x18] =	wrdreg s14  }
0x19: {  	s16 =	sadd.s32 $0xC000, s12;
	s0 =	smax.u32 s0, $0x1;
	[dreg:$0x19] =	wrdreg s15  }
0x1a: {  	s24 =	sadd.s32 $0x12000, s12;
	s25 =	sadd.s32 $0x13000, s12;
	[dreg:$0x1a] =	wrdreg s16  }
0x1b: {  	s13 =	sadd.s32 $0xBE00, s6;
	s17 =	sadd.s32 s8, s11;
	[dreg:$0x1d] =	wrdreg s0  }
0x1c: {  	s18 =	sshrl.u32 s8, $0x3;
	s19 =	sadd.s32 $0xD000, s12;
	[smem:$0x7FB] =	sst s24  }
0x1d: {  	s20 =	sadd.s32 $0xE000, s12;
	s21 =	sadd.s32 $0xF000, s12;
	[smem:$0x7FC] =	sst s25  }
0x1e: {  	s22 =	sadd.s32 $0x10000, s12;
	s23 =	sadd.s32 $0x11000, s12;
	[dreg:$0x9] =	wrdreg s13  }
0x1f: {  	s26 =	smul.u32 $0x2800, s10;
	s9 =	simm.s32 $0x3;
	[dreg:$0x1b] =	wrdreg s17  }
0x20: {  	s14 =	simm.s32 $0x900;
	s15 =	simm.s32 $0x4100;
	[dreg:$0x1c] =	wrdreg s18  }
0x21: {  	s16 =	simm.s32 $0x1;
	s24 =	simm.s32 $0x5D0;
	[dreg:$0x1e] =	wrdreg s19  }
0x22: {  	s25 =	simm.s32 $0x230;
	s0 =	simm.s32 $0x380;
	[dreg:$0x1f] =	wrdreg s20  }
0x23: {  	s6 =	simm.s32 $0x790;
	s10 =	simm.s32 $0x870;
	[smem:$0x7F8] =	sst s21  }
.Ltmp0:
0x24: {  	s11 =	simm.s32 $0x0;
	[smem:$0x7F9] =	sst s22;
	(pc) =	sbr.rel .LBB2_1-.Ltmp0, $4  }
0x25: {  	s12 =	smov.u32 s4;
	[smem:$0x7FA] =	sst s23;
	s13 =	simm.s32 $0x70  }
0x26: {  	s17 =	simm.s32 $0xE0;
	s18 =	simm.s32 $0x2;
	s19 =	simm.s32 $0x4F0  }
0x27: {  	s20 =	simm.s32 $0x150;
	s21 =	simm.s32 $0x560;
	s22 =	simm.s32 $0x1C0  }
0x28: {  	v0 =	vimm.f32 $0.0e+00;
	v1 =	vimm.f32 $1.000000000e+00;
	s23 =	simm.s32 $0x800;
	[smem:$0x7FD] =	sst s26;
	s26 =	simm.s32 $0x640  }
.LBB2_11:
0x29: {  	s8 =	rddreg [dreg:$0xd]  }
0x2a: {  	[sflag:s9] =	ssyncset.done $0x0;
	s4 =	rddreg [dreg:$0xb]  }
0x2b: {  	[sflag:s9] =	ssyncadd.s32 $0xFFFFC800;
	[smem:$0x7F6] =	sst s4  }
.LBB2_12:
0x2c: {  	s4 =	rddreg [dreg:$0x1c]  }
0x2d: {  	s4 =	sadd.s32 s8, s4;
	s8 =	stileid.u32  }
0x2e: {  	[smem:$0x7F4] =	sst s4;
	s4 =	sshll.u32 s8, $0x6  }
0x2f: {  	[bflag:$0x0] =	sbarrier.arrive $0xFFFF;
	s4 =	sor.u32 $0x1C03, s4  }
0x30: {  	[smem:$0x7F5] =	sst s4  }
0x31: {  	s11 =	rddreg [dreg:$0x1b]  }
0x32: {  	s8 =	sld [smem:$0x7F4]  }
0x33: {  	s4 =	sshrl.u32 s11, $0x3;
	s11 =	sld [smem:$0x7F5];
	_ =	sdelay $0x2  }
0x34: {  	[hbm:s8], [sflag:s11] =	dma.local [spmem:s4], $0x50  }
0x35: {  	_ =	swait.ge [sflag:s9], $0x50  }
0x36: {  	s8 =	sld [smem:$0x7FD]  }
0x37: {  	s11 =	sld [smem:$0x7F6];
	_ =	sdelay $0x1  }
0x38: {  	s4 =	rddreg [dreg:$0xe]  }
0x39: {  	s11 =	sadd.s32 s11, s8;
	s8 =	sshrl.u32 s4, $0x3;
	s4 =	sld [smem:$0x7F5]  }
0x3a: {  	[sflag:s9] =	ssyncset.done $0x0  }
0x3b: {  	[sflag:s9] =	ssyncadd.s32 $0xFFFFFFB0  }
0x3c: {  	[hbm:s11], [sflag:s4] =	dma.local [spmem:s8], $0x2800  }
0x3d: {  	_ =	swait.ge [sflag:s9], $0x2800  }
0x3e: {  	s4 =	sld [smem:$0x7F7];
	_ =	sdelay $0x2  }
0x3f: {  	s8 =	rddreg [dreg:$0x1d];
	s11 =	sadd.s32 $0x1, s4  }
0x40: {  	p1 =	sne.s32 s11, s8  }
.Ltmp1:
0x41: {  	_ = 	snop;
	(pc) =	sbr.rel @!p1 .LBB2_13-.Ltmp1, $3  }
0x42: {  	_ =	sdelay $0x1  }
0x43: {  	[sflag:s9] =	ssyncset.done $0x0  }
0x44: {  	[sflag:s9] =	ssyncadd.s32 $0xFFFFD800  }
.LBB2_1:
0x45: {  	[smem:$0x7F7] =	sst s11;
	s8 =	simm.s32 $0x0;
	s4 =	simm.s32 $0x200  }
.LBB2_2:
0x46: {  	p1 =	sne.s32 s4, $0x3E00;
	[tilespmem:s8+$0x7970] =	vst v0  }
0x47: {  	[tilespmem:s8+$0x7900] =	vst v0  }
0x48: {  	[tilespmem:s8+$0x7910] =	vst v0  }
.Ltmp2:
0x49: {  	[tilespmem:s8+$0x7920] =	vst v0;
	(pc) =	sbr.rel @p1 .LBB2_2-.Ltmp2, $4  }
0x4a: {  	[tilespmem:s8+$0x7930] =	vst v0  }
0x4b: {  	[tilespmem:s8+$0x7940] =	vst v0  }
0x4c: {  	[tilespmem:s8+$0x7950] =	vst v0  }
0x4d: {  	[tilespmem:s8+$0x7960] =	vst v0;
	s8 =	sshra.s32 s4, $0x2;
	s4 =	sadd.s32 $0x200, s4  }
0x4e: {  	[tilespmem:s8+$0x7970] =	vst v0  }
0x4f: {  	[tilespmem:s8+$0x7900] =	vst v0  }
0x50: {  	[tilespmem:s8+$0x7910] =	vst v0  }
0x51: {  	[tilespmem:s8+$0x7920] =	vst v0  }
0x52: {  	[tilespmem:s8+$0x7930] =	vst v0  }
0x53: {  	[tilespmem:s8+$0x7940] =	vst v0  }
0x54: {  	[tilespmem:s8+$0x7950] =	vst v0  }
0x55: {  	[tilespmem:s8+$0x7960] =	vst v0  }
0x56: {  	[tilespmem:$0x8900] =	vst v0  }
0x57: {  	[tilespmem:$0x8910] =	vst v0  }
0x58: {  	[tilespmem:$0x8920] =	vst v0  }
0x59: {  	[tilespmem:$0x8930] =	vst v0  }
0x5a: {  	[tilespmem:$0x8940] =	vst v0  }
0x5b: {  	[tilespmem:$0x8950] =	vst v0  }
0x5c: {  	[tilespmem:$0x8960] =	vst v0  }
0x5d: {  	[tilespmem:$0x8970] =	vst v0  }
0x5e: {  	[tilespmem:$0x8980] =	vst v0  }
0x5f: {  	[tilespmem:$0x8990] =	vst v0  }
0x60: {  	[tilespmem:$0x89A0] =	vst v0  }
0x61: {  	[tilespmem:$0x89B0] =	vst v0  }
0x62: {  	[tilespmem:$0x89C0] =	vst v0  }
0x63: {  	[tilespmem:$0x89D0] =	vst v0  }
0x64: {  	[tilespmem:$0x89E0] =	vst v0  }
0x65: {  	[tilespmem:$0x89F0] =	vst v0  }
0x66: {  	[tilespmem:$0x8A00] =	vst v0  }
0x67: {  	[tilespmem:$0x8A10] =	vst v0  }
0x68: {  	[tilespmem:$0x8A20] =	vst v0  }
0x69: {  	[tilespmem:$0x8A30] =	vst v0  }
0x6a: {  	[tilespmem:$0x8A40] =	vst v0  }
0x6b: {  	[tilespmem:$0x8A50] =	vst v0  }
0x6c: {  	[tilespmem:$0x8A60] =	vst v0  }
0x6d: {  	[tilespmem:$0x8A70] =	vst v0  }
0x6e: {  	[tilespmem:$0x8A80] =	vst v0  }
0x6f: {  	[tilespmem:$0x8A90] =	vst v0  }
0x70: {  	[tilespmem:$0x8AA0] =	vst v0  }
0x71: {  	[tilespmem:$0x8AB0] =	vst v0  }
0x72: {  	[tilespmem:$0x8AC0] =	vst v0  }
0x73: {  	[tilespmem:$0x8AD0] =	vst v0  }
0x74: {  	[tilespmem:$0x8AE0] =	vst v0  }
0x75: {  	[tilespmem:$0x8AF0] =	vst v0  }
0x76: {  	[tilespmem:$0x8B00] =	vst v0  }
0x77: {  	[tilespmem:$0x8B10] =	vst v0  }
0x78: {  	[tilespmem:$0x8B20] =	vst v0  }
0x79: {  	[tilespmem:$0x8B30] =	vst v0  }
0x7a: {  	[tilespmem:$0x8B40] =	vst v0  }
0x7b: {  	[tilespmem:$0x8B50] =	vst v0  }
0x7c: {  	[tilespmem:$0x8B60] =	vst v0  }
0x7d: {  	s4 =	simm.s32 $0x40;
	s8 =	simm.s32 $0x0;
	[tilespmem:$0x8B70] =	vst v0  }
.LBB2_4:
0x7e: {  	p1 =	sne.s32 s4, $0x1140;
	[tilespmem:s8+$0x8B80] =	vst v1;
	s8 =	smov.u32 s4;
	s4 =	sadd.s32 $0x40, s4  }
.Ltmp3:
0x7f: {  	(pc) =	sbr.rel @p1 .LBB2_4-.Ltmp3, $2  }
0x80: {  	_ =	sdelay $0x2  }
0x81: {  	s8 =	sshra.s32 s8, $0x2  }
0x82: {  	[tilespmem:s8+$0x8B80] =	vst v1;
	s4 =	rddreg [dreg:$0xe];
	s8 =	simm.s32 $0x7900  }
0x83: {  	[spmem:s4] =	stream.linear.scatter [tilespmem:s8], [sflag:$0x3], $0x1000, $0x38;
	[tilespmem:$0x1D280] =	vst v63  }
0x84: {  	_ =	swait.ge [sflag:s9], $0x1000  }
0x85: {  	[sflag:s9] =	ssyncset.done $0x0  }
0x86: {  	s11 =	rddreg [dreg:$0xf];
	[sflag:s9] =	ssyncadd.s32 $0xFFFFF000  }
0x87: {  	[spmem:s11] =	stream.linear.scatter [tilespmem:s8], [sflag:$0x3], $0x1000, $0x38;
	[tilespmem:$0x1D280] =	vst v63  }
0x88: {  	_ =	swait.ge [sflag:s9], $0x1000  }
0x89: {  	[sflag:s9] =	ssyncset.done $0x0  }
0x8a: {  	s11 =	rddreg [dreg:$0x10];
	[sflag:s9] =	ssyncadd.s32 $0xFFFFF000  }
0x8b: {  	[spmem:s11] =	stream.linear.scatter [tilespmem:s8], [sflag:$0x3], $0x1000, $0x38;
	[tilespmem:$0x1D280] =	vst v63  }
0x8c: {  	_ =	swait.ge [sflag:s9], $0x1000  }
0x8d: {  	[sflag:s9] =	ssyncset.done $0x0  }
0x8e: {  	s11 =	rddreg [dreg:$0x11];
	[sflag:s9] =	ssyncadd.s32 $0xFFFFF000  }
0x8f: {  	[spmem:s11] =	stream.linear.scatter [tilespmem:s8], [sflag:$0x3], $0x1000, $0x38;
	[tilespmem:$0x1D280] =	vst v63  }
0x90: {  	_ =	swait.ge [sflag:s9], $0x1000  }
0x91: {  	[sflag:s9] =	ssyncset.done $0x0  }
0x92: {  	s11 =	rddreg [dreg:$0x12];
	[sflag:s9] =	ssyncadd.s32 $0xFFFFF000  }
0x93: {  	[spmem:s11] =	stream.linear.scatter [tilespmem:s8], [sflag:$0x3], $0x1000, $0x38;
	[tilespmem:$0x1D280] =	vst v63  }
0x94: {  	_ =	swait.ge [sflag:s9], $0x1000  }
0x95: {  	[sflag:s9] =	ssyncset.done $0x0  }
0x96: {  	s11 =	rddreg [dreg:$0x13];
	[sflag:s9] =	ssyncadd.s32 $0xFFFFF000  }
0x97: {  	[spmem:s11] =	stream.linear.scatter [tilespmem:s8], [sflag:$0x3], $0x1000, $0x38;
	[tilespmem:$0x1D280] =	vst v63  }
0x98: {  	_ =	swait.ge [sflag:s9], $0x1000  }
0x99: {  	[sflag:s9] =	ssyncset.done $0x0  }
0x9a: {  	s11 =	rddreg [dreg:$0x14];
	[sflag:s9] =	ssyncadd.s32 $0xFFFFF000  }
0x9b: {  	[spmem:s11] =	stream.linear.scatter [tilespmem:s8], [sflag:$0x3], $0x1000, $0x38;
	[tilespmem:$0x1D280] =	vst v63  }
0x9c: {  	_ =	swait.ge [sflag:s9], $0x1000  }
0x9d: {  	[sflag:s9] =	ssyncset.done $0x0  }
0x9e: {  	s11 =	rddreg [dreg:$0x15];
	[sflag:s9] =	ssyncadd.s32 $0xFFFFF000  }
0x9f: {  	[spmem:s11] =	stream.linear.scatter [tilespmem:s8], [sflag:$0x3], $0x1000, $0x38;
	[tilespmem:$0x1D280] =	vst v63  }
0xa0: {  	_ =	swait.ge [sflag:s9], $0x1000  }
0xa1: {  	[sflag:s9] =	ssyncset.done $0x0  }
0xa2: {  	s11 =	rddreg [dreg:$0x16];
	[sflag:s9] =	ssyncadd.s32 $0xFFFFF000  }
0xa3: {  	[spmem:s11] =	stream.linear.scatter [tilespmem:s8], [sflag:$0x3], $0x1000, $0x38;
	[tilespmem:$0x1D280] =	vst v63  }
0xa4: {  	_ =	swait.ge [sflag:s9], $0x1000  }
0xa5: {  	[sflag:s9] =	ssyncset.done $0x0  }
0xa6: {  	s11 =	rddreg [dreg:$0x17];
	[sflag:s9] =	ssyncadd.s32 $0xFFFFF000  }
0xa7: {  	[spmem:s11] =	stream.linear.scatter [tilespmem:s8], [sflag:$0x3], $0x1000, $0x38;
	[tilespmem:$0x1D280] =	vst v63  }
0xa8: {  	_ =	swait.ge [sflag:s9], $0x1000  }
0xa9: {  	[sflag:s9] =	ssyncset.done $0x0  }
0xaa: {  	s11 =	rddreg [dreg:$0x18];
	[sflag:s9] =	ssyncadd.s32 $0xFFFFF000  }
0xab: {  	[spmem:s11] =	stream.linear.scatter [tilespmem:s8], [sflag:$0x3], $0x1000, $0x38;
	[tilespmem:$0x1D280] =	vst v63  }
0xac: {  	_ =	swait.ge [sflag:s9], $0x1000  }
0xad: {  	[sflag:s9] =	ssyncset.done $0x0  }
0xae: {  	s11 =	rddreg [dreg:$0x19];
	[sflag:s9] =	ssyncadd.s32 $0xFFFFF000  }
0xaf: {  	[spmem:s11] =	stream.linear.scatter [tilespmem:s8], [sflag:$0x3], $0x1000, $0x38;
	[tilespmem:$0x1D280] =	vst v63  }
0xb0: {  	_ =	swait.ge [sflag:s9], $0x1000  }
0xb1: {  	[sflag:s9] =	ssyncset.done $0x0  }
0xb2: {  	s11 =	rddreg [dreg:$0x1a];
	[sflag:s9] =	ssyncadd.s32 $0xFFFFF000  }
0xb3: {  	[spmem:s11] =	stream.linear.scatter [tilespmem:s8], [sflag:$0x3], $0x1000, $0x38;
	[tilespmem:$0x1D280] =	vst v63  }
0xb4: {  	_ =	swait.ge [sflag:s9], $0x1000  }
0xb5: {  	[sflag:s9] =	ssyncset.done $0x0  }
0xb6: {  	s11 =	rddreg [dreg:$0x1e];
	[sflag:s9] =	ssyncadd.s32 $0xFFFFF000  }
0xb7: {  	[spmem:s11] =	stream.linear.scatter [tilespmem:s8], [sflag:$0x3], $0x1000, $0x38;
	[tilespmem:$0x1D280] =	vst v63  }
0xb8: {  	_ =	swait.ge [sflag:s9], $0x1000  }
0xb9: {  	[sflag:s9] =	ssyncset.done $0x0  }
0xba: {  	s11 =	rddreg [dreg:$0x1f];
	[sflag:s9] =	ssyncadd.s32 $0xFFFFF000  }
0xbb: {  	[spmem:s11] =	stream.linear.scatter [tilespmem:s8], [sflag:$0x3], $0x1000, $0x38;
	[tilespmem:$0x1D280] =	vst v63  }
0xbc: {  	_ =	swait.ge [sflag:s9], $0x1000  }
0xbd: {  	s11 =	sld [smem:$0x7F8]  }
0xbe: {  	[sflag:s9] =	ssyncset.done $0x0  }
0xbf: {  	[sflag:s9] =	ssyncadd.s32 $0xFFFFF000  }
0xc0: {  	[spmem:s11] =	stream.linear.scatter [tilespmem:s8], [sflag:$0x3], $0x1000, $0x38;
	[tilespmem:$0x1D280] =	vst v63  }
0xc1: {  	_ =	swait.ge [sflag:s9], $0x1000  }
0xc2: {  	s11 =	sld [smem:$0x7F9]  }
0xc3: {  	[sflag:s9] =	ssyncset.done $0x0  }
0xc4: {  	[sflag:s9] =	ssyncadd.s32 $0xFFFFF000  }
0xc5: {  	[spmem:s11] =	stream.linear.scatter [tilespmem:s8], [sflag:$0x3], $0x1000, $0x38;
	[tilespmem:$0x1D280] =	vst v63  }
0xc6: {  	_ =	swait.ge [sflag:s9], $0x1000  }
0xc7: {  	s11 =	sld [smem:$0x7FA]  }
0xc8: {  	[sflag:s9] =	ssyncset.done $0x0  }
0xc9: {  	[sflag:s9] =	ssyncadd.s32 $0xFFFFF000  }
0xca: {  	[spmem:s11] =	stream.linear.scatter [tilespmem:s8], [sflag:$0x3], $0x1000, $0x38;
	[tilespmem:$0x1D280] =	vst v63  }
0xcb: {  	_ =	swait.ge [sflag:s9], $0x1000  }
0xcc: {  	s11 =	sld [smem:$0x7FB]  }
0xcd: {  	[sflag:s9] =	ssyncset.done $0x0  }
0xce: {  	[sflag:s9] =	ssyncadd.s32 $0xFFFFF000  }
0xcf: {  	[spmem:s11] =	stream.linear.scatter [tilespmem:s8], [sflag:$0x3], $0x1000, $0x38;
	[tilespmem:$0x1D280] =	vst v63  }
0xd0: {  	_ =	swait.ge [sflag:s9], $0x1000  }
0xd1: {  	s11 =	sld [smem:$0x7FC]  }
0xd2: {  	[sflag:s9] =	ssyncset.done $0x0  }
0xd3: {  	[sflag:s9] =	ssyncadd.s32 $0xFFFFF000  }
0xd4: {  	[spmem:s11] =	stream.linear.scatter [tilespmem:s8], [sflag:$0x3], $0x1000, $0x38;
	[tilespmem:$0x1D280] =	vst v63  }
0xd5: {  	_ =	swait.ge [sflag:s9], $0x1000  }
0xd6: {  	[sflag:s9] =	ssyncset.done $0x0  }
0xd7: {  	s11 =	simm.s32 $0x8900;
	s8 =	rddreg [dreg:$0x1b];
	[sflag:s9] =	ssyncadd.s32 $0xFFFFF000  }
0xd8: {  	[spmem:s8] =	stream.linear.scatter [tilespmem:s11], [sflag:$0x3], $0x280, $0x38;
	[tilespmem:$0x1D280] =	vst v63  }
.Ltmp4:
0xd9: {  	_ =	swait.ge [sflag:s9], $0x280;
	(pc) =	sbr.rel @p0 .LBB2_9-.Ltmp4, $3  }
0xda: {  	[sflag:s9] =	ssyncset.done $0x0  }
0xdb: {  	[sflag:s9] =	ssyncadd.s32 $0xFFFFFD80  }
0xdc: {  	[bflag:$0x0] =	sbarrier.arrive $0xFFFF;
	_ =	sdelay $0x1  }
0xdd: {  	s4 =	rddreg [dreg:$0x9]  }
0xde: {  	s4 =	sadd.s32 $0x0, s4  }
0xdf: {  	[tilespmem:s5], [sflag:$0x3] =	stream.linear.gather [hbm4b:s4+s5], $0x460, $0x38;
	[tilespmem:$0x1D280] =	vst v63  }
0xe0: {  	_ =	swait.ge [sflag:s9], $0x460  }
0xe1: {  	s11 =	rddreg [dreg:$0x8];
	[sflag:s9] =	ssyncset.done $0x0  }
0xe2: {  	[sflag:s9] =	ssyncadd.s32 $0xFFFFFBA0;
	s4 =	sadd.s32 $0x0, s11  }
0xe3: {  	[tilespmem:s2], [sflag:$0x3] =	stream.linear.gather [hbm4b:s4+s5], $0x460, $0x38;
	[tilespmem:$0x1D280] =	vst v63  }
0xe4: {  	_ =	swait.ge [sflag:s9], $0x460  }
0xe5: {  	[sflag:s9] =	ssyncset.done $0x0  }
0xe6: {  	[sflag:s9] =	ssyncadd.s32 $0xFFFFFBA0  }
0xe7: {  	s8 =	simm.s32 $0x8B80;
	s4 =	simm.s32 $0x460;
	s11 =	rddreg [dreg:$0x4]  }
0xe8: {  	[spmem:s11] =	stream.indirect.scatter.add.f32 [tilespmem:s8], [sflag:$0x3], $0x1, s2, s4, $0xb8;
	[tilespmem:$0x1D280] =	vst v63  }
0xe9: {  	_ =	swait.ge [sflag:s9], $0x460  }
0xea: {  	[sflag:s9] =	ssyncset.done $0x0  }
0xeb: {  	[sflag:s9] =	ssyncadd.s32 $0xFFFFFBA0  }
0xec: {  	[tilespmem:s14], [sflag:$0x1] =	stream.indirect.gather [hbm4b:s1+s13], $0x80, s5, s13, $0xb8;
	[tilespmem:$0x1D280] =	vst v63  }
0xed: {  	_ = 	snop  }
0xee: {  	[tilespmem:s15], [sflag:$0x2] =	stream.indirect.gather [hbm4b:s1+s13], $0x80, s13, s13, $0xb8;
	[tilespmem:$0x1D280] =	vst v63  }
0xef: {  	_ =	swait.ge [sflag:s16], $0x3800  }
0xf0: {  	[sflag:s16] =	ssyncset.done $0x0  }
0xf1: {  	[sflag:s16] =	ssyncadd.s32 $0xFFFFC800  }
0xf2: {  	[spmem:s3] =	stream.indirect.scatter.add.f32 [tilespmem:s14], [sflag:$0x3], $0x80, s2, s13, $0xb8;
	[tilespmem:$0x1D280] =	vst v63  }
0xf3: {  	_ =	swait.ge [sflag:s9], $0x3800  }
0xf4: {  	[sflag:s9] =	ssyncset.done $0x0  }
0xf5: {  	[sflag:s9] =	ssyncadd.s32 $0xFFFFC800  }
0xf6: {  	[tilespmem:s14], [sflag:$0x1] =	stream.indirect.gather [hbm4b:s1+s13], $0x80, s17, s13, $0xb8;
	[tilespmem:$0x1D280] =	vst v63  }
0xf7: {  	_ =	swait.ge [sflag:s18], $0x3800  }
0xf8: {  	[sflag:s18] =	ssyncset.done $0x0  }
0xf9: {  	[sflag:s18] =	ssyncadd.s32 $0xFFFFC800  }
0xfa: {  	[spmem:s3] =	stream.indirect.scatter.add.f32 [tilespmem:s15], [sflag:$0x3], $0x80, s19, s13, $0xb8;
	[tilespmem:$0x1D280] =	vst v63  }
0xfb: {  	_ =	swait.ge [sflag:s9], $0x3800  }
0xfc: {  	[sflag:s9] =	ssyncset.done $0x0  }
0xfd: {  	[sflag:s9] =	ssyncadd.s32 $0xFFFFC800  }
0xfe: {  	[tilespmem:s15], [sflag:$0x2] =	stream.indirect.gather [hbm4b:s1+s13], $0x80, s20, s13, $0xb8;
	[tilespmem:$0x1D280] =	vst v63  }
0xff: {  	_ =	swait.ge [sflag:s16], $0x3800  }
0x100: {  	[sflag:s16] =	ssyncset.done $0x0  }
0x101: {  	[sflag:s16] =	ssyncadd.s32 $0xFFFFC800  }
0x102: {  	[spmem:s3] =	stream.indirect.scatter.add.f32 [tilespmem:s14], [sflag:$0x3], $0x80, s21, s13, $0xb8;
	[tilespmem:$0x1D280] =	vst v63  }
0x103: {  	_ =	swait.ge [sflag:s9], $0x3800  }
0x104: {  	[sflag:s9] =	ssyncset.done $0x0  }
0x105: {  	[sflag:s9] =	ssyncadd.s32 $0xFFFFC800  }
0x106: {  	[tilespmem:s14], [sflag:$0x1] =	stream.indirect.gather [hbm4b:s1+s13], $0x80, s22, s13, $0xb8;
	[tilespmem:$0x1D280] =	vst v63  }
0x107: {  	_ =	swait.ge [sflag:s18], $0x3800  }
0x108: {  	[sflag:s18] =	ssyncset.done $0x0  }
0x109: {  	[sflag:s18] =	ssyncadd.s32 $0xFFFFC800  }
0x10a: {  	[spmem:s3] =	stream.indirect.scatter.add.f32 [tilespmem:s15], [sflag:$0x3], $0x80, s24, s13, $0xb8;
	[tilespmem:$0x1D280] =	vst v63  }
0x10b: {  	_ =	swait.ge [sflag:s9], $0x3800  }
0x10c: {  	[sflag:s9] =	ssyncset.done $0x0  }
0x10d: {  	[sflag:s9] =	ssyncadd.s32 $0xFFFFC800  }
0x10e: {  	[tilespmem:s15], [sflag:$0x2] =	stream.indirect.gather [hbm4b:s1+s13], $0x80, s25, s13, $0xb8;
	[tilespmem:$0x1D280] =	vst v63  }
0x10f: {  	_ =	swait.ge [sflag:s16], $0x3800  }
0x110: {  	[sflag:s16] =	ssyncset.done $0x0  }
0x111: {  	[sflag:s16] =	ssyncadd.s32 $0xFFFFC800  }
0x112: {  	[spmem:s3] =	stream.indirect.scatter.add.f32 [tilespmem:s14], [sflag:$0x3], $0x80, s26, s13, $0xb8;
	[tilespmem:$0x1D280] =	vst v63  }
0x113: {  	_ =	swait.ge [sflag:s9], $0x3800  }
0x114: {  	[sflag:s9] =	ssyncset.done $0x0  }
0x115: {  	[sflag:s9] =	ssyncadd.s32 $0xFFFFC800  }
0x116: {  	[tilespmem:s14], [sflag:$0x1] =	stream.indirect.gather [hbm4b:s1+s13], $0x80, s28, s13, $0xb8;
	[tilespmem:$0x1D280] =	vst v63  }
0x117: {  	_ =	swait.ge [sflag:s18], $0x3800  }
0x118: {  	[sflag:s18] =	ssyncset.done $0x0  }
0x119: {  	[sflag:s18] =	ssyncadd.s32 $0xFFFFC800  }
0x11a: {  	[spmem:s3] =	stream.indirect.scatter.add.f32 [tilespmem:s15], [sflag:$0x3], $0x80, s29, s13, $0xb8;
	[tilespmem:$0x1D280] =	vst v63  }
0x11b: {  	_ =	swait.ge [sflag:s9], $0x3800  }
0x11c: {  	[sflag:s9] =	ssyncset.done $0x0  }
0x11d: {  	[sflag:s9] =	ssyncadd.s32 $0xFFFFC800  }
0x11e: {  	[tilespmem:s15], [sflag:$0x2] =	stream.indirect.gather [hbm4b:s1+s13], $0x80, s30, s13, $0xb8;
	[tilespmem:$0x1D280] =	vst v63  }
0x11f: {  	_ =	swait.ge [sflag:s16], $0x3800  }
0x120: {  	[sflag:s16] =	ssyncset.done $0x0  }
0x121: {  	[sflag:s16] =	ssyncadd.s32 $0xFFFFC800  }
0x122: {  	[spmem:s3] =	stream.indirect.scatter.add.f32 [tilespmem:s14], [sflag:$0x3], $0x80, s31, s13, $0xb8;
	[tilespmem:$0x1D280] =	vst v63  }
0x123: {  	_ =	swait.ge [sflag:s9], $0x3800  }
0x124: {  	[sflag:s9] =	ssyncset.done $0x0  }
0x125: {  	[sflag:s9] =	ssyncadd.s32 $0xFFFFC800  }
0x126: {  	[tilespmem:s14], [sflag:$0x1] =	stream.indirect.gather [hbm4b:s1+s13], $0x80, s0, s13, $0xb8;
	[tilespmem:$0x1D280] =	vst v63  }
0x127: {  	_ =	swait.ge [sflag:s18], $0x3800  }
0x128: {  	[sflag:s18] =	ssyncset.done $0x0  }
0x129: {  	[sflag:s18] =	ssyncadd.s32 $0xFFFFC800  }
0x12a: {  	[spmem:s3] =	stream.indirect.scatter.add.f32 [tilespmem:s15], [sflag:$0x3], $0x80, s6, s13, $0xb8;
	[tilespmem:$0x1D280] =	vst v63  }
0x12b: {  	_ =	swait.ge [sflag:s9], $0x3800  }
0x12c: {  	[sflag:s9] =	ssyncset.done $0x0  }
0x12d: {  	[sflag:s9] =	ssyncadd.s32 $0xFFFFC800  }
0x12e: {  	[tilespmem:s15], [sflag:$0x2] =	stream.indirect.gather [hbm4b:s1+s13], $0x80, s7, s13, $0xb8;
	[tilespmem:$0x1D280] =	vst v63  }
0x12f: {  	_ =	swait.ge [sflag:s16], $0x3800  }
0x130: {  	[sflag:s16] =	ssyncset.done $0x0  }
0x131: {  	[sflag:s16] =	ssyncadd.s32 $0xFFFFC800  }
0x132: {  	[spmem:s3] =	stream.indirect.scatter.add.f32 [tilespmem:s14], [sflag:$0x3], $0x80, s23, s13, $0xb8;
	[tilespmem:$0x1D280] =	vst v63  }
0x133: {  	_ =	swait.ge [sflag:s9], $0x3800  }
0x134: {  	[sflag:s9] =	ssyncset.done $0x0  }
0x135: {  	[sflag:s9] =	ssyncadd.s32 $0xFFFFC800  }
0x136: {  	_ =	swait.ge [sflag:s18], $0x3800  }
0x137: {  	[sflag:s18] =	ssyncset.done $0x0  }
0x138: {  	[sflag:s18] =	ssyncadd.s32 $0xFFFFC800  }
0x139: {  	[spmem:s3] =	stream.indirect.scatter.add.f32 [tilespmem:s15], [sflag:$0x3], $0x80, s10, s13, $0xb8;
	[tilespmem:$0x1D280] =	vst v63  }
0x13a: {  	s8 =	simm.s32 $0x8C;
	_ =	swait.ge [sflag:s9], $0x3800  }
.LBB2_7:
0x13b: {  	s4 =	rddreg [dreg:$0x9];
	s11 =	smov.u32 s8;
	[sflag:s9] =	ssyncset.done $0x0  }
0x13c: {  	s4 =	sadd.s32 s11, s4;
	[sflag:s9] =	ssyncadd.s32 $0xFFFFC800  }
0x13d: {  	[tilespmem:s5], [sflag:$0x3] =	stream.linear.gather [hbm4b:s4+s5], $0x460, $0x38;
	[tilespmem:$0x1D280] =	vst v63  }
0x13e: {  	_ =	swait.ge [sflag:s9], $0x460  }
0x13f: {  	s4 =	rddreg [dreg:$0x8];
	[sflag:s9] =	ssyncset.done $0x0  }
0x140: {  	[sflag:s9] =	ssyncadd.s32 $0xFFFFFBA0;
	s4 =	sadd.s32 s11, s4  }
0x141: {  	[tilespmem:s2], [sflag:$0x3] =	stream.linear.gather [hbm4b:s4+s5], $0x460, $0x38;
	[tilespmem:$0x1D280] =	vst v63  }
0x142: {  	_ =	swait.ge [sflag:s9], $0x460  }
0x143: {  	[sflag:s9] =	ssyncset.done $0x0  }
0x144: {  	s17 =	simm.s32 $0x8B80;
	s11 =	simm.s32 $0x460;
	[sflag:s9] =	ssyncadd.s32 $0xFFFFFBA0  }
0x145: {  	[spmem:s12] =	stream.indirect.scatter.add.f32 [tilespmem:s17], [sflag:$0x3], $0x1, s2, s11, $0xb8;
	[tilespmem:$0x1D280] =	vst v63  }
0x146: {  	_ =	swait.ge [sflag:s9], $0x460  }
0x147: {  	[sflag:s9] =	ssyncset.done $0x0  }
0x148: {  	[sflag:s9] =	ssyncadd.s32 $0xFFFFFBA0  }
0x149: {  	[tilespmem:s14], [sflag:$0x1] =	stream.indirect.gather [hbm4b:s1+s13], $0x80, s5, s13, $0xb8;
	[tilespmem:$0x1D280] =	vst v63  }
0x14a: {  	_ = 	snop  }
0x14b: {  	[tilespmem:s15], [sflag:$0x2] =	stream.indirect.gather [hbm4b:s1+s13], $0x80, s13, s13, $0xb8;
	[tilespmem:$0x1D280] =	vst v63  }
0x14c: {  	_ =	swait.ge [sflag:s16], $0x3800  }
0x14d: {  	[sflag:s16] =	ssyncset.done $0x0  }
0x14e: {  	[sflag:s16] =	ssyncadd.s32 $0xFFFFC800  }
0x14f: {  	[spmem:s3] =	stream.indirect.scatter.add.f32 [tilespmem:s14], [sflag:$0x3], $0x80, s2, s13, $0xb8;
	[tilespmem:$0x1D280] =	vst v63  }
0x150: {  	_ =	swait.ge [sflag:s9], $0x3800  }
0x151: {  	[sflag:s9] =	ssyncset.done $0x0  }
0x152: {  	s17 =	simm.s32 $0xE0;
	[sflag:s9] =	ssyncadd.s32 $0xFFFFC800  }
0x153: {  	[tilespmem:s14], [sflag:$0x1] =	stream.indirect.gather [hbm4b:s1+s13], $0x80, s17, s13, $0xb8;
	[tilespmem:$0x1D280] =	vst v63  }
0x154: {  	_ =	swait.ge [sflag:s18], $0x3800  }
0x155: {  	[sflag:s18] =	ssyncset.done $0x0  }
0x156: {  	[sflag:s18] =	ssyncadd.s32 $0xFFFFC800  }
0x157: {  	[spmem:s3] =	stream.indirect.scatter.add.f32 [tilespmem:s15], [sflag:$0x3], $0x80, s19, s13, $0xb8;
	[tilespmem:$0x1D280] =	vst v63  }
0x158: {  	_ =	swait.ge [sflag:s9], $0x3800  }
0x159: {  	[sflag:s9] =	ssyncset.done $0x0  }
0x15a: {  	[sflag:s9] =	ssyncadd.s32 $0xFFFFC800  }
0x15b: {  	[tilespmem:s15], [sflag:$0x2] =	stream.indirect.gather [hbm4b:s1+s13], $0x80, s20, s13, $0xb8;
	[tilespmem:$0x1D280] =	vst v63  }
0x15c: {  	_ =	swait.ge [sflag:s16], $0x3800  }
0x15d: {  	[sflag:s16] =	ssyncset.done $0x0  }
0x15e: {  	[sflag:s16] =	ssyncadd.s32 $0xFFFFC800  }
0x15f: {  	[spmem:s3] =	stream.indirect.scatter.add.f32 [tilespmem:s14], [sflag:$0x3], $0x80, s21, s13, $0xb8;
	[tilespmem:$0x1D280] =	vst v63  }
0x160: {  	_ =	swait.ge [sflag:s9], $0x3800  }
0x161: {  	[sflag:s9] =	ssyncset.done $0x0  }
0x162: {  	[sflag:s9] =	ssyncadd.s32 $0xFFFFC800  }
0x163: {  	[tilespmem:s14], [sflag:$0x1] =	stream.indirect.gather [hbm4b:s1+s13], $0x80, s22, s13, $0xb8;
	[tilespmem:$0x1D280] =	vst v63  }
0x164: {  	_ =	swait.ge [sflag:s18], $0x3800  }
0x165: {  	[sflag:s18] =	ssyncset.done $0x0  }
0x166: {  	[sflag:s18] =	ssyncadd.s32 $0xFFFFC800  }
0x167: {  	[spmem:s3] =	stream.indirect.scatter.add.f32 [tilespmem:s15], [sflag:$0x3], $0x80, s24, s13, $0xb8;
	[tilespmem:$0x1D280] =	vst v63  }
0x168: {  	_ =	swait.ge [sflag:s9], $0x3800  }
0x169: {  	[sflag:s9] =	ssyncset.done $0x0  }
0x16a: {  	[sflag:s9] =	ssyncadd.s32 $0xFFFFC800  }
0x16b: {  	[tilespmem:s15], [sflag:$0x2] =	stream.indirect.gather [hbm4b:s1+s13], $0x80, s25, s13, $0xb8;
	[tilespmem:$0x1D280] =	vst v63  }
0x16c: {  	_ =	swait.ge [sflag:s16], $0x3800  }
0x16d: {  	[sflag:s16] =	ssyncset.done $0x0  }
0x16e: {  	[sflag:s16] =	ssyncadd.s32 $0xFFFFC800  }
0x16f: {  	[spmem:s3] =	stream.indirect.scatter.add.f32 [tilespmem:s14], [sflag:$0x3], $0x80, s26, s13, $0xb8;
	[tilespmem:$0x1D280] =	vst v63  }
0x170: {  	_ =	swait.ge [sflag:s9], $0x3800  }
0x171: {  	[sflag:s9] =	ssyncset.done $0x0  }
0x172: {  	[sflag:s9] =	ssyncadd.s32 $0xFFFFC800  }
0x173: {  	[tilespmem:s14], [sflag:$0x1] =	stream.indirect.gather [hbm4b:s1+s13], $0x80, s28, s13, $0xb8;
	[tilespmem:$0x1D280] =	vst v63  }
0x174: {  	_ =	swait.ge [sflag:s18], $0x3800  }
0x175: {  	[sflag:s18] =	ssyncset.done $0x0  }
0x176: {  	[sflag:s18] =	ssyncadd.s32 $0xFFFFC800  }
0x177: {  	[spmem:s3] =	stream.indirect.scatter.add.f32 [tilespmem:s15], [sflag:$0x3], $0x80, s29, s13, $0xb8;
	[tilespmem:$0x1D280] =	vst v63  }
0x178: {  	_ =	swait.ge [sflag:s9], $0x3800  }
0x179: {  	[sflag:s9] =	ssyncset.done $0x0  }
0x17a: {  	[sflag:s9] =	ssyncadd.s32 $0xFFFFC800  }
0x17b: {  	[tilespmem:s15], [sflag:$0x2] =	stream.indirect.gather [hbm4b:s1+s13], $0x80, s30, s13, $0xb8;
	[tilespmem:$0x1D280] =	vst v63  }
0x17c: {  	_ =	swait.ge [sflag:s16], $0x3800  }
0x17d: {  	[sflag:s16] =	ssyncset.done $0x0  }
0x17e: {  	[sflag:s16] =	ssyncadd.s32 $0xFFFFC800  }
0x17f: {  	[spmem:s3] =	stream.indirect.scatter.add.f32 [tilespmem:s14], [sflag:$0x3], $0x80, s31, s13, $0xb8;
	[tilespmem:$0x1D280] =	vst v63  }
0x180: {  	_ =	swait.ge [sflag:s9], $0x3800  }
0x181: {  	[sflag:s9] =	ssyncset.done $0x0  }
0x182: {  	[sflag:s9] =	ssyncadd.s32 $0xFFFFC800  }
0x183: {  	[tilespmem:s14], [sflag:$0x1] =	stream.indirect.gather [hbm4b:s1+s13], $0x80, s0, s13, $0xb8;
	[tilespmem:$0x1D280] =	vst v63  }
0x184: {  	_ =	swait.ge [sflag:s18], $0x3800  }
0x185: {  	[sflag:s18] =	ssyncset.done $0x0  }
0x186: {  	[sflag:s18] =	ssyncadd.s32 $0xFFFFC800  }
0x187: {  	[spmem:s3] =	stream.indirect.scatter.add.f32 [tilespmem:s15], [sflag:$0x3], $0x80, s6, s13, $0xb8;
	[tilespmem:$0x1D280] =	vst v63  }
0x188: {  	_ =	swait.ge [sflag:s9], $0x3800  }
0x189: {  	[sflag:s9] =	ssyncset.done $0x0  }
0x18a: {  	[sflag:s9] =	ssyncadd.s32 $0xFFFFC800  }
0x18b: {  	[tilespmem:s15], [sflag:$0x2] =	stream.indirect.gather [hbm4b:s1+s13], $0x80, s7, s13, $0xb8;
	[tilespmem:$0x1D280] =	vst v63  }
0x18c: {  	_ =	swait.ge [sflag:s16], $0x3800  }
0x18d: {  	[sflag:s16] =	ssyncset.done $0x0  }
0x18e: {  	[sflag:s16] =	ssyncadd.s32 $0xFFFFC800  }
0x18f: {  	[spmem:s3] =	stream.indirect.scatter.add.f32 [tilespmem:s14], [sflag:$0x3], $0x80, s23, s13, $0xb8;
	[tilespmem:$0x1D280] =	vst v63  }
0x190: {  	_ =	swait.ge [sflag:s9], $0x3800  }
0x191: {  	[sflag:s9] =	ssyncset.done $0x0  }
0x192: {  	p1 =	seq.s32 s8, $0x94C;
	[sflag:s9] =	ssyncadd.s32 $0xFFFFC800  }
.Ltmp5:
0x193: {  	_ =	swait.ge [sflag:s18], $0x3800;
	(pc) =	sbr.rel @!p1 .LBB2_7-.Ltmp5, $4  }
0x194: {  	[sflag:s18] =	ssyncset.done $0x0  }
0x195: {  	[sflag:s18] =	ssyncadd.s32 $0xFFFFC800  }
0x196: {  	[spmem:s3] =	stream.indirect.scatter.add.f32 [tilespmem:s15], [sflag:$0x3], $0x80, s10, s13, $0xb8;
	[tilespmem:$0x1D280] =	vst v63  }
0x197: {  	s8 =	sadd.s32 $0x8C, s8;
	_ =	swait.ge [sflag:s9], $0x3800  }
.Ltmp6:
0x198: {  	(pc) =	sbr.rel .LBB2_12-.Ltmp6, $4  }
0x199: {  	_ = 	snop  }
0x19a: {  	s8 =	rddreg [dreg:$0xc]  }
0x19b: {  	[sflag:s9] =	ssyncset.done $0x0;
	s4 =	rddreg [dreg:$0xa]  }
0x19c: {  	[sflag:s9] =	ssyncadd.s32 $0xFFFFC800;
	[smem:$0x7F6] =	sst s4  }
.LBB2_9:
0x19d: {  	s4 =	rddreg [dreg:$0x7]  }
0x19e: {  	s4 =	sadd.s32 $0x0, s4  }
0x19f: {  	[tilespmem:s5], [sflag:$0x3] =	stream.linear.gather [hbm4b:s4+s5], $0x460, $0x38;
	[tilespmem:$0x1D280] =	vst v63  }
0x1a0: {  	_ =	swait.ge [sflag:s9], $0x460  }
0x1a1: {  	s11 =	rddreg [dreg:$0x6];
	[sflag:s9] =	ssyncset.done $0x0  }
0x1a2: {  	[sflag:s9] =	ssyncadd.s32 $0xFFFFFBA0;
	s4 =	sadd.s32 $0x0, s11  }
0x1a3: {  	[tilespmem:s2], [sflag:$0x3] =	stream.linear.gather [hbm4b:s4+s5], $0x460, $0x38;
	[tilespmem:$0x1D280] =	vst v63  }
0x1a4: {  	_ =	swait.ge [sflag:s9], $0x460  }
0x1a5: {  	[sflag:s9] =	ssyncset.done $0x0  }
0x1a6: {  	[sflag:s9] =	ssyncadd.s32 $0xFFFFFBA0  }
0x1a7: {  	s8 =	simm.s32 $0x8B80;
	s4 =	simm.s32 $0x460;
	s11 =	rddreg [dreg:$0x4]  }
0x1a8: {  	[spmem:s11] =	stream.indirect.scatter.add.f32 [tilespmem:s8], [sflag:$0x3], $0x1, s2, s4, $0xb8;
	[tilespmem:$0x1D280] =	vst v63  }
0x1a9: {  	_ =	swait.ge [sflag:s9], $0x460  }
0x1aa: {  	[sflag:s9] =	ssyncset.done $0x0  }
0x1ab: {  	[sflag:s9] =	ssyncadd.s32 $0xFFFFFBA0  }
0x1ac: {  	[tilespmem:s14], [sflag:$0x1] =	stream.indirect.gather [hbm4b:s1+s13], $0x80, s5, s13, $0xb8;
	[tilespmem:$0x1D280] =	vst v63  }
0x1ad: {  	_ = 	snop  }
0x1ae: {  	[tilespmem:s15], [sflag:$0x2] =	stream.indirect.gather [hbm4b:s1+s13], $0x80, s13, s13, $0xb8;
	[tilespmem:$0x1D280] =	vst v63  }
0x1af: {  	_ =	swait.ge [sflag:s16], $0x3800  }
0x1b0: {  	[sflag:s16] =	ssyncset.done $0x0  }
0x1b1: {  	[sflag:s16] =	ssyncadd.s32 $0xFFFFC800  }
0x1b2: {  	[spmem:s3] =	stream.indirect.scatter.add.f32 [tilespmem:s14], [sflag:$0x3], $0x80, s2, s13, $0xb8;
	[tilespmem:$0x1D280] =	vst v63  }
0x1b3: {  	_ =	swait.ge [sflag:s9], $0x3800  }
0x1b4: {  	[sflag:s9] =	ssyncset.done $0x0  }
0x1b5: {  	[sflag:s9] =	ssyncadd.s32 $0xFFFFC800  }
0x1b6: {  	[tilespmem:s14], [sflag:$0x1] =	stream.indirect.gather [hbm4b:s1+s13], $0x80, s17, s13, $0xb8;
	[tilespmem:$0x1D280] =	vst v63  }
0x1b7: {  	_ =	swait.ge [sflag:s18], $0x3800  }
0x1b8: {  	[sflag:s18] =	ssyncset.done $0x0  }
0x1b9: {  	[sflag:s18] =	ssyncadd.s32 $0xFFFFC800  }
0x1ba: {  	[spmem:s3] =	stream.indirect.scatter.add.f32 [tilespmem:s15], [sflag:$0x3], $0x80, s19, s13, $0xb8;
	[tilespmem:$0x1D280] =	vst v63  }
0x1bb: {  	_ =	swait.ge [sflag:s9], $0x3800  }
0x1bc: {  	[sflag:s9] =	ssyncset.done $0x0  }
0x1bd: {  	[sflag:s9] =	ssyncadd.s32 $0xFFFFC800  }
0x1be: {  	[tilespmem:s15], [sflag:$0x2] =	stream.indirect.gather [hbm4b:s1+s13], $0x80, s20, s13, $0xb8;
	[tilespmem:$0x1D280] =	vst v63  }
0x1bf: {  	_ =	swait.ge [sflag:s16], $0x3800  }
0x1c0: {  	[sflag:s16] =	ssyncset.done $0x0  }
0x1c1: {  	[sflag:s16] =	ssyncadd.s32 $0xFFFFC800  }
0x1c2: {  	[spmem:s3] =	stream.indirect.scatter.add.f32 [tilespmem:s14], [sflag:$0x3], $0x80, s21, s13, $0xb8;
	[tilespmem:$0x1D280] =	vst v63  }
0x1c3: {  	_ =	swait.ge [sflag:s9], $0x3800  }
0x1c4: {  	[sflag:s9] =	ssyncset.done $0x0  }
0x1c5: {  	[sflag:s9] =	ssyncadd.s32 $0xFFFFC800  }
0x1c6: {  	[tilespmem:s14], [sflag:$0x1] =	stream.indirect.gather [hbm4b:s1+s13], $0x80, s22, s13, $0xb8;
	[tilespmem:$0x1D280] =	vst v63  }
0x1c7: {  	_ =	swait.ge [sflag:s18], $0x3800  }
0x1c8: {  	[sflag:s18] =	ssyncset.done $0x0  }
0x1c9: {  	[sflag:s18] =	ssyncadd.s32 $0xFFFFC800  }
0x1ca: {  	[spmem:s3] =	stream.indirect.scatter.add.f32 [tilespmem:s15], [sflag:$0x3], $0x80, s24, s13, $0xb8;
	[tilespmem:$0x1D280] =	vst v63  }
0x1cb: {  	_ =	swait.ge [sflag:s9], $0x3800  }
0x1cc: {  	[sflag:s9] =	ssyncset.done $0x0  }
0x1cd: {  	[sflag:s9] =	ssyncadd.s32 $0xFFFFC800  }
0x1ce: {  	[tilespmem:s15], [sflag:$0x2] =	stream.indirect.gather [hbm4b:s1+s13], $0x80, s25, s13, $0xb8;
	[tilespmem:$0x1D280] =	vst v63  }
0x1cf: {  	_ =	swait.ge [sflag:s16], $0x3800  }
0x1d0: {  	[sflag:s16] =	ssyncset.done $0x0  }
0x1d1: {  	[sflag:s16] =	ssyncadd.s32 $0xFFFFC800  }
0x1d2: {  	[spmem:s3] =	stream.indirect.scatter.add.f32 [tilespmem:s14], [sflag:$0x3], $0x80, s26, s13, $0xb8;
	[tilespmem:$0x1D280] =	vst v63  }
0x1d3: {  	_ =	swait.ge [sflag:s9], $0x3800  }
0x1d4: {  	[sflag:s9] =	ssyncset.done $0x0  }
0x1d5: {  	[sflag:s9] =	ssyncadd.s32 $0xFFFFC800  }
0x1d6: {  	[tilespmem:s14], [sflag:$0x1] =	stream.indirect.gather [hbm4b:s1+s13], $0x80, s28, s13, $0xb8;
	[tilespmem:$0x1D280] =	vst v63  }
0x1d7: {  	_ =	swait.ge [sflag:s18], $0x3800  }
0x1d8: {  	[sflag:s18] =	ssyncset.done $0x0  }
0x1d9: {  	[sflag:s18] =	ssyncadd.s32 $0xFFFFC800  }
0x1da: {  	[spmem:s3] =	stream.indirect.scatter.add.f32 [tilespmem:s15], [sflag:$0x3], $0x80, s29, s13, $0xb8;
	[tilespmem:$0x1D280] =	vst v63  }
0x1db: {  	_ =	swait.ge [sflag:s9], $0x3800  }
0x1dc: {  	[sflag:s9] =	ssyncset.done $0x0  }
0x1dd: {  	[sflag:s9] =	ssyncadd.s32 $0xFFFFC800  }
0x1de: {  	[tilespmem:s15], [sflag:$0x2] =	stream.indirect.gather [hbm4b:s1+s13], $0x80, s30, s13, $0xb8;
	[tilespmem:$0x1D280] =	vst v63  }
0x1df: {  	_ =	swait.ge [sflag:s16], $0x3800  }
0x1e0: {  	[sflag:s16] =	ssyncset.done $0x0  }
0x1e1: {  	[sflag:s16] =	ssyncadd.s32 $0xFFFFC800  }
0x1e2: {  	[spmem:s3] =	stream.indirect.scatter.add.f32 [tilespmem:s14], [sflag:$0x3], $0x80, s31, s13, $0xb8;
	[tilespmem:$0x1D280] =	vst v63  }
0x1e3: {  	_ =	swait.ge [sflag:s9], $0x3800  }
0x1e4: {  	[sflag:s9] =	ssyncset.done $0x0  }
0x1e5: {  	[sflag:s9] =	ssyncadd.s32 $0xFFFFC800  }
0x1e6: {  	[tilespmem:s14], [sflag:$0x1] =	stream.indirect.gather [hbm4b:s1+s13], $0x80, s0, s13, $0xb8;
	[tilespmem:$0x1D280] =	vst v63  }
0x1e7: {  	_ =	swait.ge [sflag:s18], $0x3800  }
0x1e8: {  	[sflag:s18] =	ssyncset.done $0x0  }
0x1e9: {  	[sflag:s18] =	ssyncadd.s32 $0xFFFFC800  }
0x1ea: {  	[spmem:s3] =	stream.indirect.scatter.add.f32 [tilespmem:s15], [sflag:$0x3], $0x80, s6, s13, $0xb8;
	[tilespmem:$0x1D280] =	vst v63  }
0x1eb: {  	_ =	swait.ge [sflag:s9], $0x3800  }
0x1ec: {  	[sflag:s9] =	ssyncset.done $0x0  }
0x1ed: {  	[sflag:s9] =	ssyncadd.s32 $0xFFFFC800  }
0x1ee: {  	[tilespmem:s15], [sflag:$0x2] =	stream.indirect.gather [hbm4b:s1+s13], $0x80, s7, s13, $0xb8;
	[tilespmem:$0x1D280] =	vst v63  }
0x1ef: {  	_ =	swait.ge [sflag:s16], $0x3800  }
0x1f0: {  	[sflag:s16] =	ssyncset.done $0x0  }
0x1f1: {  	[sflag:s16] =	ssyncadd.s32 $0xFFFFC800  }
0x1f2: {  	[spmem:s3] =	stream.indirect.scatter.add.f32 [tilespmem:s14], [sflag:$0x3], $0x80, s23, s13, $0xb8;
	[tilespmem:$0x1D280] =	vst v63  }
0x1f3: {  	_ =	swait.ge [sflag:s9], $0x3800  }
0x1f4: {  	[sflag:s9] =	ssyncset.done $0x0  }
0x1f5: {  	[sflag:s9] =	ssyncadd.s32 $0xFFFFC800  }
0x1f6: {  	_ =	swait.ge [sflag:s18], $0x3800  }
0x1f7: {  	[sflag:s18] =	ssyncset.done $0x0  }
0x1f8: {  	[sflag:s18] =	ssyncadd.s32 $0xFFFFC800  }
0x1f9: {  	[spmem:s3] =	stream.indirect.scatter.add.f32 [tilespmem:s15], [sflag:$0x3], $0x80, s10, s13, $0xb8;
	[tilespmem:$0x1D280] =	vst v63  }
0x1fa: {  	s8 =	simm.s32 $0x8C;
	_ =	swait.ge [sflag:s9], $0x3800  }
.LBB2_10:
0x1fb: {  	s4 =	rddreg [dreg:$0x7];
	s11 =	smov.u32 s8;
	[sflag:s9] =	ssyncset.done $0x0  }
0x1fc: {  	s4 =	sadd.s32 s11, s4;
	[sflag:s9] =	ssyncadd.s32 $0xFFFFC800  }
0x1fd: {  	[tilespmem:s5], [sflag:$0x3] =	stream.linear.gather [hbm4b:s4+s5], $0x460, $0x38;
	[tilespmem:$0x1D280] =	vst v63  }
0x1fe: {  	_ =	swait.ge [sflag:s9], $0x460  }
0x1ff: {  	s4 =	rddreg [dreg:$0x6];
	[sflag:s9] =	ssyncset.done $0x0  }
0x200: {  	[sflag:s9] =	ssyncadd.s32 $0xFFFFFBA0;
	s4 =	sadd.s32 s11, s4  }
0x201: {  	[tilespmem:s2], [sflag:$0x3] =	stream.linear.gather [hbm4b:s4+s5], $0x460, $0x38;
	[tilespmem:$0x1D280] =	vst v63  }
0x202: {  	_ =	swait.ge [sflag:s9], $0x460  }
0x203: {  	[sflag:s9] =	ssyncset.done $0x0  }
0x204: {  	s17 =	simm.s32 $0x8B80;
	s11 =	simm.s32 $0x460;
	[sflag:s9] =	ssyncadd.s32 $0xFFFFFBA0  }
0x205: {  	[spmem:s12] =	stream.indirect.scatter.add.f32 [tilespmem:s17], [sflag:$0x3], $0x1, s2, s11, $0xb8;
	[tilespmem:$0x1D280] =	vst v63  }
0x206: {  	_ =	swait.ge [sflag:s9], $0x460  }
0x207: {  	[sflag:s9] =	ssyncset.done $0x0  }
0x208: {  	[sflag:s9] =	ssyncadd.s32 $0xFFFFFBA0  }
0x209: {  	[tilespmem:s14], [sflag:$0x1] =	stream.indirect.gather [hbm4b:s1+s13], $0x80, s5, s13, $0xb8;
	[tilespmem:$0x1D280] =	vst v63  }
0x20a: {  	_ = 	snop  }
0x20b: {  	[tilespmem:s15], [sflag:$0x2] =	stream.indirect.gather [hbm4b:s1+s13], $0x80, s13, s13, $0xb8;
	[tilespmem:$0x1D280] =	vst v63  }
0x20c: {  	_ =	swait.ge [sflag:s16], $0x3800  }
0x20d: {  	[sflag:s16] =	ssyncset.done $0x0  }
0x20e: {  	[sflag:s16] =	ssyncadd.s32 $0xFFFFC800  }
0x20f: {  	[spmem:s3] =	stream.indirect.scatter.add.f32 [tilespmem:s14], [sflag:$0x3], $0x80, s2, s13, $0xb8;
	[tilespmem:$0x1D280] =	vst v63  }
0x210: {  	_ =	swait.ge [sflag:s9], $0x3800  }
0x211: {  	[sflag:s9] =	ssyncset.done $0x0  }
0x212: {  	s17 =	simm.s32 $0xE0;
	[sflag:s9] =	ssyncadd.s32 $0xFFFFC800  }
0x213: {  	[tilespmem:s14], [sflag:$0x1] =	stream.indirect.gather [hbm4b:s1+s13], $0x80, s17, s13, $0xb8;
	[tilespmem:$0x1D280] =	vst v63  }
0x214: {  	_ =	swait.ge [sflag:s18], $0x3800  }
0x215: {  	[sflag:s18] =	ssyncset.done $0x0  }
0x216: {  	[sflag:s18] =	ssyncadd.s32 $0xFFFFC800  }
0x217: {  	[spmem:s3] =	stream.indirect.scatter.add.f32 [tilespmem:s15], [sflag:$0x3], $0x80, s19, s13, $0xb8;
	[tilespmem:$0x1D280] =	vst v63  }
0x218: {  	_ =	swait.ge [sflag:s9], $0x3800  }
0x219: {  	[sflag:s9] =	ssyncset.done $0x0  }
0x21a: {  	[sflag:s9] =	ssyncadd.s32 $0xFFFFC800  }
0x21b: {  	[tilespmem:s15], [sflag:$0x2] =	stream.indirect.gather [hbm4b:s1+s13], $0x80, s20, s13, $0xb8;
	[tilespmem:$0x1D280] =	vst v63  }
0x21c: {  	_ =	swait.ge [sflag:s16], $0x3800  }
0x21d: {  	[sflag:s16] =	ssyncset.done $0x0  }
0x21e: {  	[sflag:s16] =	ssyncadd.s32 $0xFFFFC800  }
0x21f: {  	[spmem:s3] =	stream.indirect.scatter.add.f32 [tilespmem:s14], [sflag:$0x3], $0x80, s21, s13, $0xb8;
	[tilespmem:$0x1D280] =	vst v63  }
0x220: {  	_ =	swait.ge [sflag:s9], $0x3800  }
0x221: {  	[sflag:s9] =	ssyncset.done $0x0  }
0x222: {  	[sflag:s9] =	ssyncadd.s32 $0xFFFFC800  }
0x223: {  	[tilespmem:s14], [sflag:$0x1] =	stream.indirect.gather [hbm4b:s1+s13], $0x80, s22, s13, $0xb8;
	[tilespmem:$0x1D280] =	vst v63  }
0x224: {  	_ =	swait.ge [sflag:s18], $0x3800  }
0x225: {  	[sflag:s18] =	ssyncset.done $0x0  }
0x226: {  	[sflag:s18] =	ssyncadd.s32 $0xFFFFC800  }
0x227: {  	[spmem:s3] =	stream.indirect.scatter.add.f32 [tilespmem:s15], [sflag:$0x3], $0x80, s24, s13, $0xb8;
	[tilespmem:$0x1D280] =	vst v63  }
0x228: {  	_ =	swait.ge [sflag:s9], $0x3800  }
0x229: {  	[sflag:s9] =	ssyncset.done $0x0  }
0x22a: {  	[sflag:s9] =	ssyncadd.s32 $0xFFFFC800  }
0x22b: {  	[tilespmem:s15], [sflag:$0x2] =	stream.indirect.gather [hbm4b:s1+s13], $0x80, s25, s13, $0xb8;
	[tilespmem:$0x1D280] =	vst v63  }
0x22c: {  	_ =	swait.ge [sflag:s16], $0x3800  }
0x22d: {  	[sflag:s16] =	ssyncset.done $0x0  }
0x22e: {  	[sflag:s16] =	ssyncadd.s32 $0xFFFFC800  }
0x22f: {  	[spmem:s3] =	stream.indirect.scatter.add.f32 [tilespmem:s14], [sflag:$0x3], $0x80, s26, s13, $0xb8;
	[tilespmem:$0x1D280] =	vst v63  }
0x230: {  	_ =	swait.ge [sflag:s9], $0x3800  }
0x231: {  	[sflag:s9] =	ssyncset.done $0x0  }
0x232: {  	[sflag:s9] =	ssyncadd.s32 $0xFFFFC800  }
0x233: {  	[tilespmem:s14], [sflag:$0x1] =	stream.indirect.gather [hbm4b:s1+s13], $0x80, s28, s13, $0xb8;
	[tilespmem:$0x1D280] =	vst v63  }
0x234: {  	_ =	swait.ge [sflag:s18], $0x3800  }
0x235: {  	[sflag:s18] =	ssyncset.done $0x0  }
0x236: {  	[sflag:s18] =	ssyncadd.s32 $0xFFFFC800  }
0x237: {  	[spmem:s3] =	stream.indirect.scatter.add.f32 [tilespmem:s15], [sflag:$0x3], $0x80, s29, s13, $0xb8;
	[tilespmem:$0x1D280] =	vst v63  }
0x238: {  	_ =	swait.ge [sflag:s9], $0x3800  }
0x239: {  	[sflag:s9] =	ssyncset.done $0x0  }
0x23a: {  	[sflag:s9] =	ssyncadd.s32 $0xFFFFC800  }
0x23b: {  	[tilespmem:s15], [sflag:$0x2] =	stream.indirect.gather [hbm4b:s1+s13], $0x80, s30, s13, $0xb8;
	[tilespmem:$0x1D280] =	vst v63  }
0x23c: {  	_ =	swait.ge [sflag:s16], $0x3800  }
0x23d: {  	[sflag:s16] =	ssyncset.done $0x0  }
0x23e: {  	[sflag:s16] =	ssyncadd.s32 $0xFFFFC800  }
0x23f: {  	[spmem:s3] =	stream.indirect.scatter.add.f32 [tilespmem:s14], [sflag:$0x3], $0x80, s31, s13, $0xb8;
	[tilespmem:$0x1D280] =	vst v63  }
0x240: {  	_ =	swait.ge [sflag:s9], $0x3800  }
0x241: {  	[sflag:s9] =	ssyncset.done $0x0  }
0x242: {  	[sflag:s9] =	ssyncadd.s32 $0xFFFFC800  }
0x243: {  	[tilespmem:s14], [sflag:$0x1] =	stream.indirect.gather [hbm4b:s1+s13], $0x80, s0, s13, $0xb8;
	[tilespmem:$0x1D280] =	vst v63  }
0x244: {  	_ =	swait.ge [sflag:s18], $0x3800  }
0x245: {  	[sflag:s18] =	ssyncset.done $0x0  }
0x246: {  	[sflag:s18] =	ssyncadd.s32 $0xFFFFC800  }
0x247: {  	[spmem:s3] =	stream.indirect.scatter.add.f32 [tilespmem:s15], [sflag:$0x3], $0x80, s6, s13, $0xb8;
	[tilespmem:$0x1D280] =	vst v63  }
0x248: {  	_ =	swait.ge [sflag:s9], $0x3800  }
0x249: {  	[sflag:s9] =	ssyncset.done $0x0  }
0x24a: {  	[sflag:s9] =	ssyncadd.s32 $0xFFFFC800  }
0x24b: {  	[tilespmem:s15], [sflag:$0x2] =	stream.indirect.gather [hbm4b:s1+s13], $0x80, s7, s13, $0xb8;
	[tilespmem:$0x1D280] =	vst v63  }
0x24c: {  	_ =	swait.ge [sflag:s16], $0x3800  }
0x24d: {  	[sflag:s16] =	ssyncset.done $0x0  }
0x24e: {  	[sflag:s16] =	ssyncadd.s32 $0xFFFFC800  }
0x24f: {  	[spmem:s3] =	stream.indirect.scatter.add.f32 [tilespmem:s14], [sflag:$0x3], $0x80, s23, s13, $0xb8;
	[tilespmem:$0x1D280] =	vst v63  }
0x250: {  	_ =	swait.ge [sflag:s9], $0x3800  }
0x251: {  	[sflag:s9] =	ssyncset.done $0x0  }
0x252: {  	p1 =	sne.s32 s8, $0x94C;
	[sflag:s9] =	ssyncadd.s32 $0xFFFFC800  }
.Ltmp7:
0x253: {  	_ =	swait.ge [sflag:s18], $0x3800;
	(pc) =	sbr.rel @p1 .LBB2_10-.Ltmp7, $4  }
0x254: {  	[sflag:s18] =	ssyncset.done $0x0  }
0x255: {  	[sflag:s18] =	ssyncadd.s32 $0xFFFFC800  }
0x256: {  	[spmem:s3] =	stream.indirect.scatter.add.f32 [tilespmem:s15], [sflag:$0x3], $0x80, s10, s13, $0xb8;
	[tilespmem:$0x1D280] =	vst v63  }
0x257: {  	s8 =	sadd.s32 $0x8C, s8;
	_ =	swait.ge [sflag:s9], $0x3800  }
.Ltmp8:
0x258: {  	_ = 	snop;
	(pc) =	sbr.rel .LBB2_11-.Ltmp8, $1  }
0x259: {  	_ =	sdelay $0x3  }
.LBB2_13:
0x25a: {  	_ =	sfence.sel $0x180000  }
0x25b: {  	[bflag:$0x0] =	sbarrier.arrive $0xFFFF  }
0x25c: {  	_ =	strace $0x90000047  }
0x25d: {  	s0 =	stileid.u32;
	[bflag:$0x2] =	sbarrier.arrive $0xFFFF  }
0x25e: {  	p0 =	sne.s32 s0, $0x0;
	s0 =	rddreg [dreg:$0x5]  }
0x25f: {  	s0 =	sadd.s32 @!p0 $0x100000, s0  }
0x260: {  	[sflag:s0] =	ssyncadd.tile.s32 @!p0 $0x1;
	_ =	shalt  }
.Lfunc_end2:
_tile_overlayer_lowered:
.L_overlay_start_2:
0x261: {  	(tag) =	ssettag $0x2  }
0x262: {  	s0 =	rddreg [dreg:$0x0];
	s2 =	stileid.u32  }
0x263: {  	s1 =	rddreg [dreg:$0x1];
	p0 =	sne.s32 s2, $0x0  }
0x264: {  	s3 =	rddreg [dreg:$0x2];
	[bflag:$0x3] =	sbarrier.arrive $0xFFFF;
	s2 =	simm.s32 @!p0 $0x1C03  }
0x265: {  	[timem:s3], [sflag:s2] =	dma.local @!p0 [hbm:s0], s1  }
0x266: {  	s0 =	simm.s32 @!p0 $0x3  }
0x267: {  	_ =	swait.ge @!p0 [sflag:s0], s1  }
0x268: {  	s1 =	ssub.s32 @!p0 $0x0, s1;
	[sflag:s0] =	ssyncset.done @!p0 $0x0  }
0x269: {  	[sflag:s0] =	ssyncadd.s32 @!p0 s1  }
0x26a: {  	[bflag:$0x3] =	sbarrier.arrive $0xFFFF  }
0x26b: {  	_ =	shalt  }

</sc_bundles>
